<compile_context>
chip_gen: v7x
topology: tpu7x:2x2x1
jax: 0.10.2.dev20260603
libtpu: 0.0.44.dev20260713+nightly
codegen_flags: <defaults>
</compile_context>

<pallas_src>
import jax
import jax.numpy as jnp
from jax import lax
from jax.experimental import pallas as pl
from jax.experimental.pallas import tpu as pltpu
from jax.experimental.pallas import tpu_sc as plsc

N = 4096
F = 16
NC = 2
NS = 16
NW = NC * NS
S_ROWS = 768
RPW = S_ROWS // NW
RPW_PAD = ((RPW + 15) // 16) * 16
ROW_BLOCK = 256
NEG = -1e30



def _accum_jg(jg, accs, cntv, adj_v, buf, pT_v, qs):
    a = adj_v[buf, pl.ds(jg * 16, 16)]
    mask = a > 0.0
    z = jnp.where(mask, 0.0, NEG)
    cntv = cntv + jnp.where(mask, 1.0, 0.0)
    new = []
    for f in range(F):
        t = (pT_v[f, pl.ds(jg * 16, 16)] + z) - qs[f]
        new.append(accs[f] + jnp.maximum(t, 0.0))
    return tuple(new), cntv


def _row_compute(i, buf, adj_v, pT_v, q_v, out_v):
    qrow = q_v[i, :]
    qs = [qrow[f] for f in range(F)]

    def jg_body(jg, carry):
        accs, cntv = carry[:F], carry[F]
        accs, cntv = _accum_jg(2 * jg, accs, cntv, adj_v, buf, pT_v, qs)
        accs, cntv = _accum_jg(2 * jg + 1, accs, cntv, adj_v, buf, pT_v, qs)
        return accs + (cntv,)

    init = tuple(jnp.zeros((16,), jnp.float32) for _ in range(F + 1))
    res = lax.fori_loop(0, N // 32, jg_body, init)
    accs, cntv = res[:F], res[F]

    lane = lax.iota(jnp.int32, 16)

    def lsum(v):
        for k in (8, 4, 2, 1):
            v = v + v[lane ^ k]
        return v

    total = jnp.zeros((16,), jnp.float32)
    for f in range(F):
        total = jnp.where(lane == f, lsum(accs[f]), total)
    cnts = lsum(cntv)
    inv = jnp.where(cnts > 0.0, 1.0 / jnp.maximum(cnts, 1.0), 0.0)
    out_v[i, :] = total * inv


def _sc_body(adj_hbm, cT_hbm, U_hbm, b_hbm, out_hbm,
             pT_v, q_v, adj_v, out_v, cT_v, U_v, b_v, sem0, sem1):
    wid = lax.axis_index("s") * NC + lax.axis_index("c")
    base = wid * RPW

    pltpu.sync_copy(cT_hbm, cT_v)
    pltpu.sync_copy(U_hbm, U_v)
    pltpu.sync_copy(b_hbm, b_v)

    u0 = U_v[0, :]
    u1 = U_v[1, :]
    bv = b_v[:]

    def ptj(jg, carry):
        c0 = cT_v[0, pl.ds(jg * 16, 16)]
        c1 = cT_v[1, pl.ds(jg * 16, 16)]
        for f in range(F):
            pT_v[f, pl.ds(jg * 16, 16)] = c0 * u0[f] + c1 * u1[f]
        return carry
    lax.fori_loop(0, N // 16, ptj, 0)

    lane16 = lax.iota(jnp.int32, 16)
    abase = pl.multiple_of((base // 16) * 16, 16)
    sh = base - abase

    def aligned16(row, off, g):
        return cT_v[row, pl.ds(pl.multiple_of(abase + off + g * 16, 16), 16)]

    def qrows(ig, carry):
        idxv = (lane16 + sh) % 16
        c0a = aligned16(0, 0, ig)[idxv]
        c0b = aligned16(0, 16, ig)[idxv]
        c1a = aligned16(1, 0, ig)[idxv]
        c1b = aligned16(1, 16, ig)[idxv]
        take_a = lane16 < (16 - sh)
        c0g = jnp.where(take_a, c0a, c0b)
        c1g = jnp.where(take_a, c1a, c1b)
        for l in range(16):
            q_v[ig * 16 + l, :] = c0g[l] * u0 + c1g[l] * u1 - bv
        return carry
    lax.fori_loop(0, RPW_PAD // 16, qrows, 0)

    pltpu.async_copy(adj_hbm.at[base], adj_v.at[0], sem0)

    def pair_body(k, carry):
        i0 = 2 * k
        pltpu.async_copy(adj_hbm.at[base + i0 + 1], adj_v.at[1], sem1)
        pltpu.make_async_copy(adj_hbm.at[base + i0], adj_v.at[0], sem0).wait()
        _row_compute(i0, 0, adj_v, pT_v, q_v, out_v)

        @pl.when(k < RPW // 2 - 1)
        def _prefetch():
            pltpu.async_copy(adj_hbm.at[base + i0 + 2], adj_v.at[0], sem0)

        pltpu.make_async_copy(adj_hbm.at[base + i0 + 1], adj_v.at[1], sem1).wait()
        _row_compute(i0 + 1, 1, adj_v, pT_v, q_v, out_v)
        return carry
    lax.fori_loop(0, RPW // 2, pair_body, 0)

    pltpu.sync_copy(out_v, out_hbm.at[wid])


def _sc_rows(adj, cT, U, b):
    mesh = plsc.VectorSubcoreMesh(
        core_axis_name="c", subcore_axis_name="s", num_cores=NC, num_subcores=NS)
    run = pl.kernel(
        _sc_body,
        out_type=jax.ShapeDtypeStruct((NW, RPW, F), jnp.float32),
        mesh=mesh,
        scratch_types=[
            pltpu.VMEM((F, N), jnp.float32),
            pltpu.VMEM((RPW_PAD, F), jnp.float32),
            pltpu.VMEM((2, N), jnp.float32),
            pltpu.VMEM((RPW, F), jnp.float32),
            pltpu.VMEM((2, N), jnp.float32),
            pltpu.VMEM((2, F), jnp.float32),
            pltpu.VMEM((F,), jnp.float32),
            pltpu.SemaphoreType.DMA,
            pltpu.SemaphoreType.DMA,
        ],
    )
    return run(adj, cT, U, b.reshape(F)).reshape(S_ROWS, F)



def _tc_body(adj_ref, crows_ref, cT_ref, UT_ref, U_ref, b_ref, out_ref):
    m = (adj_ref[:] > 0).astype(jnp.float32)
    cnt = jnp.sum(m, axis=1, keepdims=True)
    pT = jnp.dot(UT_ref[:], cT_ref[:], preferred_element_type=jnp.float32)
    q = jnp.dot(crows_ref[:], U_ref[:], preferred_element_type=jnp.float32) - b_ref[:]
    cols = []
    for f in range(F):
        pj = pT[f, :][None, :]
        qf = q[:, f][:, None]
        contrib = jnp.maximum(pj - qf, 0.0) * m
        cols.append(jnp.sum(contrib, axis=1, keepdims=True))
    acc = jnp.concatenate(cols, axis=1)
    mean = acc / jnp.maximum(cnt, 1.0)
    out_ref[:] = jnp.where(cnt > 0, mean, 0.0)


def _tc_rows(adj, coords, cT, U, b):
    nrows = N - S_ROWS
    off = S_ROWS // ROW_BLOCK
    grid = (nrows // ROW_BLOCK,)
    return pl.pallas_call(
        _tc_body,
        grid=grid,
        in_specs=[
            pl.BlockSpec((ROW_BLOCK, N), lambda i: (i + off, 0)),
            pl.BlockSpec((ROW_BLOCK, 2), lambda i: (i + off, 0)),
            pl.BlockSpec((2, N), lambda i: (0, 0)),
            pl.BlockSpec((F, 2), lambda i: (0, 0)),
            pl.BlockSpec((2, F), lambda i: (0, 0)),
            pl.BlockSpec((1, F), lambda i: (0, 0)),
        ],
        out_specs=pl.BlockSpec((ROW_BLOCK, F), lambda i: (i, 0)),
        out_shape=jax.ShapeDtypeStruct((nrows, F), jnp.float32),
        compiler_params=pltpu.CompilerParams(
            dimension_semantics=("parallel",),
        ),
    )(adj, coords, cT, U.T, U, b.reshape(1, F))


@jax.jit
def kernel(x, adj, coords, U, b):
    del x
    coords = coords.astype(jnp.float32)
    cT = coords.T
    out_sc = _sc_rows(adj, cT, U, b)
    out_tc = _tc_rows(adj, coords, cT, U, b)
    return jnp.concatenate([out_sc, out_tc], axis=0)

# --- scband reference (transcript-rebuilt; emitter-appended) ---
"""Pipeline reference for scband-spatial-graph-conv-layer-22548578304757 (READ-ONLY COPY).

The authoritative reference and input builder live on the scoring server;
editing this copy changes nothing except your own understanding.
"""

import jax, jax.numpy as jnp
import numpy as np

N = 4096
IN_F = 128
OUT_F = 16

def setup_inputs(seed: int = 0) -> dict:
    key = jax.random.key(seed)
    k1, k2, k3, k4, k5 = jax.random.split(key, 5)
    x = jax.random.normal(k1, (N, IN_F), dtype=jnp.float32)
    adj = jax.random.normal(k2, (N, N), dtype=jnp.float32)
    coords = jax.random.normal(k3, (N, 2), dtype=jnp.float32)
    U = jax.random.normal(k4, (2, OUT_F), dtype=jnp.float32)
    b = jax.random.normal(k5, (OUT_F,), dtype=jnp.float32)
    return {"x": x, "adj": adj, "coords": coords, "U": U, "b": b}

def reference(x, adj, coords, U, b):
    # Faithful vectorized translation of the per-node loop:
    # for each node i: neighbors j with adj[i,j] > 0,
    #   diff = coords[j] - coords[i]; relu(diff @ U + b); mean over neighbors.
    # Nodes with no neighbors keep zeros (as in the torch original).
    n = x.shape[0]

    def row(i):
        mask = adj[i] > 0                      # [N] bool, neighbor selection
        diff = (coords - coords[i]) @ U        # [N, OUT_F]
        vals = jax.nn.relu(diff + b)           # [N, OUT_F]
        m = mask.astype(vals.dtype)
        cnt = jnp.sum(m)
        s = jnp.sum(vals * m[:, None], axis=0) # masked sum over neighbors
        mean = s / jnp.maximum(cnt, 1.0)
        return jnp.where(cnt > 0, mean, jnp.zeros_like(mean))

    return jax.lax.map(row, jnp.arange(n))

if __name__ == "__main__":
    import jax
    _d = setup_inputs()
    print(jax.jit(kernel)(*tuple(_d.values())))

</pallas_src>

<mosaic_0001>
#map = affine_map<(d0, d1) -> (0, 0)>
#map1 = affine_map<(d0, d1) -> (0)>
#map2 = affine_map<(d0, d1) -> (0, 0, 0)>
module attributes {stable_mosaic.version = 14 : i64} {
  func.func @_sc_body(%arg0: i32, %arg1: i32, %arg2: memref<4096x4096xf32, #tpu.memory_space<hbm>>, %arg3: memref<2x4096xf32, #tpu.memory_space<hbm>>, %arg4: memref<2x16xf32, #tpu.memory_space<hbm>>, %arg5: memref<16xf32, #tpu.memory_space<hbm>>, %arg6: memref<32x24x16xf32, #tpu.memory_space<hbm>>, %arg7: memref<16x4096xf32, #tpu.memory_space<vmem>>, %arg8: memref<32x16xf32, #tpu.memory_space<vmem>>, %arg9: memref<2x4096xf32, #tpu.memory_space<vmem>>, %arg10: memref<24x16xf32, #tpu.memory_space<vmem>>, %arg11: memref<2x4096xf32, #tpu.memory_space<vmem>>, %arg12: memref<2x16xf32, #tpu.memory_space<vmem>>, %arg13: memref<16xf32, #tpu.memory_space<vmem>>, %arg14: memref<!tpu.dma_semaphore, #tpu.memory_space<semaphore_mem>>, %arg15: memref<!tpu.dma_semaphore, #tpu.memory_space<semaphore_mem>>) attributes {dimension_semantics = [#tpu.dimension_semantics<core_parallel>, #tpu.dimension_semantics<subcore_parallel>], iteration_bounds = array<i64: 2, 16>, scalar_prefetch = 0 : i64, scratch_operands = 9 : i64, tpu.core_type = #tpu.core_type<sc_vector_subcore>, window_params = [{transform_indices = #map}, {transform_indices = #map}, {transform_indices = #map}, {transform_indices = #map1}, {transform_indices = #map2}]} {
    %mul3A = arith.constant 2 : i32
    %mul3A_0 = arith.muli %arg1, %mul3A : i32
    %add3A = arith.addi %mul3A_0, %arg0 : i32
    %mul3A_1 = arith.constant 24 : i32
    %mul3A_2 = arith.muli %add3A, %mul3A_1 : i32
    "tpu.region"() ({
      %run_scoped3A = tpu.sem_alloc : memref<!tpu.dma_semaphore, #tpu.memory_space<semaphore_mem>>
      tpu.enqueue_dma source(%arg3 : memref<2x4096xf32, #tpu.memory_space<hbm>>) target(%arg11 : memref<2x4096xf32, #tpu.memory_space<vmem>>) target_semaphore(%run_scoped3A : memref<!tpu.dma_semaphore, #tpu.memory_space<semaphore_mem>>)
      tpu.wait_dma2 semaphore(%run_scoped3A : memref<!tpu.dma_semaphore, #tpu.memory_space<semaphore_mem>>) src(%arg3 : memref<2x4096xf32, #tpu.memory_space<hbm>>) dst(%arg11 : memref<2x4096xf32, #tpu.memory_space<vmem>>)
      tpu.yield
    }) : () -> ()
    "tpu.region"() ({
      %run_scoped3A = tpu.sem_alloc : memref<!tpu.dma_semaphore, #tpu.memory_space<semaphore_mem>>
      tpu.enqueue_dma source(%arg4 : memref<2x16xf32, #tpu.memory_space<hbm>>) target(%arg12 : memref<2x16xf32, #tpu.memory_space<vmem>>) target_semaphore(%run_scoped3A : memref<!tpu.dma_semaphore, #tpu.memory_space<semaphore_mem>>)
      tpu.wait_dma2 semaphore(%run_scoped3A : memref<!tpu.dma_semaphore, #tpu.memory_space<semaphore_mem>>) src(%arg4 : memref<2x16xf32, #tpu.memory_space<hbm>>) dst(%arg12 : memref<2x16xf32, #tpu.memory_space<vmem>>)
      tpu.yield
    }) : () -> ()
    "tpu.region"() ({
      %run_scoped3A = tpu.sem_alloc : memref<!tpu.dma_semaphore, #tpu.memory_space<semaphore_mem>>
      tpu.enqueue_dma source(%arg5 : memref<16xf32, #tpu.memory_space<hbm>>) target(%arg13 : memref<16xf32, #tpu.memory_space<vmem>>) target_semaphore(%run_scoped3A : memref<!tpu.dma_semaphore, #tpu.memory_space<semaphore_mem>>)
      tpu.wait_dma2 semaphore(%run_scoped3A : memref<!tpu.dma_semaphore, #tpu.memory_space<semaphore_mem>>) src(%arg5 : memref<16xf32, #tpu.memory_space<hbm>>) dst(%arg13 : memref<16xf32, #tpu.memory_space<vmem>>)
      tpu.yield
    }) : () -> ()
    %get3A = arith.constant 0 : i32
    %get3A_3 = arith.index_cast %get3A : i32 to index
    %get3A_4 = arith.constant 0 : index
    %get3A_5 = tpu.vector_load %arg12[%get3A_3, %get3A_4] {strides = array<i32>} : memref<2x16xf32, #tpu.memory_space<vmem>>, vector<1x16xf32>,
    %get3A_6 = vector.shape_cast %get3A_5 : vector<1x16xf32> to vector<16xf32>
    %get3A_7 = arith.constant 1 : i32
    %get3A_8 = arith.index_cast %get3A_7 : i32 to index
    %get3A_9 = arith.constant 0 : index
    %get3A_10 = tpu.vector_load %arg12[%get3A_8, %get3A_9] {strides = array<i32>} : memref<2x16xf32, #tpu.memory_space<vmem>>, vector<1x16xf32>,
    %get3A_11 = vector.shape_cast %get3A_10 : vector<1x16xf32> to vector<16xf32>
    %get3A_12 = arith.constant 0 : index
    %get3A_13 = tpu.vector_load %arg13[%get3A_12] {strides = array<i32>} : memref<16xf32, #tpu.memory_space<vmem>>, vector<16xf32>,
    %get3A_14 = vector.shape_cast %get3A_13 : vector<16xf32> to vector<16xf32>
    %scan3A = arith.constant 0 : i32
    %scan3A_15 = arith.constant 0 : i32
    %scan3A_16 = arith.constant 256 : i32
    %scan3A_17 = arith.addi %scan3A_15, %scan3A_16 : i32
    %scan3A_18 = arith.constant 1 : i32
    scf.for %scan3A_63 = %scan3A_15 to %scan3A_17 step %scan3A_18  : i32 {
      %mul3A_64 = arith.constant 16 : i32
      %mul3A_65 = arith.muli %scan3A_63, %mul3A_64 : i32
      %get3A_66 = arith.constant 0 : i32
      %get3A_67 = arith.index_cast %get3A_66 : i32 to index
      %get3A_68 = arith.index_cast %mul3A_65 : i32 to index
      %get3A_69 = tpu.vector_load %arg11[%get3A_67, %get3A_68] {strides = array<i32>} : memref<2x4096xf32, #tpu.memory_space<vmem>>, vector<1x16xf32>,
      %get3A_70 = vector.shape_cast %get3A_69 : vector<1x16xf32> to vector<16xf32>
      %mul3A_71 = arith.constant 16 : i32
      %mul3A_72 = arith.muli %scan3A_63, %mul3A_71 : i32
      %get3A_73 = arith.constant 1 : i32
      %get3A_74 = arith.index_cast %get3A_73 : i32 to index
      %get3A_75 = arith.index_cast %mul3A_72 : i32 to index
      %get3A_76 = tpu.vector_load %arg11[%get3A_74, %get3A_75] {strides = array<i32>} : memref<2x4096xf32, #tpu.memory_space<vmem>>, vector<1x16xf32>,
      %get3A_77 = vector.shape_cast %get3A_76 : vector<1x16xf32> to vector<16xf32>
      %slice3A = vector.extract_strided_slice %get3A_6 {offsets = [0], sizes = [1], strides = [1]} : vector<16xf32> to vector<1xf32>
      %squeeze3A = vector.extract %slice3A[0] : f32 from vector<1xf32>
      %mul3A_78 = vector.broadcast %squeeze3A : f32 to vector<16xf32>
      %mul3A_79 = arith.mulf %get3A_70, %mul3A_78 : vector<16xf32>
      %slice3A_80 = vector.extract_strided_slice %get3A_11 {offsets = [0], sizes = [1], strides = [1]} : vector<16xf32> to vector<1xf32>
      %squeeze3A_81 = vector.extract %slice3A_80[0] : f32 from vector<1xf32>
      %mul3A_82 = vector.broadcast %squeeze3A_81 : f32 to vector<16xf32>
      %mul3A_83 = arith.mulf %get3A_77, %mul3A_82 : vector<16xf32>
      %add3A_84 = arith.addf %mul3A_79, %mul3A_83 : vector<16xf32>
      %mul3A_85 = arith.constant 16 : i32
      %mul3A_86 = arith.muli %scan3A_63, %mul3A_85 : i32
      %swap3A = arith.constant 0 : i32
      %swap3A_87 = arith.index_cast %swap3A : i32 to index
      %swap3A_88 = arith.index_cast %mul3A_86 : i32 to index
      %swap3A_89 = tpu.vector_load %arg7[%swap3A_87, %swap3A_88] {strides = array<i32>} : memref<16x4096xf32, #tpu.memory_space<vmem>>, vector<1x16xf32>,
      %swap3A_90 = vector.shape_cast %swap3A_89 : vector<1x16xf32> to vector<16xf32>
      %swap3A_91 = vector.shape_cast %add3A_84 : vector<16xf32> to vector<1x16xf32>
      tpu.vector_store %arg7[%swap3A_87, %swap3A_88], %swap3A_91 {strides = array<i32>} : memref<16x4096xf32, #tpu.memory_space<vmem>>, vector<1x16xf32>,
      %slice3A_92 = vector.extract_strided_slice %get3A_6 {offsets = [1], sizes = [1], strides = [1]} : vector<16xf32> to vector<1xf32>
      %squeeze3A_93 = vector.extract %slice3A_92[0] : f32 from vector<1xf32>
      %mul3A_94 = vector.broadcast %squeeze3A_93 : f32 to vector<16xf32>
      %mul3A_95 = arith.mulf %get3A_70, %mul3A_94 : vector<16xf32>
      %slice3A_96 = vector.extract_strided_slice %get3A_11 {offsets = [1], sizes = [1], strides = [1]} : vector<16xf32> to vector<1xf32>
      %squeeze3A_97 = vector.extract %slice3A_96[0] : f32 from vector<1xf32>
      %mul3A_98 = vector.broadcast %squeeze3A_97 : f32 to vector<16xf32>
      %mul3A_99 = arith.mulf %get3A_77, %mul3A_98 : vector<16xf32>
      %add3A_100 = arith.addf %mul3A_95, %mul3A_99 : vector<16xf32>
      %mul3A_101 = arith.constant 16 : i32
      %mul3A_102 = arith.muli %scan3A_63, %mul3A_101 : i32
      %swap3A_103 = arith.constant 1 : i32
      %swap3A_104 = arith.index_cast %swap3A_103 : i32 to index
      %swap3A_105 = arith.index_cast %mul3A_102 : i32 to index
      %swap3A_106 = tpu.vector_load %arg7[%swap3A_104, %swap3A_105] {strides = array<i32>} : memref<16x4096xf32, #tpu.memory_space<vmem>>, vector<1x16xf32>,
      %swap3A_107 = vector.shape_cast %swap3A_106 : vector<1x16xf32> to vector<16xf32>
      %swap3A_108 = vector.shape_cast %add3A_100 : vector<16xf32> to vector<1x16xf32>
      tpu.vector_store %arg7[%swap3A_104, %swap3A_105], %swap3A_108 {strides = array<i32>} : memref<16x4096xf32, #tpu.memory_space<vmem>>, vector<1x16xf32>,
      %slice3A_109 = vector.extract_strided_slice %get3A_6 {offsets = [2], sizes = [1], strides = [1]} : vector<16xf32> to vector<1xf32>
      %squeeze3A_110 = vector.extract %slice3A_109[0] : f32 from vector<1xf32>
      %mul3A_111 = vector.broadcast %squeeze3A_110 : f32 to vector<16xf32>
      %mul3A_112 = arith.mulf %get3A_70, %mul3A_111 : vector<16xf32>
      %slice3A_113 = vector.extract_strided_slice %get3A_11 {offsets = [2], sizes = [1], strides = [1]} : vector<16xf32> to vector<1xf32>
      %squeeze3A_114 = vector.extract %slice3A_113[0] : f32 from vector<1xf32>
      %mul3A_115 = vector.broadcast %squeeze3A_114 : f32 to vector<16xf32>
      %mul3A_116 = arith.mulf %get3A_77, %mul3A_115 : vector<16xf32>
      %add3A_117 = arith.addf %mul3A_112, %mul3A_116 : vector<16xf32>
      %mul3A_118 = arith.constant 16 : i32
      %mul3A_119 = arith.muli %scan3A_63, %mul3A_118 : i32
      %swap3A_120 = arith.constant 2 : i32
      %swap3A_121 = arith.index_cast %swap3A_120 : i32 to index
      %swap3A_122 = arith.index_cast %mul3A_119 : i32 to index
      %swap3A_123 = tpu.vector_load %arg7[%swap3A_121, %swap3A_122] {strides = array<i32>} : memref<16x4096xf32, #tpu.memory_space<vmem>>, vector<1x16xf32>,
      %swap3A_124 = vector.shape_cast %swap3A_123 : vector<1x16xf32> to vector<16xf32>
      %swap3A_125 = vector.shape_cast %add3A_117 : vector<16xf32> to vector<1x16xf32>
      tpu.vector_store %arg7[%swap3A_121, %swap3A_122], %swap3A_125 {strides = array<i32>} : memref<16x4096xf32, #tpu.memory_space<vmem>>, vector<1x16xf32>,
      %slice3A_126 = vector.extract_strided_slice %get3A_6 {offsets = [3], sizes = [1], strides = [1]} : vector<16xf32> to vector<1xf32>
      %squeeze3A_127 = vector.extract %slice3A_126[0] : f32 from vector<1xf32>
      %mul3A_128 = vector.broadcast %squeeze3A_127 : f32 to vector<16xf32>
      %mul3A_129 = arith.mulf %get3A_70, %mul3A_128 : vector<16xf32>
      %slice3A_130 = vector.extract_strided_slice %get3A_11 {offsets = [3], sizes = [1], strides = [1]} : vector<16xf32> to vector<1xf32>
      %squeeze3A_131 = vector.extract %slice3A_130[0] : f32 from vector<1xf32>
      %mul3A_132 = vector.broadcast %squeeze3A_131 : f32 to vector<16xf32>
      %mul3A_133 = arith.mulf %get3A_77, %mul3A_132 : vector<16xf32>
      %add3A_134 = arith.addf %mul3A_129, %mul3A_133 : vector<16xf32>
      %mul3A_135 = arith.constant 16 : i32
      %mul3A_136 = arith.muli %scan3A_63, %mul3A_135 : i32
      %swap3A_137 = arith.constant 3 : i32
      %swap3A_138 = arith.index_cast %swap3A_137 : i32 to index
      %swap3A_139 = arith.index_cast %mul3A_136 : i32 to index
      %swap3A_140 = tpu.vector_load %arg7[%swap3A_138, %swap3A_139] {strides = array<i32>} : memref<16x4096xf32, #tpu.memory_space<vmem>>, vector<1x16xf32>,
      %swap3A_141 = vector.shape_cast %swap3A_140 : vector<1x16xf32> to vector<16xf32>
      %swap3A_142 = vector.shape_cast %add3A_134 : vector<16xf32> to vector<1x16xf32>
      tpu.vector_store %arg7[%swap3A_138, %swap3A_139], %swap3A_142 {strides = array<i32>} : memref<16x4096xf32, #tpu.memory_space<vmem>>, vector<1x16xf32>,
      %slice3A_143 = vector.extract_strided_slice %get3A_6 {offsets = [4], sizes = [1], strides = [1]} : vector<16xf32> to vector<1xf32>
      %squeeze3A_144 = vector.extract %slice3A_143[0] : f32 from vector<1xf32>
      %mul3A_145 = vector.broadcast %squeeze3A_144 : f32 to vector<16xf32>
      %mul3A_146 = arith.mulf %get3A_70, %mul3A_145 : vector<16xf32>
      %slice3A_147 = vector.extract_strided_slice %get3A_11 {offsets = [4], sizes = [1], strides = [1]} : vector<16xf32> to vector<1xf32>
      %squeeze3A_148 = vector.extract %slice3A_147[0] : f32 from vector<1xf32>
      %mul3A_149 = vector.broadcast %squeeze3A_148 : f32 to vector<16xf32>
      %mul3A_150 = arith.mulf %get3A_77, %mul3A_149 : vector<16xf32>
      %add3A_151 = arith.addf %mul3A_146, %mul3A_150 : vector<16xf32>
      %mul3A_152 = arith.constant 16 : i32
      %mul3A_153 = arith.muli %scan3A_63, %mul3A_152 : i32
      %swap3A_154 = arith.constant 4 : i32
      %swap3A_155 = arith.index_cast %swap3A_154 : i32 to index
      %swap3A_156 = arith.index_cast %mul3A_153 : i32 to index
      %swap3A_157 = tpu.vector_load %arg7[%swap3A_155, %swap3A_156] {strides = array<i32>} : memref<16x4096xf32, #tpu.memory_space<vmem>>, vector<1x16xf32>,
      %swap3A_158 = vector.shape_cast %swap3A_157 : vector<1x16xf32> to vector<16xf32>
      %swap3A_159 = vector.shape_cast %add3A_151 : vector<16xf32> to vector<1x16xf32>
      tpu.vector_store %arg7[%swap3A_155, %swap3A_156], %swap3A_159 {strides = array<i32>} : memref<16x4096xf32, #tpu.memory_space<vmem>>, vector<1x16xf32>,
      %slice3A_160 = vector.extract_strided_slice %get3A_6 {offsets = [5], sizes = [1], strides = [1]} : vector<16xf32> to vector<1xf32>
      %squeeze3A_161 = vector.extract %slice3A_160[0] : f32 from vector<1xf32>
      %mul3A_162 = vector.broadcast %squeeze3A_161 : f32 to vector<16xf32>
      %mul3A_163 = arith.mulf %get3A_70, %mul3A_162 : vector<16xf32>
      %slice3A_164 = vector.extract_strided_slice %get3A_11 {offsets = [5], sizes = [1], strides = [1]} : vector<16xf32> to vector<1xf32>
      %squeeze3A_165 = vector.extract %slice3A_164[0] : f32 from vector<1xf32>
      %mul3A_166 = vector.broadcast %squeeze3A_165 : f32 to vector<16xf32>
      %mul3A_167 = arith.mulf %get3A_77, %mul3A_166 : vector<16xf32>
      %add3A_168 = arith.addf %mul3A_163, %mul3A_167 : vector<16xf32>
      %mul3A_169 = arith.constant 16 : i32
      %mul3A_170 = arith.muli %scan3A_63, %mul3A_169 : i32
      %swap3A_171 = arith.constant 5 : i32
      %swap3A_172 = arith.index_cast %swap3A_171 : i32 to index
      %swap3A_173 = arith.index_cast %mul3A_170 : i32 to index
      %swap3A_174 = tpu.vector_load %arg7[%swap3A_172, %swap3A_173] {strides = array<i32>} : memref<16x4096xf32, #tpu.memory_space<vmem>>, vector<1x16xf32>,
      %swap3A_175 = vector.shape_cast %swap3A_174 : vector<1x16xf32> to vector<16xf32>
      %swap3A_176 = vector.shape_cast %add3A_168 : vector<16xf32> to vector<1x16xf32>
      tpu.vector_store %arg7[%swap3A_172, %swap3A_173], %swap3A_176 {strides = array<i32>} : memref<16x4096xf32, #tpu.memory_space<vmem>>, vector<1x16xf32>,
      %slice3A_177 = vector.extract_strided_slice %get3A_6 {offsets = [6], sizes = [1], strides = [1]} : vector<16xf32> to vector<1xf32>
      %squeeze3A_178 = vector.extract %slice3A_177[0] : f32 from vector<1xf32>
      %mul3A_179 = vector.broadcast %squeeze3A_178 : f32 to vector<16xf32>
      %mul3A_180 = arith.mulf %get3A_70, %mul3A_179 : vector<16xf32>
      %slice3A_181 = vector.extract_strided_slice %get3A_11 {offsets = [6], sizes = [1], strides = [1]} : vector<16xf32> to vector<1xf32>
      %squeeze3A_182 = vector.extract %slice3A_181[0] : f32 from vector<1xf32>
      %mul3A_183 = vector.broadcast %squeeze3A_182 : f32 to vector<16xf32>
      %mul3A_184 = arith.mulf %get3A_77, %mul3A_183 : vector<16xf32>
      %add3A_185 = arith.addf %mul3A_180, %mul3A_184 : vector<16xf32>
      %mul3A_186 = arith.constant 16 : i32
      %mul3A_187 = arith.muli %scan3A_63, %mul3A_186 : i32
      %swap3A_188 = arith.constant 6 : i32
      %swap3A_189 = arith.index_cast %swap3A_188 : i32 to index
      %swap3A_190 = arith.index_cast %mul3A_187 : i32 to index
      %swap3A_191 = tpu.vector_load %arg7[%swap3A_189, %swap3A_190] {strides = array<i32>} : memref<16x4096xf32, #tpu.memory_space<vmem>>, vector<1x16xf32>,
      %swap3A_192 = vector.shape_cast %swap3A_191 : vector<1x16xf32> to vector<16xf32>
      %swap3A_193 = vector.shape_cast %add3A_185 : vector<16xf32> to vector<1x16xf32>
      tpu.vector_store %arg7[%swap3A_189, %swap3A_190], %swap3A_193 {strides = array<i32>} : memref<16x4096xf32, #tpu.memory_space<vmem>>, vector<1x16xf32>,
      %slice3A_194 = vector.extract_strided_slice %get3A_6 {offsets = [7], sizes = [1], strides = [1]} : vector<16xf32> to vector<1xf32>
      %squeeze3A_195 = vector.extract %slice3A_194[0] : f32 from vector<1xf32>
      %mul3A_196 = vector.broadcast %squeeze3A_195 : f32 to vector<16xf32>
      %mul3A_197 = arith.mulf %get3A_70, %mul3A_196 : vector<16xf32>
      %slice3A_198 = vector.extract_strided_slice %get3A_11 {offsets = [7], sizes = [1], strides = [1]} : vector<16xf32> to vector<1xf32>
      %squeeze3A_199 = vector.extract %slice3A_198[0] : f32 from vector<1xf32>
      %mul3A_200 = vector.broadcast %squeeze3A_199 : f32 to vector<16xf32>
      %mul3A_201 = arith.mulf %get3A_77, %mul3A_200 : vector<16xf32>
      %add3A_202 = arith.addf %mul3A_197, %mul3A_201 : vector<16xf32>
      %mul3A_203 = arith.constant 16 : i32
      %mul3A_204 = arith.muli %scan3A_63, %mul3A_203 : i32
      %swap3A_205 = arith.constant 7 : i32
      %swap3A_206 = arith.index_cast %swap3A_205 : i32 to index
      %swap3A_207 = arith.index_cast %mul3A_204 : i32 to index
      %swap3A_208 = tpu.vector_load %arg7[%swap3A_206, %swap3A_207] {strides = array<i32>} : memref<16x4096xf32, #tpu.memory_space<vmem>>, vector<1x16xf32>,
      %swap3A_209 = vector.shape_cast %swap3A_208 : vector<1x16xf32> to vector<16xf32>
      %swap3A_210 = vector.shape_cast %add3A_202 : vector<16xf32> to vector<1x16xf32>
      tpu.vector_store %arg7[%swap3A_206, %swap3A_207], %swap3A_210 {strides = array<i32>} : memref<16x4096xf32, #tpu.memory_space<vmem>>, vector<1x16xf32>,
      %slice3A_211 = vector.extract_strided_slice %get3A_6 {offsets = [8], sizes = [1], strides = [1]} : vector<16xf32> to vector<1xf32>
      %squeeze3A_212 = vector.extract %slice3A_211[0] : f32 from vector<1xf32>
      %mul3A_213 = vector.broadcast %squeeze3A_212 : f32 to vector<16xf32>
      %mul3A_214 = arith.mulf %get3A_70, %mul3A_213 : vector<16xf32>
      %slice3A_215 = vector.extract_strided_slice %get3A_11 {offsets = [8], sizes = [1], strides = [1]} : vector<16xf32> to vector<1xf32>
      %squeeze3A_216 = vector.extract %slice3A_215[0] : f32 from vector<1xf32>
      %mul3A_217 = vector.broadcast %squeeze3A_216 : f32 to vector<16xf32>
      %mul3A_218 = arith.mulf %get3A_77, %mul3A_217 : vector<16xf32>
      %add3A_219 = arith.addf %mul3A_214, %mul3A_218 : vector<16xf32>
      %mul3A_220 = arith.constant 16 : i32
      %mul3A_221 = arith.muli %scan3A_63, %mul3A_220 : i32
      %swap3A_222 = arith.constant 8 : i32
      %swap3A_223 = arith.index_cast %swap3A_222 : i32 to index
      %swap3A_224 = arith.index_cast %mul3A_221 : i32 to index
      %swap3A_225 = tpu.vector_load %arg7[%swap3A_223, %swap3A_224] {strides = array<i32>} : memref<16x4096xf32, #tpu.memory_space<vmem>>, vector<1x16xf32>,
      %swap3A_226 = vector.shape_cast %swap3A_225 : vector<1x16xf32> to vector<16xf32>
      %swap3A_227 = vector.shape_cast %add3A_219 : vector<16xf32> to vector<1x16xf32>
      tpu.vector_store %arg7[%swap3A_223, %swap3A_224], %swap3A_227 {strides = array<i32>} : memref<16x4096xf32, #tpu.memory_space<vmem>>, vector<1x16xf32>,
      %slice3A_228 = vector.extract_strided_slice %get3A_6 {offsets = [9], sizes = [1], strides = [1]} : vector<16xf32> to vector<1xf32>
      %squeeze3A_229 = vector.extract %slice3A_228[0] : f32 from vector<1xf32>
      %mul3A_230 = vector.broadcast %squeeze3A_229 : f32 to vector<16xf32>
      %mul3A_231 = arith.mulf %get3A_70, %mul3A_230 : vector<16xf32>
      %slice3A_232 = vector.extract_strided_slice %get3A_11 {offsets = [9], sizes = [1], strides = [1]} : vector<16xf32> to vector<1xf32>
      %squeeze3A_233 = vector.extract %slice3A_232[0] : f32 from vector<1xf32>
      %mul3A_234 = vector.broadcast %squeeze3A_233 : f32 to vector<16xf32>
      %mul3A_235 = arith.mulf %get3A_77, %mul3A_234 : vector<16xf32>
      %add3A_236 = arith.addf %mul3A_231, %mul3A_235 : vector<16xf32>
      %mul3A_237 = arith.constant 16 : i32
      %mul3A_238 = arith.muli %scan3A_63, %mul3A_237 : i32
      %swap3A_239 = arith.constant 9 : i32
      %swap3A_240 = arith.index_cast %swap3A_239 : i32 to index
      %swap3A_241 = arith.index_cast %mul3A_238 : i32 to index
      %swap3A_242 = tpu.vector_load %arg7[%swap3A_240, %swap3A_241] {strides = array<i32>} : memref<16x4096xf32, #tpu.memory_space<vmem>>, vector<1x16xf32>,
      %swap3A_243 = vector.shape_cast %swap3A_242 : vector<1x16xf32> to vector<16xf32>
      %swap3A_244 = vector.shape_cast %add3A_236 : vector<16xf32> to vector<1x16xf32>
      tpu.vector_store %arg7[%swap3A_240, %swap3A_241], %swap3A_244 {strides = array<i32>} : memref<16x4096xf32, #tpu.memory_space<vmem>>, vector<1x16xf32>,
      %slice3A_245 = vector.extract_strided_slice %get3A_6 {offsets = [10], sizes = [1], strides = [1]} : vector<16xf32> to vector<1xf32>
      %squeeze3A_246 = vector.extract %slice3A_245[0] : f32 from vector<1xf32>
      %mul3A_247 = vector.broadcast %squeeze3A_246 : f32 to vector<16xf32>
      %mul3A_248 = arith.mulf %get3A_70, %mul3A_247 : vector<16xf32>
      %slice3A_249 = vector.extract_strided_slice %get3A_11 {offsets = [10], sizes = [1], strides = [1]} : vector<16xf32> to vector<1xf32>
      %squeeze3A_250 = vector.extract %slice3A_249[0] : f32 from vector<1xf32>
      %mul3A_251 = vector.broadcast %squeeze3A_250 : f32 to vector<16xf32>
      %mul3A_252 = arith.mulf %get3A_77, %mul3A_251 : vector<16xf32>
      %add3A_253 = arith.addf %mul3A_248, %mul3A_252 : vector<16xf32>
      %mul3A_254 = arith.constant 16 : i32
      %mul3A_255 = arith.muli %scan3A_63, %mul3A_254 : i32
      %swap3A_256 = arith.constant 10 : i32
      %swap3A_257 = arith.index_cast %swap3A_256 : i32 to index
      %swap3A_258 = arith.index_cast %mul3A_255 : i32 to index
      %swap3A_259 = tpu.vector_load %arg7[%swap3A_257, %swap3A_258] {strides = array<i32>} : memref<16x4096xf32, #tpu.memory_space<vmem>>, vector<1x16xf32>,
      %swap3A_260 = vector.shape_cast %swap3A_259 : vector<1x16xf32> to vector<16xf32>
      %swap3A_261 = vector.shape_cast %add3A_253 : vector<16xf32> to vector<1x16xf32>
      tpu.vector_store %arg7[%swap3A_257, %swap3A_258], %swap3A_261 {strides = array<i32>} : memref<16x4096xf32, #tpu.memory_space<vmem>>, vector<1x16xf32>,
      %slice3A_262 = vector.extract_strided_slice %get3A_6 {offsets = [11], sizes = [1], strides = [1]} : vector<16xf32> to vector<1xf32>
      %squeeze3A_263 = vector.extract %slice3A_262[0] : f32 from vector<1xf32>
      %mul3A_264 = vector.broadcast %squeeze3A_263 : f32 to vector<16xf32>
      %mul3A_265 = arith.mulf %get3A_70, %mul3A_264 : vector<16xf32>
      %slice3A_266 = vector.extract_strided_slice %get3A_11 {offsets = [11], sizes = [1], strides = [1]} : vector<16xf32> to vector<1xf32>
      %squeeze3A_267 = vector.extract %slice3A_266[0] : f32 from vector<1xf32>
      %mul3A_268 = vector.broadcast %squeeze3A_267 : f32 to vector<16xf32>
      %mul3A_269 = arith.mulf %get3A_77, %mul3A_268 : vector<16xf32>
      %add3A_270 = arith.addf %mul3A_265, %mul3A_269 : vector<16xf32>
      %mul3A_271 = arith.constant 16 : i32
      %mul3A_272 = arith.muli %scan3A_63, %mul3A_271 : i32
      %swap3A_273 = arith.constant 11 : i32
      %swap3A_274 = arith.index_cast %swap3A_273 : i32 to index
      %swap3A_275 = arith.index_cast %mul3A_272 : i32 to index
      %swap3A_276 = tpu.vector_load %arg7[%swap3A_274, %swap3A_275] {strides = array<i32>} : memref<16x4096xf32, #tpu.memory_space<vmem>>, vector<1x16xf32>,
      %swap3A_277 = vector.shape_cast %swap3A_276 : vector<1x16xf32> to vector<16xf32>
      %swap3A_278 = vector.shape_cast %add3A_270 : vector<16xf32> to vector<1x16xf32>
      tpu.vector_store %arg7[%swap3A_274, %swap3A_275], %swap3A_278 {strides = array<i32>} : memref<16x4096xf32, #tpu.memory_space<vmem>>, vector<1x16xf32>,
      %slice3A_279 = vector.extract_strided_slice %get3A_6 {offsets = [12], sizes = [1], strides = [1]} : vector<16xf32> to vector<1xf32>
      %squeeze3A_280 = vector.extract %slice3A_279[0] : f32 from vector<1xf32>
      %mul3A_281 = vector.broadcast %squeeze3A_280 : f32 to vector<16xf32>
      %mul3A_282 = arith.mulf %get3A_70, %mul3A_281 : vector<16xf32>
      %slice3A_283 = vector.extract_strided_slice %get3A_11 {offsets = [12], sizes = [1], strides = [1]} : vector<16xf32> to vector<1xf32>
      %squeeze3A_284 = vector.extract %slice3A_283[0] : f32 from vector<1xf32>
      %mul3A_285 = vector.broadcast %squeeze3A_284 : f32 to vector<16xf32>
      %mul3A_286 = arith.mulf %get3A_77, %mul3A_285 : vector<16xf32>
      %add3A_287 = arith.addf %mul3A_282, %mul3A_286 : vector<16xf32>
      %mul3A_288 = arith.constant 16 : i32
      %mul3A_289 = arith.muli %scan3A_63, %mul3A_288 : i32
      %swap3A_290 = arith.constant 12 : i32
      %swap3A_291 = arith.index_cast %swap3A_290 : i32 to index
      %swap3A_292 = arith.index_cast %mul3A_289 : i32 to index
      %swap3A_293 = tpu.vector_load %arg7[%swap3A_291, %swap3A_292] {strides = array<i32>} : memref<16x4096xf32, #tpu.memory_space<vmem>>, vector<1x16xf32>,
      %swap3A_294 = vector.shape_cast %swap3A_293 : vector<1x16xf32> to vector<16xf32>
      %swap3A_295 = vector.shape_cast %add3A_287 : vector<16xf32> to vector<1x16xf32>
      tpu.vector_store %arg7[%swap3A_291, %swap3A_292], %swap3A_295 {strides = array<i32>} : memref<16x4096xf32, #tpu.memory_space<vmem>>, vector<1x16xf32>,
      %slice3A_296 = vector.extract_strided_slice %get3A_6 {offsets = [13], sizes = [1], strides = [1]} : vector<16xf32> to vector<1xf32>
      %squeeze3A_297 = vector.extract %slice3A_296[0] : f32 from vector<1xf32>
      %mul3A_298 = vector.broadcast %squeeze3A_297 : f32 to vector<16xf32>
      %mul3A_299 = arith.mulf %get3A_70, %mul3A_298 : vector<16xf32>
      %slice3A_300 = vector.extract_strided_slice %get3A_11 {offsets = [13], sizes = [1], strides = [1]} : vector<16xf32> to vector<1xf32>
      %squeeze3A_301 = vector.extract %slice3A_300[0] : f32 from vector<1xf32>
      %mul3A_302 = vector.broadcast %squeeze3A_301 : f32 to vector<16xf32>
      %mul3A_303 = arith.mulf %get3A_77, %mul3A_302 : vector<16xf32>
      %add3A_304 = arith.addf %mul3A_299, %mul3A_303 : vector<16xf32>
      %mul3A_305 = arith.constant 16 : i32
      %mul3A_306 = arith.muli %scan3A_63, %mul3A_305 : i32
      %swap3A_307 = arith.constant 13 : i32
      %swap3A_308 = arith.index_cast %swap3A_307 : i32 to index
      %swap3A_309 = arith.index_cast %mul3A_306 : i32 to index
      %swap3A_310 = tpu.vector_load %arg7[%swap3A_308, %swap3A_309] {strides = array<i32>} : memref<16x4096xf32, #tpu.memory_space<vmem>>, vector<1x16xf32>,
      %swap3A_311 = vector.shape_cast %swap3A_310 : vector<1x16xf32> to vector<16xf32>
      %swap3A_312 = vector.shape_cast %add3A_304 : vector<16xf32> to vector<1x16xf32>
      tpu.vector_store %arg7[%swap3A_308, %swap3A_309], %swap3A_312 {strides = array<i32>} : memref<16x4096xf32, #tpu.memory_space<vmem>>, vector<1x16xf32>,
      %slice3A_313 = vector.extract_strided_slice %get3A_6 {offsets = [14], sizes = [1], strides = [1]} : vector<16xf32> to vector<1xf32>
      %squeeze3A_314 = vector.extract %slice3A_313[0] : f32 from vector<1xf32>
      %mul3A_315 = vector.broadcast %squeeze3A_314 : f32 to vector<16xf32>
      %mul3A_316 = arith.mulf %get3A_70, %mul3A_315 : vector<16xf32>
      %slice3A_317 = vector.extract_strided_slice %get3A_11 {offsets = [14], sizes = [1], strides = [1]} : vector<16xf32> to vector<1xf32>
      %squeeze3A_318 = vector.extract %slice3A_317[0] : f32 from vector<1xf32>
      %mul3A_319 = vector.broadcast %squeeze3A_318 : f32 to vector<16xf32>
      %mul3A_320 = arith.mulf %get3A_77, %mul3A_319 : vector<16xf32>
      %add3A_321 = arith.addf %mul3A_316, %mul3A_320 : vector<16xf32>
      %mul3A_322 = arith.constant 16 : i32
      %mul3A_323 = arith.muli %scan3A_63, %mul3A_322 : i32
      %swap3A_324 = arith.constant 14 : i32
      %swap3A_325 = arith.index_cast %swap3A_324 : i32 to index
      %swap3A_326 = arith.index_cast %mul3A_323 : i32 to index
      %swap3A_327 = tpu.vector_load %arg7[%swap3A_325, %swap3A_326] {strides = array<i32>} : memref<16x4096xf32, #tpu.memory_space<vmem>>, vector<1x16xf32>,
      %swap3A_328 = vector.shape_cast %swap3A_327 : vector<1x16xf32> to vector<16xf32>
      %swap3A_329 = vector.shape_cast %add3A_321 : vector<16xf32> to vector<1x16xf32>
      tpu.vector_store %arg7[%swap3A_325, %swap3A_326], %swap3A_329 {strides = array<i32>} : memref<16x4096xf32, #tpu.memory_space<vmem>>, vector<1x16xf32>,
      %slice3A_330 = vector.extract_strided_slice %get3A_6 {offsets = [15], sizes = [1], strides = [1]} : vector<16xf32> to vector<1xf32>
      %squeeze3A_331 = vector.extract %slice3A_330[0] : f32 from vector<1xf32>
      %mul3A_332 = vector.broadcast %squeeze3A_331 : f32 to vector<16xf32>
      %mul3A_333 = arith.mulf %get3A_70, %mul3A_332 : vector<16xf32>
      %slice3A_334 = vector.extract_strided_slice %get3A_11 {offsets = [15], sizes = [1], strides = [1]} : vector<16xf32> to vector<1xf32>
      %squeeze3A_335 = vector.extract %slice3A_334[0] : f32 from vector<1xf32>
      %mul3A_336 = vector.broadcast %squeeze3A_335 : f32 to vector<16xf32>
      %mul3A_337 = arith.mulf %get3A_77, %mul3A_336 : vector<16xf32>
      %add3A_338 = arith.addf %mul3A_333, %mul3A_337 : vector<16xf32>
      %mul3A_339 = arith.constant 16 : i32
      %mul3A_340 = arith.muli %scan3A_63, %mul3A_339 : i32
      %swap3A_341 = arith.constant 15 : i32
      %swap3A_342 = arith.index_cast %swap3A_341 : i32 to index
      %swap3A_343 = arith.index_cast %mul3A_340 : i32 to index
      %swap3A_344 = tpu.vector_load %arg7[%swap3A_342, %swap3A_343] {strides = array<i32>} : memref<16x4096xf32, #tpu.memory_space<vmem>>, vector<1x16xf32>,
      %swap3A_345 = vector.shape_cast %swap3A_344 : vector<1x16xf32> to vector<16xf32>
      %swap3A_346 = vector.shape_cast %add3A_338 : vector<16xf32> to vector<1x16xf32>
      tpu.vector_store %arg7[%swap3A_342, %swap3A_343], %swap3A_346 {strides = array<i32>} : memref<16x4096xf32, #tpu.memory_space<vmem>>, vector<1x16xf32>,
    }
    %scan3A_19 = arith.constant 256 : i32
    %iota3A = tpu.iota {dimensions = array<i32: 0>} : vector<16xi32>
    %jit3A = arith.constant 16 : i32
    %div3A = arith.divsi %mul3A_2, %jit3A : i32
    %sign3A = arith.constant 0 : i32
    %sign3A_20 = arith.cmpi sgt, %mul3A_2, %sign3A : i32
    %sign3A_21 = arith.extui %sign3A_20 : i1 to i32
    %sign3A_22 = arith.constant 0 : i32
    %sign3A_23 = arith.cmpi slt, %mul3A_2, %sign3A_22 : i32
    %sign3A_24 = arith.extui %sign3A_23 : i1 to i32
    %sign3A_25 = arith.subi %sign3A_21, %sign3A_24 : i32
    %sign3A_26 = arith.constant 0 : i32
    %sign3A_27 = arith.cmpi sgt, %jit3A, %sign3A_26 : i32
    %sign3A_28 = arith.extui %sign3A_27 : i1 to i32
    %sign3A_29 = arith.constant 0 : i32
    %sign3A_30 = arith.cmpi slt, %jit3A, %sign3A_29 : i32
    %sign3A_31 = arith.extui %sign3A_30 : i1 to i32
    %sign3A_32 = arith.subi %sign3A_28, %sign3A_31 : i32
    %ne3A = arith.cmpi ne, %sign3A_25, %sign3A_32 : i32
    %rem3A = arith.remsi %mul3A_2, %jit3A : i32
    %ne3A_33 = arith.constant 0 : i32
    %ne3A_34 = arith.cmpi ne, %rem3A, %ne3A_33 : i32
    %and3A = arith.andi %ne3A, %ne3A_34 : i1
    %sub3A = arith.constant 1 : i32
    %sub3A_35 = arith.subi %div3A, %sub3A : i32
    %select_n3A = arith.select %and3A, %sub3A_35, %div3A : i32
    %mul3A_36 = arith.constant 16 : i32
    %mul3A_37 = arith.muli %select_n3A, %mul3A_36 : i32
    %multiple_of3A = tpu.assume_multiple %mul3A_37, 16 : i32
    %sub3A_38 = arith.subi %mul3A_2, %multiple_of3A : i32
    %scan3A_39 = arith.constant 0 : i32
    %scan3A_40 = arith.constant 0 : i32
    %scan3A_41 = arith.constant 2 : i32
    %scan3A_42 = arith.addi %scan3A_40, %scan3A_41 : i32
    %scan3A_43 = arith.constant 1 : i32
    scf.for %scan3A_63 = %scan3A_40 to %scan3A_42 step %scan3A_43  : i32 {
      %add3A_64 = vector.broadcast %sub3A_38 : i32 to vector<16xi32>
      %add3A_65 = arith.addi %iota3A, %add3A_64 : vector<16xi32>
      %jit3A_66 = arith.constant 16 : i32
      %eq3A = arith.constant 0 : i32
      %eq3A_67 = arith.cmpi eq, %jit3A_66, %eq3A : i32
      %jit3A_68 = arith.constant 1 : i32
      %select_n3A_69 = arith.select %eq3A_67, %jit3A_68, %jit3A_66 : i32
      %rem3A_70 = vector.broadcast %select_n3A_69 : i32 to vector<16xi32>
      %rem3A_71 = arith.remsi %add3A_65, %rem3A_70 : vector<16xi32>
      %ne3A_72 = arith.constant 0 : i32
      %ne3A_73 = vector.broadcast %ne3A_72 : i32 to vector<16xi32>
      %ne3A_74 = arith.cmpi ne, %rem3A_71, %ne3A_73 : vector<16xi32>
      %lt3A = arith.constant 0 : i32
      %lt3A_75 = vector.broadcast %lt3A : i32 to vector<16xi32>
      %lt3A_76 = arith.cmpi slt, %rem3A_71, %lt3A_75 : vector<16xi32>
      %lt3A_77 = arith.constant 0 : i32
      %lt3A_78 = arith.cmpi slt, %select_n3A_69, %lt3A_77 : i32
      %ne3A_79 = vector.broadcast %lt3A_78 : i1 to vector<16xi1>
      %ne3A_80 = vector.broadcast %ne3A_79 : vector<16xi1> to vector<16xi1>
      %ne3A_81 = arith.xori %lt3A_76, %ne3A_80 : vector<16xi1>
      %and3A_82 = arith.andi %ne3A_81, %ne3A_74 : vector<16xi1>
      %add3A_83 = vector.broadcast %select_n3A_69 : i32 to vector<16xi32>
      %add3A_84 = arith.addi %rem3A_71, %add3A_83 : vector<16xi32>
      %select_n3A_85 = arith.select %and3A_82, %add3A_84, %rem3A_71 : vector<16xi1>, vector<16xi32>
      %add3A_86 = arith.constant 0 : i32
      %add3A_87 = arith.addi %multiple_of3A, %add3A_86 : i32
      %mul3A_88 = arith.constant 16 : i32
      %mul3A_89 = arith.muli %scan3A_63, %mul3A_88 : i32
      %add3A_90 = arith.addi %add3A_87, %mul3A_89 : i32
      %multiple_of3A_91 = tpu.assume_multiple %add3A_90, 16 : i32
      %get3A_92 = arith.constant 0 : i32
      %get3A_93 = arith.index_cast %get3A_92 : i32 to index
      %get3A_94 = arith.index_cast %multiple_of3A_91 : i32 to index
      %get3A_95 = tpu.vector_load %arg11[%get3A_93, %get3A_94] {strides = array<i32>} : memref<2x4096xf32, #tpu.memory_space<vmem>>, vector<1x16xf32>,
      %get3A_96 = vector.shape_cast %get3A_95 : vector<1x16xf32> to vector<16xf32>
      %lt3A_97 = arith.constant 0 : i32
      %lt3A_98 = vector.broadcast %lt3A_97 : i32 to vector<16xi32>
      %lt3A_99 = arith.cmpi slt, %select_n3A_85, %lt3A_98 : vector<16xi32>
      %add3A_100 = arith.constant 16 : i32
      %add3A_101 = vector.broadcast %add3A_100 : i32 to vector<16xi32>
      %add3A_102 = arith.addi %select_n3A_85, %add3A_101 : vector<16xi32>
      %select_n3A_103 = arith.select %lt3A_99, %add3A_102, %select_n3A_85 : vector<16xi1>, vector<16xi32>
      %broadcast_in_dim3A = vector.shape_cast %select_n3A_103 : vector<16xi32> to vector<16x1xi32>
      %gather3A = vector.shape_cast %broadcast_in_dim3A : vector<16x1xi32> to vector<16xi32>
      %gather3A_104 = tpu.dynamic_gather %get3A_96[%gather3A] in [0] : vector<16xf32>, vector<16xi32> -> vector<16xf32>
      %add3A_105 = arith.constant 16 : i32
      %add3A_106 = arith.addi %multiple_of3A, %add3A_105 : i32
      %mul3A_107 = arith.constant 16 : i32
      %mul3A_108 = arith.muli %scan3A_63, %mul3A_107 : i32
      %add3A_109 = arith.addi %add3A_106, %mul3A_108 : i32
      %multiple_of3A_110 = tpu.assume_multiple %add3A_109, 16 : i32
      %get3A_111 = arith.constant 0 : i32
      %get3A_112 = arith.index_cast %get3A_111 : i32 to index
      %get3A_113 = arith.index_cast %multiple_of3A_110 : i32 to index
      %get3A_114 = tpu.vector_load %arg11[%get3A_112, %get3A_113] {strides = array<i32>} : memref<2x4096xf32, #tpu.memory_space<vmem>>, vector<1x16xf32>,
      %get3A_115 = vector.shape_cast %get3A_114 : vector<1x16xf32> to vector<16xf32>
      %lt3A_116 = arith.constant 0 : i32
      %lt3A_117 = vector.broadcast %lt3A_116 : i32 to vector<16xi32>
      %lt3A_118 = arith.cmpi slt, %select_n3A_85, %lt3A_117 : vector<16xi32>
      %add3A_119 = arith.constant 16 : i32
      %add3A_120 = vector.broadcast %add3A_119 : i32 to vector<16xi32>
      %add3A_121 = arith.addi %select_n3A_85, %add3A_120 : vector<16xi32>
      %select_n3A_122 = arith.select %lt3A_118, %add3A_121, %select_n3A_85 : vector<16xi1>, vector<16xi32>
      %broadcast_in_dim3A_123 = vector.shape_cast %select_n3A_122 : vector<16xi32> to vector<16x1xi32>
      %gather3A_124 = vector.shape_cast %broadcast_in_dim3A_123 : vector<16x1xi32> to vector<16xi32>
      %gather3A_125 = tpu.dynamic_gather %get3A_115[%gather3A_124] in [0] : vector<16xf32>, vector<16xi32> -> vector<16xf32>
      %add3A_126 = arith.constant 0 : i32
      %add3A_127 = arith.addi %multiple_of3A, %add3A_126 : i32
      %mul3A_128 = arith.constant 16 : i32
      %mul3A_129 = arith.muli %scan3A_63, %mul3A_128 : i32
      %add3A_130 = arith.addi %add3A_127, %mul3A_129 : i32
      %multiple_of3A_131 = tpu.assume_multiple %add3A_130, 16 : i32
      %get3A_132 = arith.constant 1 : i32
      %get3A_133 = arith.index_cast %get3A_132 : i32 to index
      %get3A_134 = arith.index_cast %multiple_of3A_131 : i32 to index
      %get3A_135 = tpu.vector_load %arg11[%get3A_133, %get3A_134] {strides = array<i32>} : memref<2x4096xf32, #tpu.memory_space<vmem>>, vector<1x16xf32>,
      %get3A_136 = vector.shape_cast %get3A_135 : vector<1x16xf32> to vector<16xf32>
      %lt3A_137 = arith.constant 0 : i32
      %lt3A_138 = vector.broadcast %lt3A_137 : i32 to vector<16xi32>
      %lt3A_139 = arith.cmpi slt, %select_n3A_85, %lt3A_138 : vector<16xi32>
      %add3A_140 = arith.constant 16 : i32
      %add3A_141 = vector.broadcast %add3A_140 : i32 to vector<16xi32>
      %add3A_142 = arith.addi %select_n3A_85, %add3A_141 : vector<16xi32>
      %select_n3A_143 = arith.select %lt3A_139, %add3A_142, %select_n3A_85 : vector<16xi1>, vector<16xi32>
      %broadcast_in_dim3A_144 = vector.shape_cast %select_n3A_143 : vector<16xi32> to vector<16x1xi32>
      %gather3A_145 = vector.shape_cast %broadcast_in_dim3A_144 : vector<16x1xi32> to vector<16xi32>
      %gather3A_146 = tpu.dynamic_gather %get3A_136[%gather3A_145] in [0] : vector<16xf32>, vector<16xi32> -> vector<16xf32>
      %add3A_147 = arith.constant 16 : i32
      %add3A_148 = arith.addi %multiple_of3A, %add3A_147 : i32
      %mul3A_149 = arith.constant 16 : i32
      %mul3A_150 = arith.muli %scan3A_63, %mul3A_149 : i32
      %add3A_151 = arith.addi %add3A_148, %mul3A_150 : i32
      %multiple_of3A_152 = tpu.assume_multiple %add3A_151, 16 : i32
      %get3A_153 = arith.constant 1 : i32
      %get3A_154 = arith.index_cast %get3A_153 : i32 to index
      %get3A_155 = arith.index_cast %multiple_of3A_152 : i32 to index
      %get3A_156 = tpu.vector_load %arg11[%get3A_154, %get3A_155] {strides = array<i32>} : memref<2x4096xf32, #tpu.memory_space<vmem>>, vector<1x16xf32>,
      %get3A_157 = vector.shape_cast %get3A_156 : vector<1x16xf32> to vector<16xf32>
      %lt3A_158 = arith.constant 0 : i32
      %lt3A_159 = vector.broadcast %lt3A_158 : i32 to vector<16xi32>
      %lt3A_160 = arith.cmpi slt, %select_n3A_85, %lt3A_159 : vector<16xi32>
      %add3A_161 = arith.constant 16 : i32
      %add3A_162 = vector.broadcast %add3A_161 : i32 to vector<16xi32>
      %add3A_163 = arith.addi %select_n3A_85, %add3A_162 : vector<16xi32>
      %select_n3A_164 = arith.select %lt3A_160, %add3A_163, %select_n3A_85 : vector<16xi1>, vector<16xi32>
      %broadcast_in_dim3A_165 = vector.shape_cast %select_n3A_164 : vector<16xi32> to vector<16x1xi32>
      %gather3A_166 = vector.shape_cast %broadcast_in_dim3A_165 : vector<16x1xi32> to vector<16xi32>
      %gather3A_167 = tpu.dynamic_gather %get3A_157[%gather3A_166] in [0] : vector<16xf32>, vector<16xi32> -> vector<16xf32>
      %sub3A_168 = arith.constant 16 : i32
      %sub3A_169 = arith.subi %sub3A_168, %sub3A_38 : i32
      %lt3A_170 = vector.broadcast %sub3A_169 : i32 to vector<16xi32>
      %lt3A_171 = arith.cmpi slt, %iota3A, %lt3A_170 : vector<16xi32>
      %select_n3A_172 = arith.select %lt3A_171, %gather3A_104, %gather3A_125 : vector<16xi1>, vector<16xf32>
      %select_n3A_173 = arith.select %lt3A_171, %gather3A_146, %gather3A_167 : vector<16xi1>, vector<16xf32>
      %slice3A = vector.extract_strided_slice %select_n3A_172 {offsets = [0], sizes = [1], strides = [1]} : vector<16xf32> to vector<1xf32>
      %squeeze3A = vector.extract %slice3A[0] : f32 from vector<1xf32>
      %mul3A_174 = vector.broadcast %squeeze3A : f32 to vector<16xf32>
      %mul3A_175 = arith.mulf %mul3A_174, %get3A_6 : vector<16xf32>
      %slice3A_176 = vector.extract_strided_slice %select_n3A_173 {offsets = [0], sizes = [1], strides = [1]} : vector<16xf32> to vector<1xf32>
      %squeeze3A_177 = vector.extract %slice3A_176[0] : f32 from vector<1xf32>
      %mul3A_178 = vector.broadcast %squeeze3A_177 : f32 to vector<16xf32>
      %mul3A_179 = arith.mulf %mul3A_178, %get3A_11 : vector<16xf32>
      %add3A_180 = arith.addf %mul3A_175, %mul3A_179 : vector<16xf32>
      %sub3A_181 = arith.subf %add3A_180, %get3A_14 : vector<16xf32>
      %mul3A_182 = arith.constant 16 : i32
      %mul3A_183 = arith.muli %scan3A_63, %mul3A_182 : i32
      %add3A_184 = arith.constant 0 : i32
      %add3A_185 = arith.addi %mul3A_183, %add3A_184 : i32
      %swap3A = arith.index_cast %add3A_185 : i32 to index
      %swap3A_186 = arith.constant 0 : index
      %swap3A_187 = tpu.vector_load %arg8[%swap3A, %swap3A_186] {strides = array<i32>} : memref<32x16xf32, #tpu.memory_space<vmem>>, vector<1x16xf32>,
      %swap3A_188 = vector.shape_cast %swap3A_187 : vector<1x16xf32> to vector<16xf32>
      %swap3A_189 = vector.shape_cast %sub3A_181 : vector<16xf32> to vector<1x16xf32>
      tpu.vector_store %arg8[%swap3A, %swap3A_186], %swap3A_189 {strides = array<i32>} : memref<32x16xf32, #tpu.memory_space<vmem>>, vector<1x16xf32>,
      %slice3A_190 = vector.extract_strided_slice %select_n3A_172 {offsets = [1], sizes = [1], strides = [1]} : vector<16xf32> to vector<1xf32>
      %squeeze3A_191 = vector.extract %slice3A_190[0] : f32 from vector<1xf32>
      %mul3A_192 = vector.broadcast %squeeze3A_191 : f32 to vector<16xf32>
      %mul3A_193 = arith.mulf %mul3A_192, %get3A_6 : vector<16xf32>
      %slice3A_194 = vector.extract_strided_slice %select_n3A_173 {offsets = [1], sizes = [1], strides = [1]} : vector<16xf32> to vector<1xf32>
      %squeeze3A_195 = vector.extract %slice3A_194[0] : f32 from vector<1xf32>
      %mul3A_196 = vector.broadcast %squeeze3A_195 : f32 to vector<16xf32>
      %mul3A_197 = arith.mulf %mul3A_196, %get3A_11 : vector<16xf32>
      %add3A_198 = arith.addf %mul3A_193, %mul3A_197 : vector<16xf32>
      %sub3A_199 = arith.subf %add3A_198, %get3A_14 : vector<16xf32>
      %mul3A_200 = arith.constant 16 : i32
      %mul3A_201 = arith.muli %scan3A_63, %mul3A_200 : i32
      %add3A_202 = arith.constant 1 : i32
      %add3A_203 = arith.addi %mul3A_201, %add3A_202 : i32
      %swap3A_204 = arith.index_cast %add3A_203 : i32 to index
      %swap3A_205 = arith.constant 0 : index
      %swap3A_206 = tpu.vector_load %arg8[%swap3A_204, %swap3A_205] {strides = array<i32>} : memref<32x16xf32, #tpu.memory_space<vmem>>, vector<1x16xf32>,
      %swap3A_207 = vector.shape_cast %swap3A_206 : vector<1x16xf32> to vector<16xf32>
      %swap3A_208 = vector.shape_cast %sub3A_199 : vector<16xf32> to vector<1x16xf32>
      tpu.vector_store %arg8[%swap3A_204, %swap3A_205], %swap3A_208 {strides = array<i32>} : memref<32x16xf32, #tpu.memory_space<vmem>>, vector<1x16xf32>,
      %slice3A_209 = vector.extract_strided_slice %select_n3A_172 {offsets = [2], sizes = [1], strides = [1]} : vector<16xf32> to vector<1xf32>
      %squeeze3A_210 = vector.extract %slice3A_209[0] : f32 from vector<1xf32>
      %mul3A_211 = vector.broadcast %squeeze3A_210 : f32 to vector<16xf32>
      %mul3A_212 = arith.mulf %mul3A_211, %get3A_6 : vector<16xf32>
      %slice3A_213 = vector.extract_strided_slice %select_n3A_173 {offsets = [2], sizes = [1], strides = [1]} : vector<16xf32> to vector<1xf32>
      %squeeze3A_214 = vector.extract %slice3A_213[0] : f32 from vector<1xf32>
      %mul3A_215 = vector.broadcast %squeeze3A_214 : f32 to vector<16xf32>
      %mul3A_216 = arith.mulf %mul3A_215, %get3A_11 : vector<16xf32>
      %add3A_217 = arith.addf %mul3A_212, %mul3A_216 : vector<16xf32>
      %sub3A_218 = arith.subf %add3A_217, %get3A_14 : vector<16xf32>
      %mul3A_219 = arith.constant 16 : i32
      %mul3A_220 = arith.muli %scan3A_63, %mul3A_219 : i32
      %add3A_221 = arith.constant 2 : i32
      %add3A_222 = arith.addi %mul3A_220, %add3A_221 : i32
      %swap3A_223 = arith.index_cast %add3A_222 : i32 to index
      %swap3A_224 = arith.constant 0 : index
      %swap3A_225 = tpu.vector_load %arg8[%swap3A_223, %swap3A_224] {strides = array<i32>} : memref<32x16xf32, #tpu.memory_space<vmem>>, vector<1x16xf32>,
      %swap3A_226 = vector.shape_cast %swap3A_225 : vector<1x16xf32> to vector<16xf32>
      %swap3A_227 = vector.shape_cast %sub3A_218 : vector<16xf32> to vector<1x16xf32>
      tpu.vector_store %arg8[%swap3A_223, %swap3A_224], %swap3A_227 {strides = array<i32>} : memref<32x16xf32, #tpu.memory_space<vmem>>, vector<1x16xf32>,
      %slice3A_228 = vector.extract_strided_slice %select_n3A_172 {offsets = [3], sizes = [1], strides = [1]} : vector<16xf32> to vector<1xf32>
      %squeeze3A_229 = vector.extract %slice3A_228[0] : f32 from vector<1xf32>
      %mul3A_230 = vector.broadcast %squeeze3A_229 : f32 to vector<16xf32>
      %mul3A_231 = arith.mulf %mul3A_230, %get3A_6 : vector<16xf32>
      %slice3A_232 = vector.extract_strided_slice %select_n3A_173 {offsets = [3], sizes = [1], strides = [1]} : vector<16xf32> to vector<1xf32>
      %squeeze3A_233 = vector.extract %slice3A_232[0] : f32 from vector<1xf32>
      %mul3A_234 = vector.broadcast %squeeze3A_233 : f32 to vector<16xf32>
      %mul3A_235 = arith.mulf %mul3A_234, %get3A_11 : vector<16xf32>
      %add3A_236 = arith.addf %mul3A_231, %mul3A_235 : vector<16xf32>
      %sub3A_237 = arith.subf %add3A_236, %get3A_14 : vector<16xf32>
      %mul3A_238 = arith.constant 16 : i32
      %mul3A_239 = arith.muli %scan3A_63, %mul3A_238 : i32
      %add3A_240 = arith.constant 3 : i32
      %add3A_241 = arith.addi %mul3A_239, %add3A_240 : i32
      %swap3A_242 = arith.index_cast %add3A_241 : i32 to index
      %swap3A_243 = arith.constant 0 : index
      %swap3A_244 = tpu.vector_load %arg8[%swap3A_242, %swap3A_243] {strides = array<i32>} : memref<32x16xf32, #tpu.memory_space<vmem>>, vector<1x16xf32>,
      %swap3A_245 = vector.shape_cast %swap3A_244 : vector<1x16xf32> to vector<16xf32>
      %swap3A_246 = vector.shape_cast %sub3A_237 : vector<16xf32> to vector<1x16xf32>
      tpu.vector_store %arg8[%swap3A_242, %swap3A_243], %swap3A_246 {strides = array<i32>} : memref<32x16xf32, #tpu.memory_space<vmem>>, vector<1x16xf32>,
      %slice3A_247 = vector.extract_strided_slice %select_n3A_172 {offsets = [4], sizes = [1], strides = [1]} : vector<16xf32> to vector<1xf32>
      %squeeze3A_248 = vector.extract %slice3A_247[0] : f32 from vector<1xf32>
      %mul3A_249 = vector.broadcast %squeeze3A_248 : f32 to vector<16xf32>
      %mul3A_250 = arith.mulf %mul3A_249, %get3A_6 : vector<16xf32>
      %slice3A_251 = vector.extract_strided_slice %select_n3A_173 {offsets = [4], sizes = [1], strides = [1]} : vector<16xf32> to vector<1xf32>
      %squeeze3A_252 = vector.extract %slice3A_251[0] : f32 from vector<1xf32>
      %mul3A_253 = vector.broadcast %squeeze3A_252 : f32 to vector<16xf32>
      %mul3A_254 = arith.mulf %mul3A_253, %get3A_11 : vector<16xf32>
      %add3A_255 = arith.addf %mul3A_250, %mul3A_254 : vector<16xf32>
      %sub3A_256 = arith.subf %add3A_255, %get3A_14 : vector<16xf32>
      %mul3A_257 = arith.constant 16 : i32
      %mul3A_258 = arith.muli %scan3A_63, %mul3A_257 : i32
      %add3A_259 = arith.constant 4 : i32
      %add3A_260 = arith.addi %mul3A_258, %add3A_259 : i32
      %swap3A_261 = arith.index_cast %add3A_260 : i32 to index
      %swap3A_262 = arith.constant 0 : index
      %swap3A_263 = tpu.vector_load %arg8[%swap3A_261, %swap3A_262] {strides = array<i32>} : memref<32x16xf32, #tpu.memory_space<vmem>>, vector<1x16xf32>,
      %swap3A_264 = vector.shape_cast %swap3A_263 : vector<1x16xf32> to vector<16xf32>
      %swap3A_265 = vector.shape_cast %sub3A_256 : vector<16xf32> to vector<1x16xf32>
      tpu.vector_store %arg8[%swap3A_261, %swap3A_262], %swap3A_265 {strides = array<i32>} : memref<32x16xf32, #tpu.memory_space<vmem>>, vector<1x16xf32>,
      %slice3A_266 = vector.extract_strided_slice %select_n3A_172 {offsets = [5], sizes = [1], strides = [1]} : vector<16xf32> to vector<1xf32>
      %squeeze3A_267 = vector.extract %slice3A_266[0] : f32 from vector<1xf32>
      %mul3A_268 = vector.broadcast %squeeze3A_267 : f32 to vector<16xf32>
      %mul3A_269 = arith.mulf %mul3A_268, %get3A_6 : vector<16xf32>
      %slice3A_270 = vector.extract_strided_slice %select_n3A_173 {offsets = [5], sizes = [1], strides = [1]} : vector<16xf32> to vector<1xf32>
      %squeeze3A_271 = vector.extract %slice3A_270[0] : f32 from vector<1xf32>
      %mul3A_272 = vector.broadcast %squeeze3A_271 : f32 to vector<16xf32>
      %mul3A_273 = arith.mulf %mul3A_272, %get3A_11 : vector<16xf32>
      %add3A_274 = arith.addf %mul3A_269, %mul3A_273 : vector<16xf32>
      %sub3A_275 = arith.subf %add3A_274, %get3A_14 : vector<16xf32>
      %mul3A_276 = arith.constant 16 : i32
      %mul3A_277 = arith.muli %scan3A_63, %mul3A_276 : i32
      %add3A_278 = arith.constant 5 : i32
      %add3A_279 = arith.addi %mul3A_277, %add3A_278 : i32
      %swap3A_280 = arith.index_cast %add3A_279 : i32 to index
      %swap3A_281 = arith.constant 0 : index
      %swap3A_282 = tpu.vector_load %arg8[%swap3A_280, %swap3A_281] {strides = array<i32>} : memref<32x16xf32, #tpu.memory_space<vmem>>, vector<1x16xf32>,
      %swap3A_283 = vector.shape_cast %swap3A_282 : vector<1x16xf32> to vector<16xf32>
      %swap3A_284 = vector.shape_cast %sub3A_275 : vector<16xf32> to vector<1x16xf32>
      tpu.vector_store %arg8[%swap3A_280, %swap3A_281], %swap3A_284 {strides = array<i32>} : memref<32x16xf32, #tpu.memory_space<vmem>>, vector<1x16xf32>,
      %slice3A_285 = vector.extract_strided_slice %select_n3A_172 {offsets = [6], sizes = [1], strides = [1]} : vector<16xf32> to vector<1xf32>
      %squeeze3A_286 = vector.extract %slice3A_285[0] : f32 from vector<1xf32>
      %mul3A_287 = vector.broadcast %squeeze3A_286 : f32 to vector<16xf32>
      %mul3A_288 = arith.mulf %mul3A_287, %get3A_6 : vector<16xf32>
      %slice3A_289 = vector.extract_strided_slice %select_n3A_173 {offsets = [6], sizes = [1], strides = [1]} : vector<16xf32> to vector<1xf32>
      %squeeze3A_290 = vector.extract %slice3A_289[0] : f32 from vector<1xf32>
      %mul3A_291 = vector.broadcast %squeeze3A_290 : f32 to vector<16xf32>
      %mul3A_292 = arith.mulf %mul3A_291, %get3A_11 : vector<16xf32>
      %add3A_293 = arith.addf %mul3A_288, %mul3A_292 : vector<16xf32>
      %sub3A_294 = arith.subf %add3A_293, %get3A_14 : vector<16xf32>
      %mul3A_295 = arith.constant 16 : i32
      %mul3A_296 = arith.muli %scan3A_63, %mul3A_295 : i32
      %add3A_297 = arith.constant 6 : i32
      %add3A_298 = arith.addi %mul3A_296, %add3A_297 : i32
      %swap3A_299 = arith.index_cast %add3A_298 : i32 to index
      %swap3A_300 = arith.constant 0 : index
      %swap3A_301 = tpu.vector_load %arg8[%swap3A_299, %swap3A_300] {strides = array<i32>} : memref<32x16xf32, #tpu.memory_space<vmem>>, vector<1x16xf32>,
      %swap3A_302 = vector.shape_cast %swap3A_301 : vector<1x16xf32> to vector<16xf32>
      %swap3A_303 = vector.shape_cast %sub3A_294 : vector<16xf32> to vector<1x16xf32>
      tpu.vector_store %arg8[%swap3A_299, %swap3A_300], %swap3A_303 {strides = array<i32>} : memref<32x16xf32, #tpu.memory_space<vmem>>, vector<1x16xf32>,
      %slice3A_304 = vector.extract_strided_slice %select_n3A_172 {offsets = [7], sizes = [1], strides = [1]} : vector<16xf32> to vector<1xf32>
      %squeeze3A_305 = vector.extract %slice3A_304[0] : f32 from vector<1xf32>
      %mul3A_306 = vector.broadcast %squeeze3A_305 : f32 to vector<16xf32>
      %mul3A_307 = arith.mulf %mul3A_306, %get3A_6 : vector<16xf32>
      %slice3A_308 = vector.extract_strided_slice %select_n3A_173 {offsets = [7], sizes = [1], strides = [1]} : vector<16xf32> to vector<1xf32>
      %squeeze3A_309 = vector.extract %slice3A_308[0] : f32 from vector<1xf32>
      %mul3A_310 = vector.broadcast %squeeze3A_309 : f32 to vector<16xf32>
      %mul3A_311 = arith.mulf %mul3A_310, %get3A_11 : vector<16xf32>
      %add3A_312 = arith.addf %mul3A_307, %mul3A_311 : vector<16xf32>
      %sub3A_313 = arith.subf %add3A_312, %get3A_14 : vector<16xf32>
      %mul3A_314 = arith.constant 16 : i32
      %mul3A_315 = arith.muli %scan3A_63, %mul3A_314 : i32
      %add3A_316 = arith.constant 7 : i32
      %add3A_317 = arith.addi %mul3A_315, %add3A_316 : i32
      %swap3A_318 = arith.index_cast %add3A_317 : i32 to index
      %swap3A_319 = arith.constant 0 : index
      %swap3A_320 = tpu.vector_load %arg8[%swap3A_318, %swap3A_319] {strides = array<i32>} : memref<32x16xf32, #tpu.memory_space<vmem>>, vector<1x16xf32>,
      %swap3A_321 = vector.shape_cast %swap3A_320 : vector<1x16xf32> to vector<16xf32>
      %swap3A_322 = vector.shape_cast %sub3A_313 : vector<16xf32> to vector<1x16xf32>
      tpu.vector_store %arg8[%swap3A_318, %swap3A_319], %swap3A_322 {strides = array<i32>} : memref<32x16xf32, #tpu.memory_space<vmem>>, vector<1x16xf32>,
      %slice3A_323 = vector.extract_strided_slice %select_n3A_172 {offsets = [8], sizes = [1], strides = [1]} : vector<16xf32> to vector<1xf32>
      %squeeze3A_324 = vector.extract %slice3A_323[0] : f32 from vector<1xf32>
      %mul3A_325 = vector.broadcast %squeeze3A_324 : f32 to vector<16xf32>
      %mul3A_326 = arith.mulf %mul3A_325, %get3A_6 : vector<16xf32>
      %slice3A_327 = vector.extract_strided_slice %select_n3A_173 {offsets = [8], sizes = [1], strides = [1]} : vector<16xf32> to vector<1xf32>
      %squeeze3A_328 = vector.extract %slice3A_327[0] : f32 from vector<1xf32>
      %mul3A_329 = vector.broadcast %squeeze3A_328 : f32 to vector<16xf32>
      %mul3A_330 = arith.mulf %mul3A_329, %get3A_11 : vector<16xf32>
      %add3A_331 = arith.addf %mul3A_326, %mul3A_330 : vector<16xf32>
      %sub3A_332 = arith.subf %add3A_331, %get3A_14 : vector<16xf32>
      %mul3A_333 = arith.constant 16 : i32
      %mul3A_334 = arith.muli %scan3A_63, %mul3A_333 : i32
      %add3A_335 = arith.constant 8 : i32
      %add3A_336 = arith.addi %mul3A_334, %add3A_335 : i32
      %swap3A_337 = arith.index_cast %add3A_336 : i32 to index
      %swap3A_338 = arith.constant 0 : index
      %swap3A_339 = tpu.vector_load %arg8[%swap3A_337, %swap3A_338] {strides = array<i32>} : memref<32x16xf32, #tpu.memory_space<vmem>>, vector<1x16xf32>,
      %swap3A_340 = vector.shape_cast %swap3A_339 : vector<1x16xf32> to vector<16xf32>
      %swap3A_341 = vector.shape_cast %sub3A_332 : vector<16xf32> to vector<1x16xf32>
      tpu.vector_store %arg8[%swap3A_337, %swap3A_338], %swap3A_341 {strides = array<i32>} : memref<32x16xf32, #tpu.memory_space<vmem>>, vector<1x16xf32>,
      %slice3A_342 = vector.extract_strided_slice %select_n3A_172 {offsets = [9], sizes = [1], strides = [1]} : vector<16xf32> to vector<1xf32>
      %squeeze3A_343 = vector.extract %slice3A_342[0] : f32 from vector<1xf32>
      %mul3A_344 = vector.broadcast %squeeze3A_343 : f32 to vector<16xf32>
      %mul3A_345 = arith.mulf %mul3A_344, %get3A_6 : vector<16xf32>
      %slice3A_346 = vector.extract_strided_slice %select_n3A_173 {offsets = [9], sizes = [1], strides = [1]} : vector<16xf32> to vector<1xf32>
      %squeeze3A_347 = vector.extract %slice3A_346[0] : f32 from vector<1xf32>
      %mul3A_348 = vector.broadcast %squeeze3A_347 : f32 to vector<16xf32>
      %mul3A_349 = arith.mulf %mul3A_348, %get3A_11 : vector<16xf32>
      %add3A_350 = arith.addf %mul3A_345, %mul3A_349 : vector<16xf32>
      %sub3A_351 = arith.subf %add3A_350, %get3A_14 : vector<16xf32>
      %mul3A_352 = arith.constant 16 : i32
      %mul3A_353 = arith.muli %scan3A_63, %mul3A_352 : i32
      %add3A_354 = arith.constant 9 : i32
      %add3A_355 = arith.addi %mul3A_353, %add3A_354 : i32
      %swap3A_356 = arith.index_cast %add3A_355 : i32 to index
      %swap3A_357 = arith.constant 0 : index
      %swap3A_358 = tpu.vector_load %arg8[%swap3A_356, %swap3A_357] {strides = array<i32>} : memref<32x16xf32, #tpu.memory_space<vmem>>, vector<1x16xf32>,
      %swap3A_359 = vector.shape_cast %swap3A_358 : vector<1x16xf32> to vector<16xf32>
      %swap3A_360 = vector.shape_cast %sub3A_351 : vector<16xf32> to vector<1x16xf32>
      tpu.vector_store %arg8[%swap3A_356, %swap3A_357], %swap3A_360 {strides = array<i32>} : memref<32x16xf32, #tpu.memory_space<vmem>>, vector<1x16xf32>,
      %slice3A_361 = vector.extract_strided_slice %select_n3A_172 {offsets = [10], sizes = [1], strides = [1]} : vector<16xf32> to vector<1xf32>
      %squeeze3A_362 = vector.extract %slice3A_361[0] : f32 from vector<1xf32>
      %mul3A_363 = vector.broadcast %squeeze3A_362 : f32 to vector<16xf32>
      %mul3A_364 = arith.mulf %mul3A_363, %get3A_6 : vector<16xf32>
      %slice3A_365 = vector.extract_strided_slice %select_n3A_173 {offsets = [10], sizes = [1], strides = [1]} : vector<16xf32> to vector<1xf32>
      %squeeze3A_366 = vector.extract %slice3A_365[0] : f32 from vector<1xf32>
      %mul3A_367 = vector.broadcast %squeeze3A_366 : f32 to vector<16xf32>
      %mul3A_368 = arith.mulf %mul3A_367, %get3A_11 : vector<16xf32>
      %add3A_369 = arith.addf %mul3A_364, %mul3A_368 : vector<16xf32>
      %sub3A_370 = arith.subf %add3A_369, %get3A_14 : vector<16xf32>
      %mul3A_371 = arith.constant 16 : i32
      %mul3A_372 = arith.muli %scan3A_63, %mul3A_371 : i32
      %add3A_373 = arith.constant 10 : i32
      %add3A_374 = arith.addi %mul3A_372, %add3A_373 : i32
      %swap3A_375 = arith.index_cast %add3A_374 : i32 to index
      %swap3A_376 = arith.constant 0 : index
      %swap3A_377 = tpu.vector_load %arg8[%swap3A_375, %swap3A_376] {strides = array<i32>} : memref<32x16xf32, #tpu.memory_space<vmem>>, vector<1x16xf32>,
      %swap3A_378 = vector.shape_cast %swap3A_377 : vector<1x16xf32> to vector<16xf32>
      %swap3A_379 = vector.shape_cast %sub3A_370 : vector<16xf32> to vector<1x16xf32>
      tpu.vector_store %arg8[%swap3A_375, %swap3A_376], %swap3A_379 {strides = array<i32>} : memref<32x16xf32, #tpu.memory_space<vmem>>, vector<1x16xf32>,
      %slice3A_380 = vector.extract_strided_slice %select_n3A_172 {offsets = [11], sizes = [1], strides = [1]} : vector<16xf32> to vector<1xf32>
      %squeeze3A_381 = vector.extract %slice3A_380[0] : f32 from vector<1xf32>
      %mul3A_382 = vector.broadcast %squeeze3A_381 : f32 to vector<16xf32>
      %mul3A_383 = arith.mulf %mul3A_382, %get3A_6 : vector<16xf32>
      %slice3A_384 = vector.extract_strided_slice %select_n3A_173 {offsets = [11], sizes = [1], strides = [1]} : vector<16xf32> to vector<1xf32>
      %squeeze3A_385 = vector.extract %slice3A_384[0] : f32 from vector<1xf32>
      %mul3A_386 = vector.broadcast %squeeze3A_385 : f32 to vector<16xf32>
      %mul3A_387 = arith.mulf %mul3A_386, %get3A_11 : vector<16xf32>
      %add3A_388 = arith.addf %mul3A_383, %mul3A_387 : vector<16xf32>
      %sub3A_389 = arith.subf %add3A_388, %get3A_14 : vector<16xf32>
      %mul3A_390 = arith.constant 16 : i32
      %mul3A_391 = arith.muli %scan3A_63, %mul3A_390 : i32
      %add3A_392 = arith.constant 11 : i32
      %add3A_393 = arith.addi %mul3A_391, %add3A_392 : i32
      %swap3A_394 = arith.index_cast %add3A_393 : i32 to index
      %swap3A_395 = arith.constant 0 : index
      %swap3A_396 = tpu.vector_load %arg8[%swap3A_394, %swap3A_395] {strides = array<i32>} : memref<32x16xf32, #tpu.memory_space<vmem>>, vector<1x16xf32>,
      %swap3A_397 = vector.shape_cast %swap3A_396 : vector<1x16xf32> to vector<16xf32>
      %swap3A_398 = vector.shape_cast %sub3A_389 : vector<16xf32> to vector<1x16xf32>
      tpu.vector_store %arg8[%swap3A_394, %swap3A_395], %swap3A_398 {strides = array<i32>} : memref<32x16xf32, #tpu.memory_space<vmem>>, vector<1x16xf32>,
      %slice3A_399 = vector.extract_strided_slice %select_n3A_172 {offsets = [12], sizes = [1], strides = [1]} : vector<16xf32> to vector<1xf32>
      %squeeze3A_400 = vector.extract %slice3A_399[0] : f32 from vector<1xf32>
      %mul3A_401 = vector.broadcast %squeeze3A_400 : f32 to vector<16xf32>
      %mul3A_402 = arith.mulf %mul3A_401, %get3A_6 : vector<16xf32>
      %slice3A_403 = vector.extract_strided_slice %select_n3A_173 {offsets = [12], sizes = [1], strides = [1]} : vector<16xf32> to vector<1xf32>
      %squeeze3A_404 = vector.extract %slice3A_403[0] : f32 from vector<1xf32>
      %mul3A_405 = vector.broadcast %squeeze3A_404 : f32 to vector<16xf32>
      %mul3A_406 = arith.mulf %mul3A_405, %get3A_11 : vector<16xf32>
      %add3A_407 = arith.addf %mul3A_402, %mul3A_406 : vector<16xf32>
      %sub3A_408 = arith.subf %add3A_407, %get3A_14 : vector<16xf32>
      %mul3A_409 = arith.constant 16 : i32
      %mul3A_410 = arith.muli %scan3A_63, %mul3A_409 : i32
      %add3A_411 = arith.constant 12 : i32
      %add3A_412 = arith.addi %mul3A_410, %add3A_411 : i32
      %swap3A_413 = arith.index_cast %add3A_412 : i32 to index
      %swap3A_414 = arith.constant 0 : index
      %swap3A_415 = tpu.vector_load %arg8[%swap3A_413, %swap3A_414] {strides = array<i32>} : memref<32x16xf32, #tpu.memory_space<vmem>>, vector<1x16xf32>,
      %swap3A_416 = vector.shape_cast %swap3A_415 : vector<1x16xf32> to vector<16xf32>
      %swap3A_417 = vector.shape_cast %sub3A_408 : vector<16xf32> to vector<1x16xf32>
      tpu.vector_store %arg8[%swap3A_413, %swap3A_414], %swap3A_417 {strides = array<i32>} : memref<32x16xf32, #tpu.memory_space<vmem>>, vector<1x16xf32>,
      %slice3A_418 = vector.extract_strided_slice %select_n3A_172 {offsets = [13], sizes = [1], strides = [1]} : vector<16xf32> to vector<1xf32>
      %squeeze3A_419 = vector.extract %slice3A_418[0] : f32 from vector<1xf32>
      %mul3A_420 = vector.broadcast %squeeze3A_419 : f32 to vector<16xf32>
      %mul3A_421 = arith.mulf %mul3A_420, %get3A_6 : vector<16xf32>
      %slice3A_422 = vector.extract_strided_slice %select_n3A_173 {offsets = [13], sizes = [1], strides = [1]} : vector<16xf32> to vector<1xf32>
      %squeeze3A_423 = vector.extract %slice3A_422[0] : f32 from vector<1xf32>
      %mul3A_424 = vector.broadcast %squeeze3A_423 : f32 to vector<16xf32>
      %mul3A_425 = arith.mulf %mul3A_424, %get3A_11 : vector<16xf32>
      %add3A_426 = arith.addf %mul3A_421, %mul3A_425 : vector<16xf32>
      %sub3A_427 = arith.subf %add3A_426, %get3A_14 : vector<16xf32>
      %mul3A_428 = arith.constant 16 : i32
      %mul3A_429 = arith.muli %scan3A_63, %mul3A_428 : i32
      %add3A_430 = arith.constant 13 : i32
      %add3A_431 = arith.addi %mul3A_429, %add3A_430 : i32
      %swap3A_432 = arith.index_cast %add3A_431 : i32 to index
      %swap3A_433 = arith.constant 0 : index
      %swap3A_434 = tpu.vector_load %arg8[%swap3A_432, %swap3A_433] {strides = array<i32>} : memref<32x16xf32, #tpu.memory_space<vmem>>, vector<1x16xf32>,
      %swap3A_435 = vector.shape_cast %swap3A_434 : vector<1x16xf32> to vector<16xf32>
      %swap3A_436 = vector.shape_cast %sub3A_427 : vector<16xf32> to vector<1x16xf32>
      tpu.vector_store %arg8[%swap3A_432, %swap3A_433], %swap3A_436 {strides = array<i32>} : memref<32x16xf32, #tpu.memory_space<vmem>>, vector<1x16xf32>,
      %slice3A_437 = vector.extract_strided_slice %select_n3A_172 {offsets = [14], sizes = [1], strides = [1]} : vector<16xf32> to vector<1xf32>
      %squeeze3A_438 = vector.extract %slice3A_437[0] : f32 from vector<1xf32>
      %mul3A_439 = vector.broadcast %squeeze3A_438 : f32 to vector<16xf32>
      %mul3A_440 = arith.mulf %mul3A_439, %get3A_6 : vector<16xf32>
      %slice3A_441 = vector.extract_strided_slice %select_n3A_173 {offsets = [14], sizes = [1], strides = [1]} : vector<16xf32> to vector<1xf32>
      %squeeze3A_442 = vector.extract %slice3A_441[0] : f32 from vector<1xf32>
      %mul3A_443 = vector.broadcast %squeeze3A_442 : f32 to vector<16xf32>
      %mul3A_444 = arith.mulf %mul3A_443, %get3A_11 : vector<16xf32>
      %add3A_445 = arith.addf %mul3A_440, %mul3A_444 : vector<16xf32>
      %sub3A_446 = arith.subf %add3A_445, %get3A_14 : vector<16xf32>
      %mul3A_447 = arith.constant 16 : i32
      %mul3A_448 = arith.muli %scan3A_63, %mul3A_447 : i32
      %add3A_449 = arith.constant 14 : i32
      %add3A_450 = arith.addi %mul3A_448, %add3A_449 : i32
      %swap3A_451 = arith.index_cast %add3A_450 : i32 to index
      %swap3A_452 = arith.constant 0 : index
      %swap3A_453 = tpu.vector_load %arg8[%swap3A_451, %swap3A_452] {strides = array<i32>} : memref<32x16xf32, #tpu.memory_space<vmem>>, vector<1x16xf32>,
      %swap3A_454 = vector.shape_cast %swap3A_453 : vector<1x16xf32> to vector<16xf32>
      %swap3A_455 = vector.shape_cast %sub3A_446 : vector<16xf32> to vector<1x16xf32>
      tpu.vector_store %arg8[%swap3A_451, %swap3A_452], %swap3A_455 {strides = array<i32>} : memref<32x16xf32, #tpu.memory_space<vmem>>, vector<1x16xf32>,
      %slice3A_456 = vector.extract_strided_slice %select_n3A_172 {offsets = [15], sizes = [1], strides = [1]} : vector<16xf32> to vector<1xf32>
      %squeeze3A_457 = vector.extract %slice3A_456[0] : f32 from vector<1xf32>
      %mul3A_458 = vector.broadcast %squeeze3A_457 : f32 to vector<16xf32>
      %mul3A_459 = arith.mulf %mul3A_458, %get3A_6 : vector<16xf32>
      %slice3A_460 = vector.extract_strided_slice %select_n3A_173 {offsets = [15], sizes = [1], strides = [1]} : vector<16xf32> to vector<1xf32>
      %squeeze3A_461 = vector.extract %slice3A_460[0] : f32 from vector<1xf32>
      %mul3A_462 = vector.broadcast %squeeze3A_461 : f32 to vector<16xf32>
      %mul3A_463 = arith.mulf %mul3A_462, %get3A_11 : vector<16xf32>
      %add3A_464 = arith.addf %mul3A_459, %mul3A_463 : vector<16xf32>
      %sub3A_465 = arith.subf %add3A_464, %get3A_14 : vector<16xf32>
      %mul3A_466 = arith.constant 16 : i32
      %mul3A_467 = arith.muli %scan3A_63, %mul3A_466 : i32
      %add3A_468 = arith.constant 15 : i32
      %add3A_469 = arith.addi %mul3A_467, %add3A_468 : i32
      %swap3A_470 = arith.index_cast %add3A_469 : i32 to index
      %swap3A_471 = arith.constant 0 : index
      %swap3A_472 = tpu.vector_load %arg8[%swap3A_470, %swap3A_471] {strides = array<i32>} : memref<32x16xf32, #tpu.memory_space<vmem>>, vector<1x16xf32>,
      %swap3A_473 = vector.shape_cast %swap3A_472 : vector<1x16xf32> to vector<16xf32>
      %swap3A_474 = vector.shape_cast %sub3A_465 : vector<16xf32> to vector<1x16xf32>
      tpu.vector_store %arg8[%swap3A_470, %swap3A_471], %swap3A_474 {strides = array<i32>} : memref<32x16xf32, #tpu.memory_space<vmem>>, vector<1x16xf32>,
    }
    %scan3A_44 = arith.constant 2 : i32
    %dma_start3A = arith.constant 0 : i32
    %dma_start3A_45 = arith.constant 0 : i32
    %dma_start3A_46 = tpu.memref_slice %arg9[%dma_start3A, %dma_start3A_45] : memref<2x4096xf32, #tpu.memory_space<vmem>> -> memref<1x4096xf32, #tpu.memory_space<vmem>>
    %dma_start3A_47 = tpu.memref_squeeze %dma_start3A_46 : memref<1x4096xf32, #tpu.memory_space<vmem>> -> memref<4096xf32, #tpu.memory_space<vmem>>
    %dma_start3A_48 = arith.constant 0 : i32
    %dma_start3A_49 = tpu.memref_slice %arg2[%mul3A_2, %dma_start3A_48] : memref<4096x4096xf32, #tpu.memory_space<hbm>> -> memref<1x4096xf32, #tpu.memory_space<hbm>>
    %dma_start3A_50 = tpu.memref_squeeze %dma_start3A_49 : memref<1x4096xf32, #tpu.memory_space<hbm>> -> memref<4096xf32, #tpu.memory_space<hbm>>
    %dma_start3A_51 = arith.constant 0 : i32
    %dma_start3A_52 = tpu.memref_slice %arg9[%dma_start3A, %dma_start3A_51] : memref<2x4096xf32, #tpu.memory_space<vmem>> -> memref<1x4096xf32, #tpu.memory_space<vmem>>
    %dma_start3A_53 = tpu.memref_squeeze %dma_start3A_52 : memref<1x4096xf32, #tpu.memory_space<vmem>> -> memref<4096xf32, #tpu.memory_space<vmem>>
    %dma_start3A_54 = arith.constant 0 : i32
    %dma_start3A_55 = tpu.memref_slice %arg2[%mul3A_2, %dma_start3A_54] : memref<4096x4096xf32, #tpu.memory_space<hbm>> -> memref<1x4096xf32, #tpu.memory_space<hbm>>
    %dma_start3A_56 = tpu.memref_squeeze %dma_start3A_55 : memref<1x4096xf32, #tpu.memory_space<hbm>> -> memref<4096xf32, #tpu.memory_space<hbm>>
    tpu.enqueue_dma source(%dma_start3A_56 : memref<4096xf32, #tpu.memory_space<hbm>>) target(%dma_start3A_53 : memref<4096xf32, #tpu.memory_space<vmem>>) target_semaphore(%arg14 : memref<!tpu.dma_semaphore, #tpu.memory_space<semaphore_mem>>)
    %scan3A_57 = arith.constant 0 : i32
    %scan3A_58 = arith.constant 0 : i32
    %scan3A_59 = arith.constant 12 : i32
    %scan3A_60 = arith.addi %scan3A_58, %scan3A_59 : i32
    %scan3A_61 = arith.constant 1 : i32
    scf.for %scan3A_63 = %scan3A_58 to %scan3A_60 step %scan3A_61  : i32 {
      %mul3A_64 = arith.constant 2 : i32
      %mul3A_65 = arith.muli %mul3A_64, %scan3A_63 : i32
      %add3A_66 = arith.addi %mul3A_2, %mul3A_65 : i32
      %add3A_67 = arith.constant 1 : i32
      %add3A_68 = arith.addi %add3A_66, %add3A_67 : i32
      %dma_start3A_69 = arith.constant 1 : i32
      %dma_start3A_70 = arith.constant 0 : i32
      %dma_start3A_71 = tpu.memref_slice %arg9[%dma_start3A_69, %dma_start3A_70] : memref<2x4096xf32, #tpu.memory_space<vmem>> -> memref<1x4096xf32, #tpu.memory_space<vmem>>
      %dma_start3A_72 = tpu.memref_squeeze %dma_start3A_71 : memref<1x4096xf32, #tpu.memory_space<vmem>> -> memref<4096xf32, #tpu.memory_space<vmem>>
      %dma_start3A_73 = arith.constant 0 : i32
      %dma_start3A_74 = tpu.memref_slice %arg2[%add3A_68, %dma_start3A_73] : memref<4096x4096xf32, #tpu.memory_space<hbm>> -> memref<1x4096xf32, #tpu.memory_space<hbm>>
      %dma_start3A_75 = tpu.memref_squeeze %dma_start3A_74 : memref<1x4096xf32, #tpu.memory_space<hbm>> -> memref<4096xf32, #tpu.memory_space<hbm>>
      %dma_start3A_76 = arith.constant 0 : i32
      %dma_start3A_77 = tpu.memref_slice %arg9[%dma_start3A_69, %dma_start3A_76] : memref<2x4096xf32, #tpu.memory_space<vmem>> -> memref<1x4096xf32, #tpu.memory_space<vmem>>
      %dma_start3A_78 = tpu.memref_squeeze %dma_start3A_77 : memref<1x4096xf32, #tpu.memory_space<vmem>> -> memref<4096xf32, #tpu.memory_space<vmem>>
      %dma_start3A_79 = arith.constant 0 : i32
      %dma_start3A_80 = tpu.memref_slice %arg2[%add3A_68, %dma_start3A_79] : memref<4096x4096xf32, #tpu.memory_space<hbm>> -> memref<1x4096xf32, #tpu.memory_space<hbm>>
      %dma_start3A_81 = tpu.memref_squeeze %dma_start3A_80 : memref<1x4096xf32, #tpu.memory_space<hbm>> -> memref<4096xf32, #tpu.memory_space<hbm>>
      tpu.enqueue_dma source(%dma_start3A_81 : memref<4096xf32, #tpu.memory_space<hbm>>) target(%dma_start3A_78 : memref<4096xf32, #tpu.memory_space<vmem>>) target_semaphore(%arg15 : memref<!tpu.dma_semaphore, #tpu.memory_space<semaphore_mem>>)
      %add3A_82 = arith.addi %mul3A_2, %mul3A_65 : i32
      %dma_wait3A = arith.constant 0 : i32
      %dma_wait3A_83 = arith.constant 0 : i32
      %dma_wait3A_84 = tpu.memref_slice %arg9[%dma_wait3A, %dma_wait3A_83] : memref<2x4096xf32, #tpu.memory_space<vmem>> -> memref<1x4096xf32, #tpu.memory_space<vmem>>
      %dma_wait3A_85 = tpu.memref_squeeze %dma_wait3A_84 : memref<1x4096xf32, #tpu.memory_space<vmem>> -> memref<4096xf32, #tpu.memory_space<vmem>>
      %dma_wait3A_86 = arith.constant 0 : i32
      %dma_wait3A_87 = tpu.memref_slice %arg2[%add3A_82, %dma_wait3A_86] : memref<4096x4096xf32, #tpu.memory_space<hbm>> -> memref<1x4096xf32, #tpu.memory_space<hbm>>
      %dma_wait3A_88 = tpu.memref_squeeze %dma_wait3A_87 : memref<1x4096xf32, #tpu.memory_space<hbm>> -> memref<4096xf32, #tpu.memory_space<hbm>>
      %dma_wait3A_89 = arith.constant 0 : i32
      %dma_wait3A_90 = tpu.memref_slice %arg9[%dma_wait3A, %dma_wait3A_89] : memref<2x4096xf32, #tpu.memory_space<vmem>> -> memref<1x4096xf32, #tpu.memory_space<vmem>>
      %dma_wait3A_91 = tpu.memref_squeeze %dma_wait3A_90 : memref<1x4096xf32, #tpu.memory_space<vmem>> -> memref<4096xf32, #tpu.memory_space<vmem>>
      %dma_wait3A_92 = arith.constant 0 : i32
      %dma_wait3A_93 = tpu.memref_slice %arg2[%add3A_82, %dma_wait3A_92] : memref<4096x4096xf32, #tpu.memory_space<hbm>> -> memref<1x4096xf32, #tpu.memory_space<hbm>>
      %dma_wait3A_94 = tpu.memref_squeeze %dma_wait3A_93 : memref<1x4096xf32, #tpu.memory_space<hbm>> -> memref<4096xf32, #tpu.memory_space<hbm>>
      tpu.wait_dma2 semaphore(%arg14 : memref<!tpu.dma_semaphore, #tpu.memory_space<semaphore_mem>>) src(%dma_wait3A_94 : memref<4096xf32, #tpu.memory_space<hbm>>) dst(%dma_wait3A_91 : memref<4096xf32, #tpu.memory_space<vmem>>)
      %get3A_95 = arith.index_cast %mul3A_65 : i32 to index
      %get3A_96 = arith.constant 0 : index
      %get3A_97 = tpu.vector_load %arg8[%get3A_95, %get3A_96] {strides = array<i32>} : memref<32x16xf32, #tpu.memory_space<vmem>>, vector<1x16xf32>,
      %get3A_98 = vector.shape_cast %get3A_97 : vector<1x16xf32> to vector<16xf32>
      %slice3A = vector.extract_strided_slice %get3A_98 {offsets = [0], sizes = [1], strides = [1]} : vector<16xf32> to vector<1xf32>
      %squeeze3A = vector.extract %slice3A[0] : f32 from vector<1xf32>
      %slice3A_99 = vector.extract_strided_slice %get3A_98 {offsets = [1], sizes = [1], strides = [1]} : vector<16xf32> to vector<1xf32>
      %squeeze3A_100 = vector.extract %slice3A_99[0] : f32 from vector<1xf32>
      %slice3A_101 = vector.extract_strided_slice %get3A_98 {offsets = [2], sizes = [1], strides = [1]} : vector<16xf32> to vector<1xf32>
      %squeeze3A_102 = vector.extract %slice3A_101[0] : f32 from vector<1xf32>
      %slice3A_103 = vector.extract_strided_slice %get3A_98 {offsets = [3], sizes = [1], strides = [1]} : vector<16xf32> to vector<1xf32>
      %squeeze3A_104 = vector.extract %slice3A_103[0] : f32 from vector<1xf32>
      %slice3A_105 = vector.extract_strided_slice %get3A_98 {offsets = [4], sizes = [1], strides = [1]} : vector<16xf32> to vector<1xf32>
      %squeeze3A_106 = vector.extract %slice3A_105[0] : f32 from vector<1xf32>
      %slice3A_107 = vector.extract_strided_slice %get3A_98 {offsets = [5], sizes = [1], strides = [1]} : vector<16xf32> to vector<1xf32>
      %squeeze3A_108 = vector.extract %slice3A_107[0] : f32 from vector<1xf32>
      %slice3A_109 = vector.extract_strided_slice %get3A_98 {offsets = [6], sizes = [1], strides = [1]} : vector<16xf32> to vector<1xf32>
      %squeeze3A_110 = vector.extract %slice3A_109[0] : f32 from vector<1xf32>
      %slice3A_111 = vector.extract_strided_slice %get3A_98 {offsets = [7], sizes = [1], strides = [1]} : vector<16xf32> to vector<1xf32>
      %squeeze3A_112 = vector.extract %slice3A_111[0] : f32 from vector<1xf32>
      %slice3A_113 = vector.extract_strided_slice %get3A_98 {offsets = [8], sizes = [1], strides = [1]} : vector<16xf32> to vector<1xf32>
      %squeeze3A_114 = vector.extract %slice3A_113[0] : f32 from vector<1xf32>
      %slice3A_115 = vector.extract_strided_slice %get3A_98 {offsets = [9], sizes = [1], strides = [1]} : vector<16xf32> to vector<1xf32>
      %squeeze3A_116 = vector.extract %slice3A_115[0] : f32 from vector<1xf32>
      %slice3A_117 = vector.extract_strided_slice %get3A_98 {offsets = [10], sizes = [1], strides = [1]} : vector<16xf32> to vector<1xf32>
      %squeeze3A_118 = vector.extract %slice3A_117[0] : f32 from vector<1xf32>
      %slice3A_119 = vector.extract_strided_slice %get3A_98 {offsets = [11], sizes = [1], strides = [1]} : vector<16xf32> to vector<1xf32>
      %squeeze3A_120 = vector.extract %slice3A_119[0] : f32 from vector<1xf32>
      %slice3A_121 = vector.extract_strided_slice %get3A_98 {offsets = [12], sizes = [1], strides = [1]} : vector<16xf32> to vector<1xf32>
      %squeeze3A_122 = vector.extract %slice3A_121[0] : f32 from vector<1xf32>
      %slice3A_123 = vector.extract_strided_slice %get3A_98 {offsets = [13], sizes = [1], strides = [1]} : vector<16xf32> to vector<1xf32>
      %squeeze3A_124 = vector.extract %slice3A_123[0] : f32 from vector<1xf32>
      %slice3A_125 = vector.extract_strided_slice %get3A_98 {offsets = [14], sizes = [1], strides = [1]} : vector<16xf32> to vector<1xf32>
      %squeeze3A_126 = vector.extract %slice3A_125[0] : f32 from vector<1xf32>
      %slice3A_127 = vector.extract_strided_slice %get3A_98 {offsets = [15], sizes = [1], strides = [1]} : vector<16xf32> to vector<1xf32>
      %squeeze3A_128 = vector.extract %slice3A_127[0] : f32 from vector<1xf32>
      %broadcast_in_dim3A = arith.constant 0.000000e+00 : f32
      %broadcast_in_dim3A_129 = vector.broadcast %broadcast_in_dim3A : f32 to vector<16xf32>
      %broadcast_in_dim3A_130 = arith.constant 0.000000e+00 : f32
      %broadcast_in_dim3A_131 = vector.broadcast %broadcast_in_dim3A_130 : f32 to vector<16xf32>
      %broadcast_in_dim3A_132 = arith.constant 0.000000e+00 : f32
      %broadcast_in_dim3A_133 = vector.broadcast %broadcast_in_dim3A_132 : f32 to vector<16xf32>
      %broadcast_in_dim3A_134 = arith.constant 0.000000e+00 : f32
      %broadcast_in_dim3A_135 = vector.broadcast %broadcast_in_dim3A_134 : f32 to vector<16xf32>
      %broadcast_in_dim3A_136 = arith.constant 0.000000e+00 : f32
      %broadcast_in_dim3A_137 = vector.broadcast %broadcast_in_dim3A_136 : f32 to vector<16xf32>
      %broadcast_in_dim3A_138 = arith.constant 0.000000e+00 : f32
      %broadcast_in_dim3A_139 = vector.broadcast %broadcast_in_dim3A_138 : f32 to vector<16xf32>
      %broadcast_in_dim3A_140 = arith.constant 0.000000e+00 : f32
      %broadcast_in_dim3A_141 = vector.broadcast %broadcast_in_dim3A_140 : f32 to vector<16xf32>
      %broadcast_in_dim3A_142 = arith.constant 0.000000e+00 : f32
      %broadcast_in_dim3A_143 = vector.broadcast %broadcast_in_dim3A_142 : f32 to vector<16xf32>
      %broadcast_in_dim3A_144 = arith.constant 0.000000e+00 : f32
      %broadcast_in_dim3A_145 = vector.broadcast %broadcast_in_dim3A_144 : f32 to vector<16xf32>
      %broadcast_in_dim3A_146 = arith.constant 0.000000e+00 : f32
      %broadcast_in_dim3A_147 = vector.broadcast %broadcast_in_dim3A_146 : f32 to vector<16xf32>
      %broadcast_in_dim3A_148 = arith.constant 0.000000e+00 : f32
      %broadcast_in_dim3A_149 = vector.broadcast %broadcast_in_dim3A_148 : f32 to vector<16xf32>
      %broadcast_in_dim3A_150 = arith.constant 0.000000e+00 : f32
      %broadcast_in_dim3A_151 = vector.broadcast %broadcast_in_dim3A_150 : f32 to vector<16xf32>
      %broadcast_in_dim3A_152 = arith.constant 0.000000e+00 : f32
      %broadcast_in_dim3A_153 = vector.broadcast %broadcast_in_dim3A_152 : f32 to vector<16xf32>
      %broadcast_in_dim3A_154 = arith.constant 0.000000e+00 : f32
      %broadcast_in_dim3A_155 = vector.broadcast %broadcast_in_dim3A_154 : f32 to vector<16xf32>
      %broadcast_in_dim3A_156 = arith.constant 0.000000e+00 : f32
      %broadcast_in_dim3A_157 = vector.broadcast %broadcast_in_dim3A_156 : f32 to vector<16xf32>
      %broadcast_in_dim3A_158 = arith.constant 0.000000e+00 : f32
      %broadcast_in_dim3A_159 = vector.broadcast %broadcast_in_dim3A_158 : f32 to vector<16xf32>
      %broadcast_in_dim3A_160 = arith.constant 0.000000e+00 : f32
      %broadcast_in_dim3A_161 = vector.broadcast %broadcast_in_dim3A_160 : f32 to vector<16xf32>
      %scan3A_162 = arith.constant 0 : i32
      %scan3A_163 = arith.constant 128 : i32
      %scan3A_164 = arith.addi %scan3A_162, %scan3A_163 : i32
      %scan3A_165 = arith.constant 1 : i32
      %scan3A_166:17 = scf.for %scan3A_2332 = %scan3A_162 to %scan3A_164 step %scan3A_165 iter_args(%scan3A_2333 = %broadcast_in_dim3A_129, %scan3A_2334 = %broadcast_in_dim3A_131, %scan3A_2335 = %broadcast_in_dim3A_133, %scan3A_2336 = %broadcast_in_dim3A_135, %scan3A_2337 = %broadcast_in_dim3A_137, %scan3A_2338 = %broadcast_in_dim3A_139, %scan3A_2339 = %broadcast_in_dim3A_141, %scan3A_2340 = %broadcast_in_dim3A_143, %scan3A_2341 = %broadcast_in_dim3A_145, %scan3A_2342 = %broadcast_in_dim3A_147, %scan3A_2343 = %broadcast_in_dim3A_149, %scan3A_2344 = %broadcast_in_dim3A_151, %scan3A_2345 = %broadcast_in_dim3A_153, %scan3A_2346 = %broadcast_in_dim3A_155, %scan3A_2347 = %broadcast_in_dim3A_157, %scan3A_2348 = %broadcast_in_dim3A_159, %scan3A_2349 = %broadcast_in_dim3A_161) -> (vector<16xf32>, vector<16xf32>, vector<16xf32>, vector<16xf32>, vector<16xf32>, vector<16xf32>, vector<16xf32>, vector<16xf32>, vector<16xf32>, vector<16xf32>, vector<16xf32>, vector<16xf32>, vector<16xf32>, vector<16xf32>, vector<16xf32>, vector<16xf32>, vector<16xf32>)  : i32 {
        %mul3A_2350 = arith.constant 2 : i32
        %mul3A_2351 = arith.muli %mul3A_2350, %scan3A_2332 : i32
        %mul3A_2352 = arith.constant 16 : i32
        %mul3A_2353 = arith.muli %mul3A_2351, %mul3A_2352 : i32
        %get3A_2354 = arith.constant 0 : i32
        %get3A_2355 = arith.index_cast %get3A_2354 : i32 to index
        %get3A_2356 = arith.index_cast %mul3A_2353 : i32 to index
        %get3A_2357 = tpu.vector_load %arg9[%get3A_2355, %get3A_2356] {strides = array<i32>} : memref<2x4096xf32, #tpu.memory_space<vmem>>, vector<1x16xf32>,
        %get3A_2358 = vector.shape_cast %get3A_2357 : vector<1x16xf32> to vector<16xf32>
        %gt3A_2359 = arith.constant 0.000000e+00 : f32
        %gt3A_2360 = vector.broadcast %gt3A_2359 : f32 to vector<16xf32>
        %gt3A_2361 = arith.cmpf ogt, %get3A_2358, %gt3A_2360 : vector<16xf32>
        %jit3A_2362 = arith.constant 0.000000e+00 : f32
        %jit3A_2363 = arith.constant -1.000000e+30 : f32
        %broadcast_in_dim3A_2364 = vector.broadcast %jit3A_2362 : f32 to vector<16xf32>
        %broadcast_in_dim3A_2365 = vector.broadcast %jit3A_2363 : f32 to vector<16xf32>
        %select_n3A_2366 = arith.select %gt3A_2361, %broadcast_in_dim3A_2364, %broadcast_in_dim3A_2365 : vector<16xi1>, vector<16xf32>
        %jit3A_2367 = arith.constant 1.000000e+00 : f32
        %jit3A_2368 = arith.constant 0.000000e+00 : f32
        %broadcast_in_dim3A_2369 = vector.broadcast %jit3A_2367 : f32 to vector<16xf32>
        %broadcast_in_dim3A_2370 = vector.broadcast %jit3A_2368 : f32 to vector<16xf32>
        %select_n3A_2371 = arith.select %gt3A_2361, %broadcast_in_dim3A_2369, %broadcast_in_dim3A_2370 : vector<16xi1>, vector<16xf32>
        %add3A_2372 = arith.addf %scan3A_2349, %select_n3A_2371 : vector<16xf32>
        %mul3A_2373 = arith.constant 16 : i32
        %mul3A_2374 = arith.muli %mul3A_2351, %mul3A_2373 : i32
        %get3A_2375 = arith.constant 0 : i32
        %get3A_2376 = arith.index_cast %get3A_2375 : i32 to index
        %get3A_2377 = arith.index_cast %mul3A_2374 : i32 to index
        %get3A_2378 = tpu.vector_load %arg7[%get3A_2376, %get3A_2377] {strides = array<i32>} : memref<16x4096xf32, #tpu.memory_space<vmem>>, vector<1x16xf32>,
        %get3A_2379 = vector.shape_cast %get3A_2378 : vector<1x16xf32> to vector<16xf32>
        %add3A_2380 = arith.addf %get3A_2379, %select_n3A_2366 : vector<16xf32>
        %sub3A_2381 = vector.broadcast %squeeze3A : f32 to vector<16xf32>
        %sub3A_2382 = arith.subf %add3A_2380, %sub3A_2381 : vector<16xf32>
        %max3A_2383 = arith.constant 0.000000e+00 : f32
        %max3A_2384 = vector.broadcast %max3A_2383 : f32 to vector<16xf32>
        %max3A_2385 = arith.maximumf %sub3A_2382, %max3A_2384 : vector<16xf32>
        %add3A_2386 = arith.addf %scan3A_2333, %max3A_2385 : vector<16xf32>
        %mul3A_2387 = arith.constant 16 : i32
        %mul3A_2388 = arith.muli %mul3A_2351, %mul3A_2387 : i32
        %get3A_2389 = arith.constant 1 : i32
        %get3A_2390 = arith.index_cast %get3A_2389 : i32 to index
        %get3A_2391 = arith.index_cast %mul3A_2388 : i32 to index
        %get3A_2392 = tpu.vector_load %arg7[%get3A_2390, %get3A_2391] {strides = array<i32>} : memref<16x4096xf32, #tpu.memory_space<vmem>>, vector<1x16xf32>,
        %get3A_2393 = vector.shape_cast %get3A_2392 : vector<1x16xf32> to vector<16xf32>
        %add3A_2394 = arith.addf %get3A_2393, %select_n3A_2366 : vector<16xf32>
        %sub3A_2395 = vector.broadcast %squeeze3A_100 : f32 to vector<16xf32>
        %sub3A_2396 = arith.subf %add3A_2394, %sub3A_2395 : vector<16xf32>
        %max3A_2397 = arith.constant 0.000000e+00 : f32
        %max3A_2398 = vector.broadcast %max3A_2397 : f32 to vector<16xf32>
        %max3A_2399 = arith.maximumf %sub3A_2396, %max3A_2398 : vector<16xf32>
        %add3A_2400 = arith.addf %scan3A_2334, %max3A_2399 : vector<16xf32>
        %mul3A_2401 = arith.constant 16 : i32
        %mul3A_2402 = arith.muli %mul3A_2351, %mul3A_2401 : i32
        %get3A_2403 = arith.constant 2 : i32
        %get3A_2404 = arith.index_cast %get3A_2403 : i32 to index
        %get3A_2405 = arith.index_cast %mul3A_2402 : i32 to index
        %get3A_2406 = tpu.vector_load %arg7[%get3A_2404, %get3A_2405] {strides = array<i32>} : memref<16x4096xf32, #tpu.memory_space<vmem>>, vector<1x16xf32>,
        %get3A_2407 = vector.shape_cast %get3A_2406 : vector<1x16xf32> to vector<16xf32>
        %add3A_2408 = arith.addf %get3A_2407, %select_n3A_2366 : vector<16xf32>
        %sub3A_2409 = vector.broadcast %squeeze3A_102 : f32 to vector<16xf32>
        %sub3A_2410 = arith.subf %add3A_2408, %sub3A_2409 : vector<16xf32>
        %max3A_2411 = arith.constant 0.000000e+00 : f32
        %max3A_2412 = vector.broadcast %max3A_2411 : f32 to vector<16xf32>
        %max3A_2413 = arith.maximumf %sub3A_2410, %max3A_2412 : vector<16xf32>
        %add3A_2414 = arith.addf %scan3A_2335, %max3A_2413 : vector<16xf32>
        %mul3A_2415 = arith.constant 16 : i32
        %mul3A_2416 = arith.muli %mul3A_2351, %mul3A_2415 : i32
        %get3A_2417 = arith.constant 3 : i32
        %get3A_2418 = arith.index_cast %get3A_2417 : i32 to index
        %get3A_2419 = arith.index_cast %mul3A_2416 : i32 to index
        %get3A_2420 = tpu.vector_load %arg7[%get3A_2418, %get3A_2419] {strides = array<i32>} : memref<16x4096xf32, #tpu.memory_space<vmem>>, vector<1x16xf32>,
        %get3A_2421 = vector.shape_cast %get3A_2420 : vector<1x16xf32> to vector<16xf32>
        %add3A_2422 = arith.addf %get3A_2421, %select_n3A_2366 : vector<16xf32>
        %sub3A_2423 = vector.broadcast %squeeze3A_104 : f32 to vector<16xf32>
        %sub3A_2424 = arith.subf %add3A_2422, %sub3A_2423 : vector<16xf32>
        %max3A_2425 = arith.constant 0.000000e+00 : f32
        %max3A_2426 = vector.broadcast %max3A_2425 : f32 to vector<16xf32>
        %max3A_2427 = arith.maximumf %sub3A_2424, %max3A_2426 : vector<16xf32>
        %add3A_2428 = arith.addf %scan3A_2336, %max3A_2427 : vector<16xf32>
        %mul3A_2429 = arith.constant 16 : i32
        %mul3A_2430 = arith.muli %mul3A_2351, %mul3A_2429 : i32
        %get3A_2431 = arith.constant 4 : i32
        %get3A_2432 = arith.index_cast %get3A_2431 : i32 to index
        %get3A_2433 = arith.index_cast %mul3A_2430 : i32 to index
        %get3A_2434 = tpu.vector_load %arg7[%get3A_2432, %get3A_2433] {strides = array<i32>} : memref<16x4096xf32, #tpu.memory_space<vmem>>, vector<1x16xf32>,
        %get3A_2435 = vector.shape_cast %get3A_2434 : vector<1x16xf32> to vector<16xf32>
        %add3A_2436 = arith.addf %get3A_2435, %select_n3A_2366 : vector<16xf32>
        %sub3A_2437 = vector.broadcast %squeeze3A_106 : f32 to vector<16xf32>
        %sub3A_2438 = arith.subf %add3A_2436, %sub3A_2437 : vector<16xf32>
        %max3A_2439 = arith.constant 0.000000e+00 : f32
        %max3A_2440 = vector.broadcast %max3A_2439 : f32 to vector<16xf32>
        %max3A_2441 = arith.maximumf %sub3A_2438, %max3A_2440 : vector<16xf32>
        %add3A_2442 = arith.addf %scan3A_2337, %max3A_2441 : vector<16xf32>
        %mul3A_2443 = arith.constant 16 : i32
        %mul3A_2444 = arith.muli %mul3A_2351, %mul3A_2443 : i32
        %get3A_2445 = arith.constant 5 : i32
        %get3A_2446 = arith.index_cast %get3A_2445 : i32 to index
        %get3A_2447 = arith.index_cast %mul3A_2444 : i32 to index
        %get3A_2448 = tpu.vector_load %arg7[%get3A_2446, %get3A_2447] {strides = array<i32>} : memref<16x4096xf32, #tpu.memory_space<vmem>>, vector<1x16xf32>,
        %get3A_2449 = vector.shape_cast %get3A_2448 : vector<1x16xf32> to vector<16xf32>
        %add3A_2450 = arith.addf %get3A_2449, %select_n3A_2366 : vector<16xf32>
        %sub3A_2451 = vector.broadcast %squeeze3A_108 : f32 to vector<16xf32>
        %sub3A_2452 = arith.subf %add3A_2450, %sub3A_2451 : vector<16xf32>
        %max3A_2453 = arith.constant 0.000000e+00 : f32
        %max3A_2454 = vector.broadcast %max3A_2453 : f32 to vector<16xf32>
        %max3A_2455 = arith.maximumf %sub3A_2452, %max3A_2454 : vector<16xf32>
        %add3A_2456 = arith.addf %scan3A_2338, %max3A_2455 : vector<16xf32>
        %mul3A_2457 = arith.constant 16 : i32
        %mul3A_2458 = arith.muli %mul3A_2351, %mul3A_2457 : i32
        %get3A_2459 = arith.constant 6 : i32
        %get3A_2460 = arith.index_cast %get3A_2459 : i32 to index
        %get3A_2461 = arith.index_cast %mul3A_2458 : i32 to index
        %get3A_2462 = tpu.vector_load %arg7[%get3A_2460, %get3A_2461] {strides = array<i32>} : memref<16x4096xf32, #tpu.memory_space<vmem>>, vector<1x16xf32>,
        %get3A_2463 = vector.shape_cast %get3A_2462 : vector<1x16xf32> to vector<16xf32>
        %add3A_2464 = arith.addf %get3A_2463, %select_n3A_2366 : vector<16xf32>
        %sub3A_2465 = vector.broadcast %squeeze3A_110 : f32 to vector<16xf32>
        %sub3A_2466 = arith.subf %add3A_2464, %sub3A_2465 : vector<16xf32>
        %max3A_2467 = arith.constant 0.000000e+00 : f32
        %max3A_2468 = vector.broadcast %max3A_2467 : f32 to vector<16xf32>
        %max3A_2469 = arith.maximumf %sub3A_2466, %max3A_2468 : vector<16xf32>
        %add3A_2470 = arith.addf %scan3A_2339, %max3A_2469 : vector<16xf32>
        %mul3A_2471 = arith.constant 16 : i32
        %mul3A_2472 = arith.muli %mul3A_2351, %mul3A_2471 : i32
        %get3A_2473 = arith.constant 7 : i32
        %get3A_2474 = arith.index_cast %get3A_2473 : i32 to index
        %get3A_2475 = arith.index_cast %mul3A_2472 : i32 to index
        %get3A_2476 = tpu.vector_load %arg7[%get3A_2474, %get3A_2475] {strides = array<i32>} : memref<16x4096xf32, #tpu.memory_space<vmem>>, vector<1x16xf32>,
        %get3A_2477 = vector.shape_cast %get3A_2476 : vector<1x16xf32> to vector<16xf32>
        %add3A_2478 = arith.addf %get3A_2477, %select_n3A_2366 : vector<16xf32>
        %sub3A_2479 = vector.broadcast %squeeze3A_112 : f32 to vector<16xf32>
        %sub3A_2480 = arith.subf %add3A_2478, %sub3A_2479 : vector<16xf32>
        %max3A_2481 = arith.constant 0.000000e+00 : f32
        %max3A_2482 = vector.broadcast %max3A_2481 : f32 to vector<16xf32>
        %max3A_2483 = arith.maximumf %sub3A_2480, %max3A_2482 : vector<16xf32>
        %add3A_2484 = arith.addf %scan3A_2340, %max3A_2483 : vector<16xf32>
        %mul3A_2485 = arith.constant 16 : i32
        %mul3A_2486 = arith.muli %mul3A_2351, %mul3A_2485 : i32
        %get3A_2487 = arith.constant 8 : i32
        %get3A_2488 = arith.index_cast %get3A_2487 : i32 to index
        %get3A_2489 = arith.index_cast %mul3A_2486 : i32 to index
        %get3A_2490 = tpu.vector_load %arg7[%get3A_2488, %get3A_2489] {strides = array<i32>} : memref<16x4096xf32, #tpu.memory_space<vmem>>, vector<1x16xf32>,
        %get3A_2491 = vector.shape_cast %get3A_2490 : vector<1x16xf32> to vector<16xf32>
        %add3A_2492 = arith.addf %get3A_2491, %select_n3A_2366 : vector<16xf32>
        %sub3A_2493 = vector.broadcast %squeeze3A_114 : f32 to vector<16xf32>
        %sub3A_2494 = arith.subf %add3A_2492, %sub3A_2493 : vector<16xf32>
        %max3A_2495 = arith.constant 0.000000e+00 : f32
        %max3A_2496 = vector.broadcast %max3A_2495 : f32 to vector<16xf32>
        %max3A_2497 = arith.maximumf %sub3A_2494, %max3A_2496 : vector<16xf32>
        %add3A_2498 = arith.addf %scan3A_2341, %max3A_2497 : vector<16xf32>
        %mul3A_2499 = arith.constant 16 : i32
        %mul3A_2500 = arith.muli %mul3A_2351, %mul3A_2499 : i32
        %get3A_2501 = arith.constant 9 : i32
        %get3A_2502 = arith.index_cast %get3A_2501 : i32 to index
        %get3A_2503 = arith.index_cast %mul3A_2500 : i32 to index
        %get3A_2504 = tpu.vector_load %arg7[%get3A_2502, %get3A_2503] {strides = array<i32>} : memref<16x4096xf32, #tpu.memory_space<vmem>>, vector<1x16xf32>,
        %get3A_2505 = vector.shape_cast %get3A_2504 : vector<1x16xf32> to vector<16xf32>
        %add3A_2506 = arith.addf %get3A_2505, %select_n3A_2366 : vector<16xf32>
        %sub3A_2507 = vector.broadcast %squeeze3A_116 : f32 to vector<16xf32>
        %sub3A_2508 = arith.subf %add3A_2506, %sub3A_2507 : vector<16xf32>
        %max3A_2509 = arith.constant 0.000000e+00 : f32
        %max3A_2510 = vector.broadcast %max3A_2509 : f32 to vector<16xf32>
        %max3A_2511 = arith.maximumf %sub3A_2508, %max3A_2510 : vector<16xf32>
        %add3A_2512 = arith.addf %scan3A_2342, %max3A_2511 : vector<16xf32>
        %mul3A_2513 = arith.constant 16 : i32
        %mul3A_2514 = arith.muli %mul3A_2351, %mul3A_2513 : i32
        %get3A_2515 = arith.constant 10 : i32
        %get3A_2516 = arith.index_cast %get3A_2515 : i32 to index
        %get3A_2517 = arith.index_cast %mul3A_2514 : i32 to index
        %get3A_2518 = tpu.vector_load %arg7[%get3A_2516, %get3A_2517] {strides = array<i32>} : memref<16x4096xf32, #tpu.memory_space<vmem>>, vector<1x16xf32>,
        %get3A_2519 = vector.shape_cast %get3A_2518 : vector<1x16xf32> to vector<16xf32>
        %add3A_2520 = arith.addf %get3A_2519, %select_n3A_2366 : vector<16xf32>
        %sub3A_2521 = vector.broadcast %squeeze3A_118 : f32 to vector<16xf32>
        %sub3A_2522 = arith.subf %add3A_2520, %sub3A_2521 : vector<16xf32>
        %max3A_2523 = arith.constant 0.000000e+00 : f32
        %max3A_2524 = vector.broadcast %max3A_2523 : f32 to vector<16xf32>
        %max3A_2525 = arith.maximumf %sub3A_2522, %max3A_2524 : vector<16xf32>
        %add3A_2526 = arith.addf %scan3A_2343, %max3A_2525 : vector<16xf32>
        %mul3A_2527 = arith.constant 16 : i32
        %mul3A_2528 = arith.muli %mul3A_2351, %mul3A_2527 : i32
        %get3A_2529 = arith.constant 11 : i32
        %get3A_2530 = arith.index_cast %get3A_2529 : i32 to index
        %get3A_2531 = arith.index_cast %mul3A_2528 : i32 to index
        %get3A_2532 = tpu.vector_load %arg7[%get3A_2530, %get3A_2531] {strides = array<i32>} : memref<16x4096xf32, #tpu.memory_space<vmem>>, vector<1x16xf32>,
        %get3A_2533 = vector.shape_cast %get3A_2532 : vector<1x16xf32> to vector<16xf32>
        %add3A_2534 = arith.addf %get3A_2533, %select_n3A_2366 : vector<16xf32>
        %sub3A_2535 = vector.broadcast %squeeze3A_120 : f32 to vector<16xf32>
        %sub3A_2536 = arith.subf %add3A_2534, %sub3A_2535 : vector<16xf32>
        %max3A_2537 = arith.constant 0.000000e+00 : f32
        %max3A_2538 = vector.broadcast %max3A_2537 : f32 to vector<16xf32>
        %max3A_2539 = arith.maximumf %sub3A_2536, %max3A_2538 : vector<16xf32>
        %add3A_2540 = arith.addf %scan3A_2344, %max3A_2539 : vector<16xf32>
        %mul3A_2541 = arith.constant 16 : i32
        %mul3A_2542 = arith.muli %mul3A_2351, %mul3A_2541 : i32
        %get3A_2543 = arith.constant 12 : i32
        %get3A_2544 = arith.index_cast %get3A_2543 : i32 to index
        %get3A_2545 = arith.index_cast %mul3A_2542 : i32 to index
        %get3A_2546 = tpu.vector_load %arg7[%get3A_2544, %get3A_2545] {strides = array<i32>} : memref<16x4096xf32, #tpu.memory_space<vmem>>, vector<1x16xf32>,
        %get3A_2547 = vector.shape_cast %get3A_2546 : vector<1x16xf32> to vector<16xf32>
        %add3A_2548 = arith.addf %get3A_2547, %select_n3A_2366 : vector<16xf32>
        %sub3A_2549 = vector.broadcast %squeeze3A_122 : f32 to vector<16xf32>
        %sub3A_2550 = arith.subf %add3A_2548, %sub3A_2549 : vector<16xf32>
        %max3A_2551 = arith.constant 0.000000e+00 : f32
        %max3A_2552 = vector.broadcast %max3A_2551 : f32 to vector<16xf32>
        %max3A_2553 = arith.maximumf %sub3A_2550, %max3A_2552 : vector<16xf32>
        %add3A_2554 = arith.addf %scan3A_2345, %max3A_2553 : vector<16xf32>
        %mul3A_2555 = arith.constant 16 : i32
        %mul3A_2556 = arith.muli %mul3A_2351, %mul3A_2555 : i32
        %get3A_2557 = arith.constant 13 : i32
        %get3A_2558 = arith.index_cast %get3A_2557 : i32 to index
        %get3A_2559 = arith.index_cast %mul3A_2556 : i32 to index
        %get3A_2560 = tpu.vector_load %arg7[%get3A_2558, %get3A_2559] {strides = array<i32>} : memref<16x4096xf32, #tpu.memory_space<vmem>>, vector<1x16xf32>,
        %get3A_2561 = vector.shape_cast %get3A_2560 : vector<1x16xf32> to vector<16xf32>
        %add3A_2562 = arith.addf %get3A_2561, %select_n3A_2366 : vector<16xf32>
        %sub3A_2563 = vector.broadcast %squeeze3A_124 : f32 to vector<16xf32>
        %sub3A_2564 = arith.subf %add3A_2562, %sub3A_2563 : vector<16xf32>
        %max3A_2565 = arith.constant 0.000000e+00 : f32
        %max3A_2566 = vector.broadcast %max3A_2565 : f32 to vector<16xf32>
        %max3A_2567 = arith.maximumf %sub3A_2564, %max3A_2566 : vector<16xf32>
        %add3A_2568 = arith.addf %scan3A_2346, %max3A_2567 : vector<16xf32>
        %mul3A_2569 = arith.constant 16 : i32
        %mul3A_2570 = arith.muli %mul3A_2351, %mul3A_2569 : i32
        %get3A_2571 = arith.constant 14 : i32
        %get3A_2572 = arith.index_cast %get3A_2571 : i32 to index
        %get3A_2573 = arith.index_cast %mul3A_2570 : i32 to index
        %get3A_2574 = tpu.vector_load %arg7[%get3A_2572, %get3A_2573] {strides = array<i32>} : memref<16x4096xf32, #tpu.memory_space<vmem>>, vector<1x16xf32>,
        %get3A_2575 = vector.shape_cast %get3A_2574 : vector<1x16xf32> to vector<16xf32>
        %add3A_2576 = arith.addf %get3A_2575, %select_n3A_2366 : vector<16xf32>
        %sub3A_2577 = vector.broadcast %squeeze3A_126 : f32 to vector<16xf32>
        %sub3A_2578 = arith.subf %add3A_2576, %sub3A_2577 : vector<16xf32>
        %max3A_2579 = arith.constant 0.000000e+00 : f32
        %max3A_2580 = vector.broadcast %max3A_2579 : f32 to vector<16xf32>
        %max3A_2581 = arith.maximumf %sub3A_2578, %max3A_2580 : vector<16xf32>
        %add3A_2582 = arith.addf %scan3A_2347, %max3A_2581 : vector<16xf32>
        %mul3A_2583 = arith.constant 16 : i32
        %mul3A_2584 = arith.muli %mul3A_2351, %mul3A_2583 : i32
        %get3A_2585 = arith.constant 15 : i32
        %get3A_2586 = arith.index_cast %get3A_2585 : i32 to index
        %get3A_2587 = arith.index_cast %mul3A_2584 : i32 to index
        %get3A_2588 = tpu.vector_load %arg7[%get3A_2586, %get3A_2587] {strides = array<i32>} : memref<16x4096xf32, #tpu.memory_space<vmem>>, vector<1x16xf32>,
        %get3A_2589 = vector.shape_cast %get3A_2588 : vector<1x16xf32> to vector<16xf32>
        %add3A_2590 = arith.addf %get3A_2589, %select_n3A_2366 : vector<16xf32>
        %sub3A_2591 = vector.broadcast %squeeze3A_128 : f32 to vector<16xf32>
        %sub3A_2592 = arith.subf %add3A_2590, %sub3A_2591 : vector<16xf32>
        %max3A_2593 = arith.constant 0.000000e+00 : f32
        %max3A_2594 = vector.broadcast %max3A_2593 : f32 to vector<16xf32>
        %max3A_2595 = arith.maximumf %sub3A_2592, %max3A_2594 : vector<16xf32>
        %add3A_2596 = arith.addf %scan3A_2348, %max3A_2595 : vector<16xf32>
        %mul3A_2597 = arith.constant 2 : i32
        %mul3A_2598 = arith.muli %mul3A_2597, %scan3A_2332 : i32
        %add3A_2599 = arith.constant 1 : i32
        %add3A_2600 = arith.addi %mul3A_2598, %add3A_2599 : i32
        %mul3A_2601 = arith.constant 16 : i32
        %mul3A_2602 = arith.muli %add3A_2600, %mul3A_2601 : i32
        %get3A_2603 = arith.constant 0 : i32
        %get3A_2604 = arith.index_cast %get3A_2603 : i32 to index
        %get3A_2605 = arith.index_cast %mul3A_2602 : i32 to index
        %get3A_2606 = tpu.vector_load %arg9[%get3A_2604, %get3A_2605] {strides = array<i32>} : memref<2x4096xf32, #tpu.memory_space<vmem>>, vector<1x16xf32>,
        %get3A_2607 = vector.shape_cast %get3A_2606 : vector<1x16xf32> to vector<16xf32>
        %gt3A_2608 = arith.constant 0.000000e+00 : f32
        %gt3A_2609 = vector.broadcast %gt3A_2608 : f32 to vector<16xf32>
        %gt3A_2610 = arith.cmpf ogt, %get3A_2607, %gt3A_2609 : vector<16xf32>
        %jit3A_2611 = arith.constant 0.000000e+00 : f32
        %jit3A_2612 = arith.constant -1.000000e+30 : f32
        %broadcast_in_dim3A_2613 = vector.broadcast %jit3A_2611 : f32 to vector<16xf32>
        %broadcast_in_dim3A_2614 = vector.broadcast %jit3A_2612 : f32 to vector<16xf32>
        %select_n3A_2615 = arith.select %gt3A_2610, %broadcast_in_dim3A_2613, %broadcast_in_dim3A_2614 : vector<16xi1>, vector<16xf32>
        %jit3A_2616 = arith.constant 1.000000e+00 : f32
        %jit3A_2617 = arith.constant 0.000000e+00 : f32
        %broadcast_in_dim3A_2618 = vector.broadcast %jit3A_2616 : f32 to vector<16xf32>
        %broadcast_in_dim3A_2619 = vector.broadcast %jit3A_2617 : f32 to vector<16xf32>
        %select_n3A_2620 = arith.select %gt3A_2610, %broadcast_in_dim3A_2618, %broadcast_in_dim3A_2619 : vector<16xi1>, vector<16xf32>
        %add3A_2621 = arith.addf %add3A_2372, %select_n3A_2620 : vector<16xf32>
        %mul3A_2622 = arith.constant 16 : i32
        %mul3A_2623 = arith.muli %add3A_2600, %mul3A_2622 : i32
        %get3A_2624 = arith.constant 0 : i32
        %get3A_2625 = arith.index_cast %get3A_2624 : i32 to index
        %get3A_2626 = arith.index_cast %mul3A_2623 : i32 to index
        %get3A_2627 = tpu.vector_load %arg7[%get3A_2625, %get3A_2626] {strides = array<i32>} : memref<16x4096xf32, #tpu.memory_space<vmem>>, vector<1x16xf32>,
        %get3A_2628 = vector.shape_cast %get3A_2627 : vector<1x16xf32> to vector<16xf32>
        %add3A_2629 = arith.addf %get3A_2628, %select_n3A_2615 : vector<16xf32>
        %sub3A_2630 = vector.broadcast %squeeze3A : f32 to vector<16xf32>
        %sub3A_2631 = arith.subf %add3A_2629, %sub3A_2630 : vector<16xf32>
        %max3A_2632 = arith.constant 0.000000e+00 : f32
        %max3A_2633 = vector.broadcast %max3A_2632 : f32 to vector<16xf32>
        %max3A_2634 = arith.maximumf %sub3A_2631, %max3A_2633 : vector<16xf32>
        %add3A_2635 = arith.addf %add3A_2386, %max3A_2634 : vector<16xf32>
        %mul3A_2636 = arith.constant 16 : i32
        %mul3A_2637 = arith.muli %add3A_2600, %mul3A_2636 : i32
        %get3A_2638 = arith.constant 1 : i32
        %get3A_2639 = arith.index_cast %get3A_2638 : i32 to index
        %get3A_2640 = arith.index_cast %mul3A_2637 : i32 to index
        %get3A_2641 = tpu.vector_load %arg7[%get3A_2639, %get3A_2640] {strides = array<i32>} : memref<16x4096xf32, #tpu.memory_space<vmem>>, vector<1x16xf32>,
        %get3A_2642 = vector.shape_cast %get3A_2641 : vector<1x16xf32> to vector<16xf32>
        %add3A_2643 = arith.addf %get3A_2642, %select_n3A_2615 : vector<16xf32>
        %sub3A_2644 = vector.broadcast %squeeze3A_100 : f32 to vector<16xf32>
        %sub3A_2645 = arith.subf %add3A_2643, %sub3A_2644 : vector<16xf32>
        %max3A_2646 = arith.constant 0.000000e+00 : f32
        %max3A_2647 = vector.broadcast %max3A_2646 : f32 to vector<16xf32>
        %max3A_2648 = arith.maximumf %sub3A_2645, %max3A_2647 : vector<16xf32>
        %add3A_2649 = arith.addf %add3A_2400, %max3A_2648 : vector<16xf32>
        %mul3A_2650 = arith.constant 16 : i32
        %mul3A_2651 = arith.muli %add3A_2600, %mul3A_2650 : i32
        %get3A_2652 = arith.constant 2 : i32
        %get3A_2653 = arith.index_cast %get3A_2652 : i32 to index
        %get3A_2654 = arith.index_cast %mul3A_2651 : i32 to index
        %get3A_2655 = tpu.vector_load %arg7[%get3A_2653, %get3A_2654] {strides = array<i32>} : memref<16x4096xf32, #tpu.memory_space<vmem>>, vector<1x16xf32>,
        %get3A_2656 = vector.shape_cast %get3A_2655 : vector<1x16xf32> to vector<16xf32>
        %add3A_2657 = arith.addf %get3A_2656, %select_n3A_2615 : vector<16xf32>
        %sub3A_2658 = vector.broadcast %squeeze3A_102 : f32 to vector<16xf32>
        %sub3A_2659 = arith.subf %add3A_2657, %sub3A_2658 : vector<16xf32>
        %max3A_2660 = arith.constant 0.000000e+00 : f32
        %max3A_2661 = vector.broadcast %max3A_2660 : f32 to vector<16xf32>
        %max3A_2662 = arith.maximumf %sub3A_2659, %max3A_2661 : vector<16xf32>
        %add3A_2663 = arith.addf %add3A_2414, %max3A_2662 : vector<16xf32>
        %mul3A_2664 = arith.constant 16 : i32
        %mul3A_2665 = arith.muli %add3A_2600, %mul3A_2664 : i32
        %get3A_2666 = arith.constant 3 : i32
        %get3A_2667 = arith.index_cast %get3A_2666 : i32 to index
        %get3A_2668 = arith.index_cast %mul3A_2665 : i32 to index
        %get3A_2669 = tpu.vector_load %arg7[%get3A_2667, %get3A_2668] {strides = array<i32>} : memref<16x4096xf32, #tpu.memory_space<vmem>>, vector<1x16xf32>,
        %get3A_2670 = vector.shape_cast %get3A_2669 : vector<1x16xf32> to vector<16xf32>
        %add3A_2671 = arith.addf %get3A_2670, %select_n3A_2615 : vector<16xf32>
        %sub3A_2672 = vector.broadcast %squeeze3A_104 : f32 to vector<16xf32>
        %sub3A_2673 = arith.subf %add3A_2671, %sub3A_2672 : vector<16xf32>
        %max3A_2674 = arith.constant 0.000000e+00 : f32
        %max3A_2675 = vector.broadcast %max3A_2674 : f32 to vector<16xf32>
        %max3A_2676 = arith.maximumf %sub3A_2673, %max3A_2675 : vector<16xf32>
        %add3A_2677 = arith.addf %add3A_2428, %max3A_2676 : vector<16xf32>
        %mul3A_2678 = arith.constant 16 : i32
        %mul3A_2679 = arith.muli %add3A_2600, %mul3A_2678 : i32
        %get3A_2680 = arith.constant 4 : i32
        %get3A_2681 = arith.index_cast %get3A_2680 : i32 to index
        %get3A_2682 = arith.index_cast %mul3A_2679 : i32 to index
        %get3A_2683 = tpu.vector_load %arg7[%get3A_2681, %get3A_2682] {strides = array<i32>} : memref<16x4096xf32, #tpu.memory_space<vmem>>, vector<1x16xf32>,
        %get3A_2684 = vector.shape_cast %get3A_2683 : vector<1x16xf32> to vector<16xf32>
        %add3A_2685 = arith.addf %get3A_2684, %select_n3A_2615 : vector<16xf32>
        %sub3A_2686 = vector.broadcast %squeeze3A_106 : f32 to vector<16xf32>
        %sub3A_2687 = arith.subf %add3A_2685, %sub3A_2686 : vector<16xf32>
        %max3A_2688 = arith.constant 0.000000e+00 : f32
        %max3A_2689 = vector.broadcast %max3A_2688 : f32 to vector<16xf32>
        %max3A_2690 = arith.maximumf %sub3A_2687, %max3A_2689 : vector<16xf32>
        %add3A_2691 = arith.addf %add3A_2442, %max3A_2690 : vector<16xf32>
        %mul3A_2692 = arith.constant 16 : i32
        %mul3A_2693 = arith.muli %add3A_2600, %mul3A_2692 : i32
        %get3A_2694 = arith.constant 5 : i32
        %get3A_2695 = arith.index_cast %get3A_2694 : i32 to index
        %get3A_2696 = arith.index_cast %mul3A_2693 : i32 to index
        %get3A_2697 = tpu.vector_load %arg7[%get3A_2695, %get3A_2696] {strides = array<i32>} : memref<16x4096xf32, #tpu.memory_space<vmem>>, vector<1x16xf32>,
        %get3A_2698 = vector.shape_cast %get3A_2697 : vector<1x16xf32> to vector<16xf32>
        %add3A_2699 = arith.addf %get3A_2698, %select_n3A_2615 : vector<16xf32>
        %sub3A_2700 = vector.broadcast %squeeze3A_108 : f32 to vector<16xf32>
        %sub3A_2701 = arith.subf %add3A_2699, %sub3A_2700 : vector<16xf32>
        %max3A_2702 = arith.constant 0.000000e+00 : f32
        %max3A_2703 = vector.broadcast %max3A_2702 : f32 to vector<16xf32>
        %max3A_2704 = arith.maximumf %sub3A_2701, %max3A_2703 : vector<16xf32>
        %add3A_2705 = arith.addf %add3A_2456, %max3A_2704 : vector<16xf32>
        %mul3A_2706 = arith.constant 16 : i32
        %mul3A_2707 = arith.muli %add3A_2600, %mul3A_2706 : i32
        %get3A_2708 = arith.constant 6 : i32
        %get3A_2709 = arith.index_cast %get3A_2708 : i32 to index
        %get3A_2710 = arith.index_cast %mul3A_2707 : i32 to index
        %get3A_2711 = tpu.vector_load %arg7[%get3A_2709, %get3A_2710] {strides = array<i32>} : memref<16x4096xf32, #tpu.memory_space<vmem>>, vector<1x16xf32>,
        %get3A_2712 = vector.shape_cast %get3A_2711 : vector<1x16xf32> to vector<16xf32>
        %add3A_2713 = arith.addf %get3A_2712, %select_n3A_2615 : vector<16xf32>
        %sub3A_2714 = vector.broadcast %squeeze3A_110 : f32 to vector<16xf32>
        %sub3A_2715 = arith.subf %add3A_2713, %sub3A_2714 : vector<16xf32>
        %max3A_2716 = arith.constant 0.000000e+00 : f32
        %max3A_2717 = vector.broadcast %max3A_2716 : f32 to vector<16xf32>
        %max3A_2718 = arith.maximumf %sub3A_2715, %max3A_2717 : vector<16xf32>
        %add3A_2719 = arith.addf %add3A_2470, %max3A_2718 : vector<16xf32>
        %mul3A_2720 = arith.constant 16 : i32
        %mul3A_2721 = arith.muli %add3A_2600, %mul3A_2720 : i32
        %get3A_2722 = arith.constant 7 : i32
        %get3A_2723 = arith.index_cast %get3A_2722 : i32 to index
        %get3A_2724 = arith.index_cast %mul3A_2721 : i32 to index
        %get3A_2725 = tpu.vector_load %arg7[%get3A_2723, %get3A_2724] {strides = array<i32>} : memref<16x4096xf32, #tpu.memory_space<vmem>>, vector<1x16xf32>,
        %get3A_2726 = vector.shape_cast %get3A_2725 : vector<1x16xf32> to vector<16xf32>
        %add3A_2727 = arith.addf %get3A_2726, %select_n3A_2615 : vector<16xf32>
        %sub3A_2728 = vector.broadcast %squeeze3A_112 : f32 to vector<16xf32>
        %sub3A_2729 = arith.subf %add3A_2727, %sub3A_2728 : vector<16xf32>
        %max3A_2730 = arith.constant 0.000000e+00 : f32
        %max3A_2731 = vector.broadcast %max3A_2730 : f32 to vector<16xf32>
        %max3A_2732 = arith.maximumf %sub3A_2729, %max3A_2731 : vector<16xf32>
        %add3A_2733 = arith.addf %add3A_2484, %max3A_2732 : vector<16xf32>
        %mul3A_2734 = arith.constant 16 : i32
        %mul3A_2735 = arith.muli %add3A_2600, %mul3A_2734 : i32
        %get3A_2736 = arith.constant 8 : i32
        %get3A_2737 = arith.index_cast %get3A_2736 : i32 to index
        %get3A_2738 = arith.index_cast %mul3A_2735 : i32 to index
        %get3A_2739 = tpu.vector_load %arg7[%get3A_2737, %get3A_2738] {strides = array<i32>} : memref<16x4096xf32, #tpu.memory_space<vmem>>, vector<1x16xf32>,
        %get3A_2740 = vector.shape_cast %get3A_2739 : vector<1x16xf32> to vector<16xf32>
        %add3A_2741 = arith.addf %get3A_2740, %select_n3A_2615 : vector<16xf32>
        %sub3A_2742 = vector.broadcast %squeeze3A_114 : f32 to vector<16xf32>
        %sub3A_2743 = arith.subf %add3A_2741, %sub3A_2742 : vector<16xf32>
        %max3A_2744 = arith.constant 0.000000e+00 : f32
        %max3A_2745 = vector.broadcast %max3A_2744 : f32 to vector<16xf32>
        %max3A_2746 = arith.maximumf %sub3A_2743, %max3A_2745 : vector<16xf32>
        %add3A_2747 = arith.addf %add3A_2498, %max3A_2746 : vector<16xf32>
        %mul3A_2748 = arith.constant 16 : i32
        %mul3A_2749 = arith.muli %add3A_2600, %mul3A_2748 : i32
        %get3A_2750 = arith.constant 9 : i32
        %get3A_2751 = arith.index_cast %get3A_2750 : i32 to index
        %get3A_2752 = arith.index_cast %mul3A_2749 : i32 to index
        %get3A_2753 = tpu.vector_load %arg7[%get3A_2751, %get3A_2752] {strides = array<i32>} : memref<16x4096xf32, #tpu.memory_space<vmem>>, vector<1x16xf32>,
        %get3A_2754 = vector.shape_cast %get3A_2753 : vector<1x16xf32> to vector<16xf32>
        %add3A_2755 = arith.addf %get3A_2754, %select_n3A_2615 : vector<16xf32>
        %sub3A_2756 = vector.broadcast %squeeze3A_116 : f32 to vector<16xf32>
        %sub3A_2757 = arith.subf %add3A_2755, %sub3A_2756 : vector<16xf32>
        %max3A_2758 = arith.constant 0.000000e+00 : f32
        %max3A_2759 = vector.broadcast %max3A_2758 : f32 to vector<16xf32>
        %max3A_2760 = arith.maximumf %sub3A_2757, %max3A_2759 : vector<16xf32>
        %add3A_2761 = arith.addf %add3A_2512, %max3A_2760 : vector<16xf32>
        %mul3A_2762 = arith.constant 16 : i32
        %mul3A_2763 = arith.muli %add3A_2600, %mul3A_2762 : i32
        %get3A_2764 = arith.constant 10 : i32
        %get3A_2765 = arith.index_cast %get3A_2764 : i32 to index
        %get3A_2766 = arith.index_cast %mul3A_2763 : i32 to index
        %get3A_2767 = tpu.vector_load %arg7[%get3A_2765, %get3A_2766] {strides = array<i32>} : memref<16x4096xf32, #tpu.memory_space<vmem>>, vector<1x16xf32>,
        %get3A_2768 = vector.shape_cast %get3A_2767 : vector<1x16xf32> to vector<16xf32>
        %add3A_2769 = arith.addf %get3A_2768, %select_n3A_2615 : vector<16xf32>
        %sub3A_2770 = vector.broadcast %squeeze3A_118 : f32 to vector<16xf32>
        %sub3A_2771 = arith.subf %add3A_2769, %sub3A_2770 : vector<16xf32>
        %max3A_2772 = arith.constant 0.000000e+00 : f32
        %max3A_2773 = vector.broadcast %max3A_2772 : f32 to vector<16xf32>
        %max3A_2774 = arith.maximumf %sub3A_2771, %max3A_2773 : vector<16xf32>
        %add3A_2775 = arith.addf %add3A_2526, %max3A_2774 : vector<16xf32>
        %mul3A_2776 = arith.constant 16 : i32
        %mul3A_2777 = arith.muli %add3A_2600, %mul3A_2776 : i32
        %get3A_2778 = arith.constant 11 : i32
        %get3A_2779 = arith.index_cast %get3A_2778 : i32 to index
        %get3A_2780 = arith.index_cast %mul3A_2777 : i32 to index
        %get3A_2781 = tpu.vector_load %arg7[%get3A_2779, %get3A_2780] {strides = array<i32>} : memref<16x4096xf32, #tpu.memory_space<vmem>>, vector<1x16xf32>,
        %get3A_2782 = vector.shape_cast %get3A_2781 : vector<1x16xf32> to vector<16xf32>
        %add3A_2783 = arith.addf %get3A_2782, %select_n3A_2615 : vector<16xf32>
        %sub3A_2784 = vector.broadcast %squeeze3A_120 : f32 to vector<16xf32>
        %sub3A_2785 = arith.subf %add3A_2783, %sub3A_2784 : vector<16xf32>
        %max3A_2786 = arith.constant 0.000000e+00 : f32
        %max3A_2787 = vector.broadcast %max3A_2786 : f32 to vector<16xf32>
        %max3A_2788 = arith.maximumf %sub3A_2785, %max3A_2787 : vector<16xf32>
        %add3A_2789 = arith.addf %add3A_2540, %max3A_2788 : vector<16xf32>
        %mul3A_2790 = arith.constant 16 : i32
        %mul3A_2791 = arith.muli %add3A_2600, %mul3A_2790 : i32
        %get3A_2792 = arith.constant 12 : i32
        %get3A_2793 = arith.index_cast %get3A_2792 : i32 to index
        %get3A_2794 = arith.index_cast %mul3A_2791 : i32 to index
        %get3A_2795 = tpu.vector_load %arg7[%get3A_2793, %get3A_2794] {strides = array<i32>} : memref<16x4096xf32, #tpu.memory_space<vmem>>, vector<1x16xf32>,
        %get3A_2796 = vector.shape_cast %get3A_2795 : vector<1x16xf32> to vector<16xf32>
        %add3A_2797 = arith.addf %get3A_2796, %select_n3A_2615 : vector<16xf32>
        %sub3A_2798 = vector.broadcast %squeeze3A_122 : f32 to vector<16xf32>
        %sub3A_2799 = arith.subf %add3A_2797, %sub3A_2798 : vector<16xf32>
        %max3A_2800 = arith.constant 0.000000e+00 : f32
        %max3A_2801 = vector.broadcast %max3A_2800 : f32 to vector<16xf32>
        %max3A_2802 = arith.maximumf %sub3A_2799, %max3A_2801 : vector<16xf32>
        %add3A_2803 = arith.addf %add3A_2554, %max3A_2802 : vector<16xf32>
        %mul3A_2804 = arith.constant 16 : i32
        %mul3A_2805 = arith.muli %add3A_2600, %mul3A_2804 : i32
        %get3A_2806 = arith.constant 13 : i32
        %get3A_2807 = arith.index_cast %get3A_2806 : i32 to index
        %get3A_2808 = arith.index_cast %mul3A_2805 : i32 to index
        %get3A_2809 = tpu.vector_load %arg7[%get3A_2807, %get3A_2808] {strides = array<i32>} : memref<16x4096xf32, #tpu.memory_space<vmem>>, vector<1x16xf32>,
        %get3A_2810 = vector.shape_cast %get3A_2809 : vector<1x16xf32> to vector<16xf32>
        %add3A_2811 = arith.addf %get3A_2810, %select_n3A_2615 : vector<16xf32>
        %sub3A_2812 = vector.broadcast %squeeze3A_124 : f32 to vector<16xf32>
        %sub3A_2813 = arith.subf %add3A_2811, %sub3A_2812 : vector<16xf32>
        %max3A_2814 = arith.constant 0.000000e+00 : f32
        %max3A_2815 = vector.broadcast %max3A_2814 : f32 to vector<16xf32>
        %max3A_2816 = arith.maximumf %sub3A_2813, %max3A_2815 : vector<16xf32>
        %add3A_2817 = arith.addf %add3A_2568, %max3A_2816 : vector<16xf32>
        %mul3A_2818 = arith.constant 16 : i32
        %mul3A_2819 = arith.muli %add3A_2600, %mul3A_2818 : i32
        %get3A_2820 = arith.constant 14 : i32
        %get3A_2821 = arith.index_cast %get3A_2820 : i32 to index
        %get3A_2822 = arith.index_cast %mul3A_2819 : i32 to index
        %get3A_2823 = tpu.vector_load %arg7[%get3A_2821, %get3A_2822] {strides = array<i32>} : memref<16x4096xf32, #tpu.memory_space<vmem>>, vector<1x16xf32>,
        %get3A_2824 = vector.shape_cast %get3A_2823 : vector<1x16xf32> to vector<16xf32>
        %add3A_2825 = arith.addf %get3A_2824, %select_n3A_2615 : vector<16xf32>
        %sub3A_2826 = vector.broadcast %squeeze3A_126 : f32 to vector<16xf32>
        %sub3A_2827 = arith.subf %add3A_2825, %sub3A_2826 : vector<16xf32>
        %max3A_2828 = arith.constant 0.000000e+00 : f32
        %max3A_2829 = vector.broadcast %max3A_2828 : f32 to vector<16xf32>
        %max3A_2830 = arith.maximumf %sub3A_2827, %max3A_2829 : vector<16xf32>
        %add3A_2831 = arith.addf %add3A_2582, %max3A_2830 : vector<16xf32>
        %mul3A_2832 = arith.constant 16 : i32
        %mul3A_2833 = arith.muli %add3A_2600, %mul3A_2832 : i32
        %get3A_2834 = arith.constant 15 : i32
        %get3A_2835 = arith.index_cast %get3A_2834 : i32 to index
        %get3A_2836 = arith.index_cast %mul3A_2833 : i32 to index
        %get3A_2837 = tpu.vector_load %arg7[%get3A_2835, %get3A_2836] {strides = array<i32>} : memref<16x4096xf32, #tpu.memory_space<vmem>>, vector<1x16xf32>,
        %get3A_2838 = vector.shape_cast %get3A_2837 : vector<1x16xf32> to vector<16xf32>
        %add3A_2839 = arith.addf %get3A_2838, %select_n3A_2615 : vector<16xf32>
        %sub3A_2840 = vector.broadcast %squeeze3A_128 : f32 to vector<16xf32>
        %sub3A_2841 = arith.subf %add3A_2839, %sub3A_2840 : vector<16xf32>
        %max3A_2842 = arith.constant 0.000000e+00 : f32
        %max3A_2843 = vector.broadcast %max3A_2842 : f32 to vector<16xf32>
        %max3A_2844 = arith.maximumf %sub3A_2841, %max3A_2843 : vector<16xf32>
        %add3A_2845 = arith.addf %add3A_2596, %max3A_2844 : vector<16xf32>
        scf.yield %add3A_2635, %add3A_2649, %add3A_2663, %add3A_2677, %add3A_2691, %add3A_2705, %add3A_2719, %add3A_2733, %add3A_2747, %add3A_2761, %add3A_2775, %add3A_2789, %add3A_2803, %add3A_2817, %add3A_2831, %add3A_2845, %add3A_2621 : vector<16xf32>, vector<16xf32>, vector<16xf32>, vector<16xf32>, vector<16xf32>, vector<16xf32>, vector<16xf32>, vector<16xf32>, vector<16xf32>, vector<16xf32>, vector<16xf32>, vector<16xf32>, vector<16xf32>, vector<16xf32>, vector<16xf32>, vector<16xf32>, vector<16xf32>
      }
      %scan3A_167 = arith.constant 128 : i32
      %iota3A_168 = tpu.iota {dimensions = array<i32: 0>} : vector<16xi32>
      %broadcast_in_dim3A_169 = arith.constant 0.000000e+00 : f32
      %broadcast_in_dim3A_170 = vector.broadcast %broadcast_in_dim3A_169 : f32 to vector<16xf32>
      %eq3A = arith.constant 0 : i32
      %eq3A_171 = vector.broadcast %eq3A : i32 to vector<16xi32>
      %eq3A_172 = arith.cmpi eq, %iota3A_168, %eq3A_171 : vector<16xi32>
      %xor3A = arith.constant 8 : i32
      %xor3A_173 = vector.broadcast %xor3A : i32 to vector<16xi32>
      %xor3A_174 = arith.xori %iota3A_168, %xor3A_173 : vector<16xi32>
      %lt3A = arith.constant 0 : i32
      %lt3A_175 = vector.broadcast %lt3A : i32 to vector<16xi32>
      %lt3A_176 = arith.cmpi slt, %xor3A_174, %lt3A_175 : vector<16xi32>
      %add3A_177 = arith.constant 16 : i32
      %add3A_178 = vector.broadcast %add3A_177 : i32 to vector<16xi32>
      %add3A_179 = arith.addi %xor3A_174, %add3A_178 : vector<16xi32>
      %select_n3A_180 = arith.select %lt3A_176, %add3A_179, %xor3A_174 : vector<16xi1>, vector<16xi32>
      %broadcast_in_dim3A_181 = vector.shape_cast %select_n3A_180 : vector<16xi32> to vector<16x1xi32>
      %gather3A = vector.shape_cast %broadcast_in_dim3A_181 : vector<16x1xi32> to vector<16xi32>
      %gather3A_182 = tpu.dynamic_gather %scan3A_166#0[%gather3A] in [0] : vector<16xf32>, vector<16xi32> -> vector<16xf32>
      %add3A_183 = arith.addf %scan3A_166#0, %gather3A_182 : vector<16xf32>
      %xor3A_184 = arith.constant 4 : i32
      %xor3A_185 = vector.broadcast %xor3A_184 : i32 to vector<16xi32>
      %xor3A_186 = arith.xori %iota3A_168, %xor3A_185 : vector<16xi32>
      %lt3A_187 = arith.constant 0 : i32
      %lt3A_188 = vector.broadcast %lt3A_187 : i32 to vector<16xi32>
      %lt3A_189 = arith.cmpi slt, %xor3A_186, %lt3A_188 : vector<16xi32>
      %add3A_190 = arith.constant 16 : i32
      %add3A_191 = vector.broadcast %add3A_190 : i32 to vector<16xi32>
      %add3A_192 = arith.addi %xor3A_186, %add3A_191 : vector<16xi32>
      %select_n3A_193 = arith.select %lt3A_189, %add3A_192, %xor3A_186 : vector<16xi1>, vector<16xi32>
      %broadcast_in_dim3A_194 = vector.shape_cast %select_n3A_193 : vector<16xi32> to vector<16x1xi32>
      %gather3A_195 = vector.shape_cast %broadcast_in_dim3A_194 : vector<16x1xi32> to vector<16xi32>
      %gather3A_196 = tpu.dynamic_gather %add3A_183[%gather3A_195] in [0] : vector<16xf32>, vector<16xi32> -> vector<16xf32>
      %add3A_197 = arith.addf %add3A_183, %gather3A_196 : vector<16xf32>
      %xor3A_198 = arith.constant 2 : i32
      %xor3A_199 = vector.broadcast %xor3A_198 : i32 to vector<16xi32>
      %xor3A_200 = arith.xori %iota3A_168, %xor3A_199 : vector<16xi32>
      %lt3A_201 = arith.constant 0 : i32
      %lt3A_202 = vector.broadcast %lt3A_201 : i32 to vector<16xi32>
      %lt3A_203 = arith.cmpi slt, %xor3A_200, %lt3A_202 : vector<16xi32>
      %add3A_204 = arith.constant 16 : i32
      %add3A_205 = vector.broadcast %add3A_204 : i32 to vector<16xi32>
      %add3A_206 = arith.addi %xor3A_200, %add3A_205 : vector<16xi32>
      %select_n3A_207 = arith.select %lt3A_203, %add3A_206, %xor3A_200 : vector<16xi1>, vector<16xi32>
      %broadcast_in_dim3A_208 = vector.shape_cast %select_n3A_207 : vector<16xi32> to vector<16x1xi32>
      %gather3A_209 = vector.shape_cast %broadcast_in_dim3A_208 : vector<16x1xi32> to vector<16xi32>
      %gather3A_210 = tpu.dynamic_gather %add3A_197[%gather3A_209] in [0] : vector<16xf32>, vector<16xi32> -> vector<16xf32>
      %add3A_211 = arith.addf %add3A_197, %gather3A_210 : vector<16xf32>
      %xor3A_212 = arith.constant 1 : i32
      %xor3A_213 = vector.broadcast %xor3A_212 : i32 to vector<16xi32>
      %xor3A_214 = arith.xori %iota3A_168, %xor3A_213 : vector<16xi32>
      %lt3A_215 = arith.constant 0 : i32
      %lt3A_216 = vector.broadcast %lt3A_215 : i32 to vector<16xi32>
      %lt3A_217 = arith.cmpi slt, %xor3A_214, %lt3A_216 : vector<16xi32>
      %add3A_218 = arith.constant 16 : i32
      %add3A_219 = vector.broadcast %add3A_218 : i32 to vector<16xi32>
      %add3A_220 = arith.addi %xor3A_214, %add3A_219 : vector<16xi32>
      %select_n3A_221 = arith.select %lt3A_217, %add3A_220, %xor3A_214 : vector<16xi1>, vector<16xi32>
      %broadcast_in_dim3A_222 = vector.shape_cast %select_n3A_221 : vector<16xi32> to vector<16x1xi32>
      %gather3A_223 = vector.shape_cast %broadcast_in_dim3A_222 : vector<16x1xi32> to vector<16xi32>
      %gather3A_224 = tpu.dynamic_gather %add3A_211[%gather3A_223] in [0] : vector<16xf32>, vector<16xi32> -> vector<16xf32>
      %add3A_225 = arith.addf %add3A_211, %gather3A_224 : vector<16xf32>
      %select_n3A_226 = arith.select %eq3A_172, %add3A_225, %broadcast_in_dim3A_170 : vector<16xi1>, vector<16xf32>
      %eq3A_227 = arith.constant 1 : i32
      %eq3A_228 = vector.broadcast %eq3A_227 : i32 to vector<16xi32>
      %eq3A_229 = arith.cmpi eq, %iota3A_168, %eq3A_228 : vector<16xi32>
      %xor3A_230 = arith.constant 8 : i32
      %xor3A_231 = vector.broadcast %xor3A_230 : i32 to vector<16xi32>
      %xor3A_232 = arith.xori %iota3A_168, %xor3A_231 : vector<16xi32>
      %lt3A_233 = arith.constant 0 : i32
      %lt3A_234 = vector.broadcast %lt3A_233 : i32 to vector<16xi32>
      %lt3A_235 = arith.cmpi slt, %xor3A_232, %lt3A_234 : vector<16xi32>
      %add3A_236 = arith.constant 16 : i32
      %add3A_237 = vector.broadcast %add3A_236 : i32 to vector<16xi32>
      %add3A_238 = arith.addi %xor3A_232, %add3A_237 : vector<16xi32>
      %select_n3A_239 = arith.select %lt3A_235, %add3A_238, %xor3A_232 : vector<16xi1>, vector<16xi32>
      %broadcast_in_dim3A_240 = vector.shape_cast %select_n3A_239 : vector<16xi32> to vector<16x1xi32>
      %gather3A_241 = vector.shape_cast %broadcast_in_dim3A_240 : vector<16x1xi32> to vector<16xi32>
      %gather3A_242 = tpu.dynamic_gather %scan3A_166#1[%gather3A_241] in [0] : vector<16xf32>, vector<16xi32> -> vector<16xf32>
      %add3A_243 = arith.addf %scan3A_166#1, %gather3A_242 : vector<16xf32>
      %xor3A_244 = arith.constant 4 : i32
      %xor3A_245 = vector.broadcast %xor3A_244 : i32 to vector<16xi32>
      %xor3A_246 = arith.xori %iota3A_168, %xor3A_245 : vector<16xi32>
      %lt3A_247 = arith.constant 0 : i32
      %lt3A_248 = vector.broadcast %lt3A_247 : i32 to vector<16xi32>
      %lt3A_249 = arith.cmpi slt, %xor3A_246, %lt3A_248 : vector<16xi32>
      %add3A_250 = arith.constant 16 : i32
      %add3A_251 = vector.broadcast %add3A_250 : i32 to vector<16xi32>
      %add3A_252 = arith.addi %xor3A_246, %add3A_251 : vector<16xi32>
      %select_n3A_253 = arith.select %lt3A_249, %add3A_252, %xor3A_246 : vector<16xi1>, vector<16xi32>
      %broadcast_in_dim3A_254 = vector.shape_cast %select_n3A_253 : vector<16xi32> to vector<16x1xi32>
      %gather3A_255 = vector.shape_cast %broadcast_in_dim3A_254 : vector<16x1xi32> to vector<16xi32>
      %gather3A_256 = tpu.dynamic_gather %add3A_243[%gather3A_255] in [0] : vector<16xf32>, vector<16xi32> -> vector<16xf32>
      %add3A_257 = arith.addf %add3A_243, %gather3A_256 : vector<16xf32>
      %xor3A_258 = arith.constant 2 : i32
      %xor3A_259 = vector.broadcast %xor3A_258 : i32 to vector<16xi32>
      %xor3A_260 = arith.xori %iota3A_168, %xor3A_259 : vector<16xi32>
      %lt3A_261 = arith.constant 0 : i32
      %lt3A_262 = vector.broadcast %lt3A_261 : i32 to vector<16xi32>
      %lt3A_263 = arith.cmpi slt, %xor3A_260, %lt3A_262 : vector<16xi32>
      %add3A_264 = arith.constant 16 : i32
      %add3A_265 = vector.broadcast %add3A_264 : i32 to vector<16xi32>
      %add3A_266 = arith.addi %xor3A_260, %add3A_265 : vector<16xi32>
      %select_n3A_267 = arith.select %lt3A_263, %add3A_266, %xor3A_260 : vector<16xi1>, vector<16xi32>
      %broadcast_in_dim3A_268 = vector.shape_cast %select_n3A_267 : vector<16xi32> to vector<16x1xi32>
      %gather3A_269 = vector.shape_cast %broadcast_in_dim3A_268 : vector<16x1xi32> to vector<16xi32>
      %gather3A_270 = tpu.dynamic_gather %add3A_257[%gather3A_269] in [0] : vector<16xf32>, vector<16xi32> -> vector<16xf32>
      %add3A_271 = arith.addf %add3A_257, %gather3A_270 : vector<16xf32>
      %xor3A_272 = arith.constant 1 : i32
      %xor3A_273 = vector.broadcast %xor3A_272 : i32 to vector<16xi32>
      %xor3A_274 = arith.xori %iota3A_168, %xor3A_273 : vector<16xi32>
      %lt3A_275 = arith.constant 0 : i32
      %lt3A_276 = vector.broadcast %lt3A_275 : i32 to vector<16xi32>
      %lt3A_277 = arith.cmpi slt, %xor3A_274, %lt3A_276 : vector<16xi32>
      %add3A_278 = arith.constant 16 : i32
      %add3A_279 = vector.broadcast %add3A_278 : i32 to vector<16xi32>
      %add3A_280 = arith.addi %xor3A_274, %add3A_279 : vector<16xi32>
      %select_n3A_281 = arith.select %lt3A_277, %add3A_280, %xor3A_274 : vector<16xi1>, vector<16xi32>
      %broadcast_in_dim3A_282 = vector.shape_cast %select_n3A_281 : vector<16xi32> to vector<16x1xi32>
      %gather3A_283 = vector.shape_cast %broadcast_in_dim3A_282 : vector<16x1xi32> to vector<16xi32>
      %gather3A_284 = tpu.dynamic_gather %add3A_271[%gather3A_283] in [0] : vector<16xf32>, vector<16xi32> -> vector<16xf32>
      %add3A_285 = arith.addf %add3A_271, %gather3A_284 : vector<16xf32>
      %select_n3A_286 = arith.select %eq3A_229, %add3A_285, %select_n3A_226 : vector<16xi1>, vector<16xf32>
      %eq3A_287 = arith.constant 2 : i32
      %eq3A_288 = vector.broadcast %eq3A_287 : i32 to vector<16xi32>
      %eq3A_289 = arith.cmpi eq, %iota3A_168, %eq3A_288 : vector<16xi32>
      %xor3A_290 = arith.constant 8 : i32
      %xor3A_291 = vector.broadcast %xor3A_290 : i32 to vector<16xi32>
      %xor3A_292 = arith.xori %iota3A_168, %xor3A_291 : vector<16xi32>
      %lt3A_293 = arith.constant 0 : i32
      %lt3A_294 = vector.broadcast %lt3A_293 : i32 to vector<16xi32>
      %lt3A_295 = arith.cmpi slt, %xor3A_292, %lt3A_294 : vector<16xi32>
      %add3A_296 = arith.constant 16 : i32
      %add3A_297 = vector.broadcast %add3A_296 : i32 to vector<16xi32>
      %add3A_298 = arith.addi %xor3A_292, %add3A_297 : vector<16xi32>
      %select_n3A_299 = arith.select %lt3A_295, %add3A_298, %xor3A_292 : vector<16xi1>, vector<16xi32>
      %broadcast_in_dim3A_300 = vector.shape_cast %select_n3A_299 : vector<16xi32> to vector<16x1xi32>
      %gather3A_301 = vector.shape_cast %broadcast_in_dim3A_300 : vector<16x1xi32> to vector<16xi32>
      %gather3A_302 = tpu.dynamic_gather %scan3A_166#2[%gather3A_301] in [0] : vector<16xf32>, vector<16xi32> -> vector<16xf32>
      %add3A_303 = arith.addf %scan3A_166#2, %gather3A_302 : vector<16xf32>
      %xor3A_304 = arith.constant 4 : i32
      %xor3A_305 = vector.broadcast %xor3A_304 : i32 to vector<16xi32>
      %xor3A_306 = arith.xori %iota3A_168, %xor3A_305 : vector<16xi32>
      %lt3A_307 = arith.constant 0 : i32
      %lt3A_308 = vector.broadcast %lt3A_307 : i32 to vector<16xi32>
      %lt3A_309 = arith.cmpi slt, %xor3A_306, %lt3A_308 : vector<16xi32>
      %add3A_310 = arith.constant 16 : i32
      %add3A_311 = vector.broadcast %add3A_310 : i32 to vector<16xi32>
      %add3A_312 = arith.addi %xor3A_306, %add3A_311 : vector<16xi32>
      %select_n3A_313 = arith.select %lt3A_309, %add3A_312, %xor3A_306 : vector<16xi1>, vector<16xi32>
      %broadcast_in_dim3A_314 = vector.shape_cast %select_n3A_313 : vector<16xi32> to vector<16x1xi32>
      %gather3A_315 = vector.shape_cast %broadcast_in_dim3A_314 : vector<16x1xi32> to vector<16xi32>
      %gather3A_316 = tpu.dynamic_gather %add3A_303[%gather3A_315] in [0] : vector<16xf32>, vector<16xi32> -> vector<16xf32>
      %add3A_317 = arith.addf %add3A_303, %gather3A_316 : vector<16xf32>
      %xor3A_318 = arith.constant 2 : i32
      %xor3A_319 = vector.broadcast %xor3A_318 : i32 to vector<16xi32>
      %xor3A_320 = arith.xori %iota3A_168, %xor3A_319 : vector<16xi32>
      %lt3A_321 = arith.constant 0 : i32
      %lt3A_322 = vector.broadcast %lt3A_321 : i32 to vector<16xi32>
      %lt3A_323 = arith.cmpi slt, %xor3A_320, %lt3A_322 : vector<16xi32>
      %add3A_324 = arith.constant 16 : i32
      %add3A_325 = vector.broadcast %add3A_324 : i32 to vector<16xi32>
      %add3A_326 = arith.addi %xor3A_320, %add3A_325 : vector<16xi32>
      %select_n3A_327 = arith.select %lt3A_323, %add3A_326, %xor3A_320 : vector<16xi1>, vector<16xi32>
      %broadcast_in_dim3A_328 = vector.shape_cast %select_n3A_327 : vector<16xi32> to vector<16x1xi32>
      %gather3A_329 = vector.shape_cast %broadcast_in_dim3A_328 : vector<16x1xi32> to vector<16xi32>
      %gather3A_330 = tpu.dynamic_gather %add3A_317[%gather3A_329] in [0] : vector<16xf32>, vector<16xi32> -> vector<16xf32>
      %add3A_331 = arith.addf %add3A_317, %gather3A_330 : vector<16xf32>
      %xor3A_332 = arith.constant 1 : i32
      %xor3A_333 = vector.broadcast %xor3A_332 : i32 to vector<16xi32>
      %xor3A_334 = arith.xori %iota3A_168, %xor3A_333 : vector<16xi32>
      %lt3A_335 = arith.constant 0 : i32
      %lt3A_336 = vector.broadcast %lt3A_335 : i32 to vector<16xi32>
      %lt3A_337 = arith.cmpi slt, %xor3A_334, %lt3A_336 : vector<16xi32>
      %add3A_338 = arith.constant 16 : i32
      %add3A_339 = vector.broadcast %add3A_338 : i32 to vector<16xi32>
      %add3A_340 = arith.addi %xor3A_334, %add3A_339 : vector<16xi32>
      %select_n3A_341 = arith.select %lt3A_337, %add3A_340, %xor3A_334 : vector<16xi1>, vector<16xi32>
      %broadcast_in_dim3A_342 = vector.shape_cast %select_n3A_341 : vector<16xi32> to vector<16x1xi32>
      %gather3A_343 = vector.shape_cast %broadcast_in_dim3A_342 : vector<16x1xi32> to vector<16xi32>
      %gather3A_344 = tpu.dynamic_gather %add3A_331[%gather3A_343] in [0] : vector<16xf32>, vector<16xi32> -> vector<16xf32>
      %add3A_345 = arith.addf %add3A_331, %gather3A_344 : vector<16xf32>
      %select_n3A_346 = arith.select %eq3A_289, %add3A_345, %select_n3A_286 : vector<16xi1>, vector<16xf32>
      %eq3A_347 = arith.constant 3 : i32
      %eq3A_348 = vector.broadcast %eq3A_347 : i32 to vector<16xi32>
      %eq3A_349 = arith.cmpi eq, %iota3A_168, %eq3A_348 : vector<16xi32>
      %xor3A_350 = arith.constant 8 : i32
      %xor3A_351 = vector.broadcast %xor3A_350 : i32 to vector<16xi32>
      %xor3A_352 = arith.xori %iota3A_168, %xor3A_351 : vector<16xi32>
      %lt3A_353 = arith.constant 0 : i32
      %lt3A_354 = vector.broadcast %lt3A_353 : i32 to vector<16xi32>
      %lt3A_355 = arith.cmpi slt, %xor3A_352, %lt3A_354 : vector<16xi32>
      %add3A_356 = arith.constant 16 : i32
      %add3A_357 = vector.broadcast %add3A_356 : i32 to vector<16xi32>
      %add3A_358 = arith.addi %xor3A_352, %add3A_357 : vector<16xi32>
      %select_n3A_359 = arith.select %lt3A_355, %add3A_358, %xor3A_352 : vector<16xi1>, vector<16xi32>
      %broadcast_in_dim3A_360 = vector.shape_cast %select_n3A_359 : vector<16xi32> to vector<16x1xi32>
      %gather3A_361 = vector.shape_cast %broadcast_in_dim3A_360 : vector<16x1xi32> to vector<16xi32>
      %gather3A_362 = tpu.dynamic_gather %scan3A_166#3[%gather3A_361] in [0] : vector<16xf32>, vector<16xi32> -> vector<16xf32>
      %add3A_363 = arith.addf %scan3A_166#3, %gather3A_362 : vector<16xf32>
      %xor3A_364 = arith.constant 4 : i32
      %xor3A_365 = vector.broadcast %xor3A_364 : i32 to vector<16xi32>
      %xor3A_366 = arith.xori %iota3A_168, %xor3A_365 : vector<16xi32>
      %lt3A_367 = arith.constant 0 : i32
      %lt3A_368 = vector.broadcast %lt3A_367 : i32 to vector<16xi32>
      %lt3A_369 = arith.cmpi slt, %xor3A_366, %lt3A_368 : vector<16xi32>
      %add3A_370 = arith.constant 16 : i32
      %add3A_371 = vector.broadcast %add3A_370 : i32 to vector<16xi32>
      %add3A_372 = arith.addi %xor3A_366, %add3A_371 : vector<16xi32>
      %select_n3A_373 = arith.select %lt3A_369, %add3A_372, %xor3A_366 : vector<16xi1>, vector<16xi32>
      %broadcast_in_dim3A_374 = vector.shape_cast %select_n3A_373 : vector<16xi32> to vector<16x1xi32>
      %gather3A_375 = vector.shape_cast %broadcast_in_dim3A_374 : vector<16x1xi32> to vector<16xi32>
      %gather3A_376 = tpu.dynamic_gather %add3A_363[%gather3A_375] in [0] : vector<16xf32>, vector<16xi32> -> vector<16xf32>
      %add3A_377 = arith.addf %add3A_363, %gather3A_376 : vector<16xf32>
      %xor3A_378 = arith.constant 2 : i32
      %xor3A_379 = vector.broadcast %xor3A_378 : i32 to vector<16xi32>
      %xor3A_380 = arith.xori %iota3A_168, %xor3A_379 : vector<16xi32>
      %lt3A_381 = arith.constant 0 : i32
      %lt3A_382 = vector.broadcast %lt3A_381 : i32 to vector<16xi32>
      %lt3A_383 = arith.cmpi slt, %xor3A_380, %lt3A_382 : vector<16xi32>
      %add3A_384 = arith.constant 16 : i32
      %add3A_385 = vector.broadcast %add3A_384 : i32 to vector<16xi32>
      %add3A_386 = arith.addi %xor3A_380, %add3A_385 : vector<16xi32>
      %select_n3A_387 = arith.select %lt3A_383, %add3A_386, %xor3A_380 : vector<16xi1>, vector<16xi32>
      %broadcast_in_dim3A_388 = vector.shape_cast %select_n3A_387 : vector<16xi32> to vector<16x1xi32>
      %gather3A_389 = vector.shape_cast %broadcast_in_dim3A_388 : vector<16x1xi32> to vector<16xi32>
      %gather3A_390 = tpu.dynamic_gather %add3A_377[%gather3A_389] in [0] : vector<16xf32>, vector<16xi32> -> vector<16xf32>
      %add3A_391 = arith.addf %add3A_377, %gather3A_390 : vector<16xf32>
      %xor3A_392 = arith.constant 1 : i32
      %xor3A_393 = vector.broadcast %xor3A_392 : i32 to vector<16xi32>
      %xor3A_394 = arith.xori %iota3A_168, %xor3A_393 : vector<16xi32>
      %lt3A_395 = arith.constant 0 : i32
      %lt3A_396 = vector.broadcast %lt3A_395 : i32 to vector<16xi32>
      %lt3A_397 = arith.cmpi slt, %xor3A_394, %lt3A_396 : vector<16xi32>
      %add3A_398 = arith.constant 16 : i32
      %add3A_399 = vector.broadcast %add3A_398 : i32 to vector<16xi32>
      %add3A_400 = arith.addi %xor3A_394, %add3A_399 : vector<16xi32>
      %select_n3A_401 = arith.select %lt3A_397, %add3A_400, %xor3A_394 : vector<16xi1>, vector<16xi32>
      %broadcast_in_dim3A_402 = vector.shape_cast %select_n3A_401 : vector<16xi32> to vector<16x1xi32>
      %gather3A_403 = vector.shape_cast %broadcast_in_dim3A_402 : vector<16x1xi32> to vector<16xi32>
      %gather3A_404 = tpu.dynamic_gather %add3A_391[%gather3A_403] in [0] : vector<16xf32>, vector<16xi32> -> vector<16xf32>
      %add3A_405 = arith.addf %add3A_391, %gather3A_404 : vector<16xf32>
      %select_n3A_406 = arith.select %eq3A_349, %add3A_405, %select_n3A_346 : vector<16xi1>, vector<16xf32>
      %eq3A_407 = arith.constant 4 : i32
      %eq3A_408 = vector.broadcast %eq3A_407 : i32 to vector<16xi32>
      %eq3A_409 = arith.cmpi eq, %iota3A_168, %eq3A_408 : vector<16xi32>
      %xor3A_410 = arith.constant 8 : i32
      %xor3A_411 = vector.broadcast %xor3A_410 : i32 to vector<16xi32>
      %xor3A_412 = arith.xori %iota3A_168, %xor3A_411 : vector<16xi32>
      %lt3A_413 = arith.constant 0 : i32
      %lt3A_414 = vector.broadcast %lt3A_413 : i32 to vector<16xi32>
      %lt3A_415 = arith.cmpi slt, %xor3A_412, %lt3A_414 : vector<16xi32>
      %add3A_416 = arith.constant 16 : i32
      %add3A_417 = vector.broadcast %add3A_416 : i32 to vector<16xi32>
      %add3A_418 = arith.addi %xor3A_412, %add3A_417 : vector<16xi32>
      %select_n3A_419 = arith.select %lt3A_415, %add3A_418, %xor3A_412 : vector<16xi1>, vector<16xi32>
      %broadcast_in_dim3A_420 = vector.shape_cast %select_n3A_419 : vector<16xi32> to vector<16x1xi32>
      %gather3A_421 = vector.shape_cast %broadcast_in_dim3A_420 : vector<16x1xi32> to vector<16xi32>
      %gather3A_422 = tpu.dynamic_gather %scan3A_166#4[%gather3A_421] in [0] : vector<16xf32>, vector<16xi32> -> vector<16xf32>
      %add3A_423 = arith.addf %scan3A_166#4, %gather3A_422 : vector<16xf32>
      %xor3A_424 = arith.constant 4 : i32
      %xor3A_425 = vector.broadcast %xor3A_424 : i32 to vector<16xi32>
      %xor3A_426 = arith.xori %iota3A_168, %xor3A_425 : vector<16xi32>
      %lt3A_427 = arith.constant 0 : i32
      %lt3A_428 = vector.broadcast %lt3A_427 : i32 to vector<16xi32>
      %lt3A_429 = arith.cmpi slt, %xor3A_426, %lt3A_428 : vector<16xi32>
      %add3A_430 = arith.constant 16 : i32
      %add3A_431 = vector.broadcast %add3A_430 : i32 to vector<16xi32>
      %add3A_432 = arith.addi %xor3A_426, %add3A_431 : vector<16xi32>
      %select_n3A_433 = arith.select %lt3A_429, %add3A_432, %xor3A_426 : vector<16xi1>, vector<16xi32>
      %broadcast_in_dim3A_434 = vector.shape_cast %select_n3A_433 : vector<16xi32> to vector<16x1xi32>
      %gather3A_435 = vector.shape_cast %broadcast_in_dim3A_434 : vector<16x1xi32> to vector<16xi32>
      %gather3A_436 = tpu.dynamic_gather %add3A_423[%gather3A_435] in [0] : vector<16xf32>, vector<16xi32> -> vector<16xf32>
      %add3A_437 = arith.addf %add3A_423, %gather3A_436 : vector<16xf32>
      %xor3A_438 = arith.constant 2 : i32
      %xor3A_439 = vector.broadcast %xor3A_438 : i32 to vector<16xi32>
      %xor3A_440 = arith.xori %iota3A_168, %xor3A_439 : vector<16xi32>
      %lt3A_441 = arith.constant 0 : i32
      %lt3A_442 = vector.broadcast %lt3A_441 : i32 to vector<16xi32>
      %lt3A_443 = arith.cmpi slt, %xor3A_440, %lt3A_442 : vector<16xi32>
      %add3A_444 = arith.constant 16 : i32
      %add3A_445 = vector.broadcast %add3A_444 : i32 to vector<16xi32>
      %add3A_446 = arith.addi %xor3A_440, %add3A_445 : vector<16xi32>
      %select_n3A_447 = arith.select %lt3A_443, %add3A_446, %xor3A_440 : vector<16xi1>, vector<16xi32>
      %broadcast_in_dim3A_448 = vector.shape_cast %select_n3A_447 : vector<16xi32> to vector<16x1xi32>
      %gather3A_449 = vector.shape_cast %broadcast_in_dim3A_448 : vector<16x1xi32> to vector<16xi32>
      %gather3A_450 = tpu.dynamic_gather %add3A_437[%gather3A_449] in [0] : vector<16xf32>, vector<16xi32> -> vector<16xf32>
      %add3A_451 = arith.addf %add3A_437, %gather3A_450 : vector<16xf32>
      %xor3A_452 = arith.constant 1 : i32
      %xor3A_453 = vector.broadcast %xor3A_452 : i32 to vector<16xi32>
      %xor3A_454 = arith.xori %iota3A_168, %xor3A_453 : vector<16xi32>
      %lt3A_455 = arith.constant 0 : i32
      %lt3A_456 = vector.broadcast %lt3A_455 : i32 to vector<16xi32>
      %lt3A_457 = arith.cmpi slt, %xor3A_454, %lt3A_456 : vector<16xi32>
      %add3A_458 = arith.constant 16 : i32
      %add3A_459 = vector.broadcast %add3A_458 : i32 to vector<16xi32>
      %add3A_460 = arith.addi %xor3A_454, %add3A_459 : vector<16xi32>
      %select_n3A_461 = arith.select %lt3A_457, %add3A_460, %xor3A_454 : vector<16xi1>, vector<16xi32>
      %broadcast_in_dim3A_462 = vector.shape_cast %select_n3A_461 : vector<16xi32> to vector<16x1xi32>
      %gather3A_463 = vector.shape_cast %broadcast_in_dim3A_462 : vector<16x1xi32> to vector<16xi32>
      %gather3A_464 = tpu.dynamic_gather %add3A_451[%gather3A_463] in [0] : vector<16xf32>, vector<16xi32> -> vector<16xf32>
      %add3A_465 = arith.addf %add3A_451, %gather3A_464 : vector<16xf32>
      %select_n3A_466 = arith.select %eq3A_409, %add3A_465, %select_n3A_406 : vector<16xi1>, vector<16xf32>
      %eq3A_467 = arith.constant 5 : i32
      %eq3A_468 = vector.broadcast %eq3A_467 : i32 to vector<16xi32>
      %eq3A_469 = arith.cmpi eq, %iota3A_168, %eq3A_468 : vector<16xi32>
      %xor3A_470 = arith.constant 8 : i32
      %xor3A_471 = vector.broadcast %xor3A_470 : i32 to vector<16xi32>
      %xor3A_472 = arith.xori %iota3A_168, %xor3A_471 : vector<16xi32>
      %lt3A_473 = arith.constant 0 : i32
      %lt3A_474 = vector.broadcast %lt3A_473 : i32 to vector<16xi32>
      %lt3A_475 = arith.cmpi slt, %xor3A_472, %lt3A_474 : vector<16xi32>
      %add3A_476 = arith.constant 16 : i32
      %add3A_477 = vector.broadcast %add3A_476 : i32 to vector<16xi32>
      %add3A_478 = arith.addi %xor3A_472, %add3A_477 : vector<16xi32>
      %select_n3A_479 = arith.select %lt3A_475, %add3A_478, %xor3A_472 : vector<16xi1>, vector<16xi32>
      %broadcast_in_dim3A_480 = vector.shape_cast %select_n3A_479 : vector<16xi32> to vector<16x1xi32>
      %gather3A_481 = vector.shape_cast %broadcast_in_dim3A_480 : vector<16x1xi32> to vector<16xi32>
      %gather3A_482 = tpu.dynamic_gather %scan3A_166#5[%gather3A_481] in [0] : vector<16xf32>, vector<16xi32> -> vector<16xf32>
      %add3A_483 = arith.addf %scan3A_166#5, %gather3A_482 : vector<16xf32>
      %xor3A_484 = arith.constant 4 : i32
      %xor3A_485 = vector.broadcast %xor3A_484 : i32 to vector<16xi32>
      %xor3A_486 = arith.xori %iota3A_168, %xor3A_485 : vector<16xi32>
      %lt3A_487 = arith.constant 0 : i32
      %lt3A_488 = vector.broadcast %lt3A_487 : i32 to vector<16xi32>
      %lt3A_489 = arith.cmpi slt, %xor3A_486, %lt3A_488 : vector<16xi32>
      %add3A_490 = arith.constant 16 : i32
      %add3A_491 = vector.broadcast %add3A_490 : i32 to vector<16xi32>
      %add3A_492 = arith.addi %xor3A_486, %add3A_491 : vector<16xi32>
      %select_n3A_493 = arith.select %lt3A_489, %add3A_492, %xor3A_486 : vector<16xi1>, vector<16xi32>
      %broadcast_in_dim3A_494 = vector.shape_cast %select_n3A_493 : vector<16xi32> to vector<16x1xi32>
      %gather3A_495 = vector.shape_cast %broadcast_in_dim3A_494 : vector<16x1xi32> to vector<16xi32>
      %gather3A_496 = tpu.dynamic_gather %add3A_483[%gather3A_495] in [0] : vector<16xf32>, vector<16xi32> -> vector<16xf32>
      %add3A_497 = arith.addf %add3A_483, %gather3A_496 : vector<16xf32>
      %xor3A_498 = arith.constant 2 : i32
      %xor3A_499 = vector.broadcast %xor3A_498 : i32 to vector<16xi32>
      %xor3A_500 = arith.xori %iota3A_168, %xor3A_499 : vector<16xi32>
      %lt3A_501 = arith.constant 0 : i32
      %lt3A_502 = vector.broadcast %lt3A_501 : i32 to vector<16xi32>
      %lt3A_503 = arith.cmpi slt, %xor3A_500, %lt3A_502 : vector<16xi32>
      %add3A_504 = arith.constant 16 : i32
      %add3A_505 = vector.broadcast %add3A_504 : i32 to vector<16xi32>
      %add3A_506 = arith.addi %xor3A_500, %add3A_505 : vector<16xi32>
      %select_n3A_507 = arith.select %lt3A_503, %add3A_506, %xor3A_500 : vector<16xi1>, vector<16xi32>
      %broadcast_in_dim3A_508 = vector.shape_cast %select_n3A_507 : vector<16xi32> to vector<16x1xi32>
      %gather3A_509 = vector.shape_cast %broadcast_in_dim3A_508 : vector<16x1xi32> to vector<16xi32>
      %gather3A_510 = tpu.dynamic_gather %add3A_497[%gather3A_509] in [0] : vector<16xf32>, vector<16xi32> -> vector<16xf32>
      %add3A_511 = arith.addf %add3A_497, %gather3A_510 : vector<16xf32>
      %xor3A_512 = arith.constant 1 : i32
      %xor3A_513 = vector.broadcast %xor3A_512 : i32 to vector<16xi32>
      %xor3A_514 = arith.xori %iota3A_168, %xor3A_513 : vector<16xi32>
      %lt3A_515 = arith.constant 0 : i32
      %lt3A_516 = vector.broadcast %lt3A_515 : i32 to vector<16xi32>
      %lt3A_517 = arith.cmpi slt, %xor3A_514, %lt3A_516 : vector<16xi32>
      %add3A_518 = arith.constant 16 : i32
      %add3A_519 = vector.broadcast %add3A_518 : i32 to vector<16xi32>
      %add3A_520 = arith.addi %xor3A_514, %add3A_519 : vector<16xi32>
      %select_n3A_521 = arith.select %lt3A_517, %add3A_520, %xor3A_514 : vector<16xi1>, vector<16xi32>
      %broadcast_in_dim3A_522 = vector.shape_cast %select_n3A_521 : vector<16xi32> to vector<16x1xi32>
      %gather3A_523 = vector.shape_cast %broadcast_in_dim3A_522 : vector<16x1xi32> to vector<16xi32>
      %gather3A_524 = tpu.dynamic_gather %add3A_511[%gather3A_523] in [0] : vector<16xf32>, vector<16xi32> -> vector<16xf32>
      %add3A_525 = arith.addf %add3A_511, %gather3A_524 : vector<16xf32>
      %select_n3A_526 = arith.select %eq3A_469, %add3A_525, %select_n3A_466 : vector<16xi1>, vector<16xf32>
      %eq3A_527 = arith.constant 6 : i32
      %eq3A_528 = vector.broadcast %eq3A_527 : i32 to vector<16xi32>
      %eq3A_529 = arith.cmpi eq, %iota3A_168, %eq3A_528 : vector<16xi32>
      %xor3A_530 = arith.constant 8 : i32
      %xor3A_531 = vector.broadcast %xor3A_530 : i32 to vector<16xi32>
      %xor3A_532 = arith.xori %iota3A_168, %xor3A_531 : vector<16xi32>
      %lt3A_533 = arith.constant 0 : i32
      %lt3A_534 = vector.broadcast %lt3A_533 : i32 to vector<16xi32>
      %lt3A_535 = arith.cmpi slt, %xor3A_532, %lt3A_534 : vector<16xi32>
      %add3A_536 = arith.constant 16 : i32
      %add3A_537 = vector.broadcast %add3A_536 : i32 to vector<16xi32>
      %add3A_538 = arith.addi %xor3A_532, %add3A_537 : vector<16xi32>
      %select_n3A_539 = arith.select %lt3A_535, %add3A_538, %xor3A_532 : vector<16xi1>, vector<16xi32>
      %broadcast_in_dim3A_540 = vector.shape_cast %select_n3A_539 : vector<16xi32> to vector<16x1xi32>
      %gather3A_541 = vector.shape_cast %broadcast_in_dim3A_540 : vector<16x1xi32> to vector<16xi32>
      %gather3A_542 = tpu.dynamic_gather %scan3A_166#6[%gather3A_541] in [0] : vector<16xf32>, vector<16xi32> -> vector<16xf32>
      %add3A_543 = arith.addf %scan3A_166#6, %gather3A_542 : vector<16xf32>
      %xor3A_544 = arith.constant 4 : i32
      %xor3A_545 = vector.broadcast %xor3A_544 : i32 to vector<16xi32>
      %xor3A_546 = arith.xori %iota3A_168, %xor3A_545 : vector<16xi32>
      %lt3A_547 = arith.constant 0 : i32
      %lt3A_548 = vector.broadcast %lt3A_547 : i32 to vector<16xi32>
      %lt3A_549 = arith.cmpi slt, %xor3A_546, %lt3A_548 : vector<16xi32>
      %add3A_550 = arith.constant 16 : i32
      %add3A_551 = vector.broadcast %add3A_550 : i32 to vector<16xi32>
      %add3A_552 = arith.addi %xor3A_546, %add3A_551 : vector<16xi32>
      %select_n3A_553 = arith.select %lt3A_549, %add3A_552, %xor3A_546 : vector<16xi1>, vector<16xi32>
      %broadcast_in_dim3A_554 = vector.shape_cast %select_n3A_553 : vector<16xi32> to vector<16x1xi32>
      %gather3A_555 = vector.shape_cast %broadcast_in_dim3A_554 : vector<16x1xi32> to vector<16xi32>
      %gather3A_556 = tpu.dynamic_gather %add3A_543[%gather3A_555] in [0] : vector<16xf32>, vector<16xi32> -> vector<16xf32>
      %add3A_557 = arith.addf %add3A_543, %gather3A_556 : vector<16xf32>
      %xor3A_558 = arith.constant 2 : i32
      %xor3A_559 = vector.broadcast %xor3A_558 : i32 to vector<16xi32>
      %xor3A_560 = arith.xori %iota3A_168, %xor3A_559 : vector<16xi32>
      %lt3A_561 = arith.constant 0 : i32
      %lt3A_562 = vector.broadcast %lt3A_561 : i32 to vector<16xi32>
      %lt3A_563 = arith.cmpi slt, %xor3A_560, %lt3A_562 : vector<16xi32>
      %add3A_564 = arith.constant 16 : i32
      %add3A_565 = vector.broadcast %add3A_564 : i32 to vector<16xi32>
      %add3A_566 = arith.addi %xor3A_560, %add3A_565 : vector<16xi32>
      %select_n3A_567 = arith.select %lt3A_563, %add3A_566, %xor3A_560 : vector<16xi1>, vector<16xi32>
      %broadcast_in_dim3A_568 = vector.shape_cast %select_n3A_567 : vector<16xi32> to vector<16x1xi32>
      %gather3A_569 = vector.shape_cast %broadcast_in_dim3A_568 : vector<16x1xi32> to vector<16xi32>
      %gather3A_570 = tpu.dynamic_gather %add3A_557[%gather3A_569] in [0] : vector<16xf32>, vector<16xi32> -> vector<16xf32>
      %add3A_571 = arith.addf %add3A_557, %gather3A_570 : vector<16xf32>
      %xor3A_572 = arith.constant 1 : i32
      %xor3A_573 = vector.broadcast %xor3A_572 : i32 to vector<16xi32>
      %xor3A_574 = arith.xori %iota3A_168, %xor3A_573 : vector<16xi32>
      %lt3A_575 = arith.constant 0 : i32
      %lt3A_576 = vector.broadcast %lt3A_575 : i32 to vector<16xi32>
      %lt3A_577 = arith.cmpi slt, %xor3A_574, %lt3A_576 : vector<16xi32>
      %add3A_578 = arith.constant 16 : i32
      %add3A_579 = vector.broadcast %add3A_578 : i32 to vector<16xi32>
      %add3A_580 = arith.addi %xor3A_574, %add3A_579 : vector<16xi32>
      %select_n3A_581 = arith.select %lt3A_577, %add3A_580, %xor3A_574 : vector<16xi1>, vector<16xi32>
      %broadcast_in_dim3A_582 = vector.shape_cast %select_n3A_581 : vector<16xi32> to vector<16x1xi32>
      %gather3A_583 = vector.shape_cast %broadcast_in_dim3A_582 : vector<16x1xi32> to vector<16xi32>
      %gather3A_584 = tpu.dynamic_gather %add3A_571[%gather3A_583] in [0] : vector<16xf32>, vector<16xi32> -> vector<16xf32>
      %add3A_585 = arith.addf %add3A_571, %gather3A_584 : vector<16xf32>
      %select_n3A_586 = arith.select %eq3A_529, %add3A_585, %select_n3A_526 : vector<16xi1>, vector<16xf32>
      %eq3A_587 = arith.constant 7 : i32
      %eq3A_588 = vector.broadcast %eq3A_587 : i32 to vector<16xi32>
      %eq3A_589 = arith.cmpi eq, %iota3A_168, %eq3A_588 : vector<16xi32>
      %xor3A_590 = arith.constant 8 : i32
      %xor3A_591 = vector.broadcast %xor3A_590 : i32 to vector<16xi32>
      %xor3A_592 = arith.xori %iota3A_168, %xor3A_591 : vector<16xi32>
      %lt3A_593 = arith.constant 0 : i32
      %lt3A_594 = vector.broadcast %lt3A_593 : i32 to vector<16xi32>
      %lt3A_595 = arith.cmpi slt, %xor3A_592, %lt3A_594 : vector<16xi32>
      %add3A_596 = arith.constant 16 : i32
      %add3A_597 = vector.broadcast %add3A_596 : i32 to vector<16xi32>
      %add3A_598 = arith.addi %xor3A_592, %add3A_597 : vector<16xi32>
      %select_n3A_599 = arith.select %lt3A_595, %add3A_598, %xor3A_592 : vector<16xi1>, vector<16xi32>
      %broadcast_in_dim3A_600 = vector.shape_cast %select_n3A_599 : vector<16xi32> to vector<16x1xi32>
      %gather3A_601 = vector.shape_cast %broadcast_in_dim3A_600 : vector<16x1xi32> to vector<16xi32>
      %gather3A_602 = tpu.dynamic_gather %scan3A_166#7[%gather3A_601] in [0] : vector<16xf32>, vector<16xi32> -> vector<16xf32>
      %add3A_603 = arith.addf %scan3A_166#7, %gather3A_602 : vector<16xf32>
      %xor3A_604 = arith.constant 4 : i32
      %xor3A_605 = vector.broadcast %xor3A_604 : i32 to vector<16xi32>
      %xor3A_606 = arith.xori %iota3A_168, %xor3A_605 : vector<16xi32>
      %lt3A_607 = arith.constant 0 : i32
      %lt3A_608 = vector.broadcast %lt3A_607 : i32 to vector<16xi32>
      %lt3A_609 = arith.cmpi slt, %xor3A_606, %lt3A_608 : vector<16xi32>
      %add3A_610 = arith.constant 16 : i32
      %add3A_611 = vector.broadcast %add3A_610 : i32 to vector<16xi32>
      %add3A_612 = arith.addi %xor3A_606, %add3A_611 : vector<16xi32>
      %select_n3A_613 = arith.select %lt3A_609, %add3A_612, %xor3A_606 : vector<16xi1>, vector<16xi32>
      %broadcast_in_dim3A_614 = vector.shape_cast %select_n3A_613 : vector<16xi32> to vector<16x1xi32>
      %gather3A_615 = vector.shape_cast %broadcast_in_dim3A_614 : vector<16x1xi32> to vector<16xi32>
      %gather3A_616 = tpu.dynamic_gather %add3A_603[%gather3A_615] in [0] : vector<16xf32>, vector<16xi32> -> vector<16xf32>
      %add3A_617 = arith.addf %add3A_603, %gather3A_616 : vector<16xf32>
      %xor3A_618 = arith.constant 2 : i32
      %xor3A_619 = vector.broadcast %xor3A_618 : i32 to vector<16xi32>
      %xor3A_620 = arith.xori %iota3A_168, %xor3A_619 : vector<16xi32>
      %lt3A_621 = arith.constant 0 : i32
      %lt3A_622 = vector.broadcast %lt3A_621 : i32 to vector<16xi32>
      %lt3A_623 = arith.cmpi slt, %xor3A_620, %lt3A_622 : vector<16xi32>
      %add3A_624 = arith.constant 16 : i32
      %add3A_625 = vector.broadcast %add3A_624 : i32 to vector<16xi32>
      %add3A_626 = arith.addi %xor3A_620, %add3A_625 : vector<16xi32>
      %select_n3A_627 = arith.select %lt3A_623, %add3A_626, %xor3A_620 : vector<16xi1>, vector<16xi32>
      %broadcast_in_dim3A_628 = vector.shape_cast %select_n3A_627 : vector<16xi32> to vector<16x1xi32>
      %gather3A_629 = vector.shape_cast %broadcast_in_dim3A_628 : vector<16x1xi32> to vector<16xi32>
      %gather3A_630 = tpu.dynamic_gather %add3A_617[%gather3A_629] in [0] : vector<16xf32>, vector<16xi32> -> vector<16xf32>
      %add3A_631 = arith.addf %add3A_617, %gather3A_630 : vector<16xf32>
      %xor3A_632 = arith.constant 1 : i32
      %xor3A_633 = vector.broadcast %xor3A_632 : i32 to vector<16xi32>
      %xor3A_634 = arith.xori %iota3A_168, %xor3A_633 : vector<16xi32>
      %lt3A_635 = arith.constant 0 : i32
      %lt3A_636 = vector.broadcast %lt3A_635 : i32 to vector<16xi32>
      %lt3A_637 = arith.cmpi slt, %xor3A_634, %lt3A_636 : vector<16xi32>
      %add3A_638 = arith.constant 16 : i32
      %add3A_639 = vector.broadcast %add3A_638 : i32 to vector<16xi32>
      %add3A_640 = arith.addi %xor3A_634, %add3A_639 : vector<16xi32>
      %select_n3A_641 = arith.select %lt3A_637, %add3A_640, %xor3A_634 : vector<16xi1>, vector<16xi32>
      %broadcast_in_dim3A_642 = vector.shape_cast %select_n3A_641 : vector<16xi32> to vector<16x1xi32>
      %gather3A_643 = vector.shape_cast %broadcast_in_dim3A_642 : vector<16x1xi32> to vector<16xi32>
      %gather3A_644 = tpu.dynamic_gather %add3A_631[%gather3A_643] in [0] : vector<16xf32>, vector<16xi32> -> vector<16xf32>
      %add3A_645 = arith.addf %add3A_631, %gather3A_644 : vector<16xf32>
      %select_n3A_646 = arith.select %eq3A_589, %add3A_645, %select_n3A_586 : vector<16xi1>, vector<16xf32>
      %eq3A_647 = arith.constant 8 : i32
      %eq3A_648 = vector.broadcast %eq3A_647 : i32 to vector<16xi32>
      %eq3A_649 = arith.cmpi eq, %iota3A_168, %eq3A_648 : vector<16xi32>
      %xor3A_650 = arith.constant 8 : i32
      %xor3A_651 = vector.broadcast %xor3A_650 : i32 to vector<16xi32>
      %xor3A_652 = arith.xori %iota3A_168, %xor3A_651 : vector<16xi32>
      %lt3A_653 = arith.constant 0 : i32
      %lt3A_654 = vector.broadcast %lt3A_653 : i32 to vector<16xi32>
      %lt3A_655 = arith.cmpi slt, %xor3A_652, %lt3A_654 : vector<16xi32>
      %add3A_656 = arith.constant 16 : i32
      %add3A_657 = vector.broadcast %add3A_656 : i32 to vector<16xi32>
      %add3A_658 = arith.addi %xor3A_652, %add3A_657 : vector<16xi32>
      %select_n3A_659 = arith.select %lt3A_655, %add3A_658, %xor3A_652 : vector<16xi1>, vector<16xi32>
      %broadcast_in_dim3A_660 = vector.shape_cast %select_n3A_659 : vector<16xi32> to vector<16x1xi32>
      %gather3A_661 = vector.shape_cast %broadcast_in_dim3A_660 : vector<16x1xi32> to vector<16xi32>
      %gather3A_662 = tpu.dynamic_gather %scan3A_166#8[%gather3A_661] in [0] : vector<16xf32>, vector<16xi32> -> vector<16xf32>
      %add3A_663 = arith.addf %scan3A_166#8, %gather3A_662 : vector<16xf32>
      %xor3A_664 = arith.constant 4 : i32
      %xor3A_665 = vector.broadcast %xor3A_664 : i32 to vector<16xi32>
      %xor3A_666 = arith.xori %iota3A_168, %xor3A_665 : vector<16xi32>
      %lt3A_667 = arith.constant 0 : i32
      %lt3A_668 = vector.broadcast %lt3A_667 : i32 to vector<16xi32>
      %lt3A_669 = arith.cmpi slt, %xor3A_666, %lt3A_668 : vector<16xi32>
      %add3A_670 = arith.constant 16 : i32
      %add3A_671 = vector.broadcast %add3A_670 : i32 to vector<16xi32>
      %add3A_672 = arith.addi %xor3A_666, %add3A_671 : vector<16xi32>
      %select_n3A_673 = arith.select %lt3A_669, %add3A_672, %xor3A_666 : vector<16xi1>, vector<16xi32>
      %broadcast_in_dim3A_674 = vector.shape_cast %select_n3A_673 : vector<16xi32> to vector<16x1xi32>
      %gather3A_675 = vector.shape_cast %broadcast_in_dim3A_674 : vector<16x1xi32> to vector<16xi32>
      %gather3A_676 = tpu.dynamic_gather %add3A_663[%gather3A_675] in [0] : vector<16xf32>, vector<16xi32> -> vector<16xf32>
      %add3A_677 = arith.addf %add3A_663, %gather3A_676 : vector<16xf32>
      %xor3A_678 = arith.constant 2 : i32
      %xor3A_679 = vector.broadcast %xor3A_678 : i32 to vector<16xi32>
      %xor3A_680 = arith.xori %iota3A_168, %xor3A_679 : vector<16xi32>
      %lt3A_681 = arith.constant 0 : i32
      %lt3A_682 = vector.broadcast %lt3A_681 : i32 to vector<16xi32>
      %lt3A_683 = arith.cmpi slt, %xor3A_680, %lt3A_682 : vector<16xi32>
      %add3A_684 = arith.constant 16 : i32
      %add3A_685 = vector.broadcast %add3A_684 : i32 to vector<16xi32>
      %add3A_686 = arith.addi %xor3A_680, %add3A_685 : vector<16xi32>
      %select_n3A_687 = arith.select %lt3A_683, %add3A_686, %xor3A_680 : vector<16xi1>, vector<16xi32>
      %broadcast_in_dim3A_688 = vector.shape_cast %select_n3A_687 : vector<16xi32> to vector<16x1xi32>
      %gather3A_689 = vector.shape_cast %broadcast_in_dim3A_688 : vector<16x1xi32> to vector<16xi32>
      %gather3A_690 = tpu.dynamic_gather %add3A_677[%gather3A_689] in [0] : vector<16xf32>, vector<16xi32> -> vector<16xf32>
      %add3A_691 = arith.addf %add3A_677, %gather3A_690 : vector<16xf32>
      %xor3A_692 = arith.constant 1 : i32
      %xor3A_693 = vector.broadcast %xor3A_692 : i32 to vector<16xi32>
      %xor3A_694 = arith.xori %iota3A_168, %xor3A_693 : vector<16xi32>
      %lt3A_695 = arith.constant 0 : i32
      %lt3A_696 = vector.broadcast %lt3A_695 : i32 to vector<16xi32>
      %lt3A_697 = arith.cmpi slt, %xor3A_694, %lt3A_696 : vector<16xi32>
      %add3A_698 = arith.constant 16 : i32
      %add3A_699 = vector.broadcast %add3A_698 : i32 to vector<16xi32>
      %add3A_700 = arith.addi %xor3A_694, %add3A_699 : vector<16xi32>
      %select_n3A_701 = arith.select %lt3A_697, %add3A_700, %xor3A_694 : vector<16xi1>, vector<16xi32>
      %broadcast_in_dim3A_702 = vector.shape_cast %select_n3A_701 : vector<16xi32> to vector<16x1xi32>
      %gather3A_703 = vector.shape_cast %broadcast_in_dim3A_702 : vector<16x1xi32> to vector<16xi32>
      %gather3A_704 = tpu.dynamic_gather %add3A_691[%gather3A_703] in [0] : vector<16xf32>, vector<16xi32> -> vector<16xf32>
      %add3A_705 = arith.addf %add3A_691, %gather3A_704 : vector<16xf32>
      %select_n3A_706 = arith.select %eq3A_649, %add3A_705, %select_n3A_646 : vector<16xi1>, vector<16xf32>
      %eq3A_707 = arith.constant 9 : i32
      %eq3A_708 = vector.broadcast %eq3A_707 : i32 to vector<16xi32>
      %eq3A_709 = arith.cmpi eq, %iota3A_168, %eq3A_708 : vector<16xi32>
      %xor3A_710 = arith.constant 8 : i32
      %xor3A_711 = vector.broadcast %xor3A_710 : i32 to vector<16xi32>
      %xor3A_712 = arith.xori %iota3A_168, %xor3A_711 : vector<16xi32>
      %lt3A_713 = arith.constant 0 : i32
      %lt3A_714 = vector.broadcast %lt3A_713 : i32 to vector<16xi32>
      %lt3A_715 = arith.cmpi slt, %xor3A_712, %lt3A_714 : vector<16xi32>
      %add3A_716 = arith.constant 16 : i32
      %add3A_717 = vector.broadcast %add3A_716 : i32 to vector<16xi32>
      %add3A_718 = arith.addi %xor3A_712, %add3A_717 : vector<16xi32>
      %select_n3A_719 = arith.select %lt3A_715, %add3A_718, %xor3A_712 : vector<16xi1>, vector<16xi32>
      %broadcast_in_dim3A_720 = vector.shape_cast %select_n3A_719 : vector<16xi32> to vector<16x1xi32>
      %gather3A_721 = vector.shape_cast %broadcast_in_dim3A_720 : vector<16x1xi32> to vector<16xi32>
      %gather3A_722 = tpu.dynamic_gather %scan3A_166#9[%gather3A_721] in [0] : vector<16xf32>, vector<16xi32> -> vector<16xf32>
      %add3A_723 = arith.addf %scan3A_166#9, %gather3A_722 : vector<16xf32>
      %xor3A_724 = arith.constant 4 : i32
      %xor3A_725 = vector.broadcast %xor3A_724 : i32 to vector<16xi32>
      %xor3A_726 = arith.xori %iota3A_168, %xor3A_725 : vector<16xi32>
      %lt3A_727 = arith.constant 0 : i32
      %lt3A_728 = vector.broadcast %lt3A_727 : i32 to vector<16xi32>
      %lt3A_729 = arith.cmpi slt, %xor3A_726, %lt3A_728 : vector<16xi32>
      %add3A_730 = arith.constant 16 : i32
      %add3A_731 = vector.broadcast %add3A_730 : i32 to vector<16xi32>
      %add3A_732 = arith.addi %xor3A_726, %add3A_731 : vector<16xi32>
      %select_n3A_733 = arith.select %lt3A_729, %add3A_732, %xor3A_726 : vector<16xi1>, vector<16xi32>
      %broadcast_in_dim3A_734 = vector.shape_cast %select_n3A_733 : vector<16xi32> to vector<16x1xi32>
      %gather3A_735 = vector.shape_cast %broadcast_in_dim3A_734 : vector<16x1xi32> to vector<16xi32>
      %gather3A_736 = tpu.dynamic_gather %add3A_723[%gather3A_735] in [0] : vector<16xf32>, vector<16xi32> -> vector<16xf32>
      %add3A_737 = arith.addf %add3A_723, %gather3A_736 : vector<16xf32>
      %xor3A_738 = arith.constant 2 : i32
      %xor3A_739 = vector.broadcast %xor3A_738 : i32 to vector<16xi32>
      %xor3A_740 = arith.xori %iota3A_168, %xor3A_739 : vector<16xi32>
      %lt3A_741 = arith.constant 0 : i32
      %lt3A_742 = vector.broadcast %lt3A_741 : i32 to vector<16xi32>
      %lt3A_743 = arith.cmpi slt, %xor3A_740, %lt3A_742 : vector<16xi32>
      %add3A_744 = arith.constant 16 : i32
      %add3A_745 = vector.broadcast %add3A_744 : i32 to vector<16xi32>
      %add3A_746 = arith.addi %xor3A_740, %add3A_745 : vector<16xi32>
      %select_n3A_747 = arith.select %lt3A_743, %add3A_746, %xor3A_740 : vector<16xi1>, vector<16xi32>
      %broadcast_in_dim3A_748 = vector.shape_cast %select_n3A_747 : vector<16xi32> to vector<16x1xi32>
      %gather3A_749 = vector.shape_cast %broadcast_in_dim3A_748 : vector<16x1xi32> to vector<16xi32>
      %gather3A_750 = tpu.dynamic_gather %add3A_737[%gather3A_749] in [0] : vector<16xf32>, vector<16xi32> -> vector<16xf32>
      %add3A_751 = arith.addf %add3A_737, %gather3A_750 : vector<16xf32>
      %xor3A_752 = arith.constant 1 : i32
      %xor3A_753 = vector.broadcast %xor3A_752 : i32 to vector<16xi32>
      %xor3A_754 = arith.xori %iota3A_168, %xor3A_753 : vector<16xi32>
      %lt3A_755 = arith.constant 0 : i32
      %lt3A_756 = vector.broadcast %lt3A_755 : i32 to vector<16xi32>
      %lt3A_757 = arith.cmpi slt, %xor3A_754, %lt3A_756 : vector<16xi32>
      %add3A_758 = arith.constant 16 : i32
      %add3A_759 = vector.broadcast %add3A_758 : i32 to vector<16xi32>
      %add3A_760 = arith.addi %xor3A_754, %add3A_759 : vector<16xi32>
      %select_n3A_761 = arith.select %lt3A_757, %add3A_760, %xor3A_754 : vector<16xi1>, vector<16xi32>
      %broadcast_in_dim3A_762 = vector.shape_cast %select_n3A_761 : vector<16xi32> to vector<16x1xi32>
      %gather3A_763 = vector.shape_cast %broadcast_in_dim3A_762 : vector<16x1xi32> to vector<16xi32>
      %gather3A_764 = tpu.dynamic_gather %add3A_751[%gather3A_763] in [0] : vector<16xf32>, vector<16xi32> -> vector<16xf32>
      %add3A_765 = arith.addf %add3A_751, %gather3A_764 : vector<16xf32>
      %select_n3A_766 = arith.select %eq3A_709, %add3A_765, %select_n3A_706 : vector<16xi1>, vector<16xf32>
      %eq3A_767 = arith.constant 10 : i32
      %eq3A_768 = vector.broadcast %eq3A_767 : i32 to vector<16xi32>
      %eq3A_769 = arith.cmpi eq, %iota3A_168, %eq3A_768 : vector<16xi32>
      %xor3A_770 = arith.constant 8 : i32
      %xor3A_771 = vector.broadcast %xor3A_770 : i32 to vector<16xi32>
      %xor3A_772 = arith.xori %iota3A_168, %xor3A_771 : vector<16xi32>
      %lt3A_773 = arith.constant 0 : i32
      %lt3A_774 = vector.broadcast %lt3A_773 : i32 to vector<16xi32>
      %lt3A_775 = arith.cmpi slt, %xor3A_772, %lt3A_774 : vector<16xi32>
      %add3A_776 = arith.constant 16 : i32
      %add3A_777 = vector.broadcast %add3A_776 : i32 to vector<16xi32>
      %add3A_778 = arith.addi %xor3A_772, %add3A_777 : vector<16xi32>
      %select_n3A_779 = arith.select %lt3A_775, %add3A_778, %xor3A_772 : vector<16xi1>, vector<16xi32>
      %broadcast_in_dim3A_780 = vector.shape_cast %select_n3A_779 : vector<16xi32> to vector<16x1xi32>
      %gather3A_781 = vector.shape_cast %broadcast_in_dim3A_780 : vector<16x1xi32> to vector<16xi32>
      %gather3A_782 = tpu.dynamic_gather %scan3A_166#10[%gather3A_781] in [0] : vector<16xf32>, vector<16xi32> -> vector<16xf32>
      %add3A_783 = arith.addf %scan3A_166#10, %gather3A_782 : vector<16xf32>
      %xor3A_784 = arith.constant 4 : i32
      %xor3A_785 = vector.broadcast %xor3A_784 : i32 to vector<16xi32>
      %xor3A_786 = arith.xori %iota3A_168, %xor3A_785 : vector<16xi32>
      %lt3A_787 = arith.constant 0 : i32
      %lt3A_788 = vector.broadcast %lt3A_787 : i32 to vector<16xi32>
      %lt3A_789 = arith.cmpi slt, %xor3A_786, %lt3A_788 : vector<16xi32>
      %add3A_790 = arith.constant 16 : i32
      %add3A_791 = vector.broadcast %add3A_790 : i32 to vector<16xi32>
      %add3A_792 = arith.addi %xor3A_786, %add3A_791 : vector<16xi32>
      %select_n3A_793 = arith.select %lt3A_789, %add3A_792, %xor3A_786 : vector<16xi1>, vector<16xi32>
      %broadcast_in_dim3A_794 = vector.shape_cast %select_n3A_793 : vector<16xi32> to vector<16x1xi32>
      %gather3A_795 = vector.shape_cast %broadcast_in_dim3A_794 : vector<16x1xi32> to vector<16xi32>
      %gather3A_796 = tpu.dynamic_gather %add3A_783[%gather3A_795] in [0] : vector<16xf32>, vector<16xi32> -> vector<16xf32>
      %add3A_797 = arith.addf %add3A_783, %gather3A_796 : vector<16xf32>
      %xor3A_798 = arith.constant 2 : i32
      %xor3A_799 = vector.broadcast %xor3A_798 : i32 to vector<16xi32>
      %xor3A_800 = arith.xori %iota3A_168, %xor3A_799 : vector<16xi32>
      %lt3A_801 = arith.constant 0 : i32
      %lt3A_802 = vector.broadcast %lt3A_801 : i32 to vector<16xi32>
      %lt3A_803 = arith.cmpi slt, %xor3A_800, %lt3A_802 : vector<16xi32>
      %add3A_804 = arith.constant 16 : i32
      %add3A_805 = vector.broadcast %add3A_804 : i32 to vector<16xi32>
      %add3A_806 = arith.addi %xor3A_800, %add3A_805 : vector<16xi32>
      %select_n3A_807 = arith.select %lt3A_803, %add3A_806, %xor3A_800 : vector<16xi1>, vector<16xi32>
      %broadcast_in_dim3A_808 = vector.shape_cast %select_n3A_807 : vector<16xi32> to vector<16x1xi32>
      %gather3A_809 = vector.shape_cast %broadcast_in_dim3A_808 : vector<16x1xi32> to vector<16xi32>
      %gather3A_810 = tpu.dynamic_gather %add3A_797[%gather3A_809] in [0] : vector<16xf32>, vector<16xi32> -> vector<16xf32>
      %add3A_811 = arith.addf %add3A_797, %gather3A_810 : vector<16xf32>
      %xor3A_812 = arith.constant 1 : i32
      %xor3A_813 = vector.broadcast %xor3A_812 : i32 to vector<16xi32>
      %xor3A_814 = arith.xori %iota3A_168, %xor3A_813 : vector<16xi32>
      %lt3A_815 = arith.constant 0 : i32
      %lt3A_816 = vector.broadcast %lt3A_815 : i32 to vector<16xi32>
      %lt3A_817 = arith.cmpi slt, %xor3A_814, %lt3A_816 : vector<16xi32>
      %add3A_818 = arith.constant 16 : i32
      %add3A_819 = vector.broadcast %add3A_818 : i32 to vector<16xi32>
      %add3A_820 = arith.addi %xor3A_814, %add3A_819 : vector<16xi32>
      %select_n3A_821 = arith.select %lt3A_817, %add3A_820, %xor3A_814 : vector<16xi1>, vector<16xi32>
      %broadcast_in_dim3A_822 = vector.shape_cast %select_n3A_821 : vector<16xi32> to vector<16x1xi32>
      %gather3A_823 = vector.shape_cast %broadcast_in_dim3A_822 : vector<16x1xi32> to vector<16xi32>
      %gather3A_824 = tpu.dynamic_gather %add3A_811[%gather3A_823] in [0] : vector<16xf32>, vector<16xi32> -> vector<16xf32>
      %add3A_825 = arith.addf %add3A_811, %gather3A_824 : vector<16xf32>
      %select_n3A_826 = arith.select %eq3A_769, %add3A_825, %select_n3A_766 : vector<16xi1>, vector<16xf32>
      %eq3A_827 = arith.constant 11 : i32
      %eq3A_828 = vector.broadcast %eq3A_827 : i32 to vector<16xi32>
      %eq3A_829 = arith.cmpi eq, %iota3A_168, %eq3A_828 : vector<16xi32>
      %xor3A_830 = arith.constant 8 : i32
      %xor3A_831 = vector.broadcast %xor3A_830 : i32 to vector<16xi32>
      %xor3A_832 = arith.xori %iota3A_168, %xor3A_831 : vector<16xi32>
      %lt3A_833 = arith.constant 0 : i32
      %lt3A_834 = vector.broadcast %lt3A_833 : i32 to vector<16xi32>
      %lt3A_835 = arith.cmpi slt, %xor3A_832, %lt3A_834 : vector<16xi32>
      %add3A_836 = arith.constant 16 : i32
      %add3A_837 = vector.broadcast %add3A_836 : i32 to vector<16xi32>
      %add3A_838 = arith.addi %xor3A_832, %add3A_837 : vector<16xi32>
      %select_n3A_839 = arith.select %lt3A_835, %add3A_838, %xor3A_832 : vector<16xi1>, vector<16xi32>
      %broadcast_in_dim3A_840 = vector.shape_cast %select_n3A_839 : vector<16xi32> to vector<16x1xi32>
      %gather3A_841 = vector.shape_cast %broadcast_in_dim3A_840 : vector<16x1xi32> to vector<16xi32>
      %gather3A_842 = tpu.dynamic_gather %scan3A_166#11[%gather3A_841] in [0] : vector<16xf32>, vector<16xi32> -> vector<16xf32>
      %add3A_843 = arith.addf %scan3A_166#11, %gather3A_842 : vector<16xf32>
      %xor3A_844 = arith.constant 4 : i32
      %xor3A_845 = vector.broadcast %xor3A_844 : i32 to vector<16xi32>
      %xor3A_846 = arith.xori %iota3A_168, %xor3A_845 : vector<16xi32>
      %lt3A_847 = arith.constant 0 : i32
      %lt3A_848 = vector.broadcast %lt3A_847 : i32 to vector<16xi32>
      %lt3A_849 = arith.cmpi slt, %xor3A_846, %lt3A_848 : vector<16xi32>
      %add3A_850 = arith.constant 16 : i32
      %add3A_851 = vector.broadcast %add3A_850 : i32 to vector<16xi32>
      %add3A_852 = arith.addi %xor3A_846, %add3A_851 : vector<16xi32>
      %select_n3A_853 = arith.select %lt3A_849, %add3A_852, %xor3A_846 : vector<16xi1>, vector<16xi32>
      %broadcast_in_dim3A_854 = vector.shape_cast %select_n3A_853 : vector<16xi32> to vector<16x1xi32>
      %gather3A_855 = vector.shape_cast %broadcast_in_dim3A_854 : vector<16x1xi32> to vector<16xi32>
      %gather3A_856 = tpu.dynamic_gather %add3A_843[%gather3A_855] in [0] : vector<16xf32>, vector<16xi32> -> vector<16xf32>
      %add3A_857 = arith.addf %add3A_843, %gather3A_856 : vector<16xf32>
      %xor3A_858 = arith.constant 2 : i32
      %xor3A_859 = vector.broadcast %xor3A_858 : i32 to vector<16xi32>
      %xor3A_860 = arith.xori %iota3A_168, %xor3A_859 : vector<16xi32>
      %lt3A_861 = arith.constant 0 : i32
      %lt3A_862 = vector.broadcast %lt3A_861 : i32 to vector<16xi32>
      %lt3A_863 = arith.cmpi slt, %xor3A_860, %lt3A_862 : vector<16xi32>
      %add3A_864 = arith.constant 16 : i32
      %add3A_865 = vector.broadcast %add3A_864 : i32 to vector<16xi32>
      %add3A_866 = arith.addi %xor3A_860, %add3A_865 : vector<16xi32>
      %select_n3A_867 = arith.select %lt3A_863, %add3A_866, %xor3A_860 : vector<16xi1>, vector<16xi32>
      %broadcast_in_dim3A_868 = vector.shape_cast %select_n3A_867 : vector<16xi32> to vector<16x1xi32>
      %gather3A_869 = vector.shape_cast %broadcast_in_dim3A_868 : vector<16x1xi32> to vector<16xi32>
      %gather3A_870 = tpu.dynamic_gather %add3A_857[%gather3A_869] in [0] : vector<16xf32>, vector<16xi32> -> vector<16xf32>
      %add3A_871 = arith.addf %add3A_857, %gather3A_870 : vector<16xf32>
      %xor3A_872 = arith.constant 1 : i32
      %xor3A_873 = vector.broadcast %xor3A_872 : i32 to vector<16xi32>
      %xor3A_874 = arith.xori %iota3A_168, %xor3A_873 : vector<16xi32>
      %lt3A_875 = arith.constant 0 : i32
      %lt3A_876 = vector.broadcast %lt3A_875 : i32 to vector<16xi32>
      %lt3A_877 = arith.cmpi slt, %xor3A_874, %lt3A_876 : vector<16xi32>
      %add3A_878 = arith.constant 16 : i32
      %add3A_879 = vector.broadcast %add3A_878 : i32 to vector<16xi32>
      %add3A_880 = arith.addi %xor3A_874, %add3A_879 : vector<16xi32>
      %select_n3A_881 = arith.select %lt3A_877, %add3A_880, %xor3A_874 : vector<16xi1>, vector<16xi32>
      %broadcast_in_dim3A_882 = vector.shape_cast %select_n3A_881 : vector<16xi32> to vector<16x1xi32>
      %gather3A_883 = vector.shape_cast %broadcast_in_dim3A_882 : vector<16x1xi32> to vector<16xi32>
      %gather3A_884 = tpu.dynamic_gather %add3A_871[%gather3A_883] in [0] : vector<16xf32>, vector<16xi32> -> vector<16xf32>
      %add3A_885 = arith.addf %add3A_871, %gather3A_884 : vector<16xf32>
      %select_n3A_886 = arith.select %eq3A_829, %add3A_885, %select_n3A_826 : vector<16xi1>, vector<16xf32>
      %eq3A_887 = arith.constant 12 : i32
      %eq3A_888 = vector.broadcast %eq3A_887 : i32 to vector<16xi32>
      %eq3A_889 = arith.cmpi eq, %iota3A_168, %eq3A_888 : vector<16xi32>
      %xor3A_890 = arith.constant 8 : i32
      %xor3A_891 = vector.broadcast %xor3A_890 : i32 to vector<16xi32>
      %xor3A_892 = arith.xori %iota3A_168, %xor3A_891 : vector<16xi32>
      %lt3A_893 = arith.constant 0 : i32
      %lt3A_894 = vector.broadcast %lt3A_893 : i32 to vector<16xi32>
      %lt3A_895 = arith.cmpi slt, %xor3A_892, %lt3A_894 : vector<16xi32>
      %add3A_896 = arith.constant 16 : i32
      %add3A_897 = vector.broadcast %add3A_896 : i32 to vector<16xi32>
      %add3A_898 = arith.addi %xor3A_892, %add3A_897 : vector<16xi32>
      %select_n3A_899 = arith.select %lt3A_895, %add3A_898, %xor3A_892 : vector<16xi1>, vector<16xi32>
      %broadcast_in_dim3A_900 = vector.shape_cast %select_n3A_899 : vector<16xi32> to vector<16x1xi32>
      %gather3A_901 = vector.shape_cast %broadcast_in_dim3A_900 : vector<16x1xi32> to vector<16xi32>
      %gather3A_902 = tpu.dynamic_gather %scan3A_166#12[%gather3A_901] in [0] : vector<16xf32>, vector<16xi32> -> vector<16xf32>
      %add3A_903 = arith.addf %scan3A_166#12, %gather3A_902 : vector<16xf32>
      %xor3A_904 = arith.constant 4 : i32
      %xor3A_905 = vector.broadcast %xor3A_904 : i32 to vector<16xi32>
      %xor3A_906 = arith.xori %iota3A_168, %xor3A_905 : vector<16xi32>
      %lt3A_907 = arith.constant 0 : i32
      %lt3A_908 = vector.broadcast %lt3A_907 : i32 to vector<16xi32>
      %lt3A_909 = arith.cmpi slt, %xor3A_906, %lt3A_908 : vector<16xi32>
      %add3A_910 = arith.constant 16 : i32
      %add3A_911 = vector.broadcast %add3A_910 : i32 to vector<16xi32>
      %add3A_912 = arith.addi %xor3A_906, %add3A_911 : vector<16xi32>
      %select_n3A_913 = arith.select %lt3A_909, %add3A_912, %xor3A_906 : vector<16xi1>, vector<16xi32>
      %broadcast_in_dim3A_914 = vector.shape_cast %select_n3A_913 : vector<16xi32> to vector<16x1xi32>
      %gather3A_915 = vector.shape_cast %broadcast_in_dim3A_914 : vector<16x1xi32> to vector<16xi32>
      %gather3A_916 = tpu.dynamic_gather %add3A_903[%gather3A_915] in [0] : vector<16xf32>, vector<16xi32> -> vector<16xf32>
      %add3A_917 = arith.addf %add3A_903, %gather3A_916 : vector<16xf32>
      %xor3A_918 = arith.constant 2 : i32
      %xor3A_919 = vector.broadcast %xor3A_918 : i32 to vector<16xi32>
      %xor3A_920 = arith.xori %iota3A_168, %xor3A_919 : vector<16xi32>
      %lt3A_921 = arith.constant 0 : i32
      %lt3A_922 = vector.broadcast %lt3A_921 : i32 to vector<16xi32>
      %lt3A_923 = arith.cmpi slt, %xor3A_920, %lt3A_922 : vector<16xi32>
      %add3A_924 = arith.constant 16 : i32
      %add3A_925 = vector.broadcast %add3A_924 : i32 to vector<16xi32>
      %add3A_926 = arith.addi %xor3A_920, %add3A_925 : vector<16xi32>
      %select_n3A_927 = arith.select %lt3A_923, %add3A_926, %xor3A_920 : vector<16xi1>, vector<16xi32>
      %broadcast_in_dim3A_928 = vector.shape_cast %select_n3A_927 : vector<16xi32> to vector<16x1xi32>
      %gather3A_929 = vector.shape_cast %broadcast_in_dim3A_928 : vector<16x1xi32> to vector<16xi32>
      %gather3A_930 = tpu.dynamic_gather %add3A_917[%gather3A_929] in [0] : vector<16xf32>, vector<16xi32> -> vector<16xf32>
      %add3A_931 = arith.addf %add3A_917, %gather3A_930 : vector<16xf32>
      %xor3A_932 = arith.constant 1 : i32
      %xor3A_933 = vector.broadcast %xor3A_932 : i32 to vector<16xi32>
      %xor3A_934 = arith.xori %iota3A_168, %xor3A_933 : vector<16xi32>
      %lt3A_935 = arith.constant 0 : i32
      %lt3A_936 = vector.broadcast %lt3A_935 : i32 to vector<16xi32>
      %lt3A_937 = arith.cmpi slt, %xor3A_934, %lt3A_936 : vector<16xi32>
      %add3A_938 = arith.constant 16 : i32
      %add3A_939 = vector.broadcast %add3A_938 : i32 to vector<16xi32>
      %add3A_940 = arith.addi %xor3A_934, %add3A_939 : vector<16xi32>
      %select_n3A_941 = arith.select %lt3A_937, %add3A_940, %xor3A_934 : vector<16xi1>, vector<16xi32>
      %broadcast_in_dim3A_942 = vector.shape_cast %select_n3A_941 : vector<16xi32> to vector<16x1xi32>
      %gather3A_943 = vector.shape_cast %broadcast_in_dim3A_942 : vector<16x1xi32> to vector<16xi32>
      %gather3A_944 = tpu.dynamic_gather %add3A_931[%gather3A_943] in [0] : vector<16xf32>, vector<16xi32> -> vector<16xf32>
      %add3A_945 = arith.addf %add3A_931, %gather3A_944 : vector<16xf32>
      %select_n3A_946 = arith.select %eq3A_889, %add3A_945, %select_n3A_886 : vector<16xi1>, vector<16xf32>
      %eq3A_947 = arith.constant 13 : i32
      %eq3A_948 = vector.broadcast %eq3A_947 : i32 to vector<16xi32>
      %eq3A_949 = arith.cmpi eq, %iota3A_168, %eq3A_948 : vector<16xi32>
      %xor3A_950 = arith.constant 8 : i32
      %xor3A_951 = vector.broadcast %xor3A_950 : i32 to vector<16xi32>
      %xor3A_952 = arith.xori %iota3A_168, %xor3A_951 : vector<16xi32>
      %lt3A_953 = arith.constant 0 : i32
      %lt3A_954 = vector.broadcast %lt3A_953 : i32 to vector<16xi32>
      %lt3A_955 = arith.cmpi slt, %xor3A_952, %lt3A_954 : vector<16xi32>
      %add3A_956 = arith.constant 16 : i32
      %add3A_957 = vector.broadcast %add3A_956 : i32 to vector<16xi32>
      %add3A_958 = arith.addi %xor3A_952, %add3A_957 : vector<16xi32>
      %select_n3A_959 = arith.select %lt3A_955, %add3A_958, %xor3A_952 : vector<16xi1>, vector<16xi32>
      %broadcast_in_dim3A_960 = vector.shape_cast %select_n3A_959 : vector<16xi32> to vector<16x1xi32>
      %gather3A_961 = vector.shape_cast %broadcast_in_dim3A_960 : vector<16x1xi32> to vector<16xi32>
      %gather3A_962 = tpu.dynamic_gather %scan3A_166#13[%gather3A_961] in [0] : vector<16xf32>, vector<16xi32> -> vector<16xf32>
      %add3A_963 = arith.addf %scan3A_166#13, %gather3A_962 : vector<16xf32>
      %xor3A_964 = arith.constant 4 : i32
      %xor3A_965 = vector.broadcast %xor3A_964 : i32 to vector<16xi32>
      %xor3A_966 = arith.xori %iota3A_168, %xor3A_965 : vector<16xi32>
      %lt3A_967 = arith.constant 0 : i32
      %lt3A_968 = vector.broadcast %lt3A_967 : i32 to vector<16xi32>
      %lt3A_969 = arith.cmpi slt, %xor3A_966, %lt3A_968 : vector<16xi32>
      %add3A_970 = arith.constant 16 : i32
      %add3A_971 = vector.broadcast %add3A_970 : i32 to vector<16xi32>
      %add3A_972 = arith.addi %xor3A_966, %add3A_971 : vector<16xi32>
      %select_n3A_973 = arith.select %lt3A_969, %add3A_972, %xor3A_966 : vector<16xi1>, vector<16xi32>
      %broadcast_in_dim3A_974 = vector.shape_cast %select_n3A_973 : vector<16xi32> to vector<16x1xi32>
      %gather3A_975 = vector.shape_cast %broadcast_in_dim3A_974 : vector<16x1xi32> to vector<16xi32>
      %gather3A_976 = tpu.dynamic_gather %add3A_963[%gather3A_975] in [0] : vector<16xf32>, vector<16xi32> -> vector<16xf32>
      %add3A_977 = arith.addf %add3A_963, %gather3A_976 : vector<16xf32>
      %xor3A_978 = arith.constant 2 : i32
      %xor3A_979 = vector.broadcast %xor3A_978 : i32 to vector<16xi32>
      %xor3A_980 = arith.xori %iota3A_168, %xor3A_979 : vector<16xi32>
      %lt3A_981 = arith.constant 0 : i32
      %lt3A_982 = vector.broadcast %lt3A_981 : i32 to vector<16xi32>
      %lt3A_983 = arith.cmpi slt, %xor3A_980, %lt3A_982 : vector<16xi32>
      %add3A_984 = arith.constant 16 : i32
      %add3A_985 = vector.broadcast %add3A_984 : i32 to vector<16xi32>
      %add3A_986 = arith.addi %xor3A_980, %add3A_985 : vector<16xi32>
      %select_n3A_987 = arith.select %lt3A_983, %add3A_986, %xor3A_980 : vector<16xi1>, vector<16xi32>
      %broadcast_in_dim3A_988 = vector.shape_cast %select_n3A_987 : vector<16xi32> to vector<16x1xi32>
      %gather3A_989 = vector.shape_cast %broadcast_in_dim3A_988 : vector<16x1xi32> to vector<16xi32>
      %gather3A_990 = tpu.dynamic_gather %add3A_977[%gather3A_989] in [0] : vector<16xf32>, vector<16xi32> -> vector<16xf32>
      %add3A_991 = arith.addf %add3A_977, %gather3A_990 : vector<16xf32>
      %xor3A_992 = arith.constant 1 : i32
      %xor3A_993 = vector.broadcast %xor3A_992 : i32 to vector<16xi32>
      %xor3A_994 = arith.xori %iota3A_168, %xor3A_993 : vector<16xi32>
      %lt3A_995 = arith.constant 0 : i32
      %lt3A_996 = vector.broadcast %lt3A_995 : i32 to vector<16xi32>
      %lt3A_997 = arith.cmpi slt, %xor3A_994, %lt3A_996 : vector<16xi32>
      %add3A_998 = arith.constant 16 : i32
      %add3A_999 = vector.broadcast %add3A_998 : i32 to vector<16xi32>
      %add3A_1000 = arith.addi %xor3A_994, %add3A_999 : vector<16xi32>
      %select_n3A_1001 = arith.select %lt3A_997, %add3A_1000, %xor3A_994 : vector<16xi1>, vector<16xi32>
      %broadcast_in_dim3A_1002 = vector.shape_cast %select_n3A_1001 : vector<16xi32> to vector<16x1xi32>
      %gather3A_1003 = vector.shape_cast %broadcast_in_dim3A_1002 : vector<16x1xi32> to vector<16xi32>
      %gather3A_1004 = tpu.dynamic_gather %add3A_991[%gather3A_1003] in [0] : vector<16xf32>, vector<16xi32> -> vector<16xf32>
      %add3A_1005 = arith.addf %add3A_991, %gather3A_1004 : vector<16xf32>
      %select_n3A_1006 = arith.select %eq3A_949, %add3A_1005, %select_n3A_946 : vector<16xi1>, vector<16xf32>
      %eq3A_1007 = arith.constant 14 : i32
      %eq3A_1008 = vector.broadcast %eq3A_1007 : i32 to vector<16xi32>
      %eq3A_1009 = arith.cmpi eq, %iota3A_168, %eq3A_1008 : vector<16xi32>
      %xor3A_1010 = arith.constant 8 : i32
      %xor3A_1011 = vector.broadcast %xor3A_1010 : i32 to vector<16xi32>
      %xor3A_1012 = arith.xori %iota3A_168, %xor3A_1011 : vector<16xi32>
      %lt3A_1013 = arith.constant 0 : i32
      %lt3A_1014 = vector.broadcast %lt3A_1013 : i32 to vector<16xi32>
      %lt3A_1015 = arith.cmpi slt, %xor3A_1012, %lt3A_1014 : vector<16xi32>
      %add3A_1016 = arith.constant 16 : i32
      %add3A_1017 = vector.broadcast %add3A_1016 : i32 to vector<16xi32>
      %add3A_1018 = arith.addi %xor3A_1012, %add3A_1017 : vector<16xi32>
      %select_n3A_1019 = arith.select %lt3A_1015, %add3A_1018, %xor3A_1012 : vector<16xi1>, vector<16xi32>
      %broadcast_in_dim3A_1020 = vector.shape_cast %select_n3A_1019 : vector<16xi32> to vector<16x1xi32>
      %gather3A_1021 = vector.shape_cast %broadcast_in_dim3A_1020 : vector<16x1xi32> to vector<16xi32>
      %gather3A_1022 = tpu.dynamic_gather %scan3A_166#14[%gather3A_1021] in [0] : vector<16xf32>, vector<16xi32> -> vector<16xf32>
      %add3A_1023 = arith.addf %scan3A_166#14, %gather3A_1022 : vector<16xf32>
      %xor3A_1024 = arith.constant 4 : i32
      %xor3A_1025 = vector.broadcast %xor3A_1024 : i32 to vector<16xi32>
      %xor3A_1026 = arith.xori %iota3A_168, %xor3A_1025 : vector<16xi32>
      %lt3A_1027 = arith.constant 0 : i32
      %lt3A_1028 = vector.broadcast %lt3A_1027 : i32 to vector<16xi32>
      %lt3A_1029 = arith.cmpi slt, %xor3A_1026, %lt3A_1028 : vector<16xi32>
      %add3A_1030 = arith.constant 16 : i32
      %add3A_1031 = vector.broadcast %add3A_1030 : i32 to vector<16xi32>
      %add3A_1032 = arith.addi %xor3A_1026, %add3A_1031 : vector<16xi32>
      %select_n3A_1033 = arith.select %lt3A_1029, %add3A_1032, %xor3A_1026 : vector<16xi1>, vector<16xi32>
      %broadcast_in_dim3A_1034 = vector.shape_cast %select_n3A_1033 : vector<16xi32> to vector<16x1xi32>
      %gather3A_1035 = vector.shape_cast %broadcast_in_dim3A_1034 : vector<16x1xi32> to vector<16xi32>
      %gather3A_1036 = tpu.dynamic_gather %add3A_1023[%gather3A_1035] in [0] : vector<16xf32>, vector<16xi32> -> vector<16xf32>
      %add3A_1037 = arith.addf %add3A_1023, %gather3A_1036 : vector<16xf32>
      %xor3A_1038 = arith.constant 2 : i32
      %xor3A_1039 = vector.broadcast %xor3A_1038 : i32 to vector<16xi32>
      %xor3A_1040 = arith.xori %iota3A_168, %xor3A_1039 : vector<16xi32>
      %lt3A_1041 = arith.constant 0 : i32
      %lt3A_1042 = vector.broadcast %lt3A_1041 : i32 to vector<16xi32>
      %lt3A_1043 = arith.cmpi slt, %xor3A_1040, %lt3A_1042 : vector<16xi32>
      %add3A_1044 = arith.constant 16 : i32
      %add3A_1045 = vector.broadcast %add3A_1044 : i32 to vector<16xi32>
      %add3A_1046 = arith.addi %xor3A_1040, %add3A_1045 : vector<16xi32>
      %select_n3A_1047 = arith.select %lt3A_1043, %add3A_1046, %xor3A_1040 : vector<16xi1>, vector<16xi32>
      %broadcast_in_dim3A_1048 = vector.shape_cast %select_n3A_1047 : vector<16xi32> to vector<16x1xi32>
      %gather3A_1049 = vector.shape_cast %broadcast_in_dim3A_1048 : vector<16x1xi32> to vector<16xi32>
      %gather3A_1050 = tpu.dynamic_gather %add3A_1037[%gather3A_1049] in [0] : vector<16xf32>, vector<16xi32> -> vector<16xf32>
      %add3A_1051 = arith.addf %add3A_1037, %gather3A_1050 : vector<16xf32>
      %xor3A_1052 = arith.constant 1 : i32
      %xor3A_1053 = vector.broadcast %xor3A_1052 : i32 to vector<16xi32>
      %xor3A_1054 = arith.xori %iota3A_168, %xor3A_1053 : vector<16xi32>
      %lt3A_1055 = arith.constant 0 : i32
      %lt3A_1056 = vector.broadcast %lt3A_1055 : i32 to vector<16xi32>
      %lt3A_1057 = arith.cmpi slt, %xor3A_1054, %lt3A_1056 : vector<16xi32>
      %add3A_1058 = arith.constant 16 : i32
      %add3A_1059 = vector.broadcast %add3A_1058 : i32 to vector<16xi32>
      %add3A_1060 = arith.addi %xor3A_1054, %add3A_1059 : vector<16xi32>
      %select_n3A_1061 = arith.select %lt3A_1057, %add3A_1060, %xor3A_1054 : vector<16xi1>, vector<16xi32>
      %broadcast_in_dim3A_1062 = vector.shape_cast %select_n3A_1061 : vector<16xi32> to vector<16x1xi32>
      %gather3A_1063 = vector.shape_cast %broadcast_in_dim3A_1062 : vector<16x1xi32> to vector<16xi32>
      %gather3A_1064 = tpu.dynamic_gather %add3A_1051[%gather3A_1063] in [0] : vector<16xf32>, vector<16xi32> -> vector<16xf32>
      %add3A_1065 = arith.addf %add3A_1051, %gather3A_1064 : vector<16xf32>
      %select_n3A_1066 = arith.select %eq3A_1009, %add3A_1065, %select_n3A_1006 : vector<16xi1>, vector<16xf32>
      %eq3A_1067 = arith.constant 15 : i32
      %eq3A_1068 = vector.broadcast %eq3A_1067 : i32 to vector<16xi32>
      %eq3A_1069 = arith.cmpi eq, %iota3A_168, %eq3A_1068 : vector<16xi32>
      %xor3A_1070 = arith.constant 8 : i32
      %xor3A_1071 = vector.broadcast %xor3A_1070 : i32 to vector<16xi32>
      %xor3A_1072 = arith.xori %iota3A_168, %xor3A_1071 : vector<16xi32>
      %lt3A_1073 = arith.constant 0 : i32
      %lt3A_1074 = vector.broadcast %lt3A_1073 : i32 to vector<16xi32>
      %lt3A_1075 = arith.cmpi slt, %xor3A_1072, %lt3A_1074 : vector<16xi32>
      %add3A_1076 = arith.constant 16 : i32
      %add3A_1077 = vector.broadcast %add3A_1076 : i32 to vector<16xi32>
      %add3A_1078 = arith.addi %xor3A_1072, %add3A_1077 : vector<16xi32>
      %select_n3A_1079 = arith.select %lt3A_1075, %add3A_1078, %xor3A_1072 : vector<16xi1>, vector<16xi32>
      %broadcast_in_dim3A_1080 = vector.shape_cast %select_n3A_1079 : vector<16xi32> to vector<16x1xi32>
      %gather3A_1081 = vector.shape_cast %broadcast_in_dim3A_1080 : vector<16x1xi32> to vector<16xi32>
      %gather3A_1082 = tpu.dynamic_gather %scan3A_166#15[%gather3A_1081] in [0] : vector<16xf32>, vector<16xi32> -> vector<16xf32>
      %add3A_1083 = arith.addf %scan3A_166#15, %gather3A_1082 : vector<16xf32>
      %xor3A_1084 = arith.constant 4 : i32
      %xor3A_1085 = vector.broadcast %xor3A_1084 : i32 to vector<16xi32>
      %xor3A_1086 = arith.xori %iota3A_168, %xor3A_1085 : vector<16xi32>
      %lt3A_1087 = arith.constant 0 : i32
      %lt3A_1088 = vector.broadcast %lt3A_1087 : i32 to vector<16xi32>
      %lt3A_1089 = arith.cmpi slt, %xor3A_1086, %lt3A_1088 : vector<16xi32>
      %add3A_1090 = arith.constant 16 : i32
      %add3A_1091 = vector.broadcast %add3A_1090 : i32 to vector<16xi32>
      %add3A_1092 = arith.addi %xor3A_1086, %add3A_1091 : vector<16xi32>
      %select_n3A_1093 = arith.select %lt3A_1089, %add3A_1092, %xor3A_1086 : vector<16xi1>, vector<16xi32>
      %broadcast_in_dim3A_1094 = vector.shape_cast %select_n3A_1093 : vector<16xi32> to vector<16x1xi32>
      %gather3A_1095 = vector.shape_cast %broadcast_in_dim3A_1094 : vector<16x1xi32> to vector<16xi32>
      %gather3A_1096 = tpu.dynamic_gather %add3A_1083[%gather3A_1095] in [0] : vector<16xf32>, vector<16xi32> -> vector<16xf32>
      %add3A_1097 = arith.addf %add3A_1083, %gather3A_1096 : vector<16xf32>
      %xor3A_1098 = arith.constant 2 : i32
      %xor3A_1099 = vector.broadcast %xor3A_1098 : i32 to vector<16xi32>
      %xor3A_1100 = arith.xori %iota3A_168, %xor3A_1099 : vector<16xi32>
      %lt3A_1101 = arith.constant 0 : i32
      %lt3A_1102 = vector.broadcast %lt3A_1101 : i32 to vector<16xi32>
      %lt3A_1103 = arith.cmpi slt, %xor3A_1100, %lt3A_1102 : vector<16xi32>
      %add3A_1104 = arith.constant 16 : i32
      %add3A_1105 = vector.broadcast %add3A_1104 : i32 to vector<16xi32>
      %add3A_1106 = arith.addi %xor3A_1100, %add3A_1105 : vector<16xi32>
      %select_n3A_1107 = arith.select %lt3A_1103, %add3A_1106, %xor3A_1100 : vector<16xi1>, vector<16xi32>
      %broadcast_in_dim3A_1108 = vector.shape_cast %select_n3A_1107 : vector<16xi32> to vector<16x1xi32>
      %gather3A_1109 = vector.shape_cast %broadcast_in_dim3A_1108 : vector<16x1xi32> to vector<16xi32>
      %gather3A_1110 = tpu.dynamic_gather %add3A_1097[%gather3A_1109] in [0] : vector<16xf32>, vector<16xi32> -> vector<16xf32>
      %add3A_1111 = arith.addf %add3A_1097, %gather3A_1110 : vector<16xf32>
      %xor3A_1112 = arith.constant 1 : i32
      %xor3A_1113 = vector.broadcast %xor3A_1112 : i32 to vector<16xi32>
      %xor3A_1114 = arith.xori %iota3A_168, %xor3A_1113 : vector<16xi32>
      %lt3A_1115 = arith.constant 0 : i32
      %lt3A_1116 = vector.broadcast %lt3A_1115 : i32 to vector<16xi32>
      %lt3A_1117 = arith.cmpi slt, %xor3A_1114, %lt3A_1116 : vector<16xi32>
      %add3A_1118 = arith.constant 16 : i32
      %add3A_1119 = vector.broadcast %add3A_1118 : i32 to vector<16xi32>
      %add3A_1120 = arith.addi %xor3A_1114, %add3A_1119 : vector<16xi32>
      %select_n3A_1121 = arith.select %lt3A_1117, %add3A_1120, %xor3A_1114 : vector<16xi1>, vector<16xi32>
      %broadcast_in_dim3A_1122 = vector.shape_cast %select_n3A_1121 : vector<16xi32> to vector<16x1xi32>
      %gather3A_1123 = vector.shape_cast %broadcast_in_dim3A_1122 : vector<16x1xi32> to vector<16xi32>
      %gather3A_1124 = tpu.dynamic_gather %add3A_1111[%gather3A_1123] in [0] : vector<16xf32>, vector<16xi32> -> vector<16xf32>
      %add3A_1125 = arith.addf %add3A_1111, %gather3A_1124 : vector<16xf32>
      %select_n3A_1126 = arith.select %eq3A_1069, %add3A_1125, %select_n3A_1066 : vector<16xi1>, vector<16xf32>
      %xor3A_1127 = arith.constant 8 : i32
      %xor3A_1128 = vector.broadcast %xor3A_1127 : i32 to vector<16xi32>
      %xor3A_1129 = arith.xori %iota3A_168, %xor3A_1128 : vector<16xi32>
      %lt3A_1130 = arith.constant 0 : i32
      %lt3A_1131 = vector.broadcast %lt3A_1130 : i32 to vector<16xi32>
      %lt3A_1132 = arith.cmpi slt, %xor3A_1129, %lt3A_1131 : vector<16xi32>
      %add3A_1133 = arith.constant 16 : i32
      %add3A_1134 = vector.broadcast %add3A_1133 : i32 to vector<16xi32>
      %add3A_1135 = arith.addi %xor3A_1129, %add3A_1134 : vector<16xi32>
      %select_n3A_1136 = arith.select %lt3A_1132, %add3A_1135, %xor3A_1129 : vector<16xi1>, vector<16xi32>
      %broadcast_in_dim3A_1137 = vector.shape_cast %select_n3A_1136 : vector<16xi32> to vector<16x1xi32>
      %gather3A_1138 = vector.shape_cast %broadcast_in_dim3A_1137 : vector<16x1xi32> to vector<16xi32>
      %gather3A_1139 = tpu.dynamic_gather %scan3A_166#16[%gather3A_1138] in [0] : vector<16xf32>, vector<16xi32> -> vector<16xf32>
      %add3A_1140 = arith.addf %scan3A_166#16, %gather3A_1139 : vector<16xf32>
      %xor3A_1141 = arith.constant 4 : i32
      %xor3A_1142 = vector.broadcast %xor3A_1141 : i32 to vector<16xi32>
      %xor3A_1143 = arith.xori %iota3A_168, %xor3A_1142 : vector<16xi32>
      %lt3A_1144 = arith.constant 0 : i32
      %lt3A_1145 = vector.broadcast %lt3A_1144 : i32 to vector<16xi32>
      %lt3A_1146 = arith.cmpi slt, %xor3A_1143, %lt3A_1145 : vector<16xi32>
      %add3A_1147 = arith.constant 16 : i32
      %add3A_1148 = vector.broadcast %add3A_1147 : i32 to vector<16xi32>
      %add3A_1149 = arith.addi %xor3A_1143, %add3A_1148 : vector<16xi32>
      %select_n3A_1150 = arith.select %lt3A_1146, %add3A_1149, %xor3A_1143 : vector<16xi1>, vector<16xi32>
      %broadcast_in_dim3A_1151 = vector.shape_cast %select_n3A_1150 : vector<16xi32> to vector<16x1xi32>
      %gather3A_1152 = vector.shape_cast %broadcast_in_dim3A_1151 : vector<16x1xi32> to vector<16xi32>
      %gather3A_1153 = tpu.dynamic_gather %add3A_1140[%gather3A_1152] in [0] : vector<16xf32>, vector<16xi32> -> vector<16xf32>
      %add3A_1154 = arith.addf %add3A_1140, %gather3A_1153 : vector<16xf32>
      %xor3A_1155 = arith.constant 2 : i32
      %xor3A_1156 = vector.broadcast %xor3A_1155 : i32 to vector<16xi32>
      %xor3A_1157 = arith.xori %iota3A_168, %xor3A_1156 : vector<16xi32>
      %lt3A_1158 = arith.constant 0 : i32
      %lt3A_1159 = vector.broadcast %lt3A_1158 : i32 to vector<16xi32>
      %lt3A_1160 = arith.cmpi slt, %xor3A_1157, %lt3A_1159 : vector<16xi32>
      %add3A_1161 = arith.constant 16 : i32
      %add3A_1162 = vector.broadcast %add3A_1161 : i32 to vector<16xi32>
      %add3A_1163 = arith.addi %xor3A_1157, %add3A_1162 : vector<16xi32>
      %select_n3A_1164 = arith.select %lt3A_1160, %add3A_1163, %xor3A_1157 : vector<16xi1>, vector<16xi32>
      %broadcast_in_dim3A_1165 = vector.shape_cast %select_n3A_1164 : vector<16xi32> to vector<16x1xi32>
      %gather3A_1166 = vector.shape_cast %broadcast_in_dim3A_1165 : vector<16x1xi32> to vector<16xi32>
      %gather3A_1167 = tpu.dynamic_gather %add3A_1154[%gather3A_1166] in [0] : vector<16xf32>, vector<16xi32> -> vector<16xf32>
      %add3A_1168 = arith.addf %add3A_1154, %gather3A_1167 : vector<16xf32>
      %xor3A_1169 = arith.constant 1 : i32
      %xor3A_1170 = vector.broadcast %xor3A_1169 : i32 to vector<16xi32>
      %xor3A_1171 = arith.xori %iota3A_168, %xor3A_1170 : vector<16xi32>
      %lt3A_1172 = arith.constant 0 : i32
      %lt3A_1173 = vector.broadcast %lt3A_1172 : i32 to vector<16xi32>
      %lt3A_1174 = arith.cmpi slt, %xor3A_1171, %lt3A_1173 : vector<16xi32>
      %add3A_1175 = arith.constant 16 : i32
      %add3A_1176 = vector.broadcast %add3A_1175 : i32 to vector<16xi32>
      %add3A_1177 = arith.addi %xor3A_1171, %add3A_1176 : vector<16xi32>
      %select_n3A_1178 = arith.select %lt3A_1174, %add3A_1177, %xor3A_1171 : vector<16xi1>, vector<16xi32>
      %broadcast_in_dim3A_1179 = vector.shape_cast %select_n3A_1178 : vector<16xi32> to vector<16x1xi32>
      %gather3A_1180 = vector.shape_cast %broadcast_in_dim3A_1179 : vector<16x1xi32> to vector<16xi32>
      %gather3A_1181 = tpu.dynamic_gather %add3A_1168[%gather3A_1180] in [0] : vector<16xf32>, vector<16xi32> -> vector<16xf32>
      %add3A_1182 = arith.addf %add3A_1168, %gather3A_1181 : vector<16xf32>
      %gt3A = arith.constant 0.000000e+00 : f32
      %gt3A_1183 = vector.broadcast %gt3A : f32 to vector<16xf32>
      %gt3A_1184 = arith.cmpf ogt, %add3A_1182, %gt3A_1183 : vector<16xf32>
      %max3A = arith.constant 1.000000e+00 : f32
      %max3A_1185 = vector.broadcast %max3A : f32 to vector<16xf32>
      %max3A_1186 = arith.maximumf %add3A_1182, %max3A_1185 : vector<16xf32>
      %div3A_1187 = arith.constant 1.000000e+00 : f32
      %div3A_1188 = vector.broadcast %div3A_1187 : f32 to vector<16xf32>
      %div3A_1189 = arith.divf %div3A_1188, %max3A_1186 : vector<16xf32>
      %jit3A_1190 = arith.constant 0.000000e+00 : f32
      %broadcast_in_dim3A_1191 = vector.broadcast %jit3A_1190 : f32 to vector<16xf32>
      %select_n3A_1192 = arith.select %gt3A_1184, %div3A_1189, %broadcast_in_dim3A_1191 : vector<16xi1>, vector<16xf32>
      %mul3A_1193 = arith.mulf %select_n3A_1126, %select_n3A_1192 : vector<16xf32>
      %swap3A = arith.index_cast %mul3A_65 : i32 to index
      %swap3A_1194 = arith.constant 0 : index
      %swap3A_1195 = tpu.vector_load %arg10[%swap3A, %swap3A_1194] {strides = array<i32>} : memref<24x16xf32, #tpu.memory_space<vmem>>, vector<1x16xf32>,
      %swap3A_1196 = vector.shape_cast %swap3A_1195 : vector<1x16xf32> to vector<16xf32>
      %swap3A_1197 = vector.shape_cast %mul3A_1193 : vector<16xf32> to vector<1x16xf32>
      tpu.vector_store %arg10[%swap3A, %swap3A_1194], %swap3A_1197 {strides = array<i32>} : memref<24x16xf32, #tpu.memory_space<vmem>>, vector<1x16xf32>,
      %lt3A_1198 = arith.constant 11 : i32
      %lt3A_1199 = arith.cmpi slt, %scan3A_63, %lt3A_1198 : i32
      %convert_element_type3A = arith.extui %lt3A_1199 : i1 to i32
      %cond3A = arith.constant 0 : i32
      %cond3A_1200 = arith.cmpi ne, %convert_element_type3A, %cond3A : i32
      scf.if %cond3A_1200 {
        %add3A_2332 = arith.addi %mul3A_2, %mul3A_65 : i32
        %add3A_2333 = arith.constant 2 : i32
        %add3A_2334 = arith.addi %add3A_2332, %add3A_2333 : i32
        %dma_start3A_2335 = arith.constant 0 : i32
        %dma_start3A_2336 = arith.constant 0 : i32
        %dma_start3A_2337 = tpu.memref_slice %arg9[%dma_start3A_2335, %dma_start3A_2336] : memref<2x4096xf32, #tpu.memory_space<vmem>> -> memref<1x4096xf32, #tpu.memory_space<vmem>>
        %dma_start3A_2338 = tpu.memref_squeeze %dma_start3A_2337 : memref<1x4096xf32, #tpu.memory_space<vmem>> -> memref<4096xf32, #tpu.memory_space<vmem>>
        %dma_start3A_2339 = arith.constant 0 : i32
        %dma_start3A_2340 = tpu.memref_slice %arg2[%add3A_2334, %dma_start3A_2339] : memref<4096x4096xf32, #tpu.memory_space<hbm>> -> memref<1x4096xf32, #tpu.memory_space<hbm>>
        %dma_start3A_2341 = tpu.memref_squeeze %dma_start3A_2340 : memref<1x4096xf32, #tpu.memory_space<hbm>> -> memref<4096xf32, #tpu.memory_space<hbm>>
        %dma_start3A_2342 = arith.constant 0 : i32
        %dma_start3A_2343 = tpu.memref_slice %arg9[%dma_start3A_2335, %dma_start3A_2342] : memref<2x4096xf32, #tpu.memory_space<vmem>> -> memref<1x4096xf32, #tpu.memory_space<vmem>>
        %dma_start3A_2344 = tpu.memref_squeeze %dma_start3A_2343 : memref<1x4096xf32, #tpu.memory_space<vmem>> -> memref<4096xf32, #tpu.memory_space<vmem>>
        %dma_start3A_2345 = arith.constant 0 : i32
        %dma_start3A_2346 = tpu.memref_slice %arg2[%add3A_2334, %dma_start3A_2345] : memref<4096x4096xf32, #tpu.memory_space<hbm>> -> memref<1x4096xf32, #tpu.memory_space<hbm>>
        %dma_start3A_2347 = tpu.memref_squeeze %dma_start3A_2346 : memref<1x4096xf32, #tpu.memory_space<hbm>> -> memref<4096xf32, #tpu.memory_space<hbm>>
        tpu.enqueue_dma source(%dma_start3A_2347 : memref<4096xf32, #tpu.memory_space<hbm>>) target(%dma_start3A_2344 : memref<4096xf32, #tpu.memory_space<vmem>>) target_semaphore(%arg14 : memref<!tpu.dma_semaphore, #tpu.memory_space<semaphore_mem>>)
      } else {
      }
      %add3A_1201 = arith.addi %mul3A_2, %mul3A_65 : i32
      %add3A_1202 = arith.constant 1 : i32
      %add3A_1203 = arith.addi %add3A_1201, %add3A_1202 : i32
      %dma_wait3A_1204 = arith.constant 1 : i32
      %dma_wait3A_1205 = arith.constant 0 : i32
      %dma_wait3A_1206 = tpu.memref_slice %arg9[%dma_wait3A_1204, %dma_wait3A_1205] : memref<2x4096xf32, #tpu.memory_space<vmem>> -> memref<1x4096xf32, #tpu.memory_space<vmem>>
      %dma_wait3A_1207 = tpu.memref_squeeze %dma_wait3A_1206 : memref<1x4096xf32, #tpu.memory_space<vmem>> -> memref<4096xf32, #tpu.memory_space<vmem>>
      %dma_wait3A_1208 = arith.constant 0 : i32
      %dma_wait3A_1209 = tpu.memref_slice %arg2[%add3A_1203, %dma_wait3A_1208] : memref<4096x4096xf32, #tpu.memory_space<hbm>> -> memref<1x4096xf32, #tpu.memory_space<hbm>>
      %dma_wait3A_1210 = tpu.memref_squeeze %dma_wait3A_1209 : memref<1x4096xf32, #tpu.memory_space<hbm>> -> memref<4096xf32, #tpu.memory_space<hbm>>
      %dma_wait3A_1211 = arith.constant 0 : i32
      %dma_wait3A_1212 = tpu.memref_slice %arg9[%dma_wait3A_1204, %dma_wait3A_1211] : memref<2x4096xf32, #tpu.memory_space<vmem>> -> memref<1x4096xf32, #tpu.memory_space<vmem>>
      %dma_wait3A_1213 = tpu.memref_squeeze %dma_wait3A_1212 : memref<1x4096xf32, #tpu.memory_space<vmem>> -> memref<4096xf32, #tpu.memory_space<vmem>>
      %dma_wait3A_1214 = arith.constant 0 : i32
      %dma_wait3A_1215 = tpu.memref_slice %arg2[%add3A_1203, %dma_wait3A_1214] : memref<4096x4096xf32, #tpu.memory_space<hbm>> -> memref<1x4096xf32, #tpu.memory_space<hbm>>
      %dma_wait3A_1216 = tpu.memref_squeeze %dma_wait3A_1215 : memref<1x4096xf32, #tpu.memory_space<hbm>> -> memref<4096xf32, #tpu.memory_space<hbm>>
      tpu.wait_dma2 semaphore(%arg15 : memref<!tpu.dma_semaphore, #tpu.memory_space<semaphore_mem>>) src(%dma_wait3A_1216 : memref<4096xf32, #tpu.memory_space<hbm>>) dst(%dma_wait3A_1213 : memref<4096xf32, #tpu.memory_space<vmem>>)
      %add3A_1217 = arith.constant 1 : i32
      %add3A_1218 = arith.addi %mul3A_65, %add3A_1217 : i32
      %get3A_1219 = arith.index_cast %add3A_1218 : i32 to index
      %get3A_1220 = arith.constant 0 : index
      %get3A_1221 = tpu.vector_load %arg8[%get3A_1219, %get3A_1220] {strides = array<i32>} : memref<32x16xf32, #tpu.memory_space<vmem>>, vector<1x16xf32>,
      %get3A_1222 = vector.shape_cast %get3A_1221 : vector<1x16xf32> to vector<16xf32>
      %slice3A_1223 = vector.extract_strided_slice %get3A_1222 {offsets = [0], sizes = [1], strides = [1]} : vector<16xf32> to vector<1xf32>
      %squeeze3A_1224 = vector.extract %slice3A_1223[0] : f32 from vector<1xf32>
      %slice3A_1225 = vector.extract_strided_slice %get3A_1222 {offsets = [1], sizes = [1], strides = [1]} : vector<16xf32> to vector<1xf32>
      %squeeze3A_1226 = vector.extract %slice3A_1225[0] : f32 from vector<1xf32>
      %slice3A_1227 = vector.extract_strided_slice %get3A_1222 {offsets = [2], sizes = [1], strides = [1]} : vector<16xf32> to vector<1xf32>
      %squeeze3A_1228 = vector.extract %slice3A_1227[0] : f32 from vector<1xf32>
      %slice3A_1229 = vector.extract_strided_slice %get3A_1222 {offsets = [3], sizes = [1], strides = [1]} : vector<16xf32> to vector<1xf32>
      %squeeze3A_1230 = vector.extract %slice3A_1229[0] : f32 from vector<1xf32>
      %slice3A_1231 = vector.extract_strided_slice %get3A_1222 {offsets = [4], sizes = [1], strides = [1]} : vector<16xf32> to vector<1xf32>
      %squeeze3A_1232 = vector.extract %slice3A_1231[0] : f32 from vector<1xf32>
      %slice3A_1233 = vector.extract_strided_slice %get3A_1222 {offsets = [5], sizes = [1], strides = [1]} : vector<16xf32> to vector<1xf32>
      %squeeze3A_1234 = vector.extract %slice3A_1233[0] : f32 from vector<1xf32>
      %slice3A_1235 = vector.extract_strided_slice %get3A_1222 {offsets = [6], sizes = [1], strides = [1]} : vector<16xf32> to vector<1xf32>
      %squeeze3A_1236 = vector.extract %slice3A_1235[0] : f32 from vector<1xf32>
      %slice3A_1237 = vector.extract_strided_slice %get3A_1222 {offsets = [7], sizes = [1], strides = [1]} : vector<16xf32> to vector<1xf32>
      %squeeze3A_1238 = vector.extract %slice3A_1237[0] : f32 from vector<1xf32>
      %slice3A_1239 = vector.extract_strided_slice %get3A_1222 {offsets = [8], sizes = [1], strides = [1]} : vector<16xf32> to vector<1xf32>
      %squeeze3A_1240 = vector.extract %slice3A_1239[0] : f32 from vector<1xf32>
      %slice3A_1241 = vector.extract_strided_slice %get3A_1222 {offsets = [9], sizes = [1], strides = [1]} : vector<16xf32> to vector<1xf32>
      %squeeze3A_1242 = vector.extract %slice3A_1241[0] : f32 from vector<1xf32>
      %slice3A_1243 = vector.extract_strided_slice %get3A_1222 {offsets = [10], sizes = [1], strides = [1]} : vector<16xf32> to vector<1xf32>
      %squeeze3A_1244 = vector.extract %slice3A_1243[0] : f32 from vector<1xf32>
      %slice3A_1245 = vector.extract_strided_slice %get3A_1222 {offsets = [11], sizes = [1], strides = [1]} : vector<16xf32> to vector<1xf32>
      %squeeze3A_1246 = vector.extract %slice3A_1245[0] : f32 from vector<1xf32>
      %slice3A_1247 = vector.extract_strided_slice %get3A_1222 {offsets = [12], sizes = [1], strides = [1]} : vector<16xf32> to vector<1xf32>
      %squeeze3A_1248 = vector.extract %slice3A_1247[0] : f32 from vector<1xf32>
      %slice3A_1249 = vector.extract_strided_slice %get3A_1222 {offsets = [13], sizes = [1], strides = [1]} : vector<16xf32> to vector<1xf32>
      %squeeze3A_1250 = vector.extract %slice3A_1249[0] : f32 from vector<1xf32>
      %slice3A_1251 = vector.extract_strided_slice %get3A_1222 {offsets = [14], sizes = [1], strides = [1]} : vector<16xf32> to vector<1xf32>
      %squeeze3A_1252 = vector.extract %slice3A_1251[0] : f32 from vector<1xf32>
      %slice3A_1253 = vector.extract_strided_slice %get3A_1222 {offsets = [15], sizes = [1], strides = [1]} : vector<16xf32> to vector<1xf32>
      %squeeze3A_1254 = vector.extract %slice3A_1253[0] : f32 from vector<1xf32>
      %broadcast_in_dim3A_1255 = arith.constant 0.000000e+00 : f32
      %broadcast_in_dim3A_1256 = vector.broadcast %broadcast_in_dim3A_1255 : f32 to vector<16xf32>
      %broadcast_in_dim3A_1257 = arith.constant 0.000000e+00 : f32
      %broadcast_in_dim3A_1258 = vector.broadcast %broadcast_in_dim3A_1257 : f32 to vector<16xf32>
      %broadcast_in_dim3A_1259 = arith.constant 0.000000e+00 : f32
      %broadcast_in_dim3A_1260 = vector.broadcast %broadcast_in_dim3A_1259 : f32 to vector<16xf32>
      %broadcast_in_dim3A_1261 = arith.constant 0.000000e+00 : f32
      %broadcast_in_dim3A_1262 = vector.broadcast %broadcast_in_dim3A_1261 : f32 to vector<16xf32>
      %broadcast_in_dim3A_1263 = arith.constant 0.000000e+00 : f32
      %broadcast_in_dim3A_1264 = vector.broadcast %broadcast_in_dim3A_1263 : f32 to vector<16xf32>
      %broadcast_in_dim3A_1265 = arith.constant 0.000000e+00 : f32
      %broadcast_in_dim3A_1266 = vector.broadcast %broadcast_in_dim3A_1265 : f32 to vector<16xf32>
      %broadcast_in_dim3A_1267 = arith.constant 0.000000e+00 : f32
      %broadcast_in_dim3A_1268 = vector.broadcast %broadcast_in_dim3A_1267 : f32 to vector<16xf32>
      %broadcast_in_dim3A_1269 = arith.constant 0.000000e+00 : f32
      %broadcast_in_dim3A_1270 = vector.broadcast %broadcast_in_dim3A_1269 : f32 to vector<16xf32>
      %broadcast_in_dim3A_1271 = arith.constant 0.000000e+00 : f32
      %broadcast_in_dim3A_1272 = vector.broadcast %broadcast_in_dim3A_1271 : f32 to vector<16xf32>
      %broadcast_in_dim3A_1273 = arith.constant 0.000000e+00 : f32
      %broadcast_in_dim3A_1274 = vector.broadcast %broadcast_in_dim3A_1273 : f32 to vector<16xf32>
      %broadcast_in_dim3A_1275 = arith.constant 0.000000e+00 : f32
      %broadcast_in_dim3A_1276 = vector.broadcast %broadcast_in_dim3A_1275 : f32 to vector<16xf32>
      %broadcast_in_dim3A_1277 = arith.constant 0.000000e+00 : f32
      %broadcast_in_dim3A_1278 = vector.broadcast %broadcast_in_dim3A_1277 : f32 to vector<16xf32>
      %broadcast_in_dim3A_1279 = arith.constant 0.000000e+00 : f32
      %broadcast_in_dim3A_1280 = vector.broadcast %broadcast_in_dim3A_1279 : f32 to vector<16xf32>
      %broadcast_in_dim3A_1281 = arith.constant 0.000000e+00 : f32
      %broadcast_in_dim3A_1282 = vector.broadcast %broadcast_in_dim3A_1281 : f32 to vector<16xf32>
      %broadcast_in_dim3A_1283 = arith.constant 0.000000e+00 : f32
      %broadcast_in_dim3A_1284 = vector.broadcast %broadcast_in_dim3A_1283 : f32 to vector<16xf32>
      %broadcast_in_dim3A_1285 = arith.constant 0.000000e+00 : f32
      %broadcast_in_dim3A_1286 = vector.broadcast %broadcast_in_dim3A_1285 : f32 to vector<16xf32>
      %broadcast_in_dim3A_1287 = arith.constant 0.000000e+00 : f32
      %broadcast_in_dim3A_1288 = vector.broadcast %broadcast_in_dim3A_1287 : f32 to vector<16xf32>
      %scan3A_1289 = arith.constant 0 : i32
      %scan3A_1290 = arith.constant 128 : i32
      %scan3A_1291 = arith.addi %scan3A_1289, %scan3A_1290 : i32
      %scan3A_1292 = arith.constant 1 : i32
      %scan3A_1293:17 = scf.for %scan3A_2332 = %scan3A_1289 to %scan3A_1291 step %scan3A_1292 iter_args(%scan3A_2333 = %broadcast_in_dim3A_1256, %scan3A_2334 = %broadcast_in_dim3A_1258, %scan3A_2335 = %broadcast_in_dim3A_1260, %scan3A_2336 = %broadcast_in_dim3A_1262, %scan3A_2337 = %broadcast_in_dim3A_1264, %scan3A_2338 = %broadcast_in_dim3A_1266, %scan3A_2339 = %broadcast_in_dim3A_1268, %scan3A_2340 = %broadcast_in_dim3A_1270, %scan3A_2341 = %broadcast_in_dim3A_1272, %scan3A_2342 = %broadcast_in_dim3A_1274, %scan3A_2343 = %broadcast_in_dim3A_1276, %scan3A_2344 = %broadcast_in_dim3A_1278, %scan3A_2345 = %broadcast_in_dim3A_1280, %scan3A_2346 = %broadcast_in_dim3A_1282, %scan3A_2347 = %broadcast_in_dim3A_1284, %scan3A_2348 = %broadcast_in_dim3A_1286, %scan3A_2349 = %broadcast_in_dim3A_1288) -> (vector<16xf32>, vector<16xf32>, vector<16xf32>, vector<16xf32>, vector<16xf32>, vector<16xf32>, vector<16xf32>, vector<16xf32>, vector<16xf32>, vector<16xf32>, vector<16xf32>, vector<16xf32>, vector<16xf32>, vector<16xf32>, vector<16xf32>, vector<16xf32>, vector<16xf32>)  : i32 {
        %mul3A_2350 = arith.constant 2 : i32
        %mul3A_2351 = arith.muli %mul3A_2350, %scan3A_2332 : i32
        %mul3A_2352 = arith.constant 16 : i32
        %mul3A_2353 = arith.muli %mul3A_2351, %mul3A_2352 : i32
        %get3A_2354 = arith.constant 1 : i32
        %get3A_2355 = arith.index_cast %get3A_2354 : i32 to index
        %get3A_2356 = arith.index_cast %mul3A_2353 : i32 to index
        %get3A_2357 = tpu.vector_load %arg9[%get3A_2355, %get3A_2356] {strides = array<i32>} : memref<2x4096xf32, #tpu.memory_space<vmem>>, vector<1x16xf32>,
        %get3A_2358 = vector.shape_cast %get3A_2357 : vector<1x16xf32> to vector<16xf32>
        %gt3A_2359 = arith.constant 0.000000e+00 : f32
        %gt3A_2360 = vector.broadcast %gt3A_2359 : f32 to vector<16xf32>
        %gt3A_2361 = arith.cmpf ogt, %get3A_2358, %gt3A_2360 : vector<16xf32>
        %jit3A_2362 = arith.constant 0.000000e+00 : f32
        %jit3A_2363 = arith.constant -1.000000e+30 : f32
        %broadcast_in_dim3A_2364 = vector.broadcast %jit3A_2362 : f32 to vector<16xf32>
        %broadcast_in_dim3A_2365 = vector.broadcast %jit3A_2363 : f32 to vector<16xf32>
        %select_n3A_2366 = arith.select %gt3A_2361, %broadcast_in_dim3A_2364, %broadcast_in_dim3A_2365 : vector<16xi1>, vector<16xf32>
        %jit3A_2367 = arith.constant 1.000000e+00 : f32
        %jit3A_2368 = arith.constant 0.000000e+00 : f32
        %broadcast_in_dim3A_2369 = vector.broadcast %jit3A_2367 : f32 to vector<16xf32>
        %broadcast_in_dim3A_2370 = vector.broadcast %jit3A_2368 : f32 to vector<16xf32>
        %select_n3A_2371 = arith.select %gt3A_2361, %broadcast_in_dim3A_2369, %broadcast_in_dim3A_2370 : vector<16xi1>, vector<16xf32>
        %add3A_2372 = arith.addf %scan3A_2349, %select_n3A_2371 : vector<16xf32>
        %mul3A_2373 = arith.constant 16 : i32
        %mul3A_2374 = arith.muli %mul3A_2351, %mul3A_2373 : i32
        %get3A_2375 = arith.constant 0 : i32
        %get3A_2376 = arith.index_cast %get3A_2375 : i32 to index
        %get3A_2377 = arith.index_cast %mul3A_2374 : i32 to index
        %get3A_2378 = tpu.vector_load %arg7[%get3A_2376, %get3A_2377] {strides = array<i32>} : memref<16x4096xf32, #tpu.memory_space<vmem>>, vector<1x16xf32>,
        %get3A_2379 = vector.shape_cast %get3A_2378 : vector<1x16xf32> to vector<16xf32>
        %add3A_2380 = arith.addf %get3A_2379, %select_n3A_2366 : vector<16xf32>
        %sub3A_2381 = vector.broadcast %squeeze3A_1224 : f32 to vector<16xf32>
        %sub3A_2382 = arith.subf %add3A_2380, %sub3A_2381 : vector<16xf32>
        %max3A_2383 = arith.constant 0.000000e+00 : f32
        %max3A_2384 = vector.broadcast %max3A_2383 : f32 to vector<16xf32>
        %max3A_2385 = arith.maximumf %sub3A_2382, %max3A_2384 : vector<16xf32>
        %add3A_2386 = arith.addf %scan3A_2333, %max3A_2385 : vector<16xf32>
        %mul3A_2387 = arith.constant 16 : i32
        %mul3A_2388 = arith.muli %mul3A_2351, %mul3A_2387 : i32
        %get3A_2389 = arith.constant 1 : i32
        %get3A_2390 = arith.index_cast %get3A_2389 : i32 to index
        %get3A_2391 = arith.index_cast %mul3A_2388 : i32 to index
        %get3A_2392 = tpu.vector_load %arg7[%get3A_2390, %get3A_2391] {strides = array<i32>} : memref<16x4096xf32, #tpu.memory_space<vmem>>, vector<1x16xf32>,
        %get3A_2393 = vector.shape_cast %get3A_2392 : vector<1x16xf32> to vector<16xf32>
        %add3A_2394 = arith.addf %get3A_2393, %select_n3A_2366 : vector<16xf32>
        %sub3A_2395 = vector.broadcast %squeeze3A_1226 : f32 to vector<16xf32>
        %sub3A_2396 = arith.subf %add3A_2394, %sub3A_2395 : vector<16xf32>
        %max3A_2397 = arith.constant 0.000000e+00 : f32
        %max3A_2398 = vector.broadcast %max3A_2397 : f32 to vector<16xf32>
        %max3A_2399 = arith.maximumf %sub3A_2396, %max3A_2398 : vector<16xf32>
        %add3A_2400 = arith.addf %scan3A_2334, %max3A_2399 : vector<16xf32>
        %mul3A_2401 = arith.constant 16 : i32
        %mul3A_2402 = arith.muli %mul3A_2351, %mul3A_2401 : i32
        %get3A_2403 = arith.constant 2 : i32
        %get3A_2404 = arith.index_cast %get3A_2403 : i32 to index
        %get3A_2405 = arith.index_cast %mul3A_2402 : i32 to index
        %get3A_2406 = tpu.vector_load %arg7[%get3A_2404, %get3A_2405] {strides = array<i32>} : memref<16x4096xf32, #tpu.memory_space<vmem>>, vector<1x16xf32>,
        %get3A_2407 = vector.shape_cast %get3A_2406 : vector<1x16xf32> to vector<16xf32>
        %add3A_2408 = arith.addf %get3A_2407, %select_n3A_2366 : vector<16xf32>
        %sub3A_2409 = vector.broadcast %squeeze3A_1228 : f32 to vector<16xf32>
        %sub3A_2410 = arith.subf %add3A_2408, %sub3A_2409 : vector<16xf32>
        %max3A_2411 = arith.constant 0.000000e+00 : f32
        %max3A_2412 = vector.broadcast %max3A_2411 : f32 to vector<16xf32>
        %max3A_2413 = arith.maximumf %sub3A_2410, %max3A_2412 : vector<16xf32>
        %add3A_2414 = arith.addf %scan3A_2335, %max3A_2413 : vector<16xf32>
        %mul3A_2415 = arith.constant 16 : i32
        %mul3A_2416 = arith.muli %mul3A_2351, %mul3A_2415 : i32
        %get3A_2417 = arith.constant 3 : i32
        %get3A_2418 = arith.index_cast %get3A_2417 : i32 to index
        %get3A_2419 = arith.index_cast %mul3A_2416 : i32 to index
        %get3A_2420 = tpu.vector_load %arg7[%get3A_2418, %get3A_2419] {strides = array<i32>} : memref<16x4096xf32, #tpu.memory_space<vmem>>, vector<1x16xf32>,
        %get3A_2421 = vector.shape_cast %get3A_2420 : vector<1x16xf32> to vector<16xf32>
        %add3A_2422 = arith.addf %get3A_2421, %select_n3A_2366 : vector<16xf32>
        %sub3A_2423 = vector.broadcast %squeeze3A_1230 : f32 to vector<16xf32>
        %sub3A_2424 = arith.subf %add3A_2422, %sub3A_2423 : vector<16xf32>
        %max3A_2425 = arith.constant 0.000000e+00 : f32
        %max3A_2426 = vector.broadcast %max3A_2425 : f32 to vector<16xf32>
        %max3A_2427 = arith.maximumf %sub3A_2424, %max3A_2426 : vector<16xf32>
        %add3A_2428 = arith.addf %scan3A_2336, %max3A_2427 : vector<16xf32>
        %mul3A_2429 = arith.constant 16 : i32
        %mul3A_2430 = arith.muli %mul3A_2351, %mul3A_2429 : i32
        %get3A_2431 = arith.constant 4 : i32
        %get3A_2432 = arith.index_cast %get3A_2431 : i32 to index
        %get3A_2433 = arith.index_cast %mul3A_2430 : i32 to index
        %get3A_2434 = tpu.vector_load %arg7[%get3A_2432, %get3A_2433] {strides = array<i32>} : memref<16x4096xf32, #tpu.memory_space<vmem>>, vector<1x16xf32>,
        %get3A_2435 = vector.shape_cast %get3A_2434 : vector<1x16xf32> to vector<16xf32>
        %add3A_2436 = arith.addf %get3A_2435, %select_n3A_2366 : vector<16xf32>
        %sub3A_2437 = vector.broadcast %squeeze3A_1232 : f32 to vector<16xf32>
        %sub3A_2438 = arith.subf %add3A_2436, %sub3A_2437 : vector<16xf32>
        %max3A_2439 = arith.constant 0.000000e+00 : f32
        %max3A_2440 = vector.broadcast %max3A_2439 : f32 to vector<16xf32>
        %max3A_2441 = arith.maximumf %sub3A_2438, %max3A_2440 : vector<16xf32>
        %add3A_2442 = arith.addf %scan3A_2337, %max3A_2441 : vector<16xf32>
        %mul3A_2443 = arith.constant 16 : i32
        %mul3A_2444 = arith.muli %mul3A_2351, %mul3A_2443 : i32
        %get3A_2445 = arith.constant 5 : i32
        %get3A_2446 = arith.index_cast %get3A_2445 : i32 to index
        %get3A_2447 = arith.index_cast %mul3A_2444 : i32 to index
        %get3A_2448 = tpu.vector_load %arg7[%get3A_2446, %get3A_2447] {strides = array<i32>} : memref<16x4096xf32, #tpu.memory_space<vmem>>, vector<1x16xf32>,
        %get3A_2449 = vector.shape_cast %get3A_2448 : vector<1x16xf32> to vector<16xf32>
        %add3A_2450 = arith.addf %get3A_2449, %select_n3A_2366 : vector<16xf32>
        %sub3A_2451 = vector.broadcast %squeeze3A_1234 : f32 to vector<16xf32>
        %sub3A_2452 = arith.subf %add3A_2450, %sub3A_2451 : vector<16xf32>
        %max3A_2453 = arith.constant 0.000000e+00 : f32
        %max3A_2454 = vector.broadcast %max3A_2453 : f32 to vector<16xf32>
        %max3A_2455 = arith.maximumf %sub3A_2452, %max3A_2454 : vector<16xf32>
        %add3A_2456 = arith.addf %scan3A_2338, %max3A_2455 : vector<16xf32>
        %mul3A_2457 = arith.constant 16 : i32
        %mul3A_2458 = arith.muli %mul3A_2351, %mul3A_2457 : i32
        %get3A_2459 = arith.constant 6 : i32
        %get3A_2460 = arith.index_cast %get3A_2459 : i32 to index
        %get3A_2461 = arith.index_cast %mul3A_2458 : i32 to index
        %get3A_2462 = tpu.vector_load %arg7[%get3A_2460, %get3A_2461] {strides = array<i32>} : memref<16x4096xf32, #tpu.memory_space<vmem>>, vector<1x16xf32>,
        %get3A_2463 = vector.shape_cast %get3A_2462 : vector<1x16xf32> to vector<16xf32>
        %add3A_2464 = arith.addf %get3A_2463, %select_n3A_2366 : vector<16xf32>
        %sub3A_2465 = vector.broadcast %squeeze3A_1236 : f32 to vector<16xf32>
        %sub3A_2466 = arith.subf %add3A_2464, %sub3A_2465 : vector<16xf32>
        %max3A_2467 = arith.constant 0.000000e+00 : f32
        %max3A_2468 = vector.broadcast %max3A_2467 : f32 to vector<16xf32>
        %max3A_2469 = arith.maximumf %sub3A_2466, %max3A_2468 : vector<16xf32>
        %add3A_2470 = arith.addf %scan3A_2339, %max3A_2469 : vector<16xf32>
        %mul3A_2471 = arith.constant 16 : i32
        %mul3A_2472 = arith.muli %mul3A_2351, %mul3A_2471 : i32
        %get3A_2473 = arith.constant 7 : i32
        %get3A_2474 = arith.index_cast %get3A_2473 : i32 to index
        %get3A_2475 = arith.index_cast %mul3A_2472 : i32 to index
        %get3A_2476 = tpu.vector_load %arg7[%get3A_2474, %get3A_2475] {strides = array<i32>} : memref<16x4096xf32, #tpu.memory_space<vmem>>, vector<1x16xf32>,
        %get3A_2477 = vector.shape_cast %get3A_2476 : vector<1x16xf32> to vector<16xf32>
        %add3A_2478 = arith.addf %get3A_2477, %select_n3A_2366 : vector<16xf32>
        %sub3A_2479 = vector.broadcast %squeeze3A_1238 : f32 to vector<16xf32>
        %sub3A_2480 = arith.subf %add3A_2478, %sub3A_2479 : vector<16xf32>
        %max3A_2481 = arith.constant 0.000000e+00 : f32
        %max3A_2482 = vector.broadcast %max3A_2481 : f32 to vector<16xf32>
        %max3A_2483 = arith.maximumf %sub3A_2480, %max3A_2482 : vector<16xf32>
        %add3A_2484 = arith.addf %scan3A_2340, %max3A_2483 : vector<16xf32>
        %mul3A_2485 = arith.constant 16 : i32
        %mul3A_2486 = arith.muli %mul3A_2351, %mul3A_2485 : i32
        %get3A_2487 = arith.constant 8 : i32
        %get3A_2488 = arith.index_cast %get3A_2487 : i32 to index
        %get3A_2489 = arith.index_cast %mul3A_2486 : i32 to index
        %get3A_2490 = tpu.vector_load %arg7[%get3A_2488, %get3A_2489] {strides = array<i32>} : memref<16x4096xf32, #tpu.memory_space<vmem>>, vector<1x16xf32>,
        %get3A_2491 = vector.shape_cast %get3A_2490 : vector<1x16xf32> to vector<16xf32>
        %add3A_2492 = arith.addf %get3A_2491, %select_n3A_2366 : vector<16xf32>
        %sub3A_2493 = vector.broadcast %squeeze3A_1240 : f32 to vector<16xf32>
        %sub3A_2494 = arith.subf %add3A_2492, %sub3A_2493 : vector<16xf32>
        %max3A_2495 = arith.constant 0.000000e+00 : f32
        %max3A_2496 = vector.broadcast %max3A_2495 : f32 to vector<16xf32>
        %max3A_2497 = arith.maximumf %sub3A_2494, %max3A_2496 : vector<16xf32>
        %add3A_2498 = arith.addf %scan3A_2341, %max3A_2497 : vector<16xf32>
        %mul3A_2499 = arith.constant 16 : i32
        %mul3A_2500 = arith.muli %mul3A_2351, %mul3A_2499 : i32
        %get3A_2501 = arith.constant 9 : i32
        %get3A_2502 = arith.index_cast %get3A_2501 : i32 to index
        %get3A_2503 = arith.index_cast %mul3A_2500 : i32 to index
        %get3A_2504 = tpu.vector_load %arg7[%get3A_2502, %get3A_2503] {strides = array<i32>} : memref<16x4096xf32, #tpu.memory_space<vmem>>, vector<1x16xf32>,
        %get3A_2505 = vector.shape_cast %get3A_2504 : vector<1x16xf32> to vector<16xf32>
        %add3A_2506 = arith.addf %get3A_2505, %select_n3A_2366 : vector<16xf32>
        %sub3A_2507 = vector.broadcast %squeeze3A_1242 : f32 to vector<16xf32>
        %sub3A_2508 = arith.subf %add3A_2506, %sub3A_2507 : vector<16xf32>
        %max3A_2509 = arith.constant 0.000000e+00 : f32
        %max3A_2510 = vector.broadcast %max3A_2509 : f32 to vector<16xf32>
        %max3A_2511 = arith.maximumf %sub3A_2508, %max3A_2510 : vector<16xf32>
        %add3A_2512 = arith.addf %scan3A_2342, %max3A_2511 : vector<16xf32>
        %mul3A_2513 = arith.constant 16 : i32
        %mul3A_2514 = arith.muli %mul3A_2351, %mul3A_2513 : i32
        %get3A_2515 = arith.constant 10 : i32
        %get3A_2516 = arith.index_cast %get3A_2515 : i32 to index
        %get3A_2517 = arith.index_cast %mul3A_2514 : i32 to index
        %get3A_2518 = tpu.vector_load %arg7[%get3A_2516, %get3A_2517] {strides = array<i32>} : memref<16x4096xf32, #tpu.memory_space<vmem>>, vector<1x16xf32>,
        %get3A_2519 = vector.shape_cast %get3A_2518 : vector<1x16xf32> to vector<16xf32>
        %add3A_2520 = arith.addf %get3A_2519, %select_n3A_2366 : vector<16xf32>
        %sub3A_2521 = vector.broadcast %squeeze3A_1244 : f32 to vector<16xf32>
        %sub3A_2522 = arith.subf %add3A_2520, %sub3A_2521 : vector<16xf32>
        %max3A_2523 = arith.constant 0.000000e+00 : f32
        %max3A_2524 = vector.broadcast %max3A_2523 : f32 to vector<16xf32>
        %max3A_2525 = arith.maximumf %sub3A_2522, %max3A_2524 : vector<16xf32>
        %add3A_2526 = arith.addf %scan3A_2343, %max3A_2525 : vector<16xf32>
        %mul3A_2527 = arith.constant 16 : i32
        %mul3A_2528 = arith.muli %mul3A_2351, %mul3A_2527 : i32
        %get3A_2529 = arith.constant 11 : i32
        %get3A_2530 = arith.index_cast %get3A_2529 : i32 to index
        %get3A_2531 = arith.index_cast %mul3A_2528 : i32 to index
        %get3A_2532 = tpu.vector_load %arg7[%get3A_2530, %get3A_2531] {strides = array<i32>} : memref<16x4096xf32, #tpu.memory_space<vmem>>, vector<1x16xf32>,
        %get3A_2533 = vector.shape_cast %get3A_2532 : vector<1x16xf32> to vector<16xf32>
        %add3A_2534 = arith.addf %get3A_2533, %select_n3A_2366 : vector<16xf32>
        %sub3A_2535 = vector.broadcast %squeeze3A_1246 : f32 to vector<16xf32>
        %sub3A_2536 = arith.subf %add3A_2534, %sub3A_2535 : vector<16xf32>
        %max3A_2537 = arith.constant 0.000000e+00 : f32
        %max3A_2538 = vector.broadcast %max3A_2537 : f32 to vector<16xf32>
        %max3A_2539 = arith.maximumf %sub3A_2536, %max3A_2538 : vector<16xf32>
        %add3A_2540 = arith.addf %scan3A_2344, %max3A_2539 : vector<16xf32>
        %mul3A_2541 = arith.constant 16 : i32
        %mul3A_2542 = arith.muli %mul3A_2351, %mul3A_2541 : i32
        %get3A_2543 = arith.constant 12 : i32
        %get3A_2544 = arith.index_cast %get3A_2543 : i32 to index
        %get3A_2545 = arith.index_cast %mul3A_2542 : i32 to index
        %get3A_2546 = tpu.vector_load %arg7[%get3A_2544, %get3A_2545] {strides = array<i32>} : memref<16x4096xf32, #tpu.memory_space<vmem>>, vector<1x16xf32>,
        %get3A_2547 = vector.shape_cast %get3A_2546 : vector<1x16xf32> to vector<16xf32>
        %add3A_2548 = arith.addf %get3A_2547, %select_n3A_2366 : vector<16xf32>
        %sub3A_2549 = vector.broadcast %squeeze3A_1248 : f32 to vector<16xf32>
        %sub3A_2550 = arith.subf %add3A_2548, %sub3A_2549 : vector<16xf32>
        %max3A_2551 = arith.constant 0.000000e+00 : f32
        %max3A_2552 = vector.broadcast %max3A_2551 : f32 to vector<16xf32>
        %max3A_2553 = arith.maximumf %sub3A_2550, %max3A_2552 : vector<16xf32>
        %add3A_2554 = arith.addf %scan3A_2345, %max3A_2553 : vector<16xf32>
        %mul3A_2555 = arith.constant 16 : i32
        %mul3A_2556 = arith.muli %mul3A_2351, %mul3A_2555 : i32
        %get3A_2557 = arith.constant 13 : i32
        %get3A_2558 = arith.index_cast %get3A_2557 : i32 to index
        %get3A_2559 = arith.index_cast %mul3A_2556 : i32 to index
        %get3A_2560 = tpu.vector_load %arg7[%get3A_2558, %get3A_2559] {strides = array<i32>} : memref<16x4096xf32, #tpu.memory_space<vmem>>, vector<1x16xf32>,
        %get3A_2561 = vector.shape_cast %get3A_2560 : vector<1x16xf32> to vector<16xf32>
        %add3A_2562 = arith.addf %get3A_2561, %select_n3A_2366 : vector<16xf32>
        %sub3A_2563 = vector.broadcast %squeeze3A_1250 : f32 to vector<16xf32>
        %sub3A_2564 = arith.subf %add3A_2562, %sub3A_2563 : vector<16xf32>
        %max3A_2565 = arith.constant 0.000000e+00 : f32
        %max3A_2566 = vector.broadcast %max3A_2565 : f32 to vector<16xf32>
        %max3A_2567 = arith.maximumf %sub3A_2564, %max3A_2566 : vector<16xf32>
        %add3A_2568 = arith.addf %scan3A_2346, %max3A_2567 : vector<16xf32>
        %mul3A_2569 = arith.constant 16 : i32
        %mul3A_2570 = arith.muli %mul3A_2351, %mul3A_2569 : i32
        %get3A_2571 = arith.constant 14 : i32
        %get3A_2572 = arith.index_cast %get3A_2571 : i32 to index
        %get3A_2573 = arith.index_cast %mul3A_2570 : i32 to index
        %get3A_2574 = tpu.vector_load %arg7[%get3A_2572, %get3A_2573] {strides = array<i32>} : memref<16x4096xf32, #tpu.memory_space<vmem>>, vector<1x16xf32>,
        %get3A_2575 = vector.shape_cast %get3A_2574 : vector<1x16xf32> to vector<16xf32>
        %add3A_2576 = arith.addf %get3A_2575, %select_n3A_2366 : vector<16xf32>
        %sub3A_2577 = vector.broadcast %squeeze3A_1252 : f32 to vector<16xf32>
        %sub3A_2578 = arith.subf %add3A_2576, %sub3A_2577 : vector<16xf32>
        %max3A_2579 = arith.constant 0.000000e+00 : f32
        %max3A_2580 = vector.broadcast %max3A_2579 : f32 to vector<16xf32>
        %max3A_2581 = arith.maximumf %sub3A_2578, %max3A_2580 : vector<16xf32>
        %add3A_2582 = arith.addf %scan3A_2347, %max3A_2581 : vector<16xf32>
        %mul3A_2583 = arith.constant 16 : i32
        %mul3A_2584 = arith.muli %mul3A_2351, %mul3A_2583 : i32
        %get3A_2585 = arith.constant 15 : i32
        %get3A_2586 = arith.index_cast %get3A_2585 : i32 to index
        %get3A_2587 = arith.index_cast %mul3A_2584 : i32 to index
        %get3A_2588 = tpu.vector_load %arg7[%get3A_2586, %get3A_2587] {strides = array<i32>} : memref<16x4096xf32, #tpu.memory_space<vmem>>, vector<1x16xf32>,
        %get3A_2589 = vector.shape_cast %get3A_2588 : vector<1x16xf32> to vector<16xf32>
        %add3A_2590 = arith.addf %get3A_2589, %select_n3A_2366 : vector<16xf32>
        %sub3A_2591 = vector.broadcast %squeeze3A_1254 : f32 to vector<16xf32>
        %sub3A_2592 = arith.subf %add3A_2590, %sub3A_2591 : vector<16xf32>
        %max3A_2593 = arith.constant 0.000000e+00 : f32
        %max3A_2594 = vector.broadcast %max3A_2593 : f32 to vector<16xf32>
        %max3A_2595 = arith.maximumf %sub3A_2592, %max3A_2594 : vector<16xf32>
        %add3A_2596 = arith.addf %scan3A_2348, %max3A_2595 : vector<16xf32>
        %mul3A_2597 = arith.constant 2 : i32
        %mul3A_2598 = arith.muli %mul3A_2597, %scan3A_2332 : i32
        %add3A_2599 = arith.constant 1 : i32
        %add3A_2600 = arith.addi %mul3A_2598, %add3A_2599 : i32
        %mul3A_2601 = arith.constant 16 : i32
        %mul3A_2602 = arith.muli %add3A_2600, %mul3A_2601 : i32
        %get3A_2603 = arith.constant 1 : i32
        %get3A_2604 = arith.index_cast %get3A_2603 : i32 to index
        %get3A_2605 = arith.index_cast %mul3A_2602 : i32 to index
        %get3A_2606 = tpu.vector_load %arg9[%get3A_2604, %get3A_2605] {strides = array<i32>} : memref<2x4096xf32, #tpu.memory_space<vmem>>, vector<1x16xf32>,
        %get3A_2607 = vector.shape_cast %get3A_2606 : vector<1x16xf32> to vector<16xf32>
        %gt3A_2608 = arith.constant 0.000000e+00 : f32
        %gt3A_2609 = vector.broadcast %gt3A_2608 : f32 to vector<16xf32>
        %gt3A_2610 = arith.cmpf ogt, %get3A_2607, %gt3A_2609 : vector<16xf32>
        %jit3A_2611 = arith.constant 0.000000e+00 : f32
        %jit3A_2612 = arith.constant -1.000000e+30 : f32
        %broadcast_in_dim3A_2613 = vector.broadcast %jit3A_2611 : f32 to vector<16xf32>
        %broadcast_in_dim3A_2614 = vector.broadcast %jit3A_2612 : f32 to vector<16xf32>
        %select_n3A_2615 = arith.select %gt3A_2610, %broadcast_in_dim3A_2613, %broadcast_in_dim3A_2614 : vector<16xi1>, vector<16xf32>
        %jit3A_2616 = arith.constant 1.000000e+00 : f32
        %jit3A_2617 = arith.constant 0.000000e+00 : f32
        %broadcast_in_dim3A_2618 = vector.broadcast %jit3A_2616 : f32 to vector<16xf32>
        %broadcast_in_dim3A_2619 = vector.broadcast %jit3A_2617 : f32 to vector<16xf32>
        %select_n3A_2620 = arith.select %gt3A_2610, %broadcast_in_dim3A_2618, %broadcast_in_dim3A_2619 : vector<16xi1>, vector<16xf32>
        %add3A_2621 = arith.addf %add3A_2372, %select_n3A_2620 : vector<16xf32>
        %mul3A_2622 = arith.constant 16 : i32
        %mul3A_2623 = arith.muli %add3A_2600, %mul3A_2622 : i32
        %get3A_2624 = arith.constant 0 : i32
        %get3A_2625 = arith.index_cast %get3A_2624 : i32 to index
        %get3A_2626 = arith.index_cast %mul3A_2623 : i32 to index
        %get3A_2627 = tpu.vector_load %arg7[%get3A_2625, %get3A_2626] {strides = array<i32>} : memref<16x4096xf32, #tpu.memory_space<vmem>>, vector<1x16xf32>,
        %get3A_2628 = vector.shape_cast %get3A_2627 : vector<1x16xf32> to vector<16xf32>
        %add3A_2629 = arith.addf %get3A_2628, %select_n3A_2615 : vector<16xf32>
        %sub3A_2630 = vector.broadcast %squeeze3A_1224 : f32 to vector<16xf32>
        %sub3A_2631 = arith.subf %add3A_2629, %sub3A_2630 : vector<16xf32>
        %max3A_2632 = arith.constant 0.000000e+00 : f32
        %max3A_2633 = vector.broadcast %max3A_2632 : f32 to vector<16xf32>
        %max3A_2634 = arith.maximumf %sub3A_2631, %max3A_2633 : vector<16xf32>
        %add3A_2635 = arith.addf %add3A_2386, %max3A_2634 : vector<16xf32>
        %mul3A_2636 = arith.constant 16 : i32
        %mul3A_2637 = arith.muli %add3A_2600, %mul3A_2636 : i32
        %get3A_2638 = arith.constant 1 : i32
        %get3A_2639 = arith.index_cast %get3A_2638 : i32 to index
        %get3A_2640 = arith.index_cast %mul3A_2637 : i32 to index
        %get3A_2641 = tpu.vector_load %arg7[%get3A_2639, %get3A_2640] {strides = array<i32>} : memref<16x4096xf32, #tpu.memory_space<vmem>>, vector<1x16xf32>,
        %get3A_2642 = vector.shape_cast %get3A_2641 : vector<1x16xf32> to vector<16xf32>
        %add3A_2643 = arith.addf %get3A_2642, %select_n3A_2615 : vector<16xf32>
        %sub3A_2644 = vector.broadcast %squeeze3A_1226 : f32 to vector<16xf32>
        %sub3A_2645 = arith.subf %add3A_2643, %sub3A_2644 : vector<16xf32>
        %max3A_2646 = arith.constant 0.000000e+00 : f32
        %max3A_2647 = vector.broadcast %max3A_2646 : f32 to vector<16xf32>
        %max3A_2648 = arith.maximumf %sub3A_2645, %max3A_2647 : vector<16xf32>
        %add3A_2649 = arith.addf %add3A_2400, %max3A_2648 : vector<16xf32>
        %mul3A_2650 = arith.constant 16 : i32
        %mul3A_2651 = arith.muli %add3A_2600, %mul3A_2650 : i32
        %get3A_2652 = arith.constant 2 : i32
        %get3A_2653 = arith.index_cast %get3A_2652 : i32 to index
        %get3A_2654 = arith.index_cast %mul3A_2651 : i32 to index
        %get3A_2655 = tpu.vector_load %arg7[%get3A_2653, %get3A_2654] {strides = array<i32>} : memref<16x4096xf32, #tpu.memory_space<vmem>>, vector<1x16xf32>,
        %get3A_2656 = vector.shape_cast %get3A_2655 : vector<1x16xf32> to vector<16xf32>
        %add3A_2657 = arith.addf %get3A_2656, %select_n3A_2615 : vector<16xf32>
        %sub3A_2658 = vector.broadcast %squeeze3A_1228 : f32 to vector<16xf32>
        %sub3A_2659 = arith.subf %add3A_2657, %sub3A_2658 : vector<16xf32>
        %max3A_2660 = arith.constant 0.000000e+00 : f32
        %max3A_2661 = vector.broadcast %max3A_2660 : f32 to vector<16xf32>
        %max3A_2662 = arith.maximumf %sub3A_2659, %max3A_2661 : vector<16xf32>
        %add3A_2663 = arith.addf %add3A_2414, %max3A_2662 : vector<16xf32>
        %mul3A_2664 = arith.constant 16 : i32
        %mul3A_2665 = arith.muli %add3A_2600, %mul3A_2664 : i32
        %get3A_2666 = arith.constant 3 : i32
        %get3A_2667 = arith.index_cast %get3A_2666 : i32 to index
        %get3A_2668 = arith.index_cast %mul3A_2665 : i32 to index
        %get3A_2669 = tpu.vector_load %arg7[%get3A_2667, %get3A_2668] {strides = array<i32>} : memref<16x4096xf32, #tpu.memory_space<vmem>>, vector<1x16xf32>,
        %get3A_2670 = vector.shape_cast %get3A_2669 : vector<1x16xf32> to vector<16xf32>
        %add3A_2671 = arith.addf %get3A_2670, %select_n3A_2615 : vector<16xf32>
        %sub3A_2672 = vector.broadcast %squeeze3A_1230 : f32 to vector<16xf32>
        %sub3A_2673 = arith.subf %add3A_2671, %sub3A_2672 : vector<16xf32>
        %max3A_2674 = arith.constant 0.000000e+00 : f32
        %max3A_2675 = vector.broadcast %max3A_2674 : f32 to vector<16xf32>
        %max3A_2676 = arith.maximumf %sub3A_2673, %max3A_2675 : vector<16xf32>
        %add3A_2677 = arith.addf %add3A_2428, %max3A_2676 : vector<16xf32>
        %mul3A_2678 = arith.constant 16 : i32
        %mul3A_2679 = arith.muli %add3A_2600, %mul3A_2678 : i32
        %get3A_2680 = arith.constant 4 : i32
        %get3A_2681 = arith.index_cast %get3A_2680 : i32 to index
        %get3A_2682 = arith.index_cast %mul3A_2679 : i32 to index
        %get3A_2683 = tpu.vector_load %arg7[%get3A_2681, %get3A_2682] {strides = array<i32>} : memref<16x4096xf32, #tpu.memory_space<vmem>>, vector<1x16xf32>,
        %get3A_2684 = vector.shape_cast %get3A_2683 : vector<1x16xf32> to vector<16xf32>
        %add3A_2685 = arith.addf %get3A_2684, %select_n3A_2615 : vector<16xf32>
        %sub3A_2686 = vector.broadcast %squeeze3A_1232 : f32 to vector<16xf32>
        %sub3A_2687 = arith.subf %add3A_2685, %sub3A_2686 : vector<16xf32>
        %max3A_2688 = arith.constant 0.000000e+00 : f32
        %max3A_2689 = vector.broadcast %max3A_2688 : f32 to vector<16xf32>
        %max3A_2690 = arith.maximumf %sub3A_2687, %max3A_2689 : vector<16xf32>
        %add3A_2691 = arith.addf %add3A_2442, %max3A_2690 : vector<16xf32>
        %mul3A_2692 = arith.constant 16 : i32
        %mul3A_2693 = arith.muli %add3A_2600, %mul3A_2692 : i32
        %get3A_2694 = arith.constant 5 : i32
        %get3A_2695 = arith.index_cast %get3A_2694 : i32 to index
        %get3A_2696 = arith.index_cast %mul3A_2693 : i32 to index
        %get3A_2697 = tpu.vector_load %arg7[%get3A_2695, %get3A_2696] {strides = array<i32>} : memref<16x4096xf32, #tpu.memory_space<vmem>>, vector<1x16xf32>,
        %get3A_2698 = vector.shape_cast %get3A_2697 : vector<1x16xf32> to vector<16xf32>
        %add3A_2699 = arith.addf %get3A_2698, %select_n3A_2615 : vector<16xf32>
        %sub3A_2700 = vector.broadcast %squeeze3A_1234 : f32 to vector<16xf32>
        %sub3A_2701 = arith.subf %add3A_2699, %sub3A_2700 : vector<16xf32>
        %max3A_2702 = arith.constant 0.000000e+00 : f32
        %max3A_2703 = vector.broadcast %max3A_2702 : f32 to vector<16xf32>
        %max3A_2704 = arith.maximumf %sub3A_2701, %max3A_2703 : vector<16xf32>
        %add3A_2705 = arith.addf %add3A_2456, %max3A_2704 : vector<16xf32>
        %mul3A_2706 = arith.constant 16 : i32
        %mul3A_2707 = arith.muli %add3A_2600, %mul3A_2706 : i32
        %get3A_2708 = arith.constant 6 : i32
        %get3A_2709 = arith.index_cast %get3A_2708 : i32 to index
        %get3A_2710 = arith.index_cast %mul3A_2707 : i32 to index
        %get3A_2711 = tpu.vector_load %arg7[%get3A_2709, %get3A_2710] {strides = array<i32>} : memref<16x4096xf32, #tpu.memory_space<vmem>>, vector<1x16xf32>,
        %get3A_2712 = vector.shape_cast %get3A_2711 : vector<1x16xf32> to vector<16xf32>
        %add3A_2713 = arith.addf %get3A_2712, %select_n3A_2615 : vector<16xf32>
        %sub3A_2714 = vector.broadcast %squeeze3A_1236 : f32 to vector<16xf32>
        %sub3A_2715 = arith.subf %add3A_2713, %sub3A_2714 : vector<16xf32>
        %max3A_2716 = arith.constant 0.000000e+00 : f32
        %max3A_2717 = vector.broadcast %max3A_2716 : f32 to vector<16xf32>
        %max3A_2718 = arith.maximumf %sub3A_2715, %max3A_2717 : vector<16xf32>
        %add3A_2719 = arith.addf %add3A_2470, %max3A_2718 : vector<16xf32>
        %mul3A_2720 = arith.constant 16 : i32
        %mul3A_2721 = arith.muli %add3A_2600, %mul3A_2720 : i32
        %get3A_2722 = arith.constant 7 : i32
        %get3A_2723 = arith.index_cast %get3A_2722 : i32 to index
        %get3A_2724 = arith.index_cast %mul3A_2721 : i32 to index
        %get3A_2725 = tpu.vector_load %arg7[%get3A_2723, %get3A_2724] {strides = array<i32>} : memref<16x4096xf32, #tpu.memory_space<vmem>>, vector<1x16xf32>,
        %get3A_2726 = vector.shape_cast %get3A_2725 : vector<1x16xf32> to vector<16xf32>
        %add3A_2727 = arith.addf %get3A_2726, %select_n3A_2615 : vector<16xf32>
        %sub3A_2728 = vector.broadcast %squeeze3A_1238 : f32 to vector<16xf32>
        %sub3A_2729 = arith.subf %add3A_2727, %sub3A_2728 : vector<16xf32>
        %max3A_2730 = arith.constant 0.000000e+00 : f32
        %max3A_2731 = vector.broadcast %max3A_2730 : f32 to vector<16xf32>
        %max3A_2732 = arith.maximumf %sub3A_2729, %max3A_2731 : vector<16xf32>
        %add3A_2733 = arith.addf %add3A_2484, %max3A_2732 : vector<16xf32>
        %mul3A_2734 = arith.constant 16 : i32
        %mul3A_2735 = arith.muli %add3A_2600, %mul3A_2734 : i32
        %get3A_2736 = arith.constant 8 : i32
        %get3A_2737 = arith.index_cast %get3A_2736 : i32 to index
        %get3A_2738 = arith.index_cast %mul3A_2735 : i32 to index
        %get3A_2739 = tpu.vector_load %arg7[%get3A_2737, %get3A_2738] {strides = array<i32>} : memref<16x4096xf32, #tpu.memory_space<vmem>>, vector<1x16xf32>,
        %get3A_2740 = vector.shape_cast %get3A_2739 : vector<1x16xf32> to vector<16xf32>
        %add3A_2741 = arith.addf %get3A_2740, %select_n3A_2615 : vector<16xf32>
        %sub3A_2742 = vector.broadcast %squeeze3A_1240 : f32 to vector<16xf32>
        %sub3A_2743 = arith.subf %add3A_2741, %sub3A_2742 : vector<16xf32>
        %max3A_2744 = arith.constant 0.000000e+00 : f32
        %max3A_2745 = vector.broadcast %max3A_2744 : f32 to vector<16xf32>
        %max3A_2746 = arith.maximumf %sub3A_2743, %max3A_2745 : vector<16xf32>
        %add3A_2747 = arith.addf %add3A_2498, %max3A_2746 : vector<16xf32>
        %mul3A_2748 = arith.constant 16 : i32
        %mul3A_2749 = arith.muli %add3A_2600, %mul3A_2748 : i32
        %get3A_2750 = arith.constant 9 : i32
        %get3A_2751 = arith.index_cast %get3A_2750 : i32 to index
        %get3A_2752 = arith.index_cast %mul3A_2749 : i32 to index
        %get3A_2753 = tpu.vector_load %arg7[%get3A_2751, %get3A_2752] {strides = array<i32>} : memref<16x4096xf32, #tpu.memory_space<vmem>>, vector<1x16xf32>,
        %get3A_2754 = vector.shape_cast %get3A_2753 : vector<1x16xf32> to vector<16xf32>
        %add3A_2755 = arith.addf %get3A_2754, %select_n3A_2615 : vector<16xf32>
        %sub3A_2756 = vector.broadcast %squeeze3A_1242 : f32 to vector<16xf32>
        %sub3A_2757 = arith.subf %add3A_2755, %sub3A_2756 : vector<16xf32>
        %max3A_2758 = arith.constant 0.000000e+00 : f32
        %max3A_2759 = vector.broadcast %max3A_2758 : f32 to vector<16xf32>
        %max3A_2760 = arith.maximumf %sub3A_2757, %max3A_2759 : vector<16xf32>
        %add3A_2761 = arith.addf %add3A_2512, %max3A_2760 : vector<16xf32>
        %mul3A_2762 = arith.constant 16 : i32
        %mul3A_2763 = arith.muli %add3A_2600, %mul3A_2762 : i32
        %get3A_2764 = arith.constant 10 : i32
        %get3A_2765 = arith.index_cast %get3A_2764 : i32 to index
        %get3A_2766 = arith.index_cast %mul3A_2763 : i32 to index
        %get3A_2767 = tpu.vector_load %arg7[%get3A_2765, %get3A_2766] {strides = array<i32>} : memref<16x4096xf32, #tpu.memory_space<vmem>>, vector<1x16xf32>,
        %get3A_2768 = vector.shape_cast %get3A_2767 : vector<1x16xf32> to vector<16xf32>
        %add3A_2769 = arith.addf %get3A_2768, %select_n3A_2615 : vector<16xf32>
        %sub3A_2770 = vector.broadcast %squeeze3A_1244 : f32 to vector<16xf32>
        %sub3A_2771 = arith.subf %add3A_2769, %sub3A_2770 : vector<16xf32>
        %max3A_2772 = arith.constant 0.000000e+00 : f32
        %max3A_2773 = vector.broadcast %max3A_2772 : f32 to vector<16xf32>
        %max3A_2774 = arith.maximumf %sub3A_2771, %max3A_2773 : vector<16xf32>
        %add3A_2775 = arith.addf %add3A_2526, %max3A_2774 : vector<16xf32>
        %mul3A_2776 = arith.constant 16 : i32
        %mul3A_2777 = arith.muli %add3A_2600, %mul3A_2776 : i32
        %get3A_2778 = arith.constant 11 : i32
        %get3A_2779 = arith.index_cast %get3A_2778 : i32 to index
        %get3A_2780 = arith.index_cast %mul3A_2777 : i32 to index
        %get3A_2781 = tpu.vector_load %arg7[%get3A_2779, %get3A_2780] {strides = array<i32>} : memref<16x4096xf32, #tpu.memory_space<vmem>>, vector<1x16xf32>,
        %get3A_2782 = vector.shape_cast %get3A_2781 : vector<1x16xf32> to vector<16xf32>
        %add3A_2783 = arith.addf %get3A_2782, %select_n3A_2615 : vector<16xf32>
        %sub3A_2784 = vector.broadcast %squeeze3A_1246 : f32 to vector<16xf32>
        %sub3A_2785 = arith.subf %add3A_2783, %sub3A_2784 : vector<16xf32>
        %max3A_2786 = arith.constant 0.000000e+00 : f32
        %max3A_2787 = vector.broadcast %max3A_2786 : f32 to vector<16xf32>
        %max3A_2788 = arith.maximumf %sub3A_2785, %max3A_2787 : vector<16xf32>
        %add3A_2789 = arith.addf %add3A_2540, %max3A_2788 : vector<16xf32>
        %mul3A_2790 = arith.constant 16 : i32
        %mul3A_2791 = arith.muli %add3A_2600, %mul3A_2790 : i32
        %get3A_2792 = arith.constant 12 : i32
        %get3A_2793 = arith.index_cast %get3A_2792 : i32 to index
        %get3A_2794 = arith.index_cast %mul3A_2791 : i32 to index
        %get3A_2795 = tpu.vector_load %arg7[%get3A_2793, %get3A_2794] {strides = array<i32>} : memref<16x4096xf32, #tpu.memory_space<vmem>>, vector<1x16xf32>,
        %get3A_2796 = vector.shape_cast %get3A_2795 : vector<1x16xf32> to vector<16xf32>
        %add3A_2797 = arith.addf %get3A_2796, %select_n3A_2615 : vector<16xf32>
        %sub3A_2798 = vector.broadcast %squeeze3A_1248 : f32 to vector<16xf32>
        %sub3A_2799 = arith.subf %add3A_2797, %sub3A_2798 : vector<16xf32>
        %max3A_2800 = arith.constant 0.000000e+00 : f32
        %max3A_2801 = vector.broadcast %max3A_2800 : f32 to vector<16xf32>
        %max3A_2802 = arith.maximumf %sub3A_2799, %max3A_2801 : vector<16xf32>
        %add3A_2803 = arith.addf %add3A_2554, %max3A_2802 : vector<16xf32>
        %mul3A_2804 = arith.constant 16 : i32
        %mul3A_2805 = arith.muli %add3A_2600, %mul3A_2804 : i32
        %get3A_2806 = arith.constant 13 : i32
        %get3A_2807 = arith.index_cast %get3A_2806 : i32 to index
        %get3A_2808 = arith.index_cast %mul3A_2805 : i32 to index
        %get3A_2809 = tpu.vector_load %arg7[%get3A_2807, %get3A_2808] {strides = array<i32>} : memref<16x4096xf32, #tpu.memory_space<vmem>>, vector<1x16xf32>,
        %get3A_2810 = vector.shape_cast %get3A_2809 : vector<1x16xf32> to vector<16xf32>
        %add3A_2811 = arith.addf %get3A_2810, %select_n3A_2615 : vector<16xf32>
        %sub3A_2812 = vector.broadcast %squeeze3A_1250 : f32 to vector<16xf32>
        %sub3A_2813 = arith.subf %add3A_2811, %sub3A_2812 : vector<16xf32>
        %max3A_2814 = arith.constant 0.000000e+00 : f32
        %max3A_2815 = vector.broadcast %max3A_2814 : f32 to vector<16xf32>
        %max3A_2816 = arith.maximumf %sub3A_2813, %max3A_2815 : vector<16xf32>
        %add3A_2817 = arith.addf %add3A_2568, %max3A_2816 : vector<16xf32>
        %mul3A_2818 = arith.constant 16 : i32
        %mul3A_2819 = arith.muli %add3A_2600, %mul3A_2818 : i32
        %get3A_2820 = arith.constant 14 : i32
        %get3A_2821 = arith.index_cast %get3A_2820 : i32 to index
        %get3A_2822 = arith.index_cast %mul3A_2819 : i32 to index
        %get3A_2823 = tpu.vector_load %arg7[%get3A_2821, %get3A_2822] {strides = array<i32>} : memref<16x4096xf32, #tpu.memory_space<vmem>>, vector<1x16xf32>,
        %get3A_2824 = vector.shape_cast %get3A_2823 : vector<1x16xf32> to vector<16xf32>
        %add3A_2825 = arith.addf %get3A_2824, %select_n3A_2615 : vector<16xf32>
        %sub3A_2826 = vector.broadcast %squeeze3A_1252 : f32 to vector<16xf32>
        %sub3A_2827 = arith.subf %add3A_2825, %sub3A_2826 : vector<16xf32>
        %max3A_2828 = arith.constant 0.000000e+00 : f32
        %max3A_2829 = vector.broadcast %max3A_2828 : f32 to vector<16xf32>
        %max3A_2830 = arith.maximumf %sub3A_2827, %max3A_2829 : vector<16xf32>
        %add3A_2831 = arith.addf %add3A_2582, %max3A_2830 : vector<16xf32>
        %mul3A_2832 = arith.constant 16 : i32
        %mul3A_2833 = arith.muli %add3A_2600, %mul3A_2832 : i32
        %get3A_2834 = arith.constant 15 : i32
        %get3A_2835 = arith.index_cast %get3A_2834 : i32 to index
        %get3A_2836 = arith.index_cast %mul3A_2833 : i32 to index
        %get3A_2837 = tpu.vector_load %arg7[%get3A_2835, %get3A_2836] {strides = array<i32>} : memref<16x4096xf32, #tpu.memory_space<vmem>>, vector<1x16xf32>,
        %get3A_2838 = vector.shape_cast %get3A_2837 : vector<1x16xf32> to vector<16xf32>
        %add3A_2839 = arith.addf %get3A_2838, %select_n3A_2615 : vector<16xf32>
        %sub3A_2840 = vector.broadcast %squeeze3A_1254 : f32 to vector<16xf32>
        %sub3A_2841 = arith.subf %add3A_2839, %sub3A_2840 : vector<16xf32>
        %max3A_2842 = arith.constant 0.000000e+00 : f32
        %max3A_2843 = vector.broadcast %max3A_2842 : f32 to vector<16xf32>
        %max3A_2844 = arith.maximumf %sub3A_2841, %max3A_2843 : vector<16xf32>
        %add3A_2845 = arith.addf %add3A_2596, %max3A_2844 : vector<16xf32>
        scf.yield %add3A_2635, %add3A_2649, %add3A_2663, %add3A_2677, %add3A_2691, %add3A_2705, %add3A_2719, %add3A_2733, %add3A_2747, %add3A_2761, %add3A_2775, %add3A_2789, %add3A_2803, %add3A_2817, %add3A_2831, %add3A_2845, %add3A_2621 : vector<16xf32>, vector<16xf32>, vector<16xf32>, vector<16xf32>, vector<16xf32>, vector<16xf32>, vector<16xf32>, vector<16xf32>, vector<16xf32>, vector<16xf32>, vector<16xf32>, vector<16xf32>, vector<16xf32>, vector<16xf32>, vector<16xf32>, vector<16xf32>, vector<16xf32>
      }
      %scan3A_1294 = arith.constant 128 : i32
      %iota3A_1295 = tpu.iota {dimensions = array<i32: 0>} : vector<16xi32>
      %broadcast_in_dim3A_1296 = arith.constant 0.000000e+00 : f32
      %broadcast_in_dim3A_1297 = vector.broadcast %broadcast_in_dim3A_1296 : f32 to vector<16xf32>
      %eq3A_1298 = arith.constant 0 : i32
      %eq3A_1299 = vector.broadcast %eq3A_1298 : i32 to vector<16xi32>
      %eq3A_1300 = arith.cmpi eq, %iota3A_1295, %eq3A_1299 : vector<16xi32>
      %xor3A_1301 = arith.constant 8 : i32
      %xor3A_1302 = vector.broadcast %xor3A_1301 : i32 to vector<16xi32>
      %xor3A_1303 = arith.xori %iota3A_1295, %xor3A_1302 : vector<16xi32>
      %lt3A_1304 = arith.constant 0 : i32
      %lt3A_1305 = vector.broadcast %lt3A_1304 : i32 to vector<16xi32>
      %lt3A_1306 = arith.cmpi slt, %xor3A_1303, %lt3A_1305 : vector<16xi32>
      %add3A_1307 = arith.constant 16 : i32
      %add3A_1308 = vector.broadcast %add3A_1307 : i32 to vector<16xi32>
      %add3A_1309 = arith.addi %xor3A_1303, %add3A_1308 : vector<16xi32>
      %select_n3A_1310 = arith.select %lt3A_1306, %add3A_1309, %xor3A_1303 : vector<16xi1>, vector<16xi32>
      %broadcast_in_dim3A_1311 = vector.shape_cast %select_n3A_1310 : vector<16xi32> to vector<16x1xi32>
      %gather3A_1312 = vector.shape_cast %broadcast_in_dim3A_1311 : vector<16x1xi32> to vector<16xi32>
      %gather3A_1313 = tpu.dynamic_gather %scan3A_1293#0[%gather3A_1312] in [0] : vector<16xf32>, vector<16xi32> -> vector<16xf32>
      %add3A_1314 = arith.addf %scan3A_1293#0, %gather3A_1313 : vector<16xf32>
      %xor3A_1315 = arith.constant 4 : i32
      %xor3A_1316 = vector.broadcast %xor3A_1315 : i32 to vector<16xi32>
      %xor3A_1317 = arith.xori %iota3A_1295, %xor3A_1316 : vector<16xi32>
      %lt3A_1318 = arith.constant 0 : i32
      %lt3A_1319 = vector.broadcast %lt3A_1318 : i32 to vector<16xi32>
      %lt3A_1320 = arith.cmpi slt, %xor3A_1317, %lt3A_1319 : vector<16xi32>
      %add3A_1321 = arith.constant 16 : i32
      %add3A_1322 = vector.broadcast %add3A_1321 : i32 to vector<16xi32>
      %add3A_1323 = arith.addi %xor3A_1317, %add3A_1322 : vector<16xi32>
      %select_n3A_1324 = arith.select %lt3A_1320, %add3A_1323, %xor3A_1317 : vector<16xi1>, vector<16xi32>
      %broadcast_in_dim3A_1325 = vector.shape_cast %select_n3A_1324 : vector<16xi32> to vector<16x1xi32>
      %gather3A_1326 = vector.shape_cast %broadcast_in_dim3A_1325 : vector<16x1xi32> to vector<16xi32>
      %gather3A_1327 = tpu.dynamic_gather %add3A_1314[%gather3A_1326] in [0] : vector<16xf32>, vector<16xi32> -> vector<16xf32>
      %add3A_1328 = arith.addf %add3A_1314, %gather3A_1327 : vector<16xf32>
      %xor3A_1329 = arith.constant 2 : i32
      %xor3A_1330 = vector.broadcast %xor3A_1329 : i32 to vector<16xi32>
      %xor3A_1331 = arith.xori %iota3A_1295, %xor3A_1330 : vector<16xi32>
      %lt3A_1332 = arith.constant 0 : i32
      %lt3A_1333 = vector.broadcast %lt3A_1332 : i32 to vector<16xi32>
      %lt3A_1334 = arith.cmpi slt, %xor3A_1331, %lt3A_1333 : vector<16xi32>
      %add3A_1335 = arith.constant 16 : i32
      %add3A_1336 = vector.broadcast %add3A_1335 : i32 to vector<16xi32>
      %add3A_1337 = arith.addi %xor3A_1331, %add3A_1336 : vector<16xi32>
      %select_n3A_1338 = arith.select %lt3A_1334, %add3A_1337, %xor3A_1331 : vector<16xi1>, vector<16xi32>
      %broadcast_in_dim3A_1339 = vector.shape_cast %select_n3A_1338 : vector<16xi32> to vector<16x1xi32>
      %gather3A_1340 = vector.shape_cast %broadcast_in_dim3A_1339 : vector<16x1xi32> to vector<16xi32>
      %gather3A_1341 = tpu.dynamic_gather %add3A_1328[%gather3A_1340] in [0] : vector<16xf32>, vector<16xi32> -> vector<16xf32>
      %add3A_1342 = arith.addf %add3A_1328, %gather3A_1341 : vector<16xf32>
      %xor3A_1343 = arith.constant 1 : i32
      %xor3A_1344 = vector.broadcast %xor3A_1343 : i32 to vector<16xi32>
      %xor3A_1345 = arith.xori %iota3A_1295, %xor3A_1344 : vector<16xi32>
      %lt3A_1346 = arith.constant 0 : i32
      %lt3A_1347 = vector.broadcast %lt3A_1346 : i32 to vector<16xi32>
      %lt3A_1348 = arith.cmpi slt, %xor3A_1345, %lt3A_1347 : vector<16xi32>
      %add3A_1349 = arith.constant 16 : i32
      %add3A_1350 = vector.broadcast %add3A_1349 : i32 to vector<16xi32>
      %add3A_1351 = arith.addi %xor3A_1345, %add3A_1350 : vector<16xi32>
      %select_n3A_1352 = arith.select %lt3A_1348, %add3A_1351, %xor3A_1345 : vector<16xi1>, vector<16xi32>
      %broadcast_in_dim3A_1353 = vector.shape_cast %select_n3A_1352 : vector<16xi32> to vector<16x1xi32>
      %gather3A_1354 = vector.shape_cast %broadcast_in_dim3A_1353 : vector<16x1xi32> to vector<16xi32>
      %gather3A_1355 = tpu.dynamic_gather %add3A_1342[%gather3A_1354] in [0] : vector<16xf32>, vector<16xi32> -> vector<16xf32>
      %add3A_1356 = arith.addf %add3A_1342, %gather3A_1355 : vector<16xf32>
      %select_n3A_1357 = arith.select %eq3A_1300, %add3A_1356, %broadcast_in_dim3A_1297 : vector<16xi1>, vector<16xf32>
      %eq3A_1358 = arith.constant 1 : i32
      %eq3A_1359 = vector.broadcast %eq3A_1358 : i32 to vector<16xi32>
      %eq3A_1360 = arith.cmpi eq, %iota3A_1295, %eq3A_1359 : vector<16xi32>
      %xor3A_1361 = arith.constant 8 : i32
      %xor3A_1362 = vector.broadcast %xor3A_1361 : i32 to vector<16xi32>
      %xor3A_1363 = arith.xori %iota3A_1295, %xor3A_1362 : vector<16xi32>
      %lt3A_1364 = arith.constant 0 : i32
      %lt3A_1365 = vector.broadcast %lt3A_1364 : i32 to vector<16xi32>
      %lt3A_1366 = arith.cmpi slt, %xor3A_1363, %lt3A_1365 : vector<16xi32>
      %add3A_1367 = arith.constant 16 : i32
      %add3A_1368 = vector.broadcast %add3A_1367 : i32 to vector<16xi32>
      %add3A_1369 = arith.addi %xor3A_1363, %add3A_1368 : vector<16xi32>
      %select_n3A_1370 = arith.select %lt3A_1366, %add3A_1369, %xor3A_1363 : vector<16xi1>, vector<16xi32>
      %broadcast_in_dim3A_1371 = vector.shape_cast %select_n3A_1370 : vector<16xi32> to vector<16x1xi32>
      %gather3A_1372 = vector.shape_cast %broadcast_in_dim3A_1371 : vector<16x1xi32> to vector<16xi32>
      %gather3A_1373 = tpu.dynamic_gather %scan3A_1293#1[%gather3A_1372] in [0] : vector<16xf32>, vector<16xi32> -> vector<16xf32>
      %add3A_1374 = arith.addf %scan3A_1293#1, %gather3A_1373 : vector<16xf32>
      %xor3A_1375 = arith.constant 4 : i32
      %xor3A_1376 = vector.broadcast %xor3A_1375 : i32 to vector<16xi32>
      %xor3A_1377 = arith.xori %iota3A_1295, %xor3A_1376 : vector<16xi32>
      %lt3A_1378 = arith.constant 0 : i32
      %lt3A_1379 = vector.broadcast %lt3A_1378 : i32 to vector<16xi32>
      %lt3A_1380 = arith.cmpi slt, %xor3A_1377, %lt3A_1379 : vector<16xi32>
      %add3A_1381 = arith.constant 16 : i32
      %add3A_1382 = vector.broadcast %add3A_1381 : i32 to vector<16xi32>
      %add3A_1383 = arith.addi %xor3A_1377, %add3A_1382 : vector<16xi32>
      %select_n3A_1384 = arith.select %lt3A_1380, %add3A_1383, %xor3A_1377 : vector<16xi1>, vector<16xi32>
      %broadcast_in_dim3A_1385 = vector.shape_cast %select_n3A_1384 : vector<16xi32> to vector<16x1xi32>
      %gather3A_1386 = vector.shape_cast %broadcast_in_dim3A_1385 : vector<16x1xi32> to vector<16xi32>
      %gather3A_1387 = tpu.dynamic_gather %add3A_1374[%gather3A_1386] in [0] : vector<16xf32>, vector<16xi32> -> vector<16xf32>
      %add3A_1388 = arith.addf %add3A_1374, %gather3A_1387 : vector<16xf32>
      %xor3A_1389 = arith.constant 2 : i32
      %xor3A_1390 = vector.broadcast %xor3A_1389 : i32 to vector<16xi32>
      %xor3A_1391 = arith.xori %iota3A_1295, %xor3A_1390 : vector<16xi32>
      %lt3A_1392 = arith.constant 0 : i32
      %lt3A_1393 = vector.broadcast %lt3A_1392 : i32 to vector<16xi32>
      %lt3A_1394 = arith.cmpi slt, %xor3A_1391, %lt3A_1393 : vector<16xi32>
      %add3A_1395 = arith.constant 16 : i32
      %add3A_1396 = vector.broadcast %add3A_1395 : i32 to vector<16xi32>
      %add3A_1397 = arith.addi %xor3A_1391, %add3A_1396 : vector<16xi32>
      %select_n3A_1398 = arith.select %lt3A_1394, %add3A_1397, %xor3A_1391 : vector<16xi1>, vector<16xi32>
      %broadcast_in_dim3A_1399 = vector.shape_cast %select_n3A_1398 : vector<16xi32> to vector<16x1xi32>
      %gather3A_1400 = vector.shape_cast %broadcast_in_dim3A_1399 : vector<16x1xi32> to vector<16xi32>
      %gather3A_1401 = tpu.dynamic_gather %add3A_1388[%gather3A_1400] in [0] : vector<16xf32>, vector<16xi32> -> vector<16xf32>
      %add3A_1402 = arith.addf %add3A_1388, %gather3A_1401 : vector<16xf32>
      %xor3A_1403 = arith.constant 1 : i32
      %xor3A_1404 = vector.broadcast %xor3A_1403 : i32 to vector<16xi32>
      %xor3A_1405 = arith.xori %iota3A_1295, %xor3A_1404 : vector<16xi32>
      %lt3A_1406 = arith.constant 0 : i32
      %lt3A_1407 = vector.broadcast %lt3A_1406 : i32 to vector<16xi32>
      %lt3A_1408 = arith.cmpi slt, %xor3A_1405, %lt3A_1407 : vector<16xi32>
      %add3A_1409 = arith.constant 16 : i32
      %add3A_1410 = vector.broadcast %add3A_1409 : i32 to vector<16xi32>
      %add3A_1411 = arith.addi %xor3A_1405, %add3A_1410 : vector<16xi32>
      %select_n3A_1412 = arith.select %lt3A_1408, %add3A_1411, %xor3A_1405 : vector<16xi1>, vector<16xi32>
      %broadcast_in_dim3A_1413 = vector.shape_cast %select_n3A_1412 : vector<16xi32> to vector<16x1xi32>
      %gather3A_1414 = vector.shape_cast %broadcast_in_dim3A_1413 : vector<16x1xi32> to vector<16xi32>
      %gather3A_1415 = tpu.dynamic_gather %add3A_1402[%gather3A_1414] in [0] : vector<16xf32>, vector<16xi32> -> vector<16xf32>
      %add3A_1416 = arith.addf %add3A_1402, %gather3A_1415 : vector<16xf32>
      %select_n3A_1417 = arith.select %eq3A_1360, %add3A_1416, %select_n3A_1357 : vector<16xi1>, vector<16xf32>
      %eq3A_1418 = arith.constant 2 : i32
      %eq3A_1419 = vector.broadcast %eq3A_1418 : i32 to vector<16xi32>
      %eq3A_1420 = arith.cmpi eq, %iota3A_1295, %eq3A_1419 : vector<16xi32>
      %xor3A_1421 = arith.constant 8 : i32
      %xor3A_1422 = vector.broadcast %xor3A_1421 : i32 to vector<16xi32>
      %xor3A_1423 = arith.xori %iota3A_1295, %xor3A_1422 : vector<16xi32>
      %lt3A_1424 = arith.constant 0 : i32
      %lt3A_1425 = vector.broadcast %lt3A_1424 : i32 to vector<16xi32>
      %lt3A_1426 = arith.cmpi slt, %xor3A_1423, %lt3A_1425 : vector<16xi32>
      %add3A_1427 = arith.constant 16 : i32
      %add3A_1428 = vector.broadcast %add3A_1427 : i32 to vector<16xi32>
      %add3A_1429 = arith.addi %xor3A_1423, %add3A_1428 : vector<16xi32>
      %select_n3A_1430 = arith.select %lt3A_1426, %add3A_1429, %xor3A_1423 : vector<16xi1>, vector<16xi32>
      %broadcast_in_dim3A_1431 = vector.shape_cast %select_n3A_1430 : vector<16xi32> to vector<16x1xi32>
      %gather3A_1432 = vector.shape_cast %broadcast_in_dim3A_1431 : vector<16x1xi32> to vector<16xi32>
      %gather3A_1433 = tpu.dynamic_gather %scan3A_1293#2[%gather3A_1432] in [0] : vector<16xf32>, vector<16xi32> -> vector<16xf32>
      %add3A_1434 = arith.addf %scan3A_1293#2, %gather3A_1433 : vector<16xf32>
      %xor3A_1435 = arith.constant 4 : i32
      %xor3A_1436 = vector.broadcast %xor3A_1435 : i32 to vector<16xi32>
      %xor3A_1437 = arith.xori %iota3A_1295, %xor3A_1436 : vector<16xi32>
      %lt3A_1438 = arith.constant 0 : i32
      %lt3A_1439 = vector.broadcast %lt3A_1438 : i32 to vector<16xi32>
      %lt3A_1440 = arith.cmpi slt, %xor3A_1437, %lt3A_1439 : vector<16xi32>
      %add3A_1441 = arith.constant 16 : i32
      %add3A_1442 = vector.broadcast %add3A_1441 : i32 to vector<16xi32>
      %add3A_1443 = arith.addi %xor3A_1437, %add3A_1442 : vector<16xi32>
      %select_n3A_1444 = arith.select %lt3A_1440, %add3A_1443, %xor3A_1437 : vector<16xi1>, vector<16xi32>
      %broadcast_in_dim3A_1445 = vector.shape_cast %select_n3A_1444 : vector<16xi32> to vector<16x1xi32>
      %gather3A_1446 = vector.shape_cast %broadcast_in_dim3A_1445 : vector<16x1xi32> to vector<16xi32>
      %gather3A_1447 = tpu.dynamic_gather %add3A_1434[%gather3A_1446] in [0] : vector<16xf32>, vector<16xi32> -> vector<16xf32>
      %add3A_1448 = arith.addf %add3A_1434, %gather3A_1447 : vector<16xf32>
      %xor3A_1449 = arith.constant 2 : i32
      %xor3A_1450 = vector.broadcast %xor3A_1449 : i32 to vector<16xi32>
      %xor3A_1451 = arith.xori %iota3A_1295, %xor3A_1450 : vector<16xi32>
      %lt3A_1452 = arith.constant 0 : i32
      %lt3A_1453 = vector.broadcast %lt3A_1452 : i32 to vector<16xi32>
      %lt3A_1454 = arith.cmpi slt, %xor3A_1451, %lt3A_1453 : vector<16xi32>
      %add3A_1455 = arith.constant 16 : i32
      %add3A_1456 = vector.broadcast %add3A_1455 : i32 to vector<16xi32>
      %add3A_1457 = arith.addi %xor3A_1451, %add3A_1456 : vector<16xi32>
      %select_n3A_1458 = arith.select %lt3A_1454, %add3A_1457, %xor3A_1451 : vector<16xi1>, vector<16xi32>
      %broadcast_in_dim3A_1459 = vector.shape_cast %select_n3A_1458 : vector<16xi32> to vector<16x1xi32>
      %gather3A_1460 = vector.shape_cast %broadcast_in_dim3A_1459 : vector<16x1xi32> to vector<16xi32>
      %gather3A_1461 = tpu.dynamic_gather %add3A_1448[%gather3A_1460] in [0] : vector<16xf32>, vector<16xi32> -> vector<16xf32>
      %add3A_1462 = arith.addf %add3A_1448, %gather3A_1461 : vector<16xf32>
      %xor3A_1463 = arith.constant 1 : i32
      %xor3A_1464 = vector.broadcast %xor3A_1463 : i32 to vector<16xi32>
      %xor3A_1465 = arith.xori %iota3A_1295, %xor3A_1464 : vector<16xi32>
      %lt3A_1466 = arith.constant 0 : i32
      %lt3A_1467 = vector.broadcast %lt3A_1466 : i32 to vector<16xi32>
      %lt3A_1468 = arith.cmpi slt, %xor3A_1465, %lt3A_1467 : vector<16xi32>
      %add3A_1469 = arith.constant 16 : i32
      %add3A_1470 = vector.broadcast %add3A_1469 : i32 to vector<16xi32>
      %add3A_1471 = arith.addi %xor3A_1465, %add3A_1470 : vector<16xi32>
      %select_n3A_1472 = arith.select %lt3A_1468, %add3A_1471, %xor3A_1465 : vector<16xi1>, vector<16xi32>
      %broadcast_in_dim3A_1473 = vector.shape_cast %select_n3A_1472 : vector<16xi32> to vector<16x1xi32>
      %gather3A_1474 = vector.shape_cast %broadcast_in_dim3A_1473 : vector<16x1xi32> to vector<16xi32>
      %gather3A_1475 = tpu.dynamic_gather %add3A_1462[%gather3A_1474] in [0] : vector<16xf32>, vector<16xi32> -> vector<16xf32>
      %add3A_1476 = arith.addf %add3A_1462, %gather3A_1475 : vector<16xf32>
      %select_n3A_1477 = arith.select %eq3A_1420, %add3A_1476, %select_n3A_1417 : vector<16xi1>, vector<16xf32>
      %eq3A_1478 = arith.constant 3 : i32
      %eq3A_1479 = vector.broadcast %eq3A_1478 : i32 to vector<16xi32>
      %eq3A_1480 = arith.cmpi eq, %iota3A_1295, %eq3A_1479 : vector<16xi32>
      %xor3A_1481 = arith.constant 8 : i32
      %xor3A_1482 = vector.broadcast %xor3A_1481 : i32 to vector<16xi32>
      %xor3A_1483 = arith.xori %iota3A_1295, %xor3A_1482 : vector<16xi32>
      %lt3A_1484 = arith.constant 0 : i32
      %lt3A_1485 = vector.broadcast %lt3A_1484 : i32 to vector<16xi32>
      %lt3A_1486 = arith.cmpi slt, %xor3A_1483, %lt3A_1485 : vector<16xi32>
      %add3A_1487 = arith.constant 16 : i32
      %add3A_1488 = vector.broadcast %add3A_1487 : i32 to vector<16xi32>
      %add3A_1489 = arith.addi %xor3A_1483, %add3A_1488 : vector<16xi32>
      %select_n3A_1490 = arith.select %lt3A_1486, %add3A_1489, %xor3A_1483 : vector<16xi1>, vector<16xi32>
      %broadcast_in_dim3A_1491 = vector.shape_cast %select_n3A_1490 : vector<16xi32> to vector<16x1xi32>
      %gather3A_1492 = vector.shape_cast %broadcast_in_dim3A_1491 : vector<16x1xi32> to vector<16xi32>
      %gather3A_1493 = tpu.dynamic_gather %scan3A_1293#3[%gather3A_1492] in [0] : vector<16xf32>, vector<16xi32> -> vector<16xf32>
      %add3A_1494 = arith.addf %scan3A_1293#3, %gather3A_1493 : vector<16xf32>
      %xor3A_1495 = arith.constant 4 : i32
      %xor3A_1496 = vector.broadcast %xor3A_1495 : i32 to vector<16xi32>
      %xor3A_1497 = arith.xori %iota3A_1295, %xor3A_1496 : vector<16xi32>
      %lt3A_1498 = arith.constant 0 : i32
      %lt3A_1499 = vector.broadcast %lt3A_1498 : i32 to vector<16xi32>
      %lt3A_1500 = arith.cmpi slt, %xor3A_1497, %lt3A_1499 : vector<16xi32>
      %add3A_1501 = arith.constant 16 : i32
      %add3A_1502 = vector.broadcast %add3A_1501 : i32 to vector<16xi32>
      %add3A_1503 = arith.addi %xor3A_1497, %add3A_1502 : vector<16xi32>
      %select_n3A_1504 = arith.select %lt3A_1500, %add3A_1503, %xor3A_1497 : vector<16xi1>, vector<16xi32>
      %broadcast_in_dim3A_1505 = vector.shape_cast %select_n3A_1504 : vector<16xi32> to vector<16x1xi32>
      %gather3A_1506 = vector.shape_cast %broadcast_in_dim3A_1505 : vector<16x1xi32> to vector<16xi32>
      %gather3A_1507 = tpu.dynamic_gather %add3A_1494[%gather3A_1506] in [0] : vector<16xf32>, vector<16xi32> -> vector<16xf32>
      %add3A_1508 = arith.addf %add3A_1494, %gather3A_1507 : vector<16xf32>
      %xor3A_1509 = arith.constant 2 : i32
      %xor3A_1510 = vector.broadcast %xor3A_1509 : i32 to vector<16xi32>
      %xor3A_1511 = arith.xori %iota3A_1295, %xor3A_1510 : vector<16xi32>
      %lt3A_1512 = arith.constant 0 : i32
      %lt3A_1513 = vector.broadcast %lt3A_1512 : i32 to vector<16xi32>
      %lt3A_1514 = arith.cmpi slt, %xor3A_1511, %lt3A_1513 : vector<16xi32>
      %add3A_1515 = arith.constant 16 : i32
      %add3A_1516 = vector.broadcast %add3A_1515 : i32 to vector<16xi32>
      %add3A_1517 = arith.addi %xor3A_1511, %add3A_1516 : vector<16xi32>
      %select_n3A_1518 = arith.select %lt3A_1514, %add3A_1517, %xor3A_1511 : vector<16xi1>, vector<16xi32>
      %broadcast_in_dim3A_1519 = vector.shape_cast %select_n3A_1518 : vector<16xi32> to vector<16x1xi32>
      %gather3A_1520 = vector.shape_cast %broadcast_in_dim3A_1519 : vector<16x1xi32> to vector<16xi32>
      %gather3A_1521 = tpu.dynamic_gather %add3A_1508[%gather3A_1520] in [0] : vector<16xf32>, vector<16xi32> -> vector<16xf32>
      %add3A_1522 = arith.addf %add3A_1508, %gather3A_1521 : vector<16xf32>
      %xor3A_1523 = arith.constant 1 : i32
      %xor3A_1524 = vector.broadcast %xor3A_1523 : i32 to vector<16xi32>
      %xor3A_1525 = arith.xori %iota3A_1295, %xor3A_1524 : vector<16xi32>
      %lt3A_1526 = arith.constant 0 : i32
      %lt3A_1527 = vector.broadcast %lt3A_1526 : i32 to vector<16xi32>
      %lt3A_1528 = arith.cmpi slt, %xor3A_1525, %lt3A_1527 : vector<16xi32>
      %add3A_1529 = arith.constant 16 : i32
      %add3A_1530 = vector.broadcast %add3A_1529 : i32 to vector<16xi32>
      %add3A_1531 = arith.addi %xor3A_1525, %add3A_1530 : vector<16xi32>
      %select_n3A_1532 = arith.select %lt3A_1528, %add3A_1531, %xor3A_1525 : vector<16xi1>, vector<16xi32>
      %broadcast_in_dim3A_1533 = vector.shape_cast %select_n3A_1532 : vector<16xi32> to vector<16x1xi32>
      %gather3A_1534 = vector.shape_cast %broadcast_in_dim3A_1533 : vector<16x1xi32> to vector<16xi32>
      %gather3A_1535 = tpu.dynamic_gather %add3A_1522[%gather3A_1534] in [0] : vector<16xf32>, vector<16xi32> -> vector<16xf32>
      %add3A_1536 = arith.addf %add3A_1522, %gather3A_1535 : vector<16xf32>
      %select_n3A_1537 = arith.select %eq3A_1480, %add3A_1536, %select_n3A_1477 : vector<16xi1>, vector<16xf32>
      %eq3A_1538 = arith.constant 4 : i32
      %eq3A_1539 = vector.broadcast %eq3A_1538 : i32 to vector<16xi32>
      %eq3A_1540 = arith.cmpi eq, %iota3A_1295, %eq3A_1539 : vector<16xi32>
      %xor3A_1541 = arith.constant 8 : i32
      %xor3A_1542 = vector.broadcast %xor3A_1541 : i32 to vector<16xi32>
      %xor3A_1543 = arith.xori %iota3A_1295, %xor3A_1542 : vector<16xi32>
      %lt3A_1544 = arith.constant 0 : i32
      %lt3A_1545 = vector.broadcast %lt3A_1544 : i32 to vector<16xi32>
      %lt3A_1546 = arith.cmpi slt, %xor3A_1543, %lt3A_1545 : vector<16xi32>
      %add3A_1547 = arith.constant 16 : i32
      %add3A_1548 = vector.broadcast %add3A_1547 : i32 to vector<16xi32>
      %add3A_1549 = arith.addi %xor3A_1543, %add3A_1548 : vector<16xi32>
      %select_n3A_1550 = arith.select %lt3A_1546, %add3A_1549, %xor3A_1543 : vector<16xi1>, vector<16xi32>
      %broadcast_in_dim3A_1551 = vector.shape_cast %select_n3A_1550 : vector<16xi32> to vector<16x1xi32>
      %gather3A_1552 = vector.shape_cast %broadcast_in_dim3A_1551 : vector<16x1xi32> to vector<16xi32>
      %gather3A_1553 = tpu.dynamic_gather %scan3A_1293#4[%gather3A_1552] in [0] : vector<16xf32>, vector<16xi32> -> vector<16xf32>
      %add3A_1554 = arith.addf %scan3A_1293#4, %gather3A_1553 : vector<16xf32>
      %xor3A_1555 = arith.constant 4 : i32
      %xor3A_1556 = vector.broadcast %xor3A_1555 : i32 to vector<16xi32>
      %xor3A_1557 = arith.xori %iota3A_1295, %xor3A_1556 : vector<16xi32>
      %lt3A_1558 = arith.constant 0 : i32
      %lt3A_1559 = vector.broadcast %lt3A_1558 : i32 to vector<16xi32>
      %lt3A_1560 = arith.cmpi slt, %xor3A_1557, %lt3A_1559 : vector<16xi32>
      %add3A_1561 = arith.constant 16 : i32
      %add3A_1562 = vector.broadcast %add3A_1561 : i32 to vector<16xi32>
      %add3A_1563 = arith.addi %xor3A_1557, %add3A_1562 : vector<16xi32>
      %select_n3A_1564 = arith.select %lt3A_1560, %add3A_1563, %xor3A_1557 : vector<16xi1>, vector<16xi32>
      %broadcast_in_dim3A_1565 = vector.shape_cast %select_n3A_1564 : vector<16xi32> to vector<16x1xi32>
      %gather3A_1566 = vector.shape_cast %broadcast_in_dim3A_1565 : vector<16x1xi32> to vector<16xi32>
      %gather3A_1567 = tpu.dynamic_gather %add3A_1554[%gather3A_1566] in [0] : vector<16xf32>, vector<16xi32> -> vector<16xf32>
      %add3A_1568 = arith.addf %add3A_1554, %gather3A_1567 : vector<16xf32>
      %xor3A_1569 = arith.constant 2 : i32
      %xor3A_1570 = vector.broadcast %xor3A_1569 : i32 to vector<16xi32>
      %xor3A_1571 = arith.xori %iota3A_1295, %xor3A_1570 : vector<16xi32>
      %lt3A_1572 = arith.constant 0 : i32
      %lt3A_1573 = vector.broadcast %lt3A_1572 : i32 to vector<16xi32>
      %lt3A_1574 = arith.cmpi slt, %xor3A_1571, %lt3A_1573 : vector<16xi32>
      %add3A_1575 = arith.constant 16 : i32
      %add3A_1576 = vector.broadcast %add3A_1575 : i32 to vector<16xi32>
      %add3A_1577 = arith.addi %xor3A_1571, %add3A_1576 : vector<16xi32>
      %select_n3A_1578 = arith.select %lt3A_1574, %add3A_1577, %xor3A_1571 : vector<16xi1>, vector<16xi32>
      %broadcast_in_dim3A_1579 = vector.shape_cast %select_n3A_1578 : vector<16xi32> to vector<16x1xi32>
      %gather3A_1580 = vector.shape_cast %broadcast_in_dim3A_1579 : vector<16x1xi32> to vector<16xi32>
      %gather3A_1581 = tpu.dynamic_gather %add3A_1568[%gather3A_1580] in [0] : vector<16xf32>, vector<16xi32> -> vector<16xf32>
      %add3A_1582 = arith.addf %add3A_1568, %gather3A_1581 : vector<16xf32>
      %xor3A_1583 = arith.constant 1 : i32
      %xor3A_1584 = vector.broadcast %xor3A_1583 : i32 to vector<16xi32>
      %xor3A_1585 = arith.xori %iota3A_1295, %xor3A_1584 : vector<16xi32>
      %lt3A_1586 = arith.constant 0 : i32
      %lt3A_1587 = vector.broadcast %lt3A_1586 : i32 to vector<16xi32>
      %lt3A_1588 = arith.cmpi slt, %xor3A_1585, %lt3A_1587 : vector<16xi32>
      %add3A_1589 = arith.constant 16 : i32
      %add3A_1590 = vector.broadcast %add3A_1589 : i32 to vector<16xi32>
      %add3A_1591 = arith.addi %xor3A_1585, %add3A_1590 : vector<16xi32>
      %select_n3A_1592 = arith.select %lt3A_1588, %add3A_1591, %xor3A_1585 : vector<16xi1>, vector<16xi32>
      %broadcast_in_dim3A_1593 = vector.shape_cast %select_n3A_1592 : vector<16xi32> to vector<16x1xi32>
      %gather3A_1594 = vector.shape_cast %broadcast_in_dim3A_1593 : vector<16x1xi32> to vector<16xi32>
      %gather3A_1595 = tpu.dynamic_gather %add3A_1582[%gather3A_1594] in [0] : vector<16xf32>, vector<16xi32> -> vector<16xf32>
      %add3A_1596 = arith.addf %add3A_1582, %gather3A_1595 : vector<16xf32>
      %select_n3A_1597 = arith.select %eq3A_1540, %add3A_1596, %select_n3A_1537 : vector<16xi1>, vector<16xf32>
      %eq3A_1598 = arith.constant 5 : i32
      %eq3A_1599 = vector.broadcast %eq3A_1598 : i32 to vector<16xi32>
      %eq3A_1600 = arith.cmpi eq, %iota3A_1295, %eq3A_1599 : vector<16xi32>
      %xor3A_1601 = arith.constant 8 : i32
      %xor3A_1602 = vector.broadcast %xor3A_1601 : i32 to vector<16xi32>
      %xor3A_1603 = arith.xori %iota3A_1295, %xor3A_1602 : vector<16xi32>
      %lt3A_1604 = arith.constant 0 : i32
      %lt3A_1605 = vector.broadcast %lt3A_1604 : i32 to vector<16xi32>
      %lt3A_1606 = arith.cmpi slt, %xor3A_1603, %lt3A_1605 : vector<16xi32>
      %add3A_1607 = arith.constant 16 : i32
      %add3A_1608 = vector.broadcast %add3A_1607 : i32 to vector<16xi32>
      %add3A_1609 = arith.addi %xor3A_1603, %add3A_1608 : vector<16xi32>
      %select_n3A_1610 = arith.select %lt3A_1606, %add3A_1609, %xor3A_1603 : vector<16xi1>, vector<16xi32>
      %broadcast_in_dim3A_1611 = vector.shape_cast %select_n3A_1610 : vector<16xi32> to vector<16x1xi32>
      %gather3A_1612 = vector.shape_cast %broadcast_in_dim3A_1611 : vector<16x1xi32> to vector<16xi32>
      %gather3A_1613 = tpu.dynamic_gather %scan3A_1293#5[%gather3A_1612] in [0] : vector<16xf32>, vector<16xi32> -> vector<16xf32>
      %add3A_1614 = arith.addf %scan3A_1293#5, %gather3A_1613 : vector<16xf32>
      %xor3A_1615 = arith.constant 4 : i32
      %xor3A_1616 = vector.broadcast %xor3A_1615 : i32 to vector<16xi32>
      %xor3A_1617 = arith.xori %iota3A_1295, %xor3A_1616 : vector<16xi32>
      %lt3A_1618 = arith.constant 0 : i32
      %lt3A_1619 = vector.broadcast %lt3A_1618 : i32 to vector<16xi32>
      %lt3A_1620 = arith.cmpi slt, %xor3A_1617, %lt3A_1619 : vector<16xi32>
      %add3A_1621 = arith.constant 16 : i32
      %add3A_1622 = vector.broadcast %add3A_1621 : i32 to vector<16xi32>
      %add3A_1623 = arith.addi %xor3A_1617, %add3A_1622 : vector<16xi32>
      %select_n3A_1624 = arith.select %lt3A_1620, %add3A_1623, %xor3A_1617 : vector<16xi1>, vector<16xi32>
      %broadcast_in_dim3A_1625 = vector.shape_cast %select_n3A_1624 : vector<16xi32> to vector<16x1xi32>
      %gather3A_1626 = vector.shape_cast %broadcast_in_dim3A_1625 : vector<16x1xi32> to vector<16xi32>
      %gather3A_1627 = tpu.dynamic_gather %add3A_1614[%gather3A_1626] in [0] : vector<16xf32>, vector<16xi32> -> vector<16xf32>
      %add3A_1628 = arith.addf %add3A_1614, %gather3A_1627 : vector<16xf32>
      %xor3A_1629 = arith.constant 2 : i32
      %xor3A_1630 = vector.broadcast %xor3A_1629 : i32 to vector<16xi32>
      %xor3A_1631 = arith.xori %iota3A_1295, %xor3A_1630 : vector<16xi32>
      %lt3A_1632 = arith.constant 0 : i32
      %lt3A_1633 = vector.broadcast %lt3A_1632 : i32 to vector<16xi32>
      %lt3A_1634 = arith.cmpi slt, %xor3A_1631, %lt3A_1633 : vector<16xi32>
      %add3A_1635 = arith.constant 16 : i32
      %add3A_1636 = vector.broadcast %add3A_1635 : i32 to vector<16xi32>
      %add3A_1637 = arith.addi %xor3A_1631, %add3A_1636 : vector<16xi32>
      %select_n3A_1638 = arith.select %lt3A_1634, %add3A_1637, %xor3A_1631 : vector<16xi1>, vector<16xi32>
      %broadcast_in_dim3A_1639 = vector.shape_cast %select_n3A_1638 : vector<16xi32> to vector<16x1xi32>
      %gather3A_1640 = vector.shape_cast %broadcast_in_dim3A_1639 : vector<16x1xi32> to vector<16xi32>
      %gather3A_1641 = tpu.dynamic_gather %add3A_1628[%gather3A_1640] in [0] : vector<16xf32>, vector<16xi32> -> vector<16xf32>
      %add3A_1642 = arith.addf %add3A_1628, %gather3A_1641 : vector<16xf32>
      %xor3A_1643 = arith.constant 1 : i32
      %xor3A_1644 = vector.broadcast %xor3A_1643 : i32 to vector<16xi32>
      %xor3A_1645 = arith.xori %iota3A_1295, %xor3A_1644 : vector<16xi32>
      %lt3A_1646 = arith.constant 0 : i32
      %lt3A_1647 = vector.broadcast %lt3A_1646 : i32 to vector<16xi32>
      %lt3A_1648 = arith.cmpi slt, %xor3A_1645, %lt3A_1647 : vector<16xi32>
      %add3A_1649 = arith.constant 16 : i32
      %add3A_1650 = vector.broadcast %add3A_1649 : i32 to vector<16xi32>
      %add3A_1651 = arith.addi %xor3A_1645, %add3A_1650 : vector<16xi32>
      %select_n3A_1652 = arith.select %lt3A_1648, %add3A_1651, %xor3A_1645 : vector<16xi1>, vector<16xi32>
      %broadcast_in_dim3A_1653 = vector.shape_cast %select_n3A_1652 : vector<16xi32> to vector<16x1xi32>
      %gather3A_1654 = vector.shape_cast %broadcast_in_dim3A_1653 : vector<16x1xi32> to vector<16xi32>
      %gather3A_1655 = tpu.dynamic_gather %add3A_1642[%gather3A_1654] in [0] : vector<16xf32>, vector<16xi32> -> vector<16xf32>
      %add3A_1656 = arith.addf %add3A_1642, %gather3A_1655 : vector<16xf32>
      %select_n3A_1657 = arith.select %eq3A_1600, %add3A_1656, %select_n3A_1597 : vector<16xi1>, vector<16xf32>
      %eq3A_1658 = arith.constant 6 : i32
      %eq3A_1659 = vector.broadcast %eq3A_1658 : i32 to vector<16xi32>
      %eq3A_1660 = arith.cmpi eq, %iota3A_1295, %eq3A_1659 : vector<16xi32>
      %xor3A_1661 = arith.constant 8 : i32
      %xor3A_1662 = vector.broadcast %xor3A_1661 : i32 to vector<16xi32>
      %xor3A_1663 = arith.xori %iota3A_1295, %xor3A_1662 : vector<16xi32>
      %lt3A_1664 = arith.constant 0 : i32
      %lt3A_1665 = vector.broadcast %lt3A_1664 : i32 to vector<16xi32>
      %lt3A_1666 = arith.cmpi slt, %xor3A_1663, %lt3A_1665 : vector<16xi32>
      %add3A_1667 = arith.constant 16 : i32
      %add3A_1668 = vector.broadcast %add3A_1667 : i32 to vector<16xi32>
      %add3A_1669 = arith.addi %xor3A_1663, %add3A_1668 : vector<16xi32>
      %select_n3A_1670 = arith.select %lt3A_1666, %add3A_1669, %xor3A_1663 : vector<16xi1>, vector<16xi32>
      %broadcast_in_dim3A_1671 = vector.shape_cast %select_n3A_1670 : vector<16xi32> to vector<16x1xi32>
      %gather3A_1672 = vector.shape_cast %broadcast_in_dim3A_1671 : vector<16x1xi32> to vector<16xi32>
      %gather3A_1673 = tpu.dynamic_gather %scan3A_1293#6[%gather3A_1672] in [0] : vector<16xf32>, vector<16xi32> -> vector<16xf32>
      %add3A_1674 = arith.addf %scan3A_1293#6, %gather3A_1673 : vector<16xf32>
      %xor3A_1675 = arith.constant 4 : i32
      %xor3A_1676 = vector.broadcast %xor3A_1675 : i32 to vector<16xi32>
      %xor3A_1677 = arith.xori %iota3A_1295, %xor3A_1676 : vector<16xi32>
      %lt3A_1678 = arith.constant 0 : i32
      %lt3A_1679 = vector.broadcast %lt3A_1678 : i32 to vector<16xi32>
      %lt3A_1680 = arith.cmpi slt, %xor3A_1677, %lt3A_1679 : vector<16xi32>
      %add3A_1681 = arith.constant 16 : i32
      %add3A_1682 = vector.broadcast %add3A_1681 : i32 to vector<16xi32>
      %add3A_1683 = arith.addi %xor3A_1677, %add3A_1682 : vector<16xi32>
      %select_n3A_1684 = arith.select %lt3A_1680, %add3A_1683, %xor3A_1677 : vector<16xi1>, vector<16xi32>
      %broadcast_in_dim3A_1685 = vector.shape_cast %select_n3A_1684 : vector<16xi32> to vector<16x1xi32>
      %gather3A_1686 = vector.shape_cast %broadcast_in_dim3A_1685 : vector<16x1xi32> to vector<16xi32>
      %gather3A_1687 = tpu.dynamic_gather %add3A_1674[%gather3A_1686] in [0] : vector<16xf32>, vector<16xi32> -> vector<16xf32>
      %add3A_1688 = arith.addf %add3A_1674, %gather3A_1687 : vector<16xf32>
      %xor3A_1689 = arith.constant 2 : i32
      %xor3A_1690 = vector.broadcast %xor3A_1689 : i32 to vector<16xi32>
      %xor3A_1691 = arith.xori %iota3A_1295, %xor3A_1690 : vector<16xi32>
      %lt3A_1692 = arith.constant 0 : i32
      %lt3A_1693 = vector.broadcast %lt3A_1692 : i32 to vector<16xi32>
      %lt3A_1694 = arith.cmpi slt, %xor3A_1691, %lt3A_1693 : vector<16xi32>
      %add3A_1695 = arith.constant 16 : i32
      %add3A_1696 = vector.broadcast %add3A_1695 : i32 to vector<16xi32>
      %add3A_1697 = arith.addi %xor3A_1691, %add3A_1696 : vector<16xi32>
      %select_n3A_1698 = arith.select %lt3A_1694, %add3A_1697, %xor3A_1691 : vector<16xi1>, vector<16xi32>
      %broadcast_in_dim3A_1699 = vector.shape_cast %select_n3A_1698 : vector<16xi32> to vector<16x1xi32>
      %gather3A_1700 = vector.shape_cast %broadcast_in_dim3A_1699 : vector<16x1xi32> to vector<16xi32>
      %gather3A_1701 = tpu.dynamic_gather %add3A_1688[%gather3A_1700] in [0] : vector<16xf32>, vector<16xi32> -> vector<16xf32>
      %add3A_1702 = arith.addf %add3A_1688, %gather3A_1701 : vector<16xf32>
      %xor3A_1703 = arith.constant 1 : i32
      %xor3A_1704 = vector.broadcast %xor3A_1703 : i32 to vector<16xi32>
      %xor3A_1705 = arith.xori %iota3A_1295, %xor3A_1704 : vector<16xi32>
      %lt3A_1706 = arith.constant 0 : i32
      %lt3A_1707 = vector.broadcast %lt3A_1706 : i32 to vector<16xi32>
      %lt3A_1708 = arith.cmpi slt, %xor3A_1705, %lt3A_1707 : vector<16xi32>
      %add3A_1709 = arith.constant 16 : i32
      %add3A_1710 = vector.broadcast %add3A_1709 : i32 to vector<16xi32>
      %add3A_1711 = arith.addi %xor3A_1705, %add3A_1710 : vector<16xi32>
      %select_n3A_1712 = arith.select %lt3A_1708, %add3A_1711, %xor3A_1705 : vector<16xi1>, vector<16xi32>
      %broadcast_in_dim3A_1713 = vector.shape_cast %select_n3A_1712 : vector<16xi32> to vector<16x1xi32>
      %gather3A_1714 = vector.shape_cast %broadcast_in_dim3A_1713 : vector<16x1xi32> to vector<16xi32>
      %gather3A_1715 = tpu.dynamic_gather %add3A_1702[%gather3A_1714] in [0] : vector<16xf32>, vector<16xi32> -> vector<16xf32>
      %add3A_1716 = arith.addf %add3A_1702, %gather3A_1715 : vector<16xf32>
      %select_n3A_1717 = arith.select %eq3A_1660, %add3A_1716, %select_n3A_1657 : vector<16xi1>, vector<16xf32>
      %eq3A_1718 = arith.constant 7 : i32
      %eq3A_1719 = vector.broadcast %eq3A_1718 : i32 to vector<16xi32>
      %eq3A_1720 = arith.cmpi eq, %iota3A_1295, %eq3A_1719 : vector<16xi32>
      %xor3A_1721 = arith.constant 8 : i32
      %xor3A_1722 = vector.broadcast %xor3A_1721 : i32 to vector<16xi32>
      %xor3A_1723 = arith.xori %iota3A_1295, %xor3A_1722 : vector<16xi32>
      %lt3A_1724 = arith.constant 0 : i32
      %lt3A_1725 = vector.broadcast %lt3A_1724 : i32 to vector<16xi32>
      %lt3A_1726 = arith.cmpi slt, %xor3A_1723, %lt3A_1725 : vector<16xi32>
      %add3A_1727 = arith.constant 16 : i32
      %add3A_1728 = vector.broadcast %add3A_1727 : i32 to vector<16xi32>
      %add3A_1729 = arith.addi %xor3A_1723, %add3A_1728 : vector<16xi32>
      %select_n3A_1730 = arith.select %lt3A_1726, %add3A_1729, %xor3A_1723 : vector<16xi1>, vector<16xi32>
      %broadcast_in_dim3A_1731 = vector.shape_cast %select_n3A_1730 : vector<16xi32> to vector<16x1xi32>
      %gather3A_1732 = vector.shape_cast %broadcast_in_dim3A_1731 : vector<16x1xi32> to vector<16xi32>
      %gather3A_1733 = tpu.dynamic_gather %scan3A_1293#7[%gather3A_1732] in [0] : vector<16xf32>, vector<16xi32> -> vector<16xf32>
      %add3A_1734 = arith.addf %scan3A_1293#7, %gather3A_1733 : vector<16xf32>
      %xor3A_1735 = arith.constant 4 : i32
      %xor3A_1736 = vector.broadcast %xor3A_1735 : i32 to vector<16xi32>
      %xor3A_1737 = arith.xori %iota3A_1295, %xor3A_1736 : vector<16xi32>
      %lt3A_1738 = arith.constant 0 : i32
      %lt3A_1739 = vector.broadcast %lt3A_1738 : i32 to vector<16xi32>
      %lt3A_1740 = arith.cmpi slt, %xor3A_1737, %lt3A_1739 : vector<16xi32>
      %add3A_1741 = arith.constant 16 : i32
      %add3A_1742 = vector.broadcast %add3A_1741 : i32 to vector<16xi32>
      %add3A_1743 = arith.addi %xor3A_1737, %add3A_1742 : vector<16xi32>
      %select_n3A_1744 = arith.select %lt3A_1740, %add3A_1743, %xor3A_1737 : vector<16xi1>, vector<16xi32>
      %broadcast_in_dim3A_1745 = vector.shape_cast %select_n3A_1744 : vector<16xi32> to vector<16x1xi32>
      %gather3A_1746 = vector.shape_cast %broadcast_in_dim3A_1745 : vector<16x1xi32> to vector<16xi32>
      %gather3A_1747 = tpu.dynamic_gather %add3A_1734[%gather3A_1746] in [0] : vector<16xf32>, vector<16xi32> -> vector<16xf32>
      %add3A_1748 = arith.addf %add3A_1734, %gather3A_1747 : vector<16xf32>
      %xor3A_1749 = arith.constant 2 : i32
      %xor3A_1750 = vector.broadcast %xor3A_1749 : i32 to vector<16xi32>
      %xor3A_1751 = arith.xori %iota3A_1295, %xor3A_1750 : vector<16xi32>
      %lt3A_1752 = arith.constant 0 : i32
      %lt3A_1753 = vector.broadcast %lt3A_1752 : i32 to vector<16xi32>
      %lt3A_1754 = arith.cmpi slt, %xor3A_1751, %lt3A_1753 : vector<16xi32>
      %add3A_1755 = arith.constant 16 : i32
      %add3A_1756 = vector.broadcast %add3A_1755 : i32 to vector<16xi32>
      %add3A_1757 = arith.addi %xor3A_1751, %add3A_1756 : vector<16xi32>
      %select_n3A_1758 = arith.select %lt3A_1754, %add3A_1757, %xor3A_1751 : vector<16xi1>, vector<16xi32>
      %broadcast_in_dim3A_1759 = vector.shape_cast %select_n3A_1758 : vector<16xi32> to vector<16x1xi32>
      %gather3A_1760 = vector.shape_cast %broadcast_in_dim3A_1759 : vector<16x1xi32> to vector<16xi32>
      %gather3A_1761 = tpu.dynamic_gather %add3A_1748[%gather3A_1760] in [0] : vector<16xf32>, vector<16xi32> -> vector<16xf32>
      %add3A_1762 = arith.addf %add3A_1748, %gather3A_1761 : vector<16xf32>
      %xor3A_1763 = arith.constant 1 : i32
      %xor3A_1764 = vector.broadcast %xor3A_1763 : i32 to vector<16xi32>
      %xor3A_1765 = arith.xori %iota3A_1295, %xor3A_1764 : vector<16xi32>
      %lt3A_1766 = arith.constant 0 : i32
      %lt3A_1767 = vector.broadcast %lt3A_1766 : i32 to vector<16xi32>
      %lt3A_1768 = arith.cmpi slt, %xor3A_1765, %lt3A_1767 : vector<16xi32>
      %add3A_1769 = arith.constant 16 : i32
      %add3A_1770 = vector.broadcast %add3A_1769 : i32 to vector<16xi32>
      %add3A_1771 = arith.addi %xor3A_1765, %add3A_1770 : vector<16xi32>
      %select_n3A_1772 = arith.select %lt3A_1768, %add3A_1771, %xor3A_1765 : vector<16xi1>, vector<16xi32>
      %broadcast_in_dim3A_1773 = vector.shape_cast %select_n3A_1772 : vector<16xi32> to vector<16x1xi32>
      %gather3A_1774 = vector.shape_cast %broadcast_in_dim3A_1773 : vector<16x1xi32> to vector<16xi32>
      %gather3A_1775 = tpu.dynamic_gather %add3A_1762[%gather3A_1774] in [0] : vector<16xf32>, vector<16xi32> -> vector<16xf32>
      %add3A_1776 = arith.addf %add3A_1762, %gather3A_1775 : vector<16xf32>
      %select_n3A_1777 = arith.select %eq3A_1720, %add3A_1776, %select_n3A_1717 : vector<16xi1>, vector<16xf32>
      %eq3A_1778 = arith.constant 8 : i32
      %eq3A_1779 = vector.broadcast %eq3A_1778 : i32 to vector<16xi32>
      %eq3A_1780 = arith.cmpi eq, %iota3A_1295, %eq3A_1779 : vector<16xi32>
      %xor3A_1781 = arith.constant 8 : i32
      %xor3A_1782 = vector.broadcast %xor3A_1781 : i32 to vector<16xi32>
      %xor3A_1783 = arith.xori %iota3A_1295, %xor3A_1782 : vector<16xi32>
      %lt3A_1784 = arith.constant 0 : i32
      %lt3A_1785 = vector.broadcast %lt3A_1784 : i32 to vector<16xi32>
      %lt3A_1786 = arith.cmpi slt, %xor3A_1783, %lt3A_1785 : vector<16xi32>
      %add3A_1787 = arith.constant 16 : i32
      %add3A_1788 = vector.broadcast %add3A_1787 : i32 to vector<16xi32>
      %add3A_1789 = arith.addi %xor3A_1783, %add3A_1788 : vector<16xi32>
      %select_n3A_1790 = arith.select %lt3A_1786, %add3A_1789, %xor3A_1783 : vector<16xi1>, vector<16xi32>
      %broadcast_in_dim3A_1791 = vector.shape_cast %select_n3A_1790 : vector<16xi32> to vector<16x1xi32>
      %gather3A_1792 = vector.shape_cast %broadcast_in_dim3A_1791 : vector<16x1xi32> to vector<16xi32>
      %gather3A_1793 = tpu.dynamic_gather %scan3A_1293#8[%gather3A_1792] in [0] : vector<16xf32>, vector<16xi32> -> vector<16xf32>
      %add3A_1794 = arith.addf %scan3A_1293#8, %gather3A_1793 : vector<16xf32>
      %xor3A_1795 = arith.constant 4 : i32
      %xor3A_1796 = vector.broadcast %xor3A_1795 : i32 to vector<16xi32>
      %xor3A_1797 = arith.xori %iota3A_1295, %xor3A_1796 : vector<16xi32>
      %lt3A_1798 = arith.constant 0 : i32
      %lt3A_1799 = vector.broadcast %lt3A_1798 : i32 to vector<16xi32>
      %lt3A_1800 = arith.cmpi slt, %xor3A_1797, %lt3A_1799 : vector<16xi32>
      %add3A_1801 = arith.constant 16 : i32
      %add3A_1802 = vector.broadcast %add3A_1801 : i32 to vector<16xi32>
      %add3A_1803 = arith.addi %xor3A_1797, %add3A_1802 : vector<16xi32>
      %select_n3A_1804 = arith.select %lt3A_1800, %add3A_1803, %xor3A_1797 : vector<16xi1>, vector<16xi32>
      %broadcast_in_dim3A_1805 = vector.shape_cast %select_n3A_1804 : vector<16xi32> to vector<16x1xi32>
      %gather3A_1806 = vector.shape_cast %broadcast_in_dim3A_1805 : vector<16x1xi32> to vector<16xi32>
      %gather3A_1807 = tpu.dynamic_gather %add3A_1794[%gather3A_1806] in [0] : vector<16xf32>, vector<16xi32> -> vector<16xf32>
      %add3A_1808 = arith.addf %add3A_1794, %gather3A_1807 : vector<16xf32>
      %xor3A_1809 = arith.constant 2 : i32
      %xor3A_1810 = vector.broadcast %xor3A_1809 : i32 to vector<16xi32>
      %xor3A_1811 = arith.xori %iota3A_1295, %xor3A_1810 : vector<16xi32>
      %lt3A_1812 = arith.constant 0 : i32
      %lt3A_1813 = vector.broadcast %lt3A_1812 : i32 to vector<16xi32>
      %lt3A_1814 = arith.cmpi slt, %xor3A_1811, %lt3A_1813 : vector<16xi32>
      %add3A_1815 = arith.constant 16 : i32
      %add3A_1816 = vector.broadcast %add3A_1815 : i32 to vector<16xi32>
      %add3A_1817 = arith.addi %xor3A_1811, %add3A_1816 : vector<16xi32>
      %select_n3A_1818 = arith.select %lt3A_1814, %add3A_1817, %xor3A_1811 : vector<16xi1>, vector<16xi32>
      %broadcast_in_dim3A_1819 = vector.shape_cast %select_n3A_1818 : vector<16xi32> to vector<16x1xi32>
      %gather3A_1820 = vector.shape_cast %broadcast_in_dim3A_1819 : vector<16x1xi32> to vector<16xi32>
      %gather3A_1821 = tpu.dynamic_gather %add3A_1808[%gather3A_1820] in [0] : vector<16xf32>, vector<16xi32> -> vector<16xf32>
      %add3A_1822 = arith.addf %add3A_1808, %gather3A_1821 : vector<16xf32>
      %xor3A_1823 = arith.constant 1 : i32
      %xor3A_1824 = vector.broadcast %xor3A_1823 : i32 to vector<16xi32>
      %xor3A_1825 = arith.xori %iota3A_1295, %xor3A_1824 : vector<16xi32>
      %lt3A_1826 = arith.constant 0 : i32
      %lt3A_1827 = vector.broadcast %lt3A_1826 : i32 to vector<16xi32>
      %lt3A_1828 = arith.cmpi slt, %xor3A_1825, %lt3A_1827 : vector<16xi32>
      %add3A_1829 = arith.constant 16 : i32
      %add3A_1830 = vector.broadcast %add3A_1829 : i32 to vector<16xi32>
      %add3A_1831 = arith.addi %xor3A_1825, %add3A_1830 : vector<16xi32>
      %select_n3A_1832 = arith.select %lt3A_1828, %add3A_1831, %xor3A_1825 : vector<16xi1>, vector<16xi32>
      %broadcast_in_dim3A_1833 = vector.shape_cast %select_n3A_1832 : vector<16xi32> to vector<16x1xi32>
      %gather3A_1834 = vector.shape_cast %broadcast_in_dim3A_1833 : vector<16x1xi32> to vector<16xi32>
      %gather3A_1835 = tpu.dynamic_gather %add3A_1822[%gather3A_1834] in [0] : vector<16xf32>, vector<16xi32> -> vector<16xf32>
      %add3A_1836 = arith.addf %add3A_1822, %gather3A_1835 : vector<16xf32>
      %select_n3A_1837 = arith.select %eq3A_1780, %add3A_1836, %select_n3A_1777 : vector<16xi1>, vector<16xf32>
      %eq3A_1838 = arith.constant 9 : i32
      %eq3A_1839 = vector.broadcast %eq3A_1838 : i32 to vector<16xi32>
      %eq3A_1840 = arith.cmpi eq, %iota3A_1295, %eq3A_1839 : vector<16xi32>
      %xor3A_1841 = arith.constant 8 : i32
      %xor3A_1842 = vector.broadcast %xor3A_1841 : i32 to vector<16xi32>
      %xor3A_1843 = arith.xori %iota3A_1295, %xor3A_1842 : vector<16xi32>
      %lt3A_1844 = arith.constant 0 : i32
      %lt3A_1845 = vector.broadcast %lt3A_1844 : i32 to vector<16xi32>
      %lt3A_1846 = arith.cmpi slt, %xor3A_1843, %lt3A_1845 : vector<16xi32>
      %add3A_1847 = arith.constant 16 : i32
      %add3A_1848 = vector.broadcast %add3A_1847 : i32 to vector<16xi32>
      %add3A_1849 = arith.addi %xor3A_1843, %add3A_1848 : vector<16xi32>
      %select_n3A_1850 = arith.select %lt3A_1846, %add3A_1849, %xor3A_1843 : vector<16xi1>, vector<16xi32>
      %broadcast_in_dim3A_1851 = vector.shape_cast %select_n3A_1850 : vector<16xi32> to vector<16x1xi32>
      %gather3A_1852 = vector.shape_cast %broadcast_in_dim3A_1851 : vector<16x1xi32> to vector<16xi32>
      %gather3A_1853 = tpu.dynamic_gather %scan3A_1293#9[%gather3A_1852] in [0] : vector<16xf32>, vector<16xi32> -> vector<16xf32>
      %add3A_1854 = arith.addf %scan3A_1293#9, %gather3A_1853 : vector<16xf32>
      %xor3A_1855 = arith.constant 4 : i32
      %xor3A_1856 = vector.broadcast %xor3A_1855 : i32 to vector<16xi32>
      %xor3A_1857 = arith.xori %iota3A_1295, %xor3A_1856 : vector<16xi32>
      %lt3A_1858 = arith.constant 0 : i32
      %lt3A_1859 = vector.broadcast %lt3A_1858 : i32 to vector<16xi32>
      %lt3A_1860 = arith.cmpi slt, %xor3A_1857, %lt3A_1859 : vector<16xi32>
      %add3A_1861 = arith.constant 16 : i32
      %add3A_1862 = vector.broadcast %add3A_1861 : i32 to vector<16xi32>
      %add3A_1863 = arith.addi %xor3A_1857, %add3A_1862 : vector<16xi32>
      %select_n3A_1864 = arith.select %lt3A_1860, %add3A_1863, %xor3A_1857 : vector<16xi1>, vector<16xi32>
      %broadcast_in_dim3A_1865 = vector.shape_cast %select_n3A_1864 : vector<16xi32> to vector<16x1xi32>
      %gather3A_1866 = vector.shape_cast %broadcast_in_dim3A_1865 : vector<16x1xi32> to vector<16xi32>
      %gather3A_1867 = tpu.dynamic_gather %add3A_1854[%gather3A_1866] in [0] : vector<16xf32>, vector<16xi32> -> vector<16xf32>
      %add3A_1868 = arith.addf %add3A_1854, %gather3A_1867 : vector<16xf32>
      %xor3A_1869 = arith.constant 2 : i32
      %xor3A_1870 = vector.broadcast %xor3A_1869 : i32 to vector<16xi32>
      %xor3A_1871 = arith.xori %iota3A_1295, %xor3A_1870 : vector<16xi32>
      %lt3A_1872 = arith.constant 0 : i32
      %lt3A_1873 = vector.broadcast %lt3A_1872 : i32 to vector<16xi32>
      %lt3A_1874 = arith.cmpi slt, %xor3A_1871, %lt3A_1873 : vector<16xi32>
      %add3A_1875 = arith.constant 16 : i32
      %add3A_1876 = vector.broadcast %add3A_1875 : i32 to vector<16xi32>
      %add3A_1877 = arith.addi %xor3A_1871, %add3A_1876 : vector<16xi32>
      %select_n3A_1878 = arith.select %lt3A_1874, %add3A_1877, %xor3A_1871 : vector<16xi1>, vector<16xi32>
      %broadcast_in_dim3A_1879 = vector.shape_cast %select_n3A_1878 : vector<16xi32> to vector<16x1xi32>
      %gather3A_1880 = vector.shape_cast %broadcast_in_dim3A_1879 : vector<16x1xi32> to vector<16xi32>
      %gather3A_1881 = tpu.dynamic_gather %add3A_1868[%gather3A_1880] in [0] : vector<16xf32>, vector<16xi32> -> vector<16xf32>
      %add3A_1882 = arith.addf %add3A_1868, %gather3A_1881 : vector<16xf32>
      %xor3A_1883 = arith.constant 1 : i32
      %xor3A_1884 = vector.broadcast %xor3A_1883 : i32 to vector<16xi32>
      %xor3A_1885 = arith.xori %iota3A_1295, %xor3A_1884 : vector<16xi32>
      %lt3A_1886 = arith.constant 0 : i32
      %lt3A_1887 = vector.broadcast %lt3A_1886 : i32 to vector<16xi32>
      %lt3A_1888 = arith.cmpi slt, %xor3A_1885, %lt3A_1887 : vector<16xi32>
      %add3A_1889 = arith.constant 16 : i32
      %add3A_1890 = vector.broadcast %add3A_1889 : i32 to vector<16xi32>
      %add3A_1891 = arith.addi %xor3A_1885, %add3A_1890 : vector<16xi32>
      %select_n3A_1892 = arith.select %lt3A_1888, %add3A_1891, %xor3A_1885 : vector<16xi1>, vector<16xi32>
      %broadcast_in_dim3A_1893 = vector.shape_cast %select_n3A_1892 : vector<16xi32> to vector<16x1xi32>
      %gather3A_1894 = vector.shape_cast %broadcast_in_dim3A_1893 : vector<16x1xi32> to vector<16xi32>
      %gather3A_1895 = tpu.dynamic_gather %add3A_1882[%gather3A_1894] in [0] : vector<16xf32>, vector<16xi32> -> vector<16xf32>
      %add3A_1896 = arith.addf %add3A_1882, %gather3A_1895 : vector<16xf32>
      %select_n3A_1897 = arith.select %eq3A_1840, %add3A_1896, %select_n3A_1837 : vector<16xi1>, vector<16xf32>
      %eq3A_1898 = arith.constant 10 : i32
      %eq3A_1899 = vector.broadcast %eq3A_1898 : i32 to vector<16xi32>
      %eq3A_1900 = arith.cmpi eq, %iota3A_1295, %eq3A_1899 : vector<16xi32>
      %xor3A_1901 = arith.constant 8 : i32
      %xor3A_1902 = vector.broadcast %xor3A_1901 : i32 to vector<16xi32>
      %xor3A_1903 = arith.xori %iota3A_1295, %xor3A_1902 : vector<16xi32>
      %lt3A_1904 = arith.constant 0 : i32
      %lt3A_1905 = vector.broadcast %lt3A_1904 : i32 to vector<16xi32>
      %lt3A_1906 = arith.cmpi slt, %xor3A_1903, %lt3A_1905 : vector<16xi32>
      %add3A_1907 = arith.constant 16 : i32
      %add3A_1908 = vector.broadcast %add3A_1907 : i32 to vector<16xi32>
      %add3A_1909 = arith.addi %xor3A_1903, %add3A_1908 : vector<16xi32>
      %select_n3A_1910 = arith.select %lt3A_1906, %add3A_1909, %xor3A_1903 : vector<16xi1>, vector<16xi32>
      %broadcast_in_dim3A_1911 = vector.shape_cast %select_n3A_1910 : vector<16xi32> to vector<16x1xi32>
      %gather3A_1912 = vector.shape_cast %broadcast_in_dim3A_1911 : vector<16x1xi32> to vector<16xi32>
      %gather3A_1913 = tpu.dynamic_gather %scan3A_1293#10[%gather3A_1912] in [0] : vector<16xf32>, vector<16xi32> -> vector<16xf32>
      %add3A_1914 = arith.addf %scan3A_1293#10, %gather3A_1913 : vector<16xf32>
      %xor3A_1915 = arith.constant 4 : i32
      %xor3A_1916 = vector.broadcast %xor3A_1915 : i32 to vector<16xi32>
      %xor3A_1917 = arith.xori %iota3A_1295, %xor3A_1916 : vector<16xi32>
      %lt3A_1918 = arith.constant 0 : i32
      %lt3A_1919 = vector.broadcast %lt3A_1918 : i32 to vector<16xi32>
      %lt3A_1920 = arith.cmpi slt, %xor3A_1917, %lt3A_1919 : vector<16xi32>
      %add3A_1921 = arith.constant 16 : i32
      %add3A_1922 = vector.broadcast %add3A_1921 : i32 to vector<16xi32>
      %add3A_1923 = arith.addi %xor3A_1917, %add3A_1922 : vector<16xi32>
      %select_n3A_1924 = arith.select %lt3A_1920, %add3A_1923, %xor3A_1917 : vector<16xi1>, vector<16xi32>
      %broadcast_in_dim3A_1925 = vector.shape_cast %select_n3A_1924 : vector<16xi32> to vector<16x1xi32>
      %gather3A_1926 = vector.shape_cast %broadcast_in_dim3A_1925 : vector<16x1xi32> to vector<16xi32>
      %gather3A_1927 = tpu.dynamic_gather %add3A_1914[%gather3A_1926] in [0] : vector<16xf32>, vector<16xi32> -> vector<16xf32>
      %add3A_1928 = arith.addf %add3A_1914, %gather3A_1927 : vector<16xf32>
      %xor3A_1929 = arith.constant 2 : i32
      %xor3A_1930 = vector.broadcast %xor3A_1929 : i32 to vector<16xi32>
      %xor3A_1931 = arith.xori %iota3A_1295, %xor3A_1930 : vector<16xi32>
      %lt3A_1932 = arith.constant 0 : i32
      %lt3A_1933 = vector.broadcast %lt3A_1932 : i32 to vector<16xi32>
      %lt3A_1934 = arith.cmpi slt, %xor3A_1931, %lt3A_1933 : vector<16xi32>
      %add3A_1935 = arith.constant 16 : i32
      %add3A_1936 = vector.broadcast %add3A_1935 : i32 to vector<16xi32>
      %add3A_1937 = arith.addi %xor3A_1931, %add3A_1936 : vector<16xi32>
      %select_n3A_1938 = arith.select %lt3A_1934, %add3A_1937, %xor3A_1931 : vector<16xi1>, vector<16xi32>
      %broadcast_in_dim3A_1939 = vector.shape_cast %select_n3A_1938 : vector<16xi32> to vector<16x1xi32>
      %gather3A_1940 = vector.shape_cast %broadcast_in_dim3A_1939 : vector<16x1xi32> to vector<16xi32>
      %gather3A_1941 = tpu.dynamic_gather %add3A_1928[%gather3A_1940] in [0] : vector<16xf32>, vector<16xi32> -> vector<16xf32>
      %add3A_1942 = arith.addf %add3A_1928, %gather3A_1941 : vector<16xf32>
      %xor3A_1943 = arith.constant 1 : i32
      %xor3A_1944 = vector.broadcast %xor3A_1943 : i32 to vector<16xi32>
      %xor3A_1945 = arith.xori %iota3A_1295, %xor3A_1944 : vector<16xi32>
      %lt3A_1946 = arith.constant 0 : i32
      %lt3A_1947 = vector.broadcast %lt3A_1946 : i32 to vector<16xi32>
      %lt3A_1948 = arith.cmpi slt, %xor3A_1945, %lt3A_1947 : vector<16xi32>
      %add3A_1949 = arith.constant 16 : i32
      %add3A_1950 = vector.broadcast %add3A_1949 : i32 to vector<16xi32>
      %add3A_1951 = arith.addi %xor3A_1945, %add3A_1950 : vector<16xi32>
      %select_n3A_1952 = arith.select %lt3A_1948, %add3A_1951, %xor3A_1945 : vector<16xi1>, vector<16xi32>
      %broadcast_in_dim3A_1953 = vector.shape_cast %select_n3A_1952 : vector<16xi32> to vector<16x1xi32>
      %gather3A_1954 = vector.shape_cast %broadcast_in_dim3A_1953 : vector<16x1xi32> to vector<16xi32>
      %gather3A_1955 = tpu.dynamic_gather %add3A_1942[%gather3A_1954] in [0] : vector<16xf32>, vector<16xi32> -> vector<16xf32>
      %add3A_1956 = arith.addf %add3A_1942, %gather3A_1955 : vector<16xf32>
      %select_n3A_1957 = arith.select %eq3A_1900, %add3A_1956, %select_n3A_1897 : vector<16xi1>, vector<16xf32>
      %eq3A_1958 = arith.constant 11 : i32
      %eq3A_1959 = vector.broadcast %eq3A_1958 : i32 to vector<16xi32>
      %eq3A_1960 = arith.cmpi eq, %iota3A_1295, %eq3A_1959 : vector<16xi32>
      %xor3A_1961 = arith.constant 8 : i32
      %xor3A_1962 = vector.broadcast %xor3A_1961 : i32 to vector<16xi32>
      %xor3A_1963 = arith.xori %iota3A_1295, %xor3A_1962 : vector<16xi32>
      %lt3A_1964 = arith.constant 0 : i32
      %lt3A_1965 = vector.broadcast %lt3A_1964 : i32 to vector<16xi32>
      %lt3A_1966 = arith.cmpi slt, %xor3A_1963, %lt3A_1965 : vector<16xi32>
      %add3A_1967 = arith.constant 16 : i32
      %add3A_1968 = vector.broadcast %add3A_1967 : i32 to vector<16xi32>
      %add3A_1969 = arith.addi %xor3A_1963, %add3A_1968 : vector<16xi32>
      %select_n3A_1970 = arith.select %lt3A_1966, %add3A_1969, %xor3A_1963 : vector<16xi1>, vector<16xi32>
      %broadcast_in_dim3A_1971 = vector.shape_cast %select_n3A_1970 : vector<16xi32> to vector<16x1xi32>
      %gather3A_1972 = vector.shape_cast %broadcast_in_dim3A_1971 : vector<16x1xi32> to vector<16xi32>
      %gather3A_1973 = tpu.dynamic_gather %scan3A_1293#11[%gather3A_1972] in [0] : vector<16xf32>, vector<16xi32> -> vector<16xf32>
      %add3A_1974 = arith.addf %scan3A_1293#11, %gather3A_1973 : vector<16xf32>
      %xor3A_1975 = arith.constant 4 : i32
      %xor3A_1976 = vector.broadcast %xor3A_1975 : i32 to vector<16xi32>
      %xor3A_1977 = arith.xori %iota3A_1295, %xor3A_1976 : vector<16xi32>
      %lt3A_1978 = arith.constant 0 : i32
      %lt3A_1979 = vector.broadcast %lt3A_1978 : i32 to vector<16xi32>
      %lt3A_1980 = arith.cmpi slt, %xor3A_1977, %lt3A_1979 : vector<16xi32>
      %add3A_1981 = arith.constant 16 : i32
      %add3A_1982 = vector.broadcast %add3A_1981 : i32 to vector<16xi32>
      %add3A_1983 = arith.addi %xor3A_1977, %add3A_1982 : vector<16xi32>
      %select_n3A_1984 = arith.select %lt3A_1980, %add3A_1983, %xor3A_1977 : vector<16xi1>, vector<16xi32>
      %broadcast_in_dim3A_1985 = vector.shape_cast %select_n3A_1984 : vector<16xi32> to vector<16x1xi32>
      %gather3A_1986 = vector.shape_cast %broadcast_in_dim3A_1985 : vector<16x1xi32> to vector<16xi32>
      %gather3A_1987 = tpu.dynamic_gather %add3A_1974[%gather3A_1986] in [0] : vector<16xf32>, vector<16xi32> -> vector<16xf32>
      %add3A_1988 = arith.addf %add3A_1974, %gather3A_1987 : vector<16xf32>
      %xor3A_1989 = arith.constant 2 : i32
      %xor3A_1990 = vector.broadcast %xor3A_1989 : i32 to vector<16xi32>
      %xor3A_1991 = arith.xori %iota3A_1295, %xor3A_1990 : vector<16xi32>
      %lt3A_1992 = arith.constant 0 : i32
      %lt3A_1993 = vector.broadcast %lt3A_1992 : i32 to vector<16xi32>
      %lt3A_1994 = arith.cmpi slt, %xor3A_1991, %lt3A_1993 : vector<16xi32>
      %add3A_1995 = arith.constant 16 : i32
      %add3A_1996 = vector.broadcast %add3A_1995 : i32 to vector<16xi32>
      %add3A_1997 = arith.addi %xor3A_1991, %add3A_1996 : vector<16xi32>
      %select_n3A_1998 = arith.select %lt3A_1994, %add3A_1997, %xor3A_1991 : vector<16xi1>, vector<16xi32>
      %broadcast_in_dim3A_1999 = vector.shape_cast %select_n3A_1998 : vector<16xi32> to vector<16x1xi32>
      %gather3A_2000 = vector.shape_cast %broadcast_in_dim3A_1999 : vector<16x1xi32> to vector<16xi32>
      %gather3A_2001 = tpu.dynamic_gather %add3A_1988[%gather3A_2000] in [0] : vector<16xf32>, vector<16xi32> -> vector<16xf32>
      %add3A_2002 = arith.addf %add3A_1988, %gather3A_2001 : vector<16xf32>
      %xor3A_2003 = arith.constant 1 : i32
      %xor3A_2004 = vector.broadcast %xor3A_2003 : i32 to vector<16xi32>
      %xor3A_2005 = arith.xori %iota3A_1295, %xor3A_2004 : vector<16xi32>
      %lt3A_2006 = arith.constant 0 : i32
      %lt3A_2007 = vector.broadcast %lt3A_2006 : i32 to vector<16xi32>
      %lt3A_2008 = arith.cmpi slt, %xor3A_2005, %lt3A_2007 : vector<16xi32>
      %add3A_2009 = arith.constant 16 : i32
      %add3A_2010 = vector.broadcast %add3A_2009 : i32 to vector<16xi32>
      %add3A_2011 = arith.addi %xor3A_2005, %add3A_2010 : vector<16xi32>
      %select_n3A_2012 = arith.select %lt3A_2008, %add3A_2011, %xor3A_2005 : vector<16xi1>, vector<16xi32>
      %broadcast_in_dim3A_2013 = vector.shape_cast %select_n3A_2012 : vector<16xi32> to vector<16x1xi32>
      %gather3A_2014 = vector.shape_cast %broadcast_in_dim3A_2013 : vector<16x1xi32> to vector<16xi32>
      %gather3A_2015 = tpu.dynamic_gather %add3A_2002[%gather3A_2014] in [0] : vector<16xf32>, vector<16xi32> -> vector<16xf32>
      %add3A_2016 = arith.addf %add3A_2002, %gather3A_2015 : vector<16xf32>
      %select_n3A_2017 = arith.select %eq3A_1960, %add3A_2016, %select_n3A_1957 : vector<16xi1>, vector<16xf32>
      %eq3A_2018 = arith.constant 12 : i32
      %eq3A_2019 = vector.broadcast %eq3A_2018 : i32 to vector<16xi32>
      %eq3A_2020 = arith.cmpi eq, %iota3A_1295, %eq3A_2019 : vector<16xi32>
      %xor3A_2021 = arith.constant 8 : i32
      %xor3A_2022 = vector.broadcast %xor3A_2021 : i32 to vector<16xi32>
      %xor3A_2023 = arith.xori %iota3A_1295, %xor3A_2022 : vector<16xi32>
      %lt3A_2024 = arith.constant 0 : i32
      %lt3A_2025 = vector.broadcast %lt3A_2024 : i32 to vector<16xi32>
      %lt3A_2026 = arith.cmpi slt, %xor3A_2023, %lt3A_2025 : vector<16xi32>
      %add3A_2027 = arith.constant 16 : i32
      %add3A_2028 = vector.broadcast %add3A_2027 : i32 to vector<16xi32>
      %add3A_2029 = arith.addi %xor3A_2023, %add3A_2028 : vector<16xi32>
      %select_n3A_2030 = arith.select %lt3A_2026, %add3A_2029, %xor3A_2023 : vector<16xi1>, vector<16xi32>
      %broadcast_in_dim3A_2031 = vector.shape_cast %select_n3A_2030 : vector<16xi32> to vector<16x1xi32>
      %gather3A_2032 = vector.shape_cast %broadcast_in_dim3A_2031 : vector<16x1xi32> to vector<16xi32>
      %gather3A_2033 = tpu.dynamic_gather %scan3A_1293#12[%gather3A_2032] in [0] : vector<16xf32>, vector<16xi32> -> vector<16xf32>
      %add3A_2034 = arith.addf %scan3A_1293#12, %gather3A_2033 : vector<16xf32>
      %xor3A_2035 = arith.constant 4 : i32
      %xor3A_2036 = vector.broadcast %xor3A_2035 : i32 to vector<16xi32>
      %xor3A_2037 = arith.xori %iota3A_1295, %xor3A_2036 : vector<16xi32>
      %lt3A_2038 = arith.constant 0 : i32
      %lt3A_2039 = vector.broadcast %lt3A_2038 : i32 to vector<16xi32>
      %lt3A_2040 = arith.cmpi slt, %xor3A_2037, %lt3A_2039 : vector<16xi32>
      %add3A_2041 = arith.constant 16 : i32
      %add3A_2042 = vector.broadcast %add3A_2041 : i32 to vector<16xi32>
      %add3A_2043 = arith.addi %xor3A_2037, %add3A_2042 : vector<16xi32>
      %select_n3A_2044 = arith.select %lt3A_2040, %add3A_2043, %xor3A_2037 : vector<16xi1>, vector<16xi32>
      %broadcast_in_dim3A_2045 = vector.shape_cast %select_n3A_2044 : vector<16xi32> to vector<16x1xi32>
      %gather3A_2046 = vector.shape_cast %broadcast_in_dim3A_2045 : vector<16x1xi32> to vector<16xi32>
      %gather3A_2047 = tpu.dynamic_gather %add3A_2034[%gather3A_2046] in [0] : vector<16xf32>, vector<16xi32> -> vector<16xf32>
      %add3A_2048 = arith.addf %add3A_2034, %gather3A_2047 : vector<16xf32>
      %xor3A_2049 = arith.constant 2 : i32
      %xor3A_2050 = vector.broadcast %xor3A_2049 : i32 to vector<16xi32>
      %xor3A_2051 = arith.xori %iota3A_1295, %xor3A_2050 : vector<16xi32>
      %lt3A_2052 = arith.constant 0 : i32
      %lt3A_2053 = vector.broadcast %lt3A_2052 : i32 to vector<16xi32>
      %lt3A_2054 = arith.cmpi slt, %xor3A_2051, %lt3A_2053 : vector<16xi32>
      %add3A_2055 = arith.constant 16 : i32
      %add3A_2056 = vector.broadcast %add3A_2055 : i32 to vector<16xi32>
      %add3A_2057 = arith.addi %xor3A_2051, %add3A_2056 : vector<16xi32>
      %select_n3A_2058 = arith.select %lt3A_2054, %add3A_2057, %xor3A_2051 : vector<16xi1>, vector<16xi32>
      %broadcast_in_dim3A_2059 = vector.shape_cast %select_n3A_2058 : vector<16xi32> to vector<16x1xi32>
      %gather3A_2060 = vector.shape_cast %broadcast_in_dim3A_2059 : vector<16x1xi32> to vector<16xi32>
      %gather3A_2061 = tpu.dynamic_gather %add3A_2048[%gather3A_2060] in [0] : vector<16xf32>, vector<16xi32> -> vector<16xf32>
      %add3A_2062 = arith.addf %add3A_2048, %gather3A_2061 : vector<16xf32>
      %xor3A_2063 = arith.constant 1 : i32
      %xor3A_2064 = vector.broadcast %xor3A_2063 : i32 to vector<16xi32>
      %xor3A_2065 = arith.xori %iota3A_1295, %xor3A_2064 : vector<16xi32>
      %lt3A_2066 = arith.constant 0 : i32
      %lt3A_2067 = vector.broadcast %lt3A_2066 : i32 to vector<16xi32>
      %lt3A_2068 = arith.cmpi slt, %xor3A_2065, %lt3A_2067 : vector<16xi32>
      %add3A_2069 = arith.constant 16 : i32
      %add3A_2070 = vector.broadcast %add3A_2069 : i32 to vector<16xi32>
      %add3A_2071 = arith.addi %xor3A_2065, %add3A_2070 : vector<16xi32>
      %select_n3A_2072 = arith.select %lt3A_2068, %add3A_2071, %xor3A_2065 : vector<16xi1>, vector<16xi32>
      %broadcast_in_dim3A_2073 = vector.shape_cast %select_n3A_2072 : vector<16xi32> to vector<16x1xi32>
      %gather3A_2074 = vector.shape_cast %broadcast_in_dim3A_2073 : vector<16x1xi32> to vector<16xi32>
      %gather3A_2075 = tpu.dynamic_gather %add3A_2062[%gather3A_2074] in [0] : vector<16xf32>, vector<16xi32> -> vector<16xf32>
      %add3A_2076 = arith.addf %add3A_2062, %gather3A_2075 : vector<16xf32>
      %select_n3A_2077 = arith.select %eq3A_2020, %add3A_2076, %select_n3A_2017 : vector<16xi1>, vector<16xf32>
      %eq3A_2078 = arith.constant 13 : i32
      %eq3A_2079 = vector.broadcast %eq3A_2078 : i32 to vector<16xi32>
      %eq3A_2080 = arith.cmpi eq, %iota3A_1295, %eq3A_2079 : vector<16xi32>
      %xor3A_2081 = arith.constant 8 : i32
      %xor3A_2082 = vector.broadcast %xor3A_2081 : i32 to vector<16xi32>
      %xor3A_2083 = arith.xori %iota3A_1295, %xor3A_2082 : vector<16xi32>
      %lt3A_2084 = arith.constant 0 : i32
      %lt3A_2085 = vector.broadcast %lt3A_2084 : i32 to vector<16xi32>
      %lt3A_2086 = arith.cmpi slt, %xor3A_2083, %lt3A_2085 : vector<16xi32>
      %add3A_2087 = arith.constant 16 : i32
      %add3A_2088 = vector.broadcast %add3A_2087 : i32 to vector<16xi32>
      %add3A_2089 = arith.addi %xor3A_2083, %add3A_2088 : vector<16xi32>
      %select_n3A_2090 = arith.select %lt3A_2086, %add3A_2089, %xor3A_2083 : vector<16xi1>, vector<16xi32>
      %broadcast_in_dim3A_2091 = vector.shape_cast %select_n3A_2090 : vector<16xi32> to vector<16x1xi32>
      %gather3A_2092 = vector.shape_cast %broadcast_in_dim3A_2091 : vector<16x1xi32> to vector<16xi32>
      %gather3A_2093 = tpu.dynamic_gather %scan3A_1293#13[%gather3A_2092] in [0] : vector<16xf32>, vector<16xi32> -> vector<16xf32>
      %add3A_2094 = arith.addf %scan3A_1293#13, %gather3A_2093 : vector<16xf32>
      %xor3A_2095 = arith.constant 4 : i32
      %xor3A_2096 = vector.broadcast %xor3A_2095 : i32 to vector<16xi32>
      %xor3A_2097 = arith.xori %iota3A_1295, %xor3A_2096 : vector<16xi32>
      %lt3A_2098 = arith.constant 0 : i32
      %lt3A_2099 = vector.broadcast %lt3A_2098 : i32 to vector<16xi32>
      %lt3A_2100 = arith.cmpi slt, %xor3A_2097, %lt3A_2099 : vector<16xi32>
      %add3A_2101 = arith.constant 16 : i32
      %add3A_2102 = vector.broadcast %add3A_2101 : i32 to vector<16xi32>
      %add3A_2103 = arith.addi %xor3A_2097, %add3A_2102 : vector<16xi32>
      %select_n3A_2104 = arith.select %lt3A_2100, %add3A_2103, %xor3A_2097 : vector<16xi1>, vector<16xi32>
      %broadcast_in_dim3A_2105 = vector.shape_cast %select_n3A_2104 : vector<16xi32> to vector<16x1xi32>
      %gather3A_2106 = vector.shape_cast %broadcast_in_dim3A_2105 : vector<16x1xi32> to vector<16xi32>
      %gather3A_2107 = tpu.dynamic_gather %add3A_2094[%gather3A_2106] in [0] : vector<16xf32>, vector<16xi32> -> vector<16xf32>
      %add3A_2108 = arith.addf %add3A_2094, %gather3A_2107 : vector<16xf32>
      %xor3A_2109 = arith.constant 2 : i32
      %xor3A_2110 = vector.broadcast %xor3A_2109 : i32 to vector<16xi32>
      %xor3A_2111 = arith.xori %iota3A_1295, %xor3A_2110 : vector<16xi32>
      %lt3A_2112 = arith.constant 0 : i32
      %lt3A_2113 = vector.broadcast %lt3A_2112 : i32 to vector<16xi32>
      %lt3A_2114 = arith.cmpi slt, %xor3A_2111, %lt3A_2113 : vector<16xi32>
      %add3A_2115 = arith.constant 16 : i32
      %add3A_2116 = vector.broadcast %add3A_2115 : i32 to vector<16xi32>
      %add3A_2117 = arith.addi %xor3A_2111, %add3A_2116 : vector<16xi32>
      %select_n3A_2118 = arith.select %lt3A_2114, %add3A_2117, %xor3A_2111 : vector<16xi1>, vector<16xi32>
      %broadcast_in_dim3A_2119 = vector.shape_cast %select_n3A_2118 : vector<16xi32> to vector<16x1xi32>
      %gather3A_2120 = vector.shape_cast %broadcast_in_dim3A_2119 : vector<16x1xi32> to vector<16xi32>
      %gather3A_2121 = tpu.dynamic_gather %add3A_2108[%gather3A_2120] in [0] : vector<16xf32>, vector<16xi32> -> vector<16xf32>
      %add3A_2122 = arith.addf %add3A_2108, %gather3A_2121 : vector<16xf32>
      %xor3A_2123 = arith.constant 1 : i32
      %xor3A_2124 = vector.broadcast %xor3A_2123 : i32 to vector<16xi32>
      %xor3A_2125 = arith.xori %iota3A_1295, %xor3A_2124 : vector<16xi32>
      %lt3A_2126 = arith.constant 0 : i32
      %lt3A_2127 = vector.broadcast %lt3A_2126 : i32 to vector<16xi32>
      %lt3A_2128 = arith.cmpi slt, %xor3A_2125, %lt3A_2127 : vector<16xi32>
      %add3A_2129 = arith.constant 16 : i32
      %add3A_2130 = vector.broadcast %add3A_2129 : i32 to vector<16xi32>
      %add3A_2131 = arith.addi %xor3A_2125, %add3A_2130 : vector<16xi32>
      %select_n3A_2132 = arith.select %lt3A_2128, %add3A_2131, %xor3A_2125 : vector<16xi1>, vector<16xi32>
      %broadcast_in_dim3A_2133 = vector.shape_cast %select_n3A_2132 : vector<16xi32> to vector<16x1xi32>
      %gather3A_2134 = vector.shape_cast %broadcast_in_dim3A_2133 : vector<16x1xi32> to vector<16xi32>
      %gather3A_2135 = tpu.dynamic_gather %add3A_2122[%gather3A_2134] in [0] : vector<16xf32>, vector<16xi32> -> vector<16xf32>
      %add3A_2136 = arith.addf %add3A_2122, %gather3A_2135 : vector<16xf32>
      %select_n3A_2137 = arith.select %eq3A_2080, %add3A_2136, %select_n3A_2077 : vector<16xi1>, vector<16xf32>
      %eq3A_2138 = arith.constant 14 : i32
      %eq3A_2139 = vector.broadcast %eq3A_2138 : i32 to vector<16xi32>
      %eq3A_2140 = arith.cmpi eq, %iota3A_1295, %eq3A_2139 : vector<16xi32>
      %xor3A_2141 = arith.constant 8 : i32
      %xor3A_2142 = vector.broadcast %xor3A_2141 : i32 to vector<16xi32>
      %xor3A_2143 = arith.xori %iota3A_1295, %xor3A_2142 : vector<16xi32>
      %lt3A_2144 = arith.constant 0 : i32
      %lt3A_2145 = vector.broadcast %lt3A_2144 : i32 to vector<16xi32>
      %lt3A_2146 = arith.cmpi slt, %xor3A_2143, %lt3A_2145 : vector<16xi32>
      %add3A_2147 = arith.constant 16 : i32
      %add3A_2148 = vector.broadcast %add3A_2147 : i32 to vector<16xi32>
      %add3A_2149 = arith.addi %xor3A_2143, %add3A_2148 : vector<16xi32>
      %select_n3A_2150 = arith.select %lt3A_2146, %add3A_2149, %xor3A_2143 : vector<16xi1>, vector<16xi32>
      %broadcast_in_dim3A_2151 = vector.shape_cast %select_n3A_2150 : vector<16xi32> to vector<16x1xi32>
      %gather3A_2152 = vector.shape_cast %broadcast_in_dim3A_2151 : vector<16x1xi32> to vector<16xi32>
      %gather3A_2153 = tpu.dynamic_gather %scan3A_1293#14[%gather3A_2152] in [0] : vector<16xf32>, vector<16xi32> -> vector<16xf32>
      %add3A_2154 = arith.addf %scan3A_1293#14, %gather3A_2153 : vector<16xf32>
      %xor3A_2155 = arith.constant 4 : i32
      %xor3A_2156 = vector.broadcast %xor3A_2155 : i32 to vector<16xi32>
      %xor3A_2157 = arith.xori %iota3A_1295, %xor3A_2156 : vector<16xi32>
      %lt3A_2158 = arith.constant 0 : i32
      %lt3A_2159 = vector.broadcast %lt3A_2158 : i32 to vector<16xi32>
      %lt3A_2160 = arith.cmpi slt, %xor3A_2157, %lt3A_2159 : vector<16xi32>
      %add3A_2161 = arith.constant 16 : i32
      %add3A_2162 = vector.broadcast %add3A_2161 : i32 to vector<16xi32>
      %add3A_2163 = arith.addi %xor3A_2157, %add3A_2162 : vector<16xi32>
      %select_n3A_2164 = arith.select %lt3A_2160, %add3A_2163, %xor3A_2157 : vector<16xi1>, vector<16xi32>
      %broadcast_in_dim3A_2165 = vector.shape_cast %select_n3A_2164 : vector<16xi32> to vector<16x1xi32>
      %gather3A_2166 = vector.shape_cast %broadcast_in_dim3A_2165 : vector<16x1xi32> to vector<16xi32>
      %gather3A_2167 = tpu.dynamic_gather %add3A_2154[%gather3A_2166] in [0] : vector<16xf32>, vector<16xi32> -> vector<16xf32>
      %add3A_2168 = arith.addf %add3A_2154, %gather3A_2167 : vector<16xf32>
      %xor3A_2169 = arith.constant 2 : i32
      %xor3A_2170 = vector.broadcast %xor3A_2169 : i32 to vector<16xi32>
      %xor3A_2171 = arith.xori %iota3A_1295, %xor3A_2170 : vector<16xi32>
      %lt3A_2172 = arith.constant 0 : i32
      %lt3A_2173 = vector.broadcast %lt3A_2172 : i32 to vector<16xi32>
      %lt3A_2174 = arith.cmpi slt, %xor3A_2171, %lt3A_2173 : vector<16xi32>
      %add3A_2175 = arith.constant 16 : i32
      %add3A_2176 = vector.broadcast %add3A_2175 : i32 to vector<16xi32>
      %add3A_2177 = arith.addi %xor3A_2171, %add3A_2176 : vector<16xi32>
      %select_n3A_2178 = arith.select %lt3A_2174, %add3A_2177, %xor3A_2171 : vector<16xi1>, vector<16xi32>
      %broadcast_in_dim3A_2179 = vector.shape_cast %select_n3A_2178 : vector<16xi32> to vector<16x1xi32>
      %gather3A_2180 = vector.shape_cast %broadcast_in_dim3A_2179 : vector<16x1xi32> to vector<16xi32>
      %gather3A_2181 = tpu.dynamic_gather %add3A_2168[%gather3A_2180] in [0] : vector<16xf32>, vector<16xi32> -> vector<16xf32>
      %add3A_2182 = arith.addf %add3A_2168, %gather3A_2181 : vector<16xf32>
      %xor3A_2183 = arith.constant 1 : i32
      %xor3A_2184 = vector.broadcast %xor3A_2183 : i32 to vector<16xi32>
      %xor3A_2185 = arith.xori %iota3A_1295, %xor3A_2184 : vector<16xi32>
      %lt3A_2186 = arith.constant 0 : i32
      %lt3A_2187 = vector.broadcast %lt3A_2186 : i32 to vector<16xi32>
      %lt3A_2188 = arith.cmpi slt, %xor3A_2185, %lt3A_2187 : vector<16xi32>
      %add3A_2189 = arith.constant 16 : i32
      %add3A_2190 = vector.broadcast %add3A_2189 : i32 to vector<16xi32>
      %add3A_2191 = arith.addi %xor3A_2185, %add3A_2190 : vector<16xi32>
      %select_n3A_2192 = arith.select %lt3A_2188, %add3A_2191, %xor3A_2185 : vector<16xi1>, vector<16xi32>
      %broadcast_in_dim3A_2193 = vector.shape_cast %select_n3A_2192 : vector<16xi32> to vector<16x1xi32>
      %gather3A_2194 = vector.shape_cast %broadcast_in_dim3A_2193 : vector<16x1xi32> to vector<16xi32>
      %gather3A_2195 = tpu.dynamic_gather %add3A_2182[%gather3A_2194] in [0] : vector<16xf32>, vector<16xi32> -> vector<16xf32>
      %add3A_2196 = arith.addf %add3A_2182, %gather3A_2195 : vector<16xf32>
      %select_n3A_2197 = arith.select %eq3A_2140, %add3A_2196, %select_n3A_2137 : vector<16xi1>, vector<16xf32>
      %eq3A_2198 = arith.constant 15 : i32
      %eq3A_2199 = vector.broadcast %eq3A_2198 : i32 to vector<16xi32>
      %eq3A_2200 = arith.cmpi eq, %iota3A_1295, %eq3A_2199 : vector<16xi32>
      %xor3A_2201 = arith.constant 8 : i32
      %xor3A_2202 = vector.broadcast %xor3A_2201 : i32 to vector<16xi32>
      %xor3A_2203 = arith.xori %iota3A_1295, %xor3A_2202 : vector<16xi32>
      %lt3A_2204 = arith.constant 0 : i32
      %lt3A_2205 = vector.broadcast %lt3A_2204 : i32 to vector<16xi32>
      %lt3A_2206 = arith.cmpi slt, %xor3A_2203, %lt3A_2205 : vector<16xi32>
      %add3A_2207 = arith.constant 16 : i32
      %add3A_2208 = vector.broadcast %add3A_2207 : i32 to vector<16xi32>
      %add3A_2209 = arith.addi %xor3A_2203, %add3A_2208 : vector<16xi32>
      %select_n3A_2210 = arith.select %lt3A_2206, %add3A_2209, %xor3A_2203 : vector<16xi1>, vector<16xi32>
      %broadcast_in_dim3A_2211 = vector.shape_cast %select_n3A_2210 : vector<16xi32> to vector<16x1xi32>
      %gather3A_2212 = vector.shape_cast %broadcast_in_dim3A_2211 : vector<16x1xi32> to vector<16xi32>
      %gather3A_2213 = tpu.dynamic_gather %scan3A_1293#15[%gather3A_2212] in [0] : vector<16xf32>, vector<16xi32> -> vector<16xf32>
      %add3A_2214 = arith.addf %scan3A_1293#15, %gather3A_2213 : vector<16xf32>
      %xor3A_2215 = arith.constant 4 : i32
      %xor3A_2216 = vector.broadcast %xor3A_2215 : i32 to vector<16xi32>
      %xor3A_2217 = arith.xori %iota3A_1295, %xor3A_2216 : vector<16xi32>
      %lt3A_2218 = arith.constant 0 : i32
      %lt3A_2219 = vector.broadcast %lt3A_2218 : i32 to vector<16xi32>
      %lt3A_2220 = arith.cmpi slt, %xor3A_2217, %lt3A_2219 : vector<16xi32>
      %add3A_2221 = arith.constant 16 : i32
      %add3A_2222 = vector.broadcast %add3A_2221 : i32 to vector<16xi32>
      %add3A_2223 = arith.addi %xor3A_2217, %add3A_2222 : vector<16xi32>
      %select_n3A_2224 = arith.select %lt3A_2220, %add3A_2223, %xor3A_2217 : vector<16xi1>, vector<16xi32>
      %broadcast_in_dim3A_2225 = vector.shape_cast %select_n3A_2224 : vector<16xi32> to vector<16x1xi32>
      %gather3A_2226 = vector.shape_cast %broadcast_in_dim3A_2225 : vector<16x1xi32> to vector<16xi32>
      %gather3A_2227 = tpu.dynamic_gather %add3A_2214[%gather3A_2226] in [0] : vector<16xf32>, vector<16xi32> -> vector<16xf32>
      %add3A_2228 = arith.addf %add3A_2214, %gather3A_2227 : vector<16xf32>
      %xor3A_2229 = arith.constant 2 : i32
      %xor3A_2230 = vector.broadcast %xor3A_2229 : i32 to vector<16xi32>
      %xor3A_2231 = arith.xori %iota3A_1295, %xor3A_2230 : vector<16xi32>
      %lt3A_2232 = arith.constant 0 : i32
      %lt3A_2233 = vector.broadcast %lt3A_2232 : i32 to vector<16xi32>
      %lt3A_2234 = arith.cmpi slt, %xor3A_2231, %lt3A_2233 : vector<16xi32>
      %add3A_2235 = arith.constant 16 : i32
      %add3A_2236 = vector.broadcast %add3A_2235 : i32 to vector<16xi32>
      %add3A_2237 = arith.addi %xor3A_2231, %add3A_2236 : vector<16xi32>
      %select_n3A_2238 = arith.select %lt3A_2234, %add3A_2237, %xor3A_2231 : vector<16xi1>, vector<16xi32>
      %broadcast_in_dim3A_2239 = vector.shape_cast %select_n3A_2238 : vector<16xi32> to vector<16x1xi32>
      %gather3A_2240 = vector.shape_cast %broadcast_in_dim3A_2239 : vector<16x1xi32> to vector<16xi32>
      %gather3A_2241 = tpu.dynamic_gather %add3A_2228[%gather3A_2240] in [0] : vector<16xf32>, vector<16xi32> -> vector<16xf32>
      %add3A_2242 = arith.addf %add3A_2228, %gather3A_2241 : vector<16xf32>
      %xor3A_2243 = arith.constant 1 : i32
      %xor3A_2244 = vector.broadcast %xor3A_2243 : i32 to vector<16xi32>
      %xor3A_2245 = arith.xori %iota3A_1295, %xor3A_2244 : vector<16xi32>
      %lt3A_2246 = arith.constant 0 : i32
      %lt3A_2247 = vector.broadcast %lt3A_2246 : i32 to vector<16xi32>
      %lt3A_2248 = arith.cmpi slt, %xor3A_2245, %lt3A_2247 : vector<16xi32>
      %add3A_2249 = arith.constant 16 : i32
      %add3A_2250 = vector.broadcast %add3A_2249 : i32 to vector<16xi32>
      %add3A_2251 = arith.addi %xor3A_2245, %add3A_2250 : vector<16xi32>
      %select_n3A_2252 = arith.select %lt3A_2248, %add3A_2251, %xor3A_2245 : vector<16xi1>, vector<16xi32>
      %broadcast_in_dim3A_2253 = vector.shape_cast %select_n3A_2252 : vector<16xi32> to vector<16x1xi32>
      %gather3A_2254 = vector.shape_cast %broadcast_in_dim3A_2253 : vector<16x1xi32> to vector<16xi32>
      %gather3A_2255 = tpu.dynamic_gather %add3A_2242[%gather3A_2254] in [0] : vector<16xf32>, vector<16xi32> -> vector<16xf32>
      %add3A_2256 = arith.addf %add3A_2242, %gather3A_2255 : vector<16xf32>
      %select_n3A_2257 = arith.select %eq3A_2200, %add3A_2256, %select_n3A_2197 : vector<16xi1>, vector<16xf32>
      %xor3A_2258 = arith.constant 8 : i32
      %xor3A_2259 = vector.broadcast %xor3A_2258 : i32 to vector<16xi32>
      %xor3A_2260 = arith.xori %iota3A_1295, %xor3A_2259 : vector<16xi32>
      %lt3A_2261 = arith.constant 0 : i32
      %lt3A_2262 = vector.broadcast %lt3A_2261 : i32 to vector<16xi32>
      %lt3A_2263 = arith.cmpi slt, %xor3A_2260, %lt3A_2262 : vector<16xi32>
      %add3A_2264 = arith.constant 16 : i32
      %add3A_2265 = vector.broadcast %add3A_2264 : i32 to vector<16xi32>
      %add3A_2266 = arith.addi %xor3A_2260, %add3A_2265 : vector<16xi32>
      %select_n3A_2267 = arith.select %lt3A_2263, %add3A_2266, %xor3A_2260 : vector<16xi1>, vector<16xi32>
      %broadcast_in_dim3A_2268 = vector.shape_cast %select_n3A_2267 : vector<16xi32> to vector<16x1xi32>
      %gather3A_2269 = vector.shape_cast %broadcast_in_dim3A_2268 : vector<16x1xi32> to vector<16xi32>
      %gather3A_2270 = tpu.dynamic_gather %scan3A_1293#16[%gather3A_2269] in [0] : vector<16xf32>, vector<16xi32> -> vector<16xf32>
      %add3A_2271 = arith.addf %scan3A_1293#16, %gather3A_2270 : vector<16xf32>
      %xor3A_2272 = arith.constant 4 : i32
      %xor3A_2273 = vector.broadcast %xor3A_2272 : i32 to vector<16xi32>
      %xor3A_2274 = arith.xori %iota3A_1295, %xor3A_2273 : vector<16xi32>
      %lt3A_2275 = arith.constant 0 : i32
      %lt3A_2276 = vector.broadcast %lt3A_2275 : i32 to vector<16xi32>
      %lt3A_2277 = arith.cmpi slt, %xor3A_2274, %lt3A_2276 : vector<16xi32>
      %add3A_2278 = arith.constant 16 : i32
      %add3A_2279 = vector.broadcast %add3A_2278 : i32 to vector<16xi32>
      %add3A_2280 = arith.addi %xor3A_2274, %add3A_2279 : vector<16xi32>
      %select_n3A_2281 = arith.select %lt3A_2277, %add3A_2280, %xor3A_2274 : vector<16xi1>, vector<16xi32>
      %broadcast_in_dim3A_2282 = vector.shape_cast %select_n3A_2281 : vector<16xi32> to vector<16x1xi32>
      %gather3A_2283 = vector.shape_cast %broadcast_in_dim3A_2282 : vector<16x1xi32> to vector<16xi32>
      %gather3A_2284 = tpu.dynamic_gather %add3A_2271[%gather3A_2283] in [0] : vector<16xf32>, vector<16xi32> -> vector<16xf32>
      %add3A_2285 = arith.addf %add3A_2271, %gather3A_2284 : vector<16xf32>
      %xor3A_2286 = arith.constant 2 : i32
      %xor3A_2287 = vector.broadcast %xor3A_2286 : i32 to vector<16xi32>
      %xor3A_2288 = arith.xori %iota3A_1295, %xor3A_2287 : vector<16xi32>
      %lt3A_2289 = arith.constant 0 : i32
      %lt3A_2290 = vector.broadcast %lt3A_2289 : i32 to vector<16xi32>
      %lt3A_2291 = arith.cmpi slt, %xor3A_2288, %lt3A_2290 : vector<16xi32>
      %add3A_2292 = arith.constant 16 : i32
      %add3A_2293 = vector.broadcast %add3A_2292 : i32 to vector<16xi32>
      %add3A_2294 = arith.addi %xor3A_2288, %add3A_2293 : vector<16xi32>
      %select_n3A_2295 = arith.select %lt3A_2291, %add3A_2294, %xor3A_2288 : vector<16xi1>, vector<16xi32>
      %broadcast_in_dim3A_2296 = vector.shape_cast %select_n3A_2295 : vector<16xi32> to vector<16x1xi32>
      %gather3A_2297 = vector.shape_cast %broadcast_in_dim3A_2296 : vector<16x1xi32> to vector<16xi32>
      %gather3A_2298 = tpu.dynamic_gather %add3A_2285[%gather3A_2297] in [0] : vector<16xf32>, vector<16xi32> -> vector<16xf32>
      %add3A_2299 = arith.addf %add3A_2285, %gather3A_2298 : vector<16xf32>
      %xor3A_2300 = arith.constant 1 : i32
      %xor3A_2301 = vector.broadcast %xor3A_2300 : i32 to vector<16xi32>
      %xor3A_2302 = arith.xori %iota3A_1295, %xor3A_2301 : vector<16xi32>
      %lt3A_2303 = arith.constant 0 : i32
      %lt3A_2304 = vector.broadcast %lt3A_2303 : i32 to vector<16xi32>
      %lt3A_2305 = arith.cmpi slt, %xor3A_2302, %lt3A_2304 : vector<16xi32>
      %add3A_2306 = arith.constant 16 : i32
      %add3A_2307 = vector.broadcast %add3A_2306 : i32 to vector<16xi32>
      %add3A_2308 = arith.addi %xor3A_2302, %add3A_2307 : vector<16xi32>
      %select_n3A_2309 = arith.select %lt3A_2305, %add3A_2308, %xor3A_2302 : vector<16xi1>, vector<16xi32>
      %broadcast_in_dim3A_2310 = vector.shape_cast %select_n3A_2309 : vector<16xi32> to vector<16x1xi32>
      %gather3A_2311 = vector.shape_cast %broadcast_in_dim3A_2310 : vector<16x1xi32> to vector<16xi32>
      %gather3A_2312 = tpu.dynamic_gather %add3A_2299[%gather3A_2311] in [0] : vector<16xf32>, vector<16xi32> -> vector<16xf32>
      %add3A_2313 = arith.addf %add3A_2299, %gather3A_2312 : vector<16xf32>
      %gt3A_2314 = arith.constant 0.000000e+00 : f32
      %gt3A_2315 = vector.broadcast %gt3A_2314 : f32 to vector<16xf32>
      %gt3A_2316 = arith.cmpf ogt, %add3A_2313, %gt3A_2315 : vector<16xf32>
      %max3A_2317 = arith.constant 1.000000e+00 : f32
      %max3A_2318 = vector.broadcast %max3A_2317 : f32 to vector<16xf32>
      %max3A_2319 = arith.maximumf %add3A_2313, %max3A_2318 : vector<16xf32>
      %div3A_2320 = arith.constant 1.000000e+00 : f32
      %div3A_2321 = vector.broadcast %div3A_2320 : f32 to vector<16xf32>
      %div3A_2322 = arith.divf %div3A_2321, %max3A_2319 : vector<16xf32>
      %jit3A_2323 = arith.constant 0.000000e+00 : f32
      %broadcast_in_dim3A_2324 = vector.broadcast %jit3A_2323 : f32 to vector<16xf32>
      %select_n3A_2325 = arith.select %gt3A_2316, %div3A_2322, %broadcast_in_dim3A_2324 : vector<16xi1>, vector<16xf32>
      %mul3A_2326 = arith.mulf %select_n3A_2257, %select_n3A_2325 : vector<16xf32>
      %swap3A_2327 = arith.index_cast %add3A_1218 : i32 to index
      %swap3A_2328 = arith.constant 0 : index
      %swap3A_2329 = tpu.vector_load %arg10[%swap3A_2327, %swap3A_2328] {strides = array<i32>} : memref<24x16xf32, #tpu.memory_space<vmem>>, vector<1x16xf32>,
      %swap3A_2330 = vector.shape_cast %swap3A_2329 : vector<1x16xf32> to vector<16xf32>
      %swap3A_2331 = vector.shape_cast %mul3A_2326 : vector<16xf32> to vector<1x16xf32>
      tpu.vector_store %arg10[%swap3A_2327, %swap3A_2328], %swap3A_2331 {strides = array<i32>} : memref<24x16xf32, #tpu.memory_space<vmem>>, vector<1x16xf32>,
    }
    %scan3A_62 = arith.constant 12 : i32
    "tpu.region"() ({
      %run_scoped3A = tpu.sem_alloc : memref<!tpu.dma_semaphore, #tpu.memory_space<semaphore_mem>>
      %dma_start3A_63 = arith.constant 0 : i32
      %dma_start3A_64 = arith.constant 0 : i32
      %dma_start3A_65 = tpu.memref_slice %arg6[%add3A, %dma_start3A_63, %dma_start3A_64] : memref<32x24x16xf32, #tpu.memory_space<hbm>> -> memref<1x24x16xf32, #tpu.memory_space<hbm>>
      %dma_start3A_66 = tpu.memref_squeeze %dma_start3A_65 : memref<1x24x16xf32, #tpu.memory_space<hbm>> -> memref<24x16xf32, #tpu.memory_space<hbm>>
      %dma_start3A_67 = arith.constant 0 : i32
      %dma_start3A_68 = arith.constant 0 : i32
      %dma_start3A_69 = tpu.memref_slice %arg6[%add3A, %dma_start3A_67, %dma_start3A_68] : memref<32x24x16xf32, #tpu.memory_space<hbm>> -> memref<1x24x16xf32, #tpu.memory_space<hbm>>
      %dma_start3A_70 = tpu.memref_squeeze %dma_start3A_69 : memref<1x24x16xf32, #tpu.memory_space<hbm>> -> memref<24x16xf32, #tpu.memory_space<hbm>>
      tpu.enqueue_dma source(%arg10 : memref<24x16xf32, #tpu.memory_space<vmem>>) target(%dma_start3A_70 : memref<24x16xf32, #tpu.memory_space<hbm>>) target_semaphore(%run_scoped3A : memref<!tpu.dma_semaphore, #tpu.memory_space<semaphore_mem>>)
      %dma_wait3A = arith.constant 0 : i32
      %dma_wait3A_71 = arith.constant 0 : i32
      %dma_wait3A_72 = tpu.memref_slice %arg6[%add3A, %dma_wait3A, %dma_wait3A_71] : memref<32x24x16xf32, #tpu.memory_space<hbm>> -> memref<1x24x16xf32, #tpu.memory_space<hbm>>
      %dma_wait3A_73 = tpu.memref_squeeze %dma_wait3A_72 : memref<1x24x16xf32, #tpu.memory_space<hbm>> -> memref<24x16xf32, #tpu.memory_space<hbm>>
      %dma_wait3A_74 = arith.constant 0 : i32
      %dma_wait3A_75 = arith.constant 0 : i32
      %dma_wait3A_76 = tpu.memref_slice %arg6[%add3A, %dma_wait3A_74, %dma_wait3A_75] : memref<32x24x16xf32, #tpu.memory_space<hbm>> -> memref<1x24x16xf32, #tpu.memory_space<hbm>>
      %dma_wait3A_77 = tpu.memref_squeeze %dma_wait3A_76 : memref<1x24x16xf32, #tpu.memory_space<hbm>> -> memref<24x16xf32, #tpu.memory_space<hbm>>
      tpu.wait_dma2 semaphore(%run_scoped3A : memref<!tpu.dma_semaphore, #tpu.memory_space<semaphore_mem>>) src(%arg10 : memref<24x16xf32, #tpu.memory_space<vmem>>) dst(%dma_wait3A_77 : memref<24x16xf32, #tpu.memory_space<hbm>>)
      tpu.yield
    }) : () -> ()
    return
  }
}

module attributes {stable_mosaic.version = 14 : i64} {
  func.func @_tc_body(%arg0: i32, %arg1: memref<256x4096xf32, #tpu.memory_space<vmem>>, %arg2: memref<256x2xf32, #tpu.memory_space<vmem>>, %arg3: memref<2x4096xf32, #tpu.memory_space<vmem>>, %arg4: memref<16x2xf32, #tpu.memory_space<vmem>>, %arg5: memref<2x16xf32, #tpu.memory_space<vmem>>, %arg6: memref<1x16xf32, #tpu.memory_space<vmem>>, %arg7: memref<256x16xf32, #tpu.memory_space<vmem>>) attributes {dimension_semantics = [#tpu.dimension_semantics<parallel>], iteration_bounds = array<i64: 13>, scalar_prefetch = 0 : i64, scratch_operands = 0 : i64, tpu.core_type = #tpu.core_type<tc>, window_params = [{transform_indices = @transform_0, window_bounds = array<i64: 256, 4096>}, {transform_indices = @transform_1, window_bounds = array<i64: 256, 2>}, {pipeline_mode = #tpu.pipeline_mode<synchronous>, transform_indices = @transform_2, window_bounds = array<i64: 2, 4096>}, {pipeline_mode = #tpu.pipeline_mode<synchronous>, transform_indices = @transform_3, window_bounds = array<i64: 16, 2>}, {pipeline_mode = #tpu.pipeline_mode<synchronous>, transform_indices = @transform_4, window_bounds = array<i64: 2, 16>}, {pipeline_mode = #tpu.pipeline_mode<synchronous>, transform_indices = @transform_5, window_bounds = array<i64: 1, 16>}, {transform_indices = @transform_6, window_bounds = array<i64: 256, 16>}]} {
    %get3A = arith.constant 0 : index
    %get3A_0 = arith.constant 0 : index
    %get3A_1 = vector.load %arg1[%get3A, %get3A_0] : memref<256x4096xf32, #tpu.memory_space<vmem>>, vector<256x4096xf32>
    %gt3A = arith.constant 0.000000e+00 : f32
    %gt3A_2 = vector.broadcast %gt3A : f32 to vector<256x4096xf32>
    %gt3A_3 = arith.cmpf ogt, %get3A_1, %gt3A_2 : vector<256x4096xf32>
    %convert_element_type3A = arith.extui %gt3A_3 : vector<256x4096xi1> to vector<256x4096xi32>
    %convert_element_type3A_4 = arith.sitofp %convert_element_type3A : vector<256x4096xi32> to vector<256x4096xf32>
    %reduce_sum3A = arith.constant dense<0.000000e+00> : vector<256xf32>
    %reduce_sum3A_5 = vector.multi_reduction <add>, %convert_element_type3A_4, %reduce_sum3A [1] : vector<256x4096xf32> to vector<256xf32>
    %broadcast_in_dim3A = vector.shape_cast %reduce_sum3A_5 : vector<256xf32> to vector<256x1xf32>
    %get3A_6 = arith.constant 0 : index
    %get3A_7 = arith.constant 0 : index
    %get3A_8 = vector.load %arg4[%get3A_6, %get3A_7] : memref<16x2xf32, #tpu.memory_space<vmem>>, vector<16x2xf32>
    %get3A_9 = arith.constant 0 : index
    %get3A_10 = arith.constant 0 : index
    %get3A_11 = vector.load %arg3[%get3A_9, %get3A_10] : memref<2x4096xf32, #tpu.memory_space<vmem>>, vector<2x4096xf32>
    %dot_general3A = arith.constant dense<0.000000e+00> : vector<16x4096xf32>
    %dot_general3A_12 = tpu.matmul %get3A_8, %get3A_11, %dot_general3A {dimension_numbers = #tpu.dot_dimension_numbers<[1], [0], [0], [1], [0, 0, 1, 1], [], []>, transpose_lhs_hint = false} : vector<16x2xf32>, vector<2x4096xf32>, vector<16x4096xf32> -> vector<16x4096xf32>
    %get3A_13 = arith.constant 0 : index
    %get3A_14 = arith.constant 0 : index
    %get3A_15 = vector.load %arg2[%get3A_13, %get3A_14] : memref<256x2xf32, #tpu.memory_space<vmem>>, vector<256x2xf32>
    %get3A_16 = arith.constant 0 : index
    %get3A_17 = arith.constant 0 : index
    %get3A_18 = vector.load %arg5[%get3A_16, %get3A_17] : memref<2x16xf32, #tpu.memory_space<vmem>>, vector<2x16xf32>
    %dot_general3A_19 = arith.constant dense<0.000000e+00> : vector<256x16xf32>
    %dot_general3A_20 = tpu.matmul %get3A_15, %get3A_18, %dot_general3A_19 {dimension_numbers = #tpu.dot_dimension_numbers<[1], [0], [0], [1], [0, 0, 1, 1], [], []>, transpose_lhs_hint = false} : vector<256x2xf32>, vector<2x16xf32>, vector<256x16xf32> -> vector<256x16xf32>
    %get3A_21 = arith.constant 0 : index
    %get3A_22 = arith.constant 0 : index
    %get3A_23 = vector.load %arg6[%get3A_21, %get3A_22] : memref<1x16xf32, #tpu.memory_space<vmem>>, vector<1x16xf32>
    %sub3A = vector.broadcast %get3A_23 : vector<1x16xf32> to vector<256x16xf32>
    %sub3A_24 = arith.subf %dot_general3A_20, %sub3A : vector<256x16xf32>
    %slice3A = vector.extract_strided_slice %dot_general3A_12 {offsets = [0, 0], sizes = [1, 4096], strides = [1, 1]} : vector<16x4096xf32> to vector<1x4096xf32>
    %squeeze3A = vector.shape_cast %slice3A : vector<1x4096xf32> to vector<4096xf32>
    %broadcast_in_dim3A_25 = vector.shape_cast %squeeze3A : vector<4096xf32> to vector<1x4096xf32>
    %slice3A_26 = vector.extract_strided_slice %sub3A_24 {offsets = [0, 0], sizes = [256, 1], strides = [1, 1]} : vector<256x16xf32> to vector<256x1xf32>
    %squeeze3A_27 = vector.shape_cast %slice3A_26 : vector<256x1xf32> to vector<256xf32>
    %broadcast_in_dim3A_28 = vector.shape_cast %squeeze3A_27 : vector<256xf32> to vector<256x1xf32>
    %sub3A_29 = vector.broadcast %broadcast_in_dim3A_25 : vector<1x4096xf32> to vector<256x4096xf32>
    %sub3A_30 = vector.broadcast %broadcast_in_dim3A_28 : vector<256x1xf32> to vector<256x4096xf32>
    %sub3A_31 = arith.subf %sub3A_29, %sub3A_30 : vector<256x4096xf32>
    %max3A = arith.constant 0.000000e+00 : f32
    %max3A_32 = vector.broadcast %max3A : f32 to vector<256x4096xf32>
    %max3A_33 = arith.maximumf %sub3A_31, %max3A_32 : vector<256x4096xf32>
    %mul3A = arith.mulf %max3A_33, %convert_element_type3A_4 : vector<256x4096xf32>
    %reduce_sum3A_34 = arith.constant dense<0.000000e+00> : vector<256xf32>
    %reduce_sum3A_35 = vector.multi_reduction <add>, %mul3A, %reduce_sum3A_34 [1] : vector<256x4096xf32> to vector<256xf32>
    %broadcast_in_dim3A_36 = vector.shape_cast %reduce_sum3A_35 : vector<256xf32> to vector<256x1xf32>
    %slice3A_37 = vector.extract_strided_slice %dot_general3A_12 {offsets = [1, 0], sizes = [1, 4096], strides = [1, 1]} : vector<16x4096xf32> to vector<1x4096xf32>
    %squeeze3A_38 = vector.shape_cast %slice3A_37 : vector<1x4096xf32> to vector<4096xf32>
    %broadcast_in_dim3A_39 = vector.shape_cast %squeeze3A_38 : vector<4096xf32> to vector<1x4096xf32>
    %slice3A_40 = vector.extract_strided_slice %sub3A_24 {offsets = [0, 1], sizes = [256, 1], strides = [1, 1]} : vector<256x16xf32> to vector<256x1xf32>
    %squeeze3A_41 = vector.shape_cast %slice3A_40 : vector<256x1xf32> to vector<256xf32>
    %broadcast_in_dim3A_42 = vector.shape_cast %squeeze3A_41 : vector<256xf32> to vector<256x1xf32>
    %sub3A_43 = vector.broadcast %broadcast_in_dim3A_39 : vector<1x4096xf32> to vector<256x4096xf32>
    %sub3A_44 = vector.broadcast %broadcast_in_dim3A_42 : vector<256x1xf32> to vector<256x4096xf32>
    %sub3A_45 = arith.subf %sub3A_43, %sub3A_44 : vector<256x4096xf32>
    %max3A_46 = arith.constant 0.000000e+00 : f32
    %max3A_47 = vector.broadcast %max3A_46 : f32 to vector<256x4096xf32>
    %max3A_48 = arith.maximumf %sub3A_45, %max3A_47 : vector<256x4096xf32>
    %mul3A_49 = arith.mulf %max3A_48, %convert_element_type3A_4 : vector<256x4096xf32>
    %reduce_sum3A_50 = arith.constant dense<0.000000e+00> : vector<256xf32>
    %reduce_sum3A_51 = vector.multi_reduction <add>, %mul3A_49, %reduce_sum3A_50 [1] : vector<256x4096xf32> to vector<256xf32>
    %broadcast_in_dim3A_52 = vector.shape_cast %reduce_sum3A_51 : vector<256xf32> to vector<256x1xf32>
    %slice3A_53 = vector.extract_strided_slice %dot_general3A_12 {offsets = [2, 0], sizes = [1, 4096], strides = [1, 1]} : vector<16x4096xf32> to vector<1x4096xf32>
    %squeeze3A_54 = vector.shape_cast %slice3A_53 : vector<1x4096xf32> to vector<4096xf32>
    %broadcast_in_dim3A_55 = vector.shape_cast %squeeze3A_54 : vector<4096xf32> to vector<1x4096xf32>
    %slice3A_56 = vector.extract_strided_slice %sub3A_24 {offsets = [0, 2], sizes = [256, 1], strides = [1, 1]} : vector<256x16xf32> to vector<256x1xf32>
    %squeeze3A_57 = vector.shape_cast %slice3A_56 : vector<256x1xf32> to vector<256xf32>
    %broadcast_in_dim3A_58 = vector.shape_cast %squeeze3A_57 : vector<256xf32> to vector<256x1xf32>
    %sub3A_59 = vector.broadcast %broadcast_in_dim3A_55 : vector<1x4096xf32> to vector<256x4096xf32>
    %sub3A_60 = vector.broadcast %broadcast_in_dim3A_58 : vector<256x1xf32> to vector<256x4096xf32>
    %sub3A_61 = arith.subf %sub3A_59, %sub3A_60 : vector<256x4096xf32>
    %max3A_62 = arith.constant 0.000000e+00 : f32
    %max3A_63 = vector.broadcast %max3A_62 : f32 to vector<256x4096xf32>
    %max3A_64 = arith.maximumf %sub3A_61, %max3A_63 : vector<256x4096xf32>
    %mul3A_65 = arith.mulf %max3A_64, %convert_element_type3A_4 : vector<256x4096xf32>
    %reduce_sum3A_66 = arith.constant dense<0.000000e+00> : vector<256xf32>
    %reduce_sum3A_67 = vector.multi_reduction <add>, %mul3A_65, %reduce_sum3A_66 [1] : vector<256x4096xf32> to vector<256xf32>
    %broadcast_in_dim3A_68 = vector.shape_cast %reduce_sum3A_67 : vector<256xf32> to vector<256x1xf32>
    %slice3A_69 = vector.extract_strided_slice %dot_general3A_12 {offsets = [3, 0], sizes = [1, 4096], strides = [1, 1]} : vector<16x4096xf32> to vector<1x4096xf32>
    %squeeze3A_70 = vector.shape_cast %slice3A_69 : vector<1x4096xf32> to vector<4096xf32>
    %broadcast_in_dim3A_71 = vector.shape_cast %squeeze3A_70 : vector<4096xf32> to vector<1x4096xf32>
    %slice3A_72 = vector.extract_strided_slice %sub3A_24 {offsets = [0, 3], sizes = [256, 1], strides = [1, 1]} : vector<256x16xf32> to vector<256x1xf32>
    %squeeze3A_73 = vector.shape_cast %slice3A_72 : vector<256x1xf32> to vector<256xf32>
    %broadcast_in_dim3A_74 = vector.shape_cast %squeeze3A_73 : vector<256xf32> to vector<256x1xf32>
    %sub3A_75 = vector.broadcast %broadcast_in_dim3A_71 : vector<1x4096xf32> to vector<256x4096xf32>
    %sub3A_76 = vector.broadcast %broadcast_in_dim3A_74 : vector<256x1xf32> to vector<256x4096xf32>
    %sub3A_77 = arith.subf %sub3A_75, %sub3A_76 : vector<256x4096xf32>
    %max3A_78 = arith.constant 0.000000e+00 : f32
    %max3A_79 = vector.broadcast %max3A_78 : f32 to vector<256x4096xf32>
    %max3A_80 = arith.maximumf %sub3A_77, %max3A_79 : vector<256x4096xf32>
    %mul3A_81 = arith.mulf %max3A_80, %convert_element_type3A_4 : vector<256x4096xf32>
    %reduce_sum3A_82 = arith.constant dense<0.000000e+00> : vector<256xf32>
    %reduce_sum3A_83 = vector.multi_reduction <add>, %mul3A_81, %reduce_sum3A_82 [1] : vector<256x4096xf32> to vector<256xf32>
    %broadcast_in_dim3A_84 = vector.shape_cast %reduce_sum3A_83 : vector<256xf32> to vector<256x1xf32>
    %slice3A_85 = vector.extract_strided_slice %dot_general3A_12 {offsets = [4, 0], sizes = [1, 4096], strides = [1, 1]} : vector<16x4096xf32> to vector<1x4096xf32>
    %squeeze3A_86 = vector.shape_cast %slice3A_85 : vector<1x4096xf32> to vector<4096xf32>
    %broadcast_in_dim3A_87 = vector.shape_cast %squeeze3A_86 : vector<4096xf32> to vector<1x4096xf32>
    %slice3A_88 = vector.extract_strided_slice %sub3A_24 {offsets = [0, 4], sizes = [256, 1], strides = [1, 1]} : vector<256x16xf32> to vector<256x1xf32>
    %squeeze3A_89 = vector.shape_cast %slice3A_88 : vector<256x1xf32> to vector<256xf32>
    %broadcast_in_dim3A_90 = vector.shape_cast %squeeze3A_89 : vector<256xf32> to vector<256x1xf32>
    %sub3A_91 = vector.broadcast %broadcast_in_dim3A_87 : vector<1x4096xf32> to vector<256x4096xf32>
    %sub3A_92 = vector.broadcast %broadcast_in_dim3A_90 : vector<256x1xf32> to vector<256x4096xf32>
    %sub3A_93 = arith.subf %sub3A_91, %sub3A_92 : vector<256x4096xf32>
    %max3A_94 = arith.constant 0.000000e+00 : f32
    %max3A_95 = vector.broadcast %max3A_94 : f32 to vector<256x4096xf32>
    %max3A_96 = arith.maximumf %sub3A_93, %max3A_95 : vector<256x4096xf32>
    %mul3A_97 = arith.mulf %max3A_96, %convert_element_type3A_4 : vector<256x4096xf32>
    %reduce_sum3A_98 = arith.constant dense<0.000000e+00> : vector<256xf32>
    %reduce_sum3A_99 = vector.multi_reduction <add>, %mul3A_97, %reduce_sum3A_98 [1] : vector<256x4096xf32> to vector<256xf32>
    %broadcast_in_dim3A_100 = vector.shape_cast %reduce_sum3A_99 : vector<256xf32> to vector<256x1xf32>
    %slice3A_101 = vector.extract_strided_slice %dot_general3A_12 {offsets = [5, 0], sizes = [1, 4096], strides = [1, 1]} : vector<16x4096xf32> to vector<1x4096xf32>
    %squeeze3A_102 = vector.shape_cast %slice3A_101 : vector<1x4096xf32> to vector<4096xf32>
    %broadcast_in_dim3A_103 = vector.shape_cast %squeeze3A_102 : vector<4096xf32> to vector<1x4096xf32>
    %slice3A_104 = vector.extract_strided_slice %sub3A_24 {offsets = [0, 5], sizes = [256, 1], strides = [1, 1]} : vector<256x16xf32> to vector<256x1xf32>
    %squeeze3A_105 = vector.shape_cast %slice3A_104 : vector<256x1xf32> to vector<256xf32>
    %broadcast_in_dim3A_106 = vector.shape_cast %squeeze3A_105 : vector<256xf32> to vector<256x1xf32>
    %sub3A_107 = vector.broadcast %broadcast_in_dim3A_103 : vector<1x4096xf32> to vector<256x4096xf32>
    %sub3A_108 = vector.broadcast %broadcast_in_dim3A_106 : vector<256x1xf32> to vector<256x4096xf32>
    %sub3A_109 = arith.subf %sub3A_107, %sub3A_108 : vector<256x4096xf32>
    %max3A_110 = arith.constant 0.000000e+00 : f32
    %max3A_111 = vector.broadcast %max3A_110 : f32 to vector<256x4096xf32>
    %max3A_112 = arith.maximumf %sub3A_109, %max3A_111 : vector<256x4096xf32>
    %mul3A_113 = arith.mulf %max3A_112, %convert_element_type3A_4 : vector<256x4096xf32>
    %reduce_sum3A_114 = arith.constant dense<0.000000e+00> : vector<256xf32>
    %reduce_sum3A_115 = vector.multi_reduction <add>, %mul3A_113, %reduce_sum3A_114 [1] : vector<256x4096xf32> to vector<256xf32>
    %broadcast_in_dim3A_116 = vector.shape_cast %reduce_sum3A_115 : vector<256xf32> to vector<256x1xf32>
    %slice3A_117 = vector.extract_strided_slice %dot_general3A_12 {offsets = [6, 0], sizes = [1, 4096], strides = [1, 1]} : vector<16x4096xf32> to vector<1x4096xf32>
    %squeeze3A_118 = vector.shape_cast %slice3A_117 : vector<1x4096xf32> to vector<4096xf32>
    %broadcast_in_dim3A_119 = vector.shape_cast %squeeze3A_118 : vector<4096xf32> to vector<1x4096xf32>
    %slice3A_120 = vector.extract_strided_slice %sub3A_24 {offsets = [0, 6], sizes = [256, 1], strides = [1, 1]} : vector<256x16xf32> to vector<256x1xf32>
    %squeeze3A_121 = vector.shape_cast %slice3A_120 : vector<256x1xf32> to vector<256xf32>
    %broadcast_in_dim3A_122 = vector.shape_cast %squeeze3A_121 : vector<256xf32> to vector<256x1xf32>
    %sub3A_123 = vector.broadcast %broadcast_in_dim3A_119 : vector<1x4096xf32> to vector<256x4096xf32>
    %sub3A_124 = vector.broadcast %broadcast_in_dim3A_122 : vector<256x1xf32> to vector<256x4096xf32>
    %sub3A_125 = arith.subf %sub3A_123, %sub3A_124 : vector<256x4096xf32>
    %max3A_126 = arith.constant 0.000000e+00 : f32
    %max3A_127 = vector.broadcast %max3A_126 : f32 to vector<256x4096xf32>
    %max3A_128 = arith.maximumf %sub3A_125, %max3A_127 : vector<256x4096xf32>
    %mul3A_129 = arith.mulf %max3A_128, %convert_element_type3A_4 : vector<256x4096xf32>
    %reduce_sum3A_130 = arith.constant dense<0.000000e+00> : vector<256xf32>
    %reduce_sum3A_131 = vector.multi_reduction <add>, %mul3A_129, %reduce_sum3A_130 [1] : vector<256x4096xf32> to vector<256xf32>
    %broadcast_in_dim3A_132 = vector.shape_cast %reduce_sum3A_131 : vector<256xf32> to vector<256x1xf32>
    %slice3A_133 = vector.extract_strided_slice %dot_general3A_12 {offsets = [7, 0], sizes = [1, 4096], strides = [1, 1]} : vector<16x4096xf32> to vector<1x4096xf32>
    %squeeze3A_134 = vector.shape_cast %slice3A_133 : vector<1x4096xf32> to vector<4096xf32>
    %broadcast_in_dim3A_135 = vector.shape_cast %squeeze3A_134 : vector<4096xf32> to vector<1x4096xf32>
    %slice3A_136 = vector.extract_strided_slice %sub3A_24 {offsets = [0, 7], sizes = [256, 1], strides = [1, 1]} : vector<256x16xf32> to vector<256x1xf32>
    %squeeze3A_137 = vector.shape_cast %slice3A_136 : vector<256x1xf32> to vector<256xf32>
    %broadcast_in_dim3A_138 = vector.shape_cast %squeeze3A_137 : vector<256xf32> to vector<256x1xf32>
    %sub3A_139 = vector.broadcast %broadcast_in_dim3A_135 : vector<1x4096xf32> to vector<256x4096xf32>
    %sub3A_140 = vector.broadcast %broadcast_in_dim3A_138 : vector<256x1xf32> to vector<256x4096xf32>
    %sub3A_141 = arith.subf %sub3A_139, %sub3A_140 : vector<256x4096xf32>
    %max3A_142 = arith.constant 0.000000e+00 : f32
    %max3A_143 = vector.broadcast %max3A_142 : f32 to vector<256x4096xf32>
    %max3A_144 = arith.maximumf %sub3A_141, %max3A_143 : vector<256x4096xf32>
    %mul3A_145 = arith.mulf %max3A_144, %convert_element_type3A_4 : vector<256x4096xf32>
    %reduce_sum3A_146 = arith.constant dense<0.000000e+00> : vector<256xf32>
    %reduce_sum3A_147 = vector.multi_reduction <add>, %mul3A_145, %reduce_sum3A_146 [1] : vector<256x4096xf32> to vector<256xf32>
    %broadcast_in_dim3A_148 = vector.shape_cast %reduce_sum3A_147 : vector<256xf32> to vector<256x1xf32>
    %slice3A_149 = vector.extract_strided_slice %dot_general3A_12 {offsets = [8, 0], sizes = [1, 4096], strides = [1, 1]} : vector<16x4096xf32> to vector<1x4096xf32>
    %squeeze3A_150 = vector.shape_cast %slice3A_149 : vector<1x4096xf32> to vector<4096xf32>
    %broadcast_in_dim3A_151 = vector.shape_cast %squeeze3A_150 : vector<4096xf32> to vector<1x4096xf32>
    %slice3A_152 = vector.extract_strided_slice %sub3A_24 {offsets = [0, 8], sizes = [256, 1], strides = [1, 1]} : vector<256x16xf32> to vector<256x1xf32>
    %squeeze3A_153 = vector.shape_cast %slice3A_152 : vector<256x1xf32> to vector<256xf32>
    %broadcast_in_dim3A_154 = vector.shape_cast %squeeze3A_153 : vector<256xf32> to vector<256x1xf32>
    %sub3A_155 = vector.broadcast %broadcast_in_dim3A_151 : vector<1x4096xf32> to vector<256x4096xf32>
    %sub3A_156 = vector.broadcast %broadcast_in_dim3A_154 : vector<256x1xf32> to vector<256x4096xf32>
    %sub3A_157 = arith.subf %sub3A_155, %sub3A_156 : vector<256x4096xf32>
    %max3A_158 = arith.constant 0.000000e+00 : f32
    %max3A_159 = vector.broadcast %max3A_158 : f32 to vector<256x4096xf32>
    %max3A_160 = arith.maximumf %sub3A_157, %max3A_159 : vector<256x4096xf32>
    %mul3A_161 = arith.mulf %max3A_160, %convert_element_type3A_4 : vector<256x4096xf32>
    %reduce_sum3A_162 = arith.constant dense<0.000000e+00> : vector<256xf32>
    %reduce_sum3A_163 = vector.multi_reduction <add>, %mul3A_161, %reduce_sum3A_162 [1] : vector<256x4096xf32> to vector<256xf32>
    %broadcast_in_dim3A_164 = vector.shape_cast %reduce_sum3A_163 : vector<256xf32> to vector<256x1xf32>
    %slice3A_165 = vector.extract_strided_slice %dot_general3A_12 {offsets = [9, 0], sizes = [1, 4096], strides = [1, 1]} : vector<16x4096xf32> to vector<1x4096xf32>
    %squeeze3A_166 = vector.shape_cast %slice3A_165 : vector<1x4096xf32> to vector<4096xf32>
    %broadcast_in_dim3A_167 = vector.shape_cast %squeeze3A_166 : vector<4096xf32> to vector<1x4096xf32>
    %slice3A_168 = vector.extract_strided_slice %sub3A_24 {offsets = [0, 9], sizes = [256, 1], strides = [1, 1]} : vector<256x16xf32> to vector<256x1xf32>
    %squeeze3A_169 = vector.shape_cast %slice3A_168 : vector<256x1xf32> to vector<256xf32>
    %broadcast_in_dim3A_170 = vector.shape_cast %squeeze3A_169 : vector<256xf32> to vector<256x1xf32>
    %sub3A_171 = vector.broadcast %broadcast_in_dim3A_167 : vector<1x4096xf32> to vector<256x4096xf32>
    %sub3A_172 = vector.broadcast %broadcast_in_dim3A_170 : vector<256x1xf32> to vector<256x4096xf32>
    %sub3A_173 = arith.subf %sub3A_171, %sub3A_172 : vector<256x4096xf32>
    %max3A_174 = arith.constant 0.000000e+00 : f32
    %max3A_175 = vector.broadcast %max3A_174 : f32 to vector<256x4096xf32>
    %max3A_176 = arith.maximumf %sub3A_173, %max3A_175 : vector<256x4096xf32>
    %mul3A_177 = arith.mulf %max3A_176, %convert_element_type3A_4 : vector<256x4096xf32>
    %reduce_sum3A_178 = arith.constant dense<0.000000e+00> : vector<256xf32>
    %reduce_sum3A_179 = vector.multi_reduction <add>, %mul3A_177, %reduce_sum3A_178 [1] : vector<256x4096xf32> to vector<256xf32>
    %broadcast_in_dim3A_180 = vector.shape_cast %reduce_sum3A_179 : vector<256xf32> to vector<256x1xf32>
    %slice3A_181 = vector.extract_strided_slice %dot_general3A_12 {offsets = [10, 0], sizes = [1, 4096], strides = [1, 1]} : vector<16x4096xf32> to vector<1x4096xf32>
    %squeeze3A_182 = vector.shape_cast %slice3A_181 : vector<1x4096xf32> to vector<4096xf32>
    %broadcast_in_dim3A_183 = vector.shape_cast %squeeze3A_182 : vector<4096xf32> to vector<1x4096xf32>
    %slice3A_184 = vector.extract_strided_slice %sub3A_24 {offsets = [0, 10], sizes = [256, 1], strides = [1, 1]} : vector<256x16xf32> to vector<256x1xf32>
    %squeeze3A_185 = vector.shape_cast %slice3A_184 : vector<256x1xf32> to vector<256xf32>
    %broadcast_in_dim3A_186 = vector.shape_cast %squeeze3A_185 : vector<256xf32> to vector<256x1xf32>
    %sub3A_187 = vector.broadcast %broadcast_in_dim3A_183 : vector<1x4096xf32> to vector<256x4096xf32>
    %sub3A_188 = vector.broadcast %broadcast_in_dim3A_186 : vector<256x1xf32> to vector<256x4096xf32>
    %sub3A_189 = arith.subf %sub3A_187, %sub3A_188 : vector<256x4096xf32>
    %max3A_190 = arith.constant 0.000000e+00 : f32
    %max3A_191 = vector.broadcast %max3A_190 : f32 to vector<256x4096xf32>
    %max3A_192 = arith.maximumf %sub3A_189, %max3A_191 : vector<256x4096xf32>
    %mul3A_193 = arith.mulf %max3A_192, %convert_element_type3A_4 : vector<256x4096xf32>
    %reduce_sum3A_194 = arith.constant dense<0.000000e+00> : vector<256xf32>
    %reduce_sum3A_195 = vector.multi_reduction <add>, %mul3A_193, %reduce_sum3A_194 [1] : vector<256x4096xf32> to vector<256xf32>
    %broadcast_in_dim3A_196 = vector.shape_cast %reduce_sum3A_195 : vector<256xf32> to vector<256x1xf32>
    %slice3A_197 = vector.extract_strided_slice %dot_general3A_12 {offsets = [11, 0], sizes = [1, 4096], strides = [1, 1]} : vector<16x4096xf32> to vector<1x4096xf32>
    %squeeze3A_198 = vector.shape_cast %slice3A_197 : vector<1x4096xf32> to vector<4096xf32>
    %broadcast_in_dim3A_199 = vector.shape_cast %squeeze3A_198 : vector<4096xf32> to vector<1x4096xf32>
    %slice3A_200 = vector.extract_strided_slice %sub3A_24 {offsets = [0, 11], sizes = [256, 1], strides = [1, 1]} : vector<256x16xf32> to vector<256x1xf32>
    %squeeze3A_201 = vector.shape_cast %slice3A_200 : vector<256x1xf32> to vector<256xf32>
    %broadcast_in_dim3A_202 = vector.shape_cast %squeeze3A_201 : vector<256xf32> to vector<256x1xf32>
    %sub3A_203 = vector.broadcast %broadcast_in_dim3A_199 : vector<1x4096xf32> to vector<256x4096xf32>
    %sub3A_204 = vector.broadcast %broadcast_in_dim3A_202 : vector<256x1xf32> to vector<256x4096xf32>
    %sub3A_205 = arith.subf %sub3A_203, %sub3A_204 : vector<256x4096xf32>
    %max3A_206 = arith.constant 0.000000e+00 : f32
    %max3A_207 = vector.broadcast %max3A_206 : f32 to vector<256x4096xf32>
    %max3A_208 = arith.maximumf %sub3A_205, %max3A_207 : vector<256x4096xf32>
    %mul3A_209 = arith.mulf %max3A_208, %convert_element_type3A_4 : vector<256x4096xf32>
    %reduce_sum3A_210 = arith.constant dense<0.000000e+00> : vector<256xf32>
    %reduce_sum3A_211 = vector.multi_reduction <add>, %mul3A_209, %reduce_sum3A_210 [1] : vector<256x4096xf32> to vector<256xf32>
    %broadcast_in_dim3A_212 = vector.shape_cast %reduce_sum3A_211 : vector<256xf32> to vector<256x1xf32>
    %slice3A_213 = vector.extract_strided_slice %dot_general3A_12 {offsets = [12, 0], sizes = [1, 4096], strides = [1, 1]} : vector<16x4096xf32> to vector<1x4096xf32>
    %squeeze3A_214 = vector.shape_cast %slice3A_213 : vector<1x4096xf32> to vector<4096xf32>
    %broadcast_in_dim3A_215 = vector.shape_cast %squeeze3A_214 : vector<4096xf32> to vector<1x4096xf32>
    %slice3A_216 = vector.extract_strided_slice %sub3A_24 {offsets = [0, 12], sizes = [256, 1], strides = [1, 1]} : vector<256x16xf32> to vector<256x1xf32>
    %squeeze3A_217 = vector.shape_cast %slice3A_216 : vector<256x1xf32> to vector<256xf32>
    %broadcast_in_dim3A_218 = vector.shape_cast %squeeze3A_217 : vector<256xf32> to vector<256x1xf32>
    %sub3A_219 = vector.broadcast %broadcast_in_dim3A_215 : vector<1x4096xf32> to vector<256x4096xf32>
    %sub3A_220 = vector.broadcast %broadcast_in_dim3A_218 : vector<256x1xf32> to vector<256x4096xf32>
    %sub3A_221 = arith.subf %sub3A_219, %sub3A_220 : vector<256x4096xf32>
    %max3A_222 = arith.constant 0.000000e+00 : f32
    %max3A_223 = vector.broadcast %max3A_222 : f32 to vector<256x4096xf32>
    %max3A_224 = arith.maximumf %sub3A_221, %max3A_223 : vector<256x4096xf32>
    %mul3A_225 = arith.mulf %max3A_224, %convert_element_type3A_4 : vector<256x4096xf32>
    %reduce_sum3A_226 = arith.constant dense<0.000000e+00> : vector<256xf32>
    %reduce_sum3A_227 = vector.multi_reduction <add>, %mul3A_225, %reduce_sum3A_226 [1] : vector<256x4096xf32> to vector<256xf32>
    %broadcast_in_dim3A_228 = vector.shape_cast %reduce_sum3A_227 : vector<256xf32> to vector<256x1xf32>
    %slice3A_229 = vector.extract_strided_slice %dot_general3A_12 {offsets = [13, 0], sizes = [1, 4096], strides = [1, 1]} : vector<16x4096xf32> to vector<1x4096xf32>
    %squeeze3A_230 = vector.shape_cast %slice3A_229 : vector<1x4096xf32> to vector<4096xf32>
    %broadcast_in_dim3A_231 = vector.shape_cast %squeeze3A_230 : vector<4096xf32> to vector<1x4096xf32>
    %slice3A_232 = vector.extract_strided_slice %sub3A_24 {offsets = [0, 13], sizes = [256, 1], strides = [1, 1]} : vector<256x16xf32> to vector<256x1xf32>
    %squeeze3A_233 = vector.shape_cast %slice3A_232 : vector<256x1xf32> to vector<256xf32>
    %broadcast_in_dim3A_234 = vector.shape_cast %squeeze3A_233 : vector<256xf32> to vector<256x1xf32>
    %sub3A_235 = vector.broadcast %broadcast_in_dim3A_231 : vector<1x4096xf32> to vector<256x4096xf32>
    %sub3A_236 = vector.broadcast %broadcast_in_dim3A_234 : vector<256x1xf32> to vector<256x4096xf32>
    %sub3A_237 = arith.subf %sub3A_235, %sub3A_236 : vector<256x4096xf32>
    %max3A_238 = arith.constant 0.000000e+00 : f32
    %max3A_239 = vector.broadcast %max3A_238 : f32 to vector<256x4096xf32>
    %max3A_240 = arith.maximumf %sub3A_237, %max3A_239 : vector<256x4096xf32>
    %mul3A_241 = arith.mulf %max3A_240, %convert_element_type3A_4 : vector<256x4096xf32>
    %reduce_sum3A_242 = arith.constant dense<0.000000e+00> : vector<256xf32>
    %reduce_sum3A_243 = vector.multi_reduction <add>, %mul3A_241, %reduce_sum3A_242 [1] : vector<256x4096xf32> to vector<256xf32>
    %broadcast_in_dim3A_244 = vector.shape_cast %reduce_sum3A_243 : vector<256xf32> to vector<256x1xf32>
    %slice3A_245 = vector.extract_strided_slice %dot_general3A_12 {offsets = [14, 0], sizes = [1, 4096], strides = [1, 1]} : vector<16x4096xf32> to vector<1x4096xf32>
    %squeeze3A_246 = vector.shape_cast %slice3A_245 : vector<1x4096xf32> to vector<4096xf32>
    %broadcast_in_dim3A_247 = vector.shape_cast %squeeze3A_246 : vector<4096xf32> to vector<1x4096xf32>
    %slice3A_248 = vector.extract_strided_slice %sub3A_24 {offsets = [0, 14], sizes = [256, 1], strides = [1, 1]} : vector<256x16xf32> to vector<256x1xf32>
    %squeeze3A_249 = vector.shape_cast %slice3A_248 : vector<256x1xf32> to vector<256xf32>
    %broadcast_in_dim3A_250 = vector.shape_cast %squeeze3A_249 : vector<256xf32> to vector<256x1xf32>
    %sub3A_251 = vector.broadcast %broadcast_in_dim3A_247 : vector<1x4096xf32> to vector<256x4096xf32>
    %sub3A_252 = vector.broadcast %broadcast_in_dim3A_250 : vector<256x1xf32> to vector<256x4096xf32>
    %sub3A_253 = arith.subf %sub3A_251, %sub3A_252 : vector<256x4096xf32>
    %max3A_254 = arith.constant 0.000000e+00 : f32
    %max3A_255 = vector.broadcast %max3A_254 : f32 to vector<256x4096xf32>
    %max3A_256 = arith.maximumf %sub3A_253, %max3A_255 : vector<256x4096xf32>
    %mul3A_257 = arith.mulf %max3A_256, %convert_element_type3A_4 : vector<256x4096xf32>
    %reduce_sum3A_258 = arith.constant dense<0.000000e+00> : vector<256xf32>
    %reduce_sum3A_259 = vector.multi_reduction <add>, %mul3A_257, %reduce_sum3A_258 [1] : vector<256x4096xf32> to vector<256xf32>
    %broadcast_in_dim3A_260 = vector.shape_cast %reduce_sum3A_259 : vector<256xf32> to vector<256x1xf32>
    %slice3A_261 = vector.extract_strided_slice %dot_general3A_12 {offsets = [15, 0], sizes = [1, 4096], strides = [1, 1]} : vector<16x4096xf32> to vector<1x4096xf32>
    %squeeze3A_262 = vector.shape_cast %slice3A_261 : vector<1x4096xf32> to vector<4096xf32>
    %broadcast_in_dim3A_263 = vector.shape_cast %squeeze3A_262 : vector<4096xf32> to vector<1x4096xf32>
    %slice3A_264 = vector.extract_strided_slice %sub3A_24 {offsets = [0, 15], sizes = [256, 1], strides = [1, 1]} : vector<256x16xf32> to vector<256x1xf32>
    %squeeze3A_265 = vector.shape_cast %slice3A_264 : vector<256x1xf32> to vector<256xf32>
    %broadcast_in_dim3A_266 = vector.shape_cast %squeeze3A_265 : vector<256xf32> to vector<256x1xf32>
    %sub3A_267 = vector.broadcast %broadcast_in_dim3A_263 : vector<1x4096xf32> to vector<256x4096xf32>
    %sub3A_268 = vector.broadcast %broadcast_in_dim3A_266 : vector<256x1xf32> to vector<256x4096xf32>
    %sub3A_269 = arith.subf %sub3A_267, %sub3A_268 : vector<256x4096xf32>
    %max3A_270 = arith.constant 0.000000e+00 : f32
    %max3A_271 = vector.broadcast %max3A_270 : f32 to vector<256x4096xf32>
    %max3A_272 = arith.maximumf %sub3A_269, %max3A_271 : vector<256x4096xf32>
    %mul3A_273 = arith.mulf %max3A_272, %convert_element_type3A_4 : vector<256x4096xf32>
    %reduce_sum3A_274 = arith.constant dense<0.000000e+00> : vector<256xf32>
    %reduce_sum3A_275 = vector.multi_reduction <add>, %mul3A_273, %reduce_sum3A_274 [1] : vector<256x4096xf32> to vector<256xf32>
    %broadcast_in_dim3A_276 = vector.shape_cast %reduce_sum3A_275 : vector<256xf32> to vector<256x1xf32>
    %concatenate3A = tpu.concatenate %broadcast_in_dim3A_36, %broadcast_in_dim3A_52, %broadcast_in_dim3A_68, %broadcast_in_dim3A_84, %broadcast_in_dim3A_100, %broadcast_in_dim3A_116, %broadcast_in_dim3A_132, %broadcast_in_dim3A_148, %broadcast_in_dim3A_164, %broadcast_in_dim3A_180, %broadcast_in_dim3A_196, %broadcast_in_dim3A_212, %broadcast_in_dim3A_228, %broadcast_in_dim3A_244, %broadcast_in_dim3A_260, %broadcast_in_dim3A_276 in 1 : vector<256x1xf32>, vector<256x1xf32>, vector<256x1xf32>, vector<256x1xf32>, vector<256x1xf32>, vector<256x1xf32>, vector<256x1xf32>, vector<256x1xf32>, vector<256x1xf32>, vector<256x1xf32>, vector<256x1xf32>, vector<256x1xf32>, vector<256x1xf32>, vector<256x1xf32>, vector<256x1xf32>, vector<256x1xf32> -> vector<256x16xf32>
    %max3A_277 = arith.constant 1.000000e+00 : f32
    %max3A_278 = vector.broadcast %max3A_277 : f32 to vector<256x1xf32>
    %max3A_279 = arith.maximumf %broadcast_in_dim3A, %max3A_278 : vector<256x1xf32>
    %div3A = vector.broadcast %max3A_279 : vector<256x1xf32> to vector<256x16xf32>
    %div3A_280 = arith.divf %concatenate3A, %div3A : vector<256x16xf32>
    %gt3A_281 = arith.constant 0.000000e+00 : f32
    %gt3A_282 = vector.broadcast %gt3A_281 : f32 to vector<256x1xf32>
    %gt3A_283 = arith.cmpf ogt, %broadcast_in_dim3A, %gt3A_282 : vector<256x1xf32>
    %jit3A = arith.constant 0.000000e+00 : f32
    %broadcast_in_dim3A_284 = vector.shape_cast %gt3A_283 : vector<256x1xi1> to vector<256x1xi1>
    %broadcast_in_dim3A_285 = vector.broadcast %broadcast_in_dim3A_284 : vector<256x1xi1> to vector<256x16xi1>
    %broadcast_in_dim3A_286 = vector.broadcast %jit3A : f32 to vector<256x16xf32>
    %select_n3A = arith.select %broadcast_in_dim3A_285, %div3A_280, %broadcast_in_dim3A_286 : vector<256x16xi1>, vector<256x16xf32>
    %swap3A = arith.constant 0 : index
    %swap3A_287 = arith.constant 0 : index
    %swap3A_288 = vector.load %arg7[%swap3A, %swap3A_287] : memref<256x16xf32, #tpu.memory_space<vmem>>, vector<256x16xf32>
    tpu.vector_store %arg7[%swap3A, %swap3A_287], %select_n3A {strides = array<i32>} : memref<256x16xf32, #tpu.memory_space<vmem>>, vector<256x16xf32>,
    return
  }
  func.func @transform_0(%arg0: i32) -> (i32, i32) {
    %add3A = arith.constant 3 : i32
    %add3A_0 = arith.addi %arg0, %add3A : i32
    %c0_i32 = arith.constant 0 : i32
    %c0_i32_1 = arith.constant 0 : i32
    return %add3A_0, %c0_i32 : i32, i32
  }
  func.func @transform_1(%arg0: i32) -> (i32, i32) {
    %add3A = arith.constant 3 : i32
    %add3A_0 = arith.addi %arg0, %add3A : i32
    %c0_i32 = arith.constant 0 : i32
    %c0_i32_1 = arith.constant 0 : i32
    return %add3A_0, %c0_i32 : i32, i32
  }
  func.func @transform_2(%arg0: i32) -> (i32, i32) {
    %c0_i32 = arith.constant 0 : i32
    %c0_i32_0 = arith.constant 0 : i32
    %c0_i32_1 = arith.constant 0 : i32
    return %c0_i32, %c0_i32_0 : i32, i32
  }
  func.func @transform_3(%arg0: i32) -> (i32, i32) {
    %c0_i32 = arith.constant 0 : i32
    %c0_i32_0 = arith.constant 0 : i32
    %c0_i32_1 = arith.constant 0 : i32
    return %c0_i32, %c0_i32_0 : i32, i32
  }
  func.func @transform_4(%arg0: i32) -> (i32, i32) {
    %c0_i32 = arith.constant 0 : i32
    %c0_i32_0 = arith.constant 0 : i32
    %c0_i32_1 = arith.constant 0 : i32
    return %c0_i32, %c0_i32_0 : i32, i32
  }
  func.func @transform_5(%arg0: i32) -> (i32, i32) {
    %c0_i32 = arith.constant 0 : i32
    %c0_i32_0 = arith.constant 0 : i32
    %c0_i32_1 = arith.constant 0 : i32
    return %c0_i32, %c0_i32_0 : i32, i32
  }
  func.func @transform_6(%arg0: i32) -> (i32, i32) {
    %c0_i32 = arith.constant 0 : i32
    %c0_i32_0 = arith.constant 0 : i32
    return %arg0, %c0_i32 : i32, i32
  }
}

</mosaic_0001>

<sc_bundles>
// kernel: kernel.4.cloned.1.call-start
scs
__scs_entry_jumppad:
0x0: {  	(pc) =	sbr.rel $0x88, $3  }
0x1: {  	(tag) =	ssettag $0x0;
	lr =	simm.s32 $0x1  }
0x2: {  	[smem:$0x3F9D] =	sst lr;
	_ =	strace $0xD0000000  }
0x3: {  	_ = 	snop  }
0x4: {  	_ = 	snop  }
0x5: {  	_ = 	snop  }
0x6: {  	_ = 	snop  }
0x7: {  	_ = 	snop  }
__scs_overlays_trampoline_lowered:
0x8: {  	[smem:$0x3FAC] =	sst s0  }
0x9: {  	[smem:$0x3FAD] =	sst s1  }
0xa: {  	[smem:$0x3FAE] =	sst s2  }
0xb: {  	[smem:$0x3FAF] =	sst s3  }
0xc: {  	[smem:$0x3FB0] =	sst s4  }
0xd: {  	[smem:$0x3FB1] =	sst s5  }
0xe: {  	[smem:$0x3FB2] =	sst s6  }
0xf: {  	[smem:$0x3FB3] =	sst s7  }
0x10: {  	[smem:$0x3FB4] =	sst s8  }
0x11: {  	[smem:$0x3FB5] =	sst s9;
	s0 =	simm.s32 @!p0 $0x0  }
0x12: {  	s1 =	sld [smem:$0x3F9B];
	s0 =	simm.s32 @p0 $0x1  }
0x13: {  	[smem:$0x3FB6] =	sst s0;
	s0 =	simm.s32 @!p1 $0x0  }
0x14: {  	s2 =	sld [smem:$0x3F9A];
	s0 =	simm.s32 @p1 $0x1  }
0x15: {  	[smem:$0x3FB7] =	sst s0;
	s0 =	simm.s32 @!p2 $0x0  }
0x16: {  	s3 =	sld [smem:$0x3FDB];
	s0 =	simm.s32 @p2 $0x1  }
0x17: {  	s4 =	simm.s32 $0x1BF5;
	[smem:$0x3FB9] =	sst s0  }
0x18: {  	s0 =	sld [smem:$0x3F9C];
	_ =	swait.ge [sflag:s4], $0x0  }
0x19: {  	s7 =	sld [smem:$0x3F9D]  }
0x1a: {  	s8 =	sadd.s32 $0xFFFFE003, lr  }
0x1b: {  	s9 =	sadd.s32 $0xFFFFFEF7, lr;
	s5 =	simm.s32 $0xFFFFFFFF;
	p2 =	slt.u32 s8, $0xFFFFF086  }
0x1c: {  	p1 =	slt.u32 s9, $0xF7A;
	s5 =	simm.s32 @!p2 $0x0  }
0x1d: {  	s5 =	simm.s32 @p1 $0x1;
	p0 =	seq.s32 s7, s2  }
0x1e: {  	s7 =	smul.u32 @!p0 $0xF7A, s2;
	p2 =	seq.s32 @!p0 s5, $0x0  }
0x1f: {  	s9 =	smul.u32 $0xF7A, s1;
	s8 =	simm.s32 @!p0 $0x1BF5;
	p2 =	por !p2, p0  }
0x20: {  	[sflag:s8] =	ssyncset.s32 @!p0 $0xFFFFF086;
	s6 =	sadd.s32 @!p0 s3, s7;
	s7 =	simm.s32 @!p0 $0x108  }
0x21: {  	s3 =	sadd.s32 s3, s9;
	s6 =	sadd.s32 @!p0 $0x88, s6;
	s7 =	simm.s32 @p2 $0x1082  }
0x22: {  	[simem:s7], [sflag:s8] =	dma.local @!p0 [hbm:s6], $0xF7A  }
0x23: {  	s9 =	sor.u32 $0xD0000000, s2;
	s6 =	simm.s32 $0x108;
	_ =	swait.ge @!p0 [sflag:s8], $0x0  }
0x24: {  	s3 =	sadd.s32 $0x88, s3;
	s6 =	simm.s32 @!p1 $0x1082;
	[sflag:s4] =	ssyncset.s32 $0xFFFFF086  }
0x25: {  	[simem:s6], [sflag:s4] =	dma.local [hbm:s3], $0xF7A  }
0x26: {  	[smem:$0x3F9D] =	sst s1;
	(tag) =	ssettag s2;
	_ =	strace s9  }
0x27: {  	s1 =	sld [smem:$0x3FAD]  }
0x28: {  	s2 =	sld [smem:$0x3FAE]  }
0x29: {  	s4 =	sld [smem:$0x3FB0]  }
0x2a: {  	p0 =	seq.s32 s5, $0x0;
	s5 =	sld [smem:$0x3FB1]  }
0x2b: {  	s6 =	sld [smem:$0x3FB2]  }
0x2c: {  	s7 =	sld [smem:$0x3FB3]  }
0x2d: {  	s3 =	simm.s32 $0x108;
	s8 =	sld [smem:$0x3FB4]  }
0x2e: {  	s3 =	simm.s32 @!p0 $0x1082;
	s9 =	sld [smem:$0x3FB5]  }
0x2f: {  	lr =	sadd.s32 s0, s3;
	s0 =	sld [smem:$0x3FAC]  }
0x30: {  	s3 =	sld [smem:$0x3FAF]  }
0x31: {  	[smem:$0x3FB8] =	sst s10  }
0x32: {  	s10 =	sld [smem:$0x3FB6];
	_ =	sdelay $0x3  }
0x33: {  	p0 =	seq.s32 s10, $0x1;
	s10 =	sld [smem:$0x3FB8];
	_ =	sdelay $0x3  }
0x34: {  	[smem:$0x3FB8] =	sst s10  }
0x35: {  	s10 =	sld [smem:$0x3FB7];
	_ =	sdelay $0x3  }
0x36: {  	p1 =	seq.s32 s10, $0x1;
	s10 =	sld [smem:$0x3FB8];
	_ =	sdelay $0x3  }
0x37: {  	[smem:$0x3FB8] =	sst s10  }
0x38: {  	s10 =	sld [smem:$0x3FB9]  }
0x39: {  	_ = 	snop;
	(pc) =	sbr.ind lr, $3  }
0x3a: {  	_ = 	snop  }
0x3b: {  	_ = 	snop  }
0x3c: {  	p2 =	seq.s32 s10, $0x1;
	s10 =	sld [smem:$0x3FB8]  }
0x3d: {  	_ =	shalt  }
0x3e: {  	_ =	shalt  }
0x3f: {  	_ =	shalt  }
0x40: {  	_ =	shalt  }
0x41: {  	_ =	shalt  }
0x42: {  	_ =	shalt  }
0x43: {  	_ =	shalt  }
0x44: {  	_ =	shalt  }
0x45: {  	_ =	shalt  }
0x46: {  	_ =	shalt  }
0x47: {  	_ =	shalt  }
0x48: {  	_ =	shalt  }
0x49: {  	_ =	shalt  }
0x4a: {  	_ =	shalt  }
0x4b: {  	_ =	shalt  }
0x4c: {  	_ =	shalt  }
0x4d: {  	_ =	shalt  }
0x4e: {  	_ =	shalt  }
0x4f: {  	_ =	shalt  }
0x50: {  	_ =	shalt  }
0x51: {  	_ =	shalt  }
0x52: {  	_ =	shalt  }
0x53: {  	_ =	shalt  }
0x54: {  	_ =	shalt  }
0x55: {  	_ =	shalt  }
0x56: {  	_ =	shalt  }
0x57: {  	_ =	shalt  }
0x58: {  	_ =	shalt  }
0x59: {  	_ =	shalt  }
0x5a: {  	_ =	shalt  }
0x5b: {  	_ =	shalt  }
0x5c: {  	_ =	shalt  }
0x5d: {  	_ =	shalt  }
0x5e: {  	_ =	shalt  }
0x5f: {  	_ =	shalt  }
0x60: {  	_ =	shalt  }
0x61: {  	_ =	shalt  }
0x62: {  	_ =	shalt  }
0x63: {  	_ =	shalt  }
0x64: {  	_ =	shalt  }
0x65: {  	_ =	shalt  }
0x66: {  	_ =	shalt  }
0x67: {  	_ =	shalt  }
0x68: {  	_ =	shalt  }
0x69: {  	_ =	shalt  }
0x6a: {  	_ =	shalt  }
0x6b: {  	_ =	shalt  }
0x6c: {  	_ =	shalt  }
0x6d: {  	_ =	shalt  }
0x6e: {  	_ =	shalt  }
0x6f: {  	_ =	shalt  }
0x70: {  	_ =	shalt  }
0x71: {  	_ =	shalt  }
0x72: {  	_ =	shalt  }
0x73: {  	_ =	shalt  }
0x74: {  	_ =	shalt  }
0x75: {  	_ =	shalt  }
0x76: {  	_ =	shalt  }
0x77: {  	_ =	shalt  }
0x78: {  	_ =	shalt  }
0x79: {  	_ =	shalt  }
0x7a: {  	_ =	shalt  }
0x7b: {  	_ =	shalt  }
0x7c: {  	_ =	shalt  }
0x7d: {  	_ =	shalt  }
0x7e: {  	_ =	shalt  }
0x7f: {  	_ =	shalt  }
0x80: {  	_ =	shalt  }
0x81: {  	_ =	shalt  }
0x82: {  	_ =	shalt  }
0x83: {  	_ =	shalt  }
0x84: {  	_ =	shalt  }
0x85: {  	_ =	shalt  }
0x86: {  	_ =	shalt  }
0x87: {  	_ =	shalt  }
.Lfunc_end0:
.L_simem_size_0:
called_computation_lowered:
.L_overlay_start_0:
0x88: {  	s2 =	sld [smem:$0x3FD9]  }
0x89: {  	s3 =	sld [smem:$0x3FFE];
	_ =	sdelay $0x1  }
0x8a: {  	s1 =	srdreg.scid  }
0x8b: {  	s0 =	sand.u32 $0x1, s1  }
0x8c: {  	s17 =	sshll.u32 s0, $0xA;
	s2 =	sadd.s32 s3, s2  }
0x8d: {  	s2 =	sadd.s32 s2, s17  }
0x8e: {  	[smem:$0x3FC4] =	sst s2  }
0x8f: {  	_ = 	snop  }
0x90: {  	s2 =	sld [smem:$0x3FC9]  }
0x91: {  	s18 =	sld [smem:$0x3FC8]  }
0x92: {  	s4 =	sld [smem:$0x3FC7]  }
0x93: {  	s5 =	sld [smem:$0x3FC6];
	(tm) =	ssettm $0x1  }
0x94: {  	s6 =	sld [smem:$0x3FFB];
	_ =	sdelay $0x3  }
0x95: {  	_ =	strace s6  }
0x96: {  	s6 =	sld [smem:$0x3FFC];
	_ =	sdelay $0x3  }
0x97: {  	_ =	strace s6  }
0x98: {  	s6 =	sld [smem:$0x3FFD];
	_ =	sdelay $0x3  }
0x99: {  	_ =	strace s6  }
0x9a: {  	_ =	strace $0x8FFFFFFF  }
0x9b: {  	s19 =	sld [smem:$0x3FDB];
	_ =	sdelay $0x1  }
0x9c: {  	s7 =	simm.s32 $_scs_section_size  }
0x9d: {  	s8 =	simm.s32 $_size__tile_overlayer_lowered;
	s9 =	simm.s32 $_tile_overlayer_lowered  }
0x9e: {  	s22 =	simm.s32 $0x1BFF;
	s21 =	sshll.u32 s9, $0x1;
	s6 =	sadd.s32 s7, s19  }
0x9f: {  	s10 =	simm.s32 $0x0;
	s20 =	sshll.u32 s8, $0x1;
	s8 =	sadd.s32 s21, s6  }
0xa0: {  	[timem:s10], [sflag:s22] =	dma.local [hbm:s8], s20  }
0xa1: {  	_ =	swait.ge [sflag:s22], s20  }
0xa2: {  	s7 =	ssub.s32 $0x0, s20;
	[sflag:s22] =	ssyncset.done $0x0  }
0xa3: {  	[sflag:s22] =	ssyncadd.s32 s7;
	_ =	sdelay $0x1  }
0xa4: {  	s23 =	simm.s32 $0x1B8B  }
0xa5: {  	_ =	swait.ge [sflag:s23], $0x1  }
0xa6: {  	[sflag:s23] =	ssyncset.done $0x0  }
0xa7: {  	s25 =	simm.s32 $0x1B8E;
	s24 =	sld [smem:$0x3FFE];
	[sflag:s23] =	ssyncadd.s32 $0xFFFFFFFF  }
0xa8: {  	s26 =	simm.s32 $execute0_lowered;
	[smem:$0x3FD2] =	sst s25  }
0xa9: {  	s8 =	sshll.u32 s26, $0x1;
	_ =	strace $0x80000046;
	[dreg:$0x1] =	wrdreg $0xFFFFFFFF  }
0xaa: {  	s28 =	simm.s32 $_size_execute0_lowered;
	s6 =	sadd.s32 s6, s8;
	[dreg:$0x0] =	wrdreg $0x0  }
0xab: {  	s8 =	sshll.u32 s28, $0x1;
	[dreg:$0x2] =	wrdreg s6  }
0xac: {  	[dreg:$0x3] =	wrdreg s8  }
0xad: {  	[dreg:$0x4] =	wrdreg $0xC0  }
0xae: {  	_ =	task [dreg:s10], $0x5FFFF  }
0xaf: {  	[dreg:$0x1] =	wrdreg $0xFFFFFFFF  }
0xb0: {  	[dreg:$0x0] =	wrdreg $0x60  }
0xb1: {  	[dreg:$0x2] =	wrdreg s2  }
0xb2: {  	[dreg:$0x3] =	wrdreg s18  }
0xb3: {  	[dreg:$0x4] =	wrdreg s4  }
0xb4: {  	[dreg:$0x5] =	wrdreg s5  }
0xb5: {  	[dreg:$0x6] =	wrdreg s24  }
0xb6: {  	[dreg:$0x7] =	wrdreg $0x9  }
0xb7: {  	_ =	task.clear_ibuf [dreg:s10], $0x8FFFF;
	_ =	strace $0x90000046  }
0xb8: {  	s29 =	simm.s32 $0x9;
	_ =	strace $0x80000048  }
0xb9: {  	_ =	swait.ge [sflag:s29], $0x1  }
0xba: {  	[sflag:s29] =	ssyncadd.s32 $0xFFFFFFFF  }
0xbb: {  	_ =	strace $0x90000048  }
0xbc: {  	_ =	sfence  }
0xbd: {  	s30 =	sld [smem:$0x0];
	_ =	sdelay $0x2  }
0xbe: {  	s31 =	sshll.u32 s1, $0xD;
	s1 =	sshrl.u32 s1, $0x2  }
0xbf: {  	s3 =	sand.u32 $0x4000, s31;
	s1 =	sadd.s32 s1, s30  }
0xc0: {  	s0 =	sor.u32 s3, s0;
	s1 =	sshll.u32 s1, $0x11  }
0xc1: {  	s0 =	sor.u32 s1, s0  }
0xc2: {  	s0 =	sadd.s32 $0x8F2B, s0  }
0xc3: {  	[sflag:s0] =	ssyncadd.remote.s32 $0x1  }
0xc4: {  	_ =	sfence.sel $0xFFFF  }
0xc5: {  	[dreg:$0x0] =	wrdreg $0xFFFFFFFF;
	(pc) =	sbr.abs _section_cstart, $3  }
0xc6: {  	[dreg:$0x1] =	wrdreg $0xFFFFFFFF  }
0xc7: {  	_ =	task.clear_ibuf [dreg:s10], $0x2FFFF;
	_ =	strace $0x9FFFFFFF  }
0xc8: {  	(tm) =	ssettm $0x7FFFFFFF  }
0xc9: {  	_ =	shalt  }
tec
execute0_lowered:
.L_overlay_start_1:
0x0: {  	(tag) =	ssettag $0x1  }
0x1: {  	v0 =	vimm.s32 $0xFEDCBA98  }
0x2: {  	s1 =	srdreg.scid;
	s0 =	stileid.u32;
	v1 =	vlaneseq.u32;
	v4 =	vimm.s32 $0x76543210;
	v54 =	vimm.s32 $0xBA98FEDC  }
0x3: {  	v55 =	vimm.s32 $0x32107654;
	v5 =	vimm.s32 $0xDCFE98BA;
	v6 =	vimm.s32 $0x54761032;
	s8 =	sand.u32 $0x1, s1;
	s31 =	sshll.u32 s0, $0x1  }
0x4: {  	v7 =	vimm.s32 $0xEFCDAB89;
	v8 =	vimm.s32 $0x67452301;
	v62 =	vimm.f32 $0.0e+00;
	s9 =	sor.u32 s8, s31  }
0x5: {  	v45 =	vimm.f32 $-1.000000020e+30;
	vm1 =	vmmov $0x1;
	v61 =	vimm.s32 $0x0;
	s1 =	smul.u32 $0x18, s9  }
0x6: {  	vm2 =	vmmov $0x3;
	vm3 =	vmmov $0x7;
	v0 =	vunpack.c.l.s4.s8 v0  }
0x7: {  	v53 =	vunpack.c.l.s4.s8 v4;
	v5 =	vunpack.c.l.s4.s8 v5;
	v6 =	vunpack.c.l.s4.s8 v6;
	s2 =	sand.u32 $0x8, s1  }
0x8: {  	v7 =	vunpack.c.l.s4.s8 v7;
	v8 =	vunpack.c.l.s4.s8 v8;
	v0 =	vunpack.c.0.s8.s32 v0;
	s3 =	ssub.s32 $0x10, s2  }
0x9: {  	v5 =	vunpack.c.0.s8.s32 v5;
	v6 =	vunpack.c.0.s8.s32 v6;
	v3 =	vmov s3  }
0xa: {  	v2 =	vadd.s32 s2, v1;
	vm0 =	vgt.u32 v3, v1;
	v1 =	vunpack.c.0.s8.s32 v53  }
0xb: {  	v7 =	vunpack.c.0.s8.s32 v7;
	v8 =	vunpack.c.0.s8.s32 v8;
	v0 =	vand.u32 $0xF, v0  }
0xc: {  	vm4 =	vmmov $0xf;
	v56 =	vcombine.low v6, v5;
	v0 =	vcombine.low v0, v1  }
0xd: {  	s10 =	rddreg [dreg:$0x4];
	s7 =	simm.s32 $0x0;
	v4 =	vunpack.c.l.s4.s8 v55;
	v57 =	vcombine.low v8, v7;
	v3 =	vunpack.c.l.s4.s8 v54  }
0xe: {  	vm5 =	vmmov $0x1f;
	vm6 =	vmmov $0x3f;
	s14 =	simm.s32 $0x3;
	[smem:$0x7FF] =	sst s7;
	v59 =	vand.u32 $0xF, v56;
	[tilespmem:$0x1FF90] =	vst v0  }
0xf: {  	s16 =	simm.s32 $0x15D00;
	v4 =	vunpack.c.0.s8.s32 v4;
	s2 =	rddreg [dreg:$0x0];
	v60 =	vand.u32 $0xF, v57;
	v3 =	vunpack.c.0.s8.s32 v3;
	_ =	strace $0x80000047;
	[tilespmem:$0x1FFB0] =	vst v59  }
0x10: {  	vm7 =	vmmov $0x7f;
	vm8 =	vmmov $0xff;
	s17 =	simm.s32 $0x1;
	s18 =	simm.s32 $0x2;
	s8 =	ssub.s32 $0x2, s8;
	v0 =	vsel vm1, $0xFFFFFFFF, v61;
	[tilespmem:$0x1FFC0] =	vst v60  }
0x11: {  	s19 =	simm.s32 $0x13000;
	v63 =	vimm.s32 $0x0;
	s11 =	smul.u32 $0x180, s9;
	s12 =	sshrl.u32 s8, $0x1;
	v44 =	vand.u32 $0xF, v2;
	v3 =	vcombine.low v4, v3;
	[tilespmem:$0x1FFD0] =	vst v0  }
0x12: {  	vm9 =	vmmov $0x1ff;
	vm10 =	vmmov $0x3ff;
	s20 =	simm.s32 $0x0;
	s13 =	smul.u32 $0x3000, s9;
	s12 =	ssub.s32 s8, s12;
	v0 =	vsel vm0, $0xFFFFFFFF, v63;
	[tilespmem:$0x1FFF0] =	vst v44  }
0x13: {  	vm11 =	vmmov $0x7ff;
	vm12 =	vmmov $0xfff;
	s11 =	sadd.s32 s11, s10;
	s8 =	sand.u32 $0x3F0, s1;
	s12 =	smax.u32 s12, $0x1;
	v58 =	vand.u32 $0xF, v3;
	[tilespmem:$0x1FFE0] =	vst v0  }
0x14: {  	vm13 =	vmmov $0x1fff;
	vm14 =	vmmov $0x3fff;
	vm15 =	vmmov $0x7fff;
	s9 =	sadd.s32 $0x10, s8;
	s11 =	sadd.s32 $0xA00, s11;
	s10 =	sadd.s32 s2, s13;
	[tilespmem:$0x1FFA0] =	vst v58  }
.LBB2_1:
0x15: {  	s0 =	rddreg [dreg:$0x1];
	s3 =	simm.s32 $0x13C00  }
0x16: {  	[tilespmem:s3], [sflag:$0x3] =	stream.linear.gather [hbm4b:s0+s7], $0x2000, $0x38;
	[tilespmem:$0x15D80] =	vst v63  }
0x17: {  	_ =	swait.ge [sflag:s14], $0x2000  }
0x18: {  	[sflag:s14] =	ssyncset.done $0x0  }
0x19: {  	[sflag:s14] =	ssyncadd.s32 $0xFFFFE000  }
0x1a: {  	s29 =	simm.s32 $0x15C00;
	s28 =	rddreg [dreg:$0x2]  }
0x1b: {  	[tilespmem:s29], [sflag:$0x3] =	stream.linear.gather [hbm4b:s28+s7], $0x100, $0x38;
	[tilespmem:$0x15D80] =	vst v63  }
0x1c: {  	_ =	swait.ge [sflag:s14], $0x100  }
0x1d: {  	[sflag:s14] =	ssyncset.done $0x0  }
0x1e: {  	[sflag:s14] =	ssyncadd.s32 $0xFFFFFF00  }
0x1f: {  	s30 =	rddreg [dreg:$0x3]  }
0x20: {  	[tilespmem:s16], [sflag:$0x3] =	stream.linear.gather [hbm4b:s30+s7], $0x80, $0x38;
	[tilespmem:$0x15D80] =	vst v63  }
0x21: {  	_ =	swait.ge [sflag:s14], $0x80  }
0x22: {  	[sflag:s14] =	ssyncset.done $0x0  }
0x23: {  	[sflag:s14] =	ssyncadd.s32 $0xFFFFFF80  }
0x24: {  	v7 =	vld [tilespmem:$0x15C00]  }
0x25: {  	v8 =	vld [tilespmem:$0x15C80];
	_ =	sdelay $0x4  }
0x26: {  	v10 =	vbroadcast v7, $0x0;
	v11 =	vbroadcast v8, $0x0  }
0x27: {  	v34 =	vbroadcast v7, $0x1;
	v35 =	vbroadcast v8, $0x1  }
0x28: {  	v40 =	vbroadcast v7, $0x2;
	v41 =	vbroadcast v8, $0x2  }
0x29: {  	v38 =	vbroadcast v7, $0x3;
	v39 =	vbroadcast v8, $0x3  }
0x2a: {  	v36 =	vbroadcast v7, $0x4;
	v37 =	vbroadcast v8, $0x4  }
0x2b: {  	v30 =	vbroadcast v7, $0x5;
	v33 =	vbroadcast v8, $0x5  }
0x2c: {  	v25 =	vbroadcast v7, $0x6;
	v32 =	vbroadcast v8, $0x6  }
0x2d: {  	s21 =	simm.s32 $0x0;
	v23 =	vbroadcast v7, $0x7;
	v31 =	vbroadcast v8, $0x7  }
0x2e: {  	s22 =	sand.u32 $0x70, s7;
	s21 =	sand.u32 $0xFFFFFF00, s21;
	v20 =	vbroadcast v7, $0x8;
	v28 =	vbroadcast v8, $0x8  }
0x2f: {  	s21 =	sor.u32 s22, s21;
	v21 =	vbroadcast v7, $0x9;
	v29 =	vbroadcast v8, $0x9  }
0x30: {  	s23 =	sadd.s32 $0x13C00, s21;
	v1 =	vld [tilespmem:s21+$0x13C00];
	v18 =	vbroadcast v7, $0xA;
	v26 =	vbroadcast v8, $0xA  }
0x31: {  	v0 =	vld [tilespmem:s23+$0x80];
	v19 =	vbroadcast v7, $0xB;
	v27 =	vbroadcast v8, $0xB  }
0x32: {  	v16 =	vbroadcast v7, $0xC;
	v24 =	vbroadcast v8, $0xC  }
0x33: {  	v14 =	vbroadcast v7, $0xD;
	v22 =	vbroadcast v8, $0xD  }
0x34: {  	v13 =	vbroadcast v7, $0xE;
	v17 =	vbroadcast v8, $0xE  }
0x35: {  	v12 =	vbroadcast v7, $0xF;
	v15 =	vbroadcast v8, $0xF  }
0x36: {  	v2 =	vmul.f32 v1, v40;
	v3 =	vmul.f32 v0, v41  }
0x37: {  	s31 =	simm.s32 $0x0;
	v4 =	vmul.f32 v1, v34;
	v5 =	vmul.f32 v0, v35  }
0x38: {  	s21 =	sand.u32 $0x3FFFFC00, s31;
	v6 =	vmul.f32 v1, v38;
	v42 =	vmul.f32 v0, v39;
	v2 =	vadd.f32 v3, v2  }
0x39: {  	s21 =	sor.u32 s22, s21;
	v43 =	vmul.f32 v0, v37;
	v3 =	vmul.f32 v1, v36;
	v4 =	vadd.f32 v5, v4  }
0x3a: {  	v9 =	vld [tilespmem:$0x15D00];
	v5 =	vadd.f32 v42, v6;
	v6 =	vmul.f32 v0, v33;
	[tilespmem:s21+$0x100] =	vst v2;
	v2 =	vmul.f32 v1, v30  }
0x3b: {  	v55 =	vmul.f32 v0, v32;
	v3 =	vadd.f32 v43, v3;
	[tilespmem:s21+$0x80] =	vst v4;
	v4 =	vmul.f32 v1, v25  }
0x3c: {  	v56 =	vmul.f32 v0, v31;
	[tilespmem:s21+$0x180] =	vst v5;
	v5 =	vmul.f32 v1, v23;
	v2 =	vadd.f32 v6, v2  }
0x3d: {  	v6 =	vmul.f32 v0, v28;
	[tilespmem:s21+$0x200] =	vst v3;
	v3 =	vadd.f32 v55, v4;
	v4 =	vmul.f32 v1, v20  }
0x3e: {  	v57 =	vmul.f32 v0, v29;
	[tilespmem:s21+$0x280] =	vst v2;
	v2 =	vadd.f32 v56, v5;
	v5 =	vmul.f32 v1, v21  }
0x3f: {  	v58 =	vmul.f32 v0, v26;
	[tilespmem:s21+$0x300] =	vst v3;
	v3 =	vadd.f32 v6, v4;
	v4 =	vmul.f32 v1, v18  }
0x40: {  	v6 =	vmul.f32 v0, v27;
	[tilespmem:s21+$0x380] =	vst v2;
	v2 =	vadd.f32 v57, v5;
	v5 =	vmul.f32 v1, v19  }
0x41: {  	v59 =	vmul.f32 v0, v24;
	[tilespmem:s21+$0x8000] =	vst v3;
	v3 =	vadd.f32 v58, v4;
	v4 =	vmul.f32 v1, v16  }
0x42: {  	v60 =	vmul.f32 v0, v22;
	[tilespmem:s21+$0x8080] =	vst v2;
	v2 =	vadd.f32 v6, v5;
	v5 =	vmul.f32 v1, v14  }
0x43: {  	v6 =	vmul.f32 v0, v17;
	[tilespmem:s21+$0x8100] =	vst v3;
	v3 =	vadd.f32 v59, v4;
	v4 =	vmul.f32 v1, v13  }
0x44: {  	v61 =	vmul.f32 v0, v15;
	v63 =	vmul.f32 v1, v12;
	[tilespmem:s21+$0x8180] =	vst v2;
	v5 =	vadd.f32 v60, v5  }
0x45: {  	v0 =	vmul.f32 v0, v11;
	v1 =	vmul.f32 v1, v10;
	[tilespmem:s21+$0x8200] =	vst v3;
	v2 =	vadd.f32 v6, v4  }
0x46: {  	s24 =	simm.s32 $0x80;
	s23 =	simm.s32 $0x2;
	s22 =	simm.s32 $0x0;
	v3 =	vadd.f32 v61, v63;
	[tilespmem:s21+$0x8280] =	vst v5  }
.LBB2_2:
0x47: {  	p0 =	sne.s32 s23, $0xFF;
	s25 =	sshra.s32 s24, $0x2;
	v0 =	vadd.f32 v0, v1;
	[tilespmem:s21+$0x8300] =	vst v2;
	s22 =	sadd.s32 $0x10, s22  }
0x48: {  	s26 =	sand.u32 $0x70, s22;
	s25 =	sand.u32 $0xFFFFFF00, s25;
	[tilespmem:s21+$0x8380] =	vst v3  }
0x49: {  	s25 =	sor.u32 s26, s25;
	[tilespmem:s21+$0x0] =	vst v0  }
0x4a: {  	s21 =	sadd.s32 $0x13C00, s25;
	v1 =	vld [tilespmem:s25+$0x13C00]  }
0x4b: {  	v0 =	vld [tilespmem:s21+$0x80];
	_ =	sdelay $0x3  }
0x4c: {  	v2 =	vmul.f32 v1, v34;
	v3 =	vmul.f32 v1, v38  }
0x4d: {  	v4 =	vmul.f32 v1, v40;
	v5 =	vmul.f32 v0, v41  }
0x4e: {  	v6 =	vmul.f32 v0, v35;
	v42 =	vmul.f32 v0, v39  }
0x4f: {  	s21 =	sand.u32 $0x3FFFFC00, s24;
	v43 =	vmul.f32 v0, v37;
	v4 =	vadd.f32 v5, v4;
	v5 =	vmul.f32 v1, v36  }
0x50: {  	s21 =	sor.u32 s26, s21;
	v2 =	vadd.f32 v6, v2;
	v3 =	vadd.f32 v42, v3;
	v6 =	vmul.f32 v0, v33  }
0x51: {  	v42 =	vmul.f32 v0, v32;
	[tilespmem:s21+$0x100] =	vst v4;
	v4 =	vadd.f32 v43, v5;
	v5 =	vmul.f32 v1, v30  }
0x52: {  	v43 =	vmul.f32 v0, v31;
	[tilespmem:s21+$0x80] =	vst v2;
	v2 =	vmul.f32 v1, v25  }
0x53: {  	[tilespmem:s21+$0x180] =	vst v3;
	v3 =	vadd.f32 v6, v5;
	v5 =	vmul.f32 v1, v23;
	v6 =	vmul.f32 v0, v28  }
0x54: {  	[tilespmem:s21+$0x200] =	vst v4;
	v2 =	vadd.f32 v42, v2;
	v4 =	vmul.f32 v1, v20;
	v42 =	vmul.f32 v0, v29  }
0x55: {  	[tilespmem:s21+$0x280] =	vst v3;
	v3 =	vadd.f32 v43, v5;
	v5 =	vmul.f32 v1, v21;
	v43 =	vmul.f32 v0, v26  }
0x56: {  	[tilespmem:s21+$0x300] =	vst v2;
	v2 =	vadd.f32 v6, v4;
	v4 =	vmul.f32 v1, v18;
	v6 =	vmul.f32 v0, v27  }
0x57: {  	[tilespmem:s21+$0x380] =	vst v3;
	v3 =	vadd.f32 v42, v5;
	v5 =	vmul.f32 v1, v19;
	v42 =	vmul.f32 v0, v24  }
0x58: {  	[tilespmem:s21+$0x8000] =	vst v2;
	v2 =	vadd.f32 v43, v4;
	v4 =	vmul.f32 v1, v16;
	v43 =	vmul.f32 v0, v22  }
.Ltmp0:
0x59: {  	[tilespmem:s21+$0x8080] =	vst v3;
	v3 =	vadd.f32 v6, v5;
	v5 =	vmul.f32 v1, v14;
	v6 =	vmul.f32 v0, v17;
	(pc) =	sbr.rel @p0 .LBB2_2-.Ltmp0, $4  }
0x5a: {  	[tilespmem:s21+$0x8100] =	vst v2;
	v2 =	vadd.f32 v42, v4;
	v4 =	vmul.f32 v1, v13;
	v42 =	vmul.f32 v0, v15  }
0x5b: {  	v0 =	vmul.f32 v0, v11;
	[tilespmem:s21+$0x8180] =	vst v3;
	v3 =	vadd.f32 v43, v5;
	v5 =	vmul.f32 v1, v12  }
0x5c: {  	v1 =	vmul.f32 v1, v10;
	[tilespmem:s21+$0x8200] =	vst v2;
	v2 =	vadd.f32 v6, v4  }
0x5d: {  	s24 =	sshll.u32 s23, $0x7;
	s23 =	sadd.s32 $0x1, s23;
	[tilespmem:s21+$0x8280] =	vst v3;
	v3 =	vadd.f32 v42, v5  }
0x5e: {  	s23 =	sshra.s32 s24, $0x2;
	v0 =	vadd.f32 v0, v1;
	[tilespmem:s21+$0x8300] =	vst v2;
	s22 =	sadd.s32 $0x10, s22  }
0x5f: {  	s22 =	sand.u32 $0x70, s22;
	s23 =	sand.u32 $0xFFFFFF00, s23;
	[tilespmem:s21+$0x8380] =	vst v3  }
0x60: {  	s23 =	sor.u32 s22, s23;
	[tilespmem:s21+$0x0] =	vst v0  }
0x61: {  	s30 =	sadd.s32 $0x13C00, s23;
	v0 =	vld [tilespmem:s23+$0x13C00]  }
0x62: {  	v1 =	vld [tilespmem:s30+$0x80];
	_ =	sdelay $0x4  }
0x63: {  	v61 =	vmul.f32 v0, v40;
	v63 =	vmul.f32 v1, v41  }
0x64: {  	v4 =	vmul.f32 v0, v34;
	v5 =	vmul.f32 v1, v35  }
0x65: {  	s31 =	sand.u32 $0x3FFFFC00, s24;
	v6 =	vmul.f32 v0, v38;
	v40 =	vmul.f32 v1, v39;
	v2 =	vadd.f32 v63, v61  }
0x66: {  	s21 =	sor.u32 s22, s31;
	v41 =	vmul.f32 v0, v36;
	v42 =	vmul.f32 v1, v37;
	v4 =	vadd.f32 v5, v4  }
0x67: {  	v43 =	vmul.f32 v0, v30;
	v5 =	vadd.f32 v40, v6;
	v6 =	vmul.f32 v1, v33;
	[tilespmem:s21+$0x100] =	vst v2  }
0x68: {  	v46 =	vmul.f32 v1, v32;
	v3 =	vadd.f32 v42, v41;
	[tilespmem:s21+$0x80] =	vst v4;
	v4 =	vmul.f32 v0, v25  }
0x69: {  	v47 =	vmul.f32 v1, v31;
	[tilespmem:s21+$0x180] =	vst v5;
	v2 =	vadd.f32 v6, v43;
	v5 =	vmul.f32 v0, v23  }
0x6a: {  	v6 =	vmul.f32 v1, v28;
	[tilespmem:s21+$0x200] =	vst v3;
	v48 =	vadd.f32 v46, v4;
	v4 =	vmul.f32 v0, v20  }
0x6b: {  	v49 =	vmul.f32 v1, v29;
	[tilespmem:s21+$0x280] =	vst v2;
	v50 =	vadd.f32 v47, v5;
	v5 =	vmul.f32 v0, v21  }
0x6c: {  	v51 =	vmul.f32 v1, v26;
	[tilespmem:s21+$0x300] =	vst v48;
	v52 =	vadd.f32 v6, v4;
	v4 =	vmul.f32 v0, v18  }
0x6d: {  	v6 =	vmul.f32 v1, v27;
	[tilespmem:s21+$0x380] =	vst v50;
	v53 =	vadd.f32 v49, v5;
	v5 =	vmul.f32 v0, v19  }
0x6e: {  	v54 =	vmul.f32 v1, v24;
	[tilespmem:s21+$0x8000] =	vst v52;
	v55 =	vadd.f32 v51, v4;
	v4 =	vmul.f32 v0, v16  }
0x6f: {  	v56 =	vmul.f32 v1, v22;
	[tilespmem:s21+$0x8080] =	vst v53;
	v57 =	vadd.f32 v6, v5;
	v5 =	vmul.f32 v0, v14  }
0x70: {  	v6 =	vmul.f32 v1, v17;
	[tilespmem:s21+$0x8100] =	vst v55;
	v58 =	vadd.f32 v54, v4;
	v4 =	vmul.f32 v0, v13  }
0x71: {  	v59 =	vmul.f32 v1, v15;
	[tilespmem:s21+$0x8180] =	vst v57;
	v60 =	vadd.f32 v56, v5;
	v5 =	vmul.f32 v0, v12  }
0x72: {  	v1 =	vmul.f32 v1, v11;
	v0 =	vmul.f32 v0, v10;
	[tilespmem:s21+$0x8200] =	vst v58;
	v61 =	vadd.f32 v6, v4  }
0x73: {  	[tilespmem:s21+$0x8280] =	vst v60;
	v63 =	vadd.f32 v59, v5  }
0x74: {  	v0 =	vadd.f32 v1, v0;
	[tilespmem:s21+$0x8300] =	vst v61  }
0x75: {  	[tilespmem:s21+$0x8380] =	vst v63  }
0x76: {  	p0 =	por $0x1, $0x1;
	[tilespmem:s21+$0x0] =	vst v0;
	s21 =	simm.s32 $0x0  }
.LBB2_4:
0x77: {  	s22 =	sshll.u32 s21, $0x4  }
0x78: {  	s23 =	sadd.s32 s8, s22  }
0x79: {  	s22 =	sadd.s32 s22, s9;
	s24 =	sshll.u32 s23, $0x1  }
0x7a: {  	s23 =	sand.u32 $0x70, s23;
	s25 =	sshll.u32 s22, $0x1;
	s24 =	sand.u32 $0xF00, s24  }
0x7b: {  	s22 =	sand.u32 $0x70, s22;
	s30 =	sand.u32 $0x1F00, s25;
	s23 =	sor.u32 s23, s24  }
0x7c: {  	s22 =	sor.u32 s22, s30;
	v0 =	vld [tilespmem:s23+$0x13C00]  }
0x7d: {  	v1 =	vld [tilespmem:s22+$0x13C00]  }
0x7e: {  	s23 =	sadd.s32 $0x13C00, s23  }
0x7f: {  	s22 =	sadd.s32 $0x13C00, s22;
	v2 =	vld [tilespmem:s23+$0x80]  }
0x80: {  	v3 =	vld [tilespmem:s22+$0x80];
	_ =	sdelay $0x1  }
0x81: {  	v0 =	vperm.xlane v0, v44;
	v1 =	vperm.xlane v1, v44;
	_ =	sdelay $0x1  }
0x82: {  	v2 =	vperm.xlane v2, v44;
	v0 =	vsel vm0, v0, v1  }
0x83: {  	v3 =	vperm.xlane v3, v44;
	v30 =	vbroadcast v0, $0x0  }
0x84: {  	v4 =	vbroadcast v0, $0x1;
	v6 =	vbroadcast v0, $0x2  }
0x85: {  	v11 =	vbroadcast v0, $0x3;
	v13 =	vbroadcast v0, $0x4  }
0x86: {  	v33 =	vbroadcast v0, $0x5;
	v16 =	vbroadcast v0, $0x6  }
0x87: {  	v36 =	vbroadcast v0, $0x7;
	v18 =	vbroadcast v0, $0x8  }
0x88: {  	v42 =	vbroadcast v0, $0x9;
	v46 =	vbroadcast v0, $0xA  }
0x89: {  	v29 =	vsel vm0, v2, v3;
	v50 =	vbroadcast v0, $0xB;
	v52 =	vbroadcast v0, $0xC  }
0x8a: {  	v3 =	vbroadcast v29, $0x0;
	v5 =	vbroadcast v29, $0x1  }
0x8b: {  	v10 =	vbroadcast v29, $0x2;
	v12 =	vbroadcast v29, $0x3  }
0x8c: {  	v14 =	vbroadcast v29, $0x4;
	v15 =	vbroadcast v29, $0x5  }
0x8d: {  	v17 =	vbroadcast v29, $0x6;
	v37 =	vbroadcast v29, $0x7  }
0x8e: {  	v19 =	vbroadcast v29, $0x8;
	v43 =	vbroadcast v29, $0x9  }
0x8f: {  	v47 =	vbroadcast v29, $0xA;
	v51 =	vbroadcast v29, $0xB  }
0x90: {  	v53 =	vbroadcast v29, $0xC;
	v57 =	vbroadcast v29, $0xD  }
0x91: {  	v1 =	vbroadcast v29, $0xF;
	v2 =	vmul.f32 v30, v7  }
0x92: {  	v4 =	vmul.f32 v4, v7;
	v6 =	vmul.f32 v6, v7  }
0x93: {  	v11 =	vmul.f32 v11, v7;
	v31 =	vmul.f32 v13, v7  }
0x94: {  	v38 =	vmul.f32 v36, v7;
	v40 =	vmul.f32 v18, v7  }
0x95: {  	v3 =	vmul.f32 v3, v8;
	v5 =	vmul.f32 v5, v8  }
0x96: {  	v10 =	vmul.f32 v10, v8;
	v12 =	vmul.f32 v12, v8  }
0x97: {  	v32 =	vmul.f32 v14, v8;
	v34 =	vmul.f32 v15, v8  }
0x98: {  	v35 =	vmul.f32 v17, v8;
	v39 =	vmul.f32 v37, v8  }
0x99: {  	v41 =	vmul.f32 v19, v8;
	v15 =	vmul.f32 v46, v7  }
0x9a: {  	v49 =	vmul.f32 v47, v8;
	v2 =	vadd.f32 v3, v2;
	v4 =	vadd.f32 v5, v4  }
0x9b: {  	v55 =	vmul.f32 v51, v8;
	v6 =	vadd.f32 v10, v6;
	v11 =	vadd.f32 v12, v11  }
0x9c: {  	v56 =	vmul.f32 v53, v8;
	v3 =	vadd.f32 v32, v31;
	v12 =	vadd.f32 v39, v38  }
0x9d: {  	s31 =	sshll.u32 s21, $0xB;
	v5 =	vmul.f32 v33, v7;
	v13 =	vadd.f32 v41, v40;
	v2 =	vsub.f32 v2, v9  }
0x9e: {  	s21 =	sand.u32 $0x3FFFF800, s31;
	v10 =	vmul.f32 v16, v7;
	v15 =	vadd.f32 v49, v15;
	v4 =	vsub.f32 v4, v9  }
0x9f: {  	v6 =	vsub.f32 v6, v9;
	v54 =	vsub.f32 v11, v9;
	v11 =	vmul.f32 v50, v7;
	[tilespmem:s21+$0x10000] =	vst v2  }
0xa0: {  	v5 =	vadd.f32 v34, v5;
	v10 =	vadd.f32 v35, v10;
	[tilespmem:s21+$0x10080] =	vst v4;
	v4 =	vmul.f32 v52, v7  }
0xa1: {  	v3 =	vsub.f32 v3, v9;
	[tilespmem:s21+$0x10100] =	vst v6;
	v6 =	vadd.f32 v55, v11;
	v11 =	vbroadcast v0, $0xD  }
0xa2: {  	v14 =	vmul.f32 v42, v7;
	[tilespmem:s21+$0x10180] =	vst v54;
	v58 =	vadd.f32 v56, v4;
	v4 =	vsub.f32 v5, v9  }
0xa3: {  	[tilespmem:s21+$0x10200] =	vst v3;
	v59 =	vsub.f32 v10, v9;
	v10 =	vmul.f32 v57, v8;
	v5 =	vmul.f32 v11, v7  }
0xa4: {  	v48 =	vmul.f32 v43, v8;
	v11 =	vsub.f32 v13, v9;
	[tilespmem:s21+$0x10280] =	vst v4;
	v4 =	vsub.f32 v12, v9  }
0xa5: {  	[tilespmem:s21+$0x10300] =	vst v59;
	v60 =	vadd.f32 v10, v5;
	v5 =	vbroadcast v0, $0xE;
	v10 =	vbroadcast v29, $0xE  }
0xa6: {  	v14 =	vadd.f32 v48, v14;
	v0 =	vbroadcast v0, $0xF;
	[tilespmem:s21+$0x10400] =	vst v11;
	v11 =	vsub.f32 v15, v9  }
0xa7: {  	v2 =	vsub.f32 v58, v9;
	[tilespmem:s21+$0x10380] =	vst v4;
	v5 =	vmul.f32 v5, v7;
	v10 =	vmul.f32 v10, v8  }
0xa8: {  	v1 =	vmul.f32 v1, v8;
	v4 =	vsub.f32 v14, v9;
	v0 =	vmul.f32 v0, v7;
	[tilespmem:s21+$0x10500] =	vst v11  }
0xa9: {  	p1 =	por p0, p0;
	v61 =	vsub.f32 v60, v9;
	[tilespmem:s21+$0x10600] =	vst v2;
	v5 =	vadd.f32 v10, v5  }
.Ltmp1:
0xaa: {  	[tilespmem:s21+$0x10480] =	vst v4;
	v4 =	vsub.f32 v6, v9;
	v0 =	vadd.f32 v1, v0;
	(pc) =	sbr.rel @p1 .LBB2_4-.Ltmp1, $4  }
0xab: {  	[tilespmem:s21+$0x10680] =	vst v61;
	v63 =	vsub.f32 v5, v9  }
0xac: {  	[tilespmem:s21+$0x10580] =	vst v4;
	v0 =	vsub.f32 v0, v9  }
0xad: {  	[tilespmem:s21+$0x10700] =	vst v63  }
0xae: {  	p0 =	por $0x0, $0x0;
	[tilespmem:s21+$0x10780] =	vst v0;
	s21 =	simm.s32 $0x1  }
0xaf: {  	s21 =	simm.s32 $0x0;
	s22 =	simm.s32 $0x11000  }
0xb0: {  	s23 =	simm.s32 $0x80;
	s25 =	sadd.s32 $0x0, s10;
	s24 =	simm.s32 $0x11100  }
.LBB2_6:
0xb1: {  	[tilespmem:s22], [sflag:$0x1] =	stream.linear.gather [hbm4b:s25+s21], $0x80, $0x38;
	[tilespmem:$0x15D80] =	vst v63  }
0xb2: {  	s25 =	smov.u32 s23;
	s22 =	smov.u32 s24;
	p0 =	sne.s32 s23, $0xF80  }
.Ltmp2:
0xb3: {  	s23 =	sadd.s32 $0x80, s23;
	(pc) =	sbr.rel @p0 .LBB2_6-.Ltmp2, $2  }
0xb4: {  	_ =	sdelay $0x2  }
0xb5: {  	s24 =	sadd.s32 $0x100, s24;
	s25 =	sadd.s32 s25, s10  }
0xb6: {  	[tilespmem:s22], [sflag:$0x1] =	stream.linear.gather [hbm4b:s25+s21], $0x80, $0x38;
	[tilespmem:$0x15D80] =	vst v63  }
.LBB2_8:
0xb7: {  	s22 =	sshll.u32 s21, $0x1  }
0xb8: {  	s31 =	sshll.u32 s21, $0x5;
	s23 =	sadd.s32 s1, s22  }
0xb9: {  	s22 =	sand.u32 $0x60, s31;
	s24 =	sshll.u32 s23, $0x9  }
0xba: {  	s22 =	sadd.s32 s22, s2;
	s24 =	sand.u32 $0xFFFF000, s24  }
0xbb: {  	s22 =	sadd.s32 s24, s22  }
0xbc: {  	s25 =	simm.s32 $0x80;
	s22 =	sadd.s32 $0x10, s22  }
0xbd: {  	s26 =	simm.s32 $0x11180;
	s24 =	simm.s32 $0x11080;
	s28 =	sadd.s32 $0x0, s22  }
.LBB2_9:
0xbe: {  	[tilespmem:s24], [sflag:$0x2] =	stream.linear.gather [hbm4b:s28+s7], $0x80, $0x38;
	[tilespmem:$0x15D80] =	vst v63  }
0xbf: {  	s28 =	smov.u32 s25;
	s24 =	smov.u32 s26;
	p0 =	sne.s32 s25, $0xF80  }
.Ltmp3:
0xc0: {  	s25 =	sadd.s32 $0x80, s25;
	(pc) =	sbr.rel @p0 .LBB2_9-.Ltmp3, $2  }
0xc1: {  	_ =	sdelay $0x2  }
0xc2: {  	s26 =	sadd.s32 $0x100, s26;
	s28 =	sadd.s32 s28, s22  }
0xc3: {  	[tilespmem:s24], [sflag:$0x2] =	stream.linear.gather [hbm4b:s28+s7], $0x80, $0x38;
	[tilespmem:$0x15D80] =	vst v63  }
0xc4: {  	_ =	swait.ge [sflag:s17], $0x1000  }
0xc5: {  	s25 =	simm.s32 $0x0;
	s22 =	sshll.u32 s21, $0x8;
	[sflag:s17] =	ssyncset.done $0x0  }
0xc6: {  	s24 =	sand.u32 $0x60, s25;
	s25 =	sand.u32 $0x7C00, s25;
	[sflag:s17] =	ssyncadd.s32 $0xFFFFF000  }
0xc7: {  	s26 =	sor.u32 s24, s25;
	v0 =	vld [tilespmem:s22+$0x10000]  }
0xc8: {  	v1 =	vld [tilespmem:s26+$0x0]  }
0xc9: {  	v2 =	vld [tilespmem:s26+$0x80]  }
0xca: {  	v3 =	vld [tilespmem:s26+$0x100]  }
0xcb: {  	v4 =	vld [tilespmem:s26+$0x180]  }
0xcc: {  	v5 =	vld [tilespmem:s26+$0x200]  }
0xcd: {  	v6 =	vld [tilespmem:s26+$0x280]  }
0xce: {  	s28 =	sor.u32 $0x10, s24;
	v7 =	vld [tilespmem:s26+$0x300]  }
0xcf: {  	s15 =	sor.u32 s28, s25;
	v8 =	vld [tilespmem:s26+$0x380]  }
0xd0: {  	v9 =	vld [tilespmem:s15+$0x0]  }
0xd1: {  	v10 =	vld [tilespmem:s15+$0x80]  }
0xd2: {  	s29 =	sshrl.u32 s25, $0x2;
	v11 =	vld [tilespmem:s15+$0x100]  }
0xd3: {  	s29 =	sadd.s32 $0x11000, s29;
	v12 =	vld [tilespmem:s15+$0x180]  }
0xd4: {  	v13 =	vld [tilespmem:s15+$0x200];
	s31 =	sor.u32 s28, s29  }
0xd5: {  	v17 =	vld [tilespmem:s31+$0x0]  }
0xd6: {  	v14 =	vld [tilespmem:s15+$0x280]  }
0xd7: {  	s30 =	sor.u32 $0x8000, s25;
	v15 =	vld [tilespmem:s15+$0x300]  }
0xd8: {  	s6 =	sor.u32 $0x8100, s25;
	s0 =	sor.u32 s28, s30;
	v16 =	vld [tilespmem:s15+$0x380]  }
0xd9: {  	s4 =	sor.u32 s28, s6;
	s26 =	sor.u32 $0x8080, s25;
	v18 =	vld [tilespmem:s0+$0x0]  }
0xda: {  	s0 =	sor.u32 $0x8180, s25;
	v20 =	vld [tilespmem:s4+$0x0];
	s3 =	sor.u32 s28, s26;
	vm0 =	vgt.f32 v17, $0.0e+00  }
0xdb: {  	s4 =	sor.u32 $0x8280, s25;
	s5 =	sor.u32 s28, s0;
	v19 =	vld [tilespmem:s3+$0x0];
	v22 =	vsel vm0, $0x0, v45  }
0xdc: {  	s15 =	sor.u32 s28, s4;
	s3 =	sor.u32 $0x8200, s25;
	v21 =	vld [tilespmem:s5+$0x0];
	v24 =	vadd.f32 v22, v9;
	v25 =	vadd.f32 v22, v10  }
0xdd: {  	s5 =	sor.u32 $0x8300, s25;
	v23 =	vld [tilespmem:s15+$0x0];
	s13 =	sor.u32 s28, s3;
	v26 =	vadd.f32 v11, v22;
	v27 =	vadd.f32 v12, v22  }
0xde: {  	v50 =	vbroadcast v0, $0x5;
	v17 =	vld [tilespmem:s13+$0x0];
	s13 =	sor.u32 s28, s5;
	v28 =	vadd.f32 v13, v22;
	v29 =	vadd.f32 v14, v22  }
0xdf: {  	s29 =	sor.u32 s24, s29;
	s25 =	sor.u32 $0x8380, s25;
	v52 =	vbroadcast v0, $0x6;
	v9 =	vld [tilespmem:s13+$0x0];
	v30 =	vadd.f32 v15, v22;
	v31 =	vadd.f32 v16, v22  }
0xe0: {  	s28 =	sor.u32 s28, s25;
	v10 =	vld [tilespmem:s29+$0x0];
	v12 =	vbroadcast v0, $0x0;
	v32 =	vadd.f32 v18, v22;
	v33 =	vadd.f32 v19, v22  }
0xe1: {  	v11 =	vld [tilespmem:s28+$0x0];
	v13 =	vbroadcast v0, $0x1;
	v34 =	vadd.f32 v20, v22;
	v35 =	vadd.f32 v21, v22  }
0xe2: {  	s26 =	sor.u32 s24, s26;
	v23 =	vadd.f32 v23, v22;
	v14 =	vbroadcast v0, $0x7;
	v24 =	vsub.f32 v24, v12  }
0xe3: {  	s15 =	sor.u32 s24, s30;
	v63 =	vld [tilespmem:s26+$0x0];
	v15 =	vbroadcast v0, $0x8;
	v25 =	vsub.f32 v25, v13;
	v29 =	vsub.f32 v29, v50  }
0xe4: {  	s6 =	sor.u32 s24, s6;
	v61 =	vld [tilespmem:s15+$0x0];
	v30 =	vsub.f32 v30, v52;
	v31 =	vsub.f32 v31, v14  }
0xe5: {  	s0 =	sor.u32 s24, s0;
	v16 =	vld [tilespmem:s6+$0x0];
	v32 =	vsub.f32 v32, v15;
	v36 =	vadd.f32 v17, v22;
	vm1 =	vgt.f32 v10, $0.0e+00  }
0xe6: {  	v18 =	vld [tilespmem:s0+$0x0];
	s28 =	sor.u32 s24, s3;
	v37 =	vadd.f32 v9, v22;
	v38 =	vadd.f32 v11, v22;
	v17 =	vsel vm1, $0x0, v45  }
0xe7: {  	s29 =	sor.u32 s24, s4;
	v19 =	vld [tilespmem:s28+$0x0];
	v1 =	vadd.f32 v17, v1;
	v2 =	vadd.f32 v17, v2  }
0xe8: {  	v21 =	vbroadcast v0, $0xE;
	v20 =	vld [tilespmem:s29+$0x0];
	v40 =	vadd.f32 v3, v17;
	v42 =	vadd.f32 v4, v17  }
0xe9: {  	v9 =	vbroadcast v0, $0x2;
	v43 =	vadd.f32 v5, v17;
	v6 =	vadd.f32 v6, v17  }
0xea: {  	v10 =	vbroadcast v0, $0x3;
	v7 =	vadd.f32 v7, v17;
	v8 =	vadd.f32 v8, v17  }
0xeb: {  	v11 =	vbroadcast v0, $0x4;
	v44 =	vadd.f32 v61, v17;
	v45 =	vadd.f32 v63, v17  }
0xec: {  	v22 =	vbroadcast v0, $0xF;
	v46 =	vadd.f32 v16, v17;
	v56 =	vadd.f32 v18, v17  }
0xed: {  	v57 =	vadd.f32 v19, v17;
	v58 =	vadd.f32 v20, v17;
	v16 =	vbroadcast v0, $0x9  }
0xee: {  	v18 =	vbroadcast v0, $0xB;
	v26 =	vsub.f32 v26, v9;
	v61 =	vsub.f32 v27, v10  }
0xef: {  	v28 =	vsub.f32 v28, v11;
	v20 =	vbroadcast v0, $0xD;
	v41 =	vsub.f32 v37, v21  }
0xf0: {  	v19 =	vbroadcast v0, $0xC;
	v39 =	vsub.f32 v38, v22;
	v33 =	vsub.f32 v33, v16  }
0xf1: {  	v63 =	vmax.f32 v29, $0.0e+00;
	v35 =	vsub.f32 v35, v18;
	v47 =	vsub.f32 v23, v20  }
0xf2: {  	v38 =	vimm.f32 $0.0e+00;
	v5 =	vsub.f32 v1, v12;
	v48 =	vsub.f32 v42, v10  }
0xf3: {  	[tilespmem:$0x1FEE0] =	vst v50;
	v37 =	vimm.f32 $0.0e+00;
	v49 =	vsub.f32 v43, v11;
	v51 =	vsub.f32 v6, v50  }
0xf4: {  	s30 =	sor.u32 s24, s5;
	[tilespmem:$0x1FEF0] =	vst v52;
	v29 =	vimm.f32 $0.0e+00;
	v52 =	vsub.f32 v7, v52;
	v53 =	vsub.f32 v8, v14  }
0xf5: {  	s31 =	sor.u32 s24, s25;
	v3 =	vld [tilespmem:s30+$0x0];
	[tilespmem:$0x1FED0] =	vst v11;
	v11 =	vimm.f32 $0.0e+00;
	v55 =	vsub.f32 v44, v15;
	v54 =	vsub.f32 v45, v16  }
0xf6: {  	[tilespmem:$0x1FE90] =	vst v12;
	v4 =	vld [tilespmem:s31+$0x0];
	v8 =	vsel vm0, $0x3F800000, v62;
	v23 =	vsel vm1, $0x3F800000, v62;
	v45 =	vsub.f32 v57, v19  }
0xf7: {  	[tilespmem:$0x1FEA0] =	vst v13;
	v44 =	vsub.f32 v58, v20;
	v7 =	vmax.f32 v25, $0.0e+00;
	v1 =	vmax.f32 v26, $0.0e+00  }
0xf8: {  	[tilespmem:$0x1FF00] =	vst v14;
	v6 =	vmax.f32 v61, $0.0e+00;
	v62 =	vmax.f32 v28, $0.0e+00;
	v61 =	vmax.f32 v31, $0.0e+00  }
0xf9: {  	[tilespmem:$0x1FF60] =	vst v20;
	v31 =	vimm.f32 $0.0e+00;
	v28 =	vimm.f32 $0.0e+00;
	v20 =	vimm.f32 $0.0e+00  }
0xfa: {  	[tilespmem:$0x1FF10] =	vst v15;
	v58 =	vmax.f32 v33, $0.0e+00;
	v57 =	vmax.f32 v35, $0.0e+00;
	v33 =	vimm.f32 $0.0e+00  }
0xfb: {  	[tilespmem:$0x1FF70] =	vst v21;
	v35 =	vimm.f32 $0.0e+00;
	v59 =	vadd.f32 v3, v17;
	v60 =	vadd.f32 v4, v17  }
0xfc: {  	[tilespmem:$0x1FEB0] =	vst v9;
	v17 =	vbroadcast v0, $0xA;
	v0 =	vsub.f32 v36, v19;
	v3 =	vsub.f32 v2, v13  }
0xfd: {  	[tilespmem:$0x1FEC0] =	vst v10;
	v4 =	vsub.f32 v40, v9;
	v2 =	vmax.f32 v24, $0.0e+00;
	v40 =	vadd.f32 v23, v11  }
0xfe: {  	[tilespmem:$0x1FF50] =	vst v19;
	v36 =	vimm.f32 $0.0e+00;
	v19 =	vimm.f32 $0.0e+00;
	v34 =	vsub.f32 v34, v17  }
0xff: {  	[tilespmem:$0x1FF80] =	vst v22;
	v23 =	vimm.f32 $0.0e+00;
	v50 =	vsub.f32 v46, v17;
	v46 =	vsub.f32 v56, v18  }
0x100: {  	[tilespmem:$0x1FF20] =	vst v16;
	v43 =	vsub.f32 v59, v21;
	v42 =	vsub.f32 v60, v22;
	v60 =	vmax.f32 v30, $0.0e+00  }
0x101: {  	[tilespmem:$0x1FF40] =	vst v18;
	v59 =	vmax.f32 v32, $0.0e+00;
	v32 =	vimm.f32 $0.0e+00;
	v30 =	vimm.f32 $0.0e+00  }
0x102: {  	s25 =	simm.s32 $0x100;
	s24 =	simm.s32 $0x20;
	[tilespmem:$0x1FF30] =	vst v17;
	v22 =	vimm.f32 $0.0e+00;
	v56 =	vmax.f32 v34, $0.0e+00;
	v34 =	vimm.f32 $0.0e+00  }
.LBB2_11:
0x103: {  	v16 =	vld [tilespmem:$0x1FE90]  }
0x104: {  	s26 =	sand.u32 $0x60, s24;
	s28 =	sand.u32 $0x7C00, s25;
	v17 =	vld [tilespmem:$0x1FEA0]  }
0x105: {  	v18 =	vld [tilespmem:$0x1FEB0];
	s0 =	sor.u32 s26, s28  }
0x106: {  	v9 =	vmax.f32 v47, $0.0e+00;
	v4 =	vmax.f32 v4, $0.0e+00;
	v8 =	vadd.f32 v8, v40;
	v47 =	vld [tilespmem:s0+$0x0]  }
0x107: {  	v10 =	vmax.f32 v49, $0.0e+00;
	v4 =	vadd.f32 v4, v36;
	v49 =	vld [tilespmem:s0+$0x100]  }
0x108: {  	v3 =	vmax.f32 v3, $0.0e+00;
	v5 =	vmax.f32 v5, $0.0e+00;
	s3 =	sshrl.u32 s28, $0x2;
	[tilespmem:$0x1FE80] =	vst v8;
	v8 =	vmax.f32 v48, $0.0e+00;
	v48 =	vld [tilespmem:s0+$0x80]  }
0x109: {  	v3 =	vadd.f32 v3, v38;
	s29 =	sor.u32 $0x10, s26;
	s3 =	sadd.s32 $0x11000, s3;
	v36 =	vadd.f32 v1, v4;
	v4 =	vmax.f32 v53, $0.0e+00;
	v53 =	vld [tilespmem:s0+$0x280]  }
0x10a: {  	s5 =	sor.u32 s29, s3;
	s3 =	sor.u32 s26, s3;
	v5 =	vadd.f32 v5, v11;
	v11 =	vmax.f32 v51, $0.0e+00;
	v51 =	vld [tilespmem:s0+$0x180]  }
0x10b: {  	s15 =	sor.u32 s29, s28;
	v38 =	vadd.f32 v7, v3;
	v1 =	vadd.f32 v10, v32;
	v14 =	vld [tilespmem:s3+$0x0]  }
0x10c: {  	v8 =	vadd.f32 v8, v37;
	v3 =	vadd.f32 v11, v33;
	v11 =	vld [tilespmem:s15+$0x280]  }
0x10d: {  	v4 =	vadd.f32 v4, v35;
	v2 =	vadd.f32 v2, v5;
	v5 =	vmax.f32 v55, $0.0e+00;
	v55 =	vld [tilespmem:s0+$0x300]  }
0x10e: {  	v37 =	vadd.f32 v6, v8;
	v6 =	vmax.f32 v54, $0.0e+00;
	v54 =	vld [tilespmem:s0+$0x380]  }
0x10f: {  	v32 =	vadd.f32 v62, v1;
	v1 =	vmax.f32 v50, $0.0e+00;
	v35 =	vadd.f32 v61, v4;
	v8 =	vld [tilespmem:s15+$0x100]  }
0x110: {  	s4 =	sor.u32 $0x8000, s28;
	v1 =	vadd.f32 v1, v28;
	v61 =	vld [tilespmem:s15+$0x300];
	v33 =	vadd.f32 v63, v3  }
0x111: {  	s30 =	sor.u32 s29, s4;
	s4 =	sor.u32 s26, s4;
	v3 =	vadd.f32 v5, v30;
	v4 =	vadd.f32 v6, v31;
	v5 =	vmax.f32 v46, $0.0e+00;
	v6 =	vld [tilespmem:s15+$0x80]  }
0x112: {  	v46 =	vld [tilespmem:s4+$0x0];
	v5 =	vadd.f32 v5, v29  }
0x113: {  	s6 =	sor.u32 $0x8100, s28;
	v7 =	vmax.f32 v45, $0.0e+00;
	[tilespmem:$0x1FE70] =	vst v2;
	v2 =	vmax.f32 v52, $0.0e+00;
	v52 =	vld [tilespmem:s0+$0x200];
	v28 =	vadd.f32 v56, v1  }
0x114: {  	s4 =	sor.u32 s26, s6;
	v1 =	vld [tilespmem:s15+$0x200];
	v29 =	vadd.f32 v57, v5;
	v5 =	vadd.f32 v7, v19  }
0x115: {  	v0 =	vmax.f32 v0, $0.0e+00;
	v10 =	vmax.f32 v44, $0.0e+00;
	s0 =	sor.u32 $0x8080, s28;
	v24 =	vld [tilespmem:s4+$0x0];
	v30 =	vadd.f32 v59, v3  }
0x116: {  	v3 =	vld [tilespmem:s15+$0x180];
	s31 =	sor.u32 s29, s0;
	s0 =	sor.u32 s26, s0;
	v7 =	vadd.f32 v10, v20;
	v0 =	vadd.f32 v0, v5  }
0x117: {  	v12 =	vimm.f32 $-1.000000020e+30;
	v50 =	vld [tilespmem:s0+$0x0]  }
0x118: {  	v2 =	vadd.f32 v2, v34;
	v10 =	vmax.f32 v42, $0.0e+00;
	v19 =	vld [tilespmem:$0x1FED0];
	[tilespmem:$0x1FE40] =	vst v0;
	v0 =	vadd.f32 v9, v7  }
0x119: {  	v31 =	vadd.f32 v58, v4;
	v4 =	vmax.f32 v43, $0.0e+00;
	v20 =	vld [tilespmem:$0x1FEF0];
	v10 =	vadd.f32 v10, v22  }
0x11a: {  	v4 =	vadd.f32 v4, v23;
	v34 =	vadd.f32 v60, v2;
	v2 =	vld [tilespmem:s15+$0x0];
	[tilespmem:$0x1FE50] =	vst v0;
	v0 =	vmax.f32 v39, $0.0e+00  }
0x11b: {  	vm1 =	vgt.f32 v14, $0.0e+00;
	v23 =	vmax.f32 v41, $0.0e+00;
	v40 =	vadd.f32 v0, v10;
	v0 =	vld [tilespmem:s5+$0x0]  }
0x11c: {  	v26 =	vsel vm1, $0x0, v12;
	v5 =	vld [tilespmem:s15+$0x380];
	v4 =	vadd.f32 v23, v4  }
0x11d: {  	v45 =	vadd.f32 v26, v47;
	v56 =	vadd.f32 v24, v26;
	v24 =	vld [tilespmem:$0x1FF40]  }
0x11e: {  	v48 =	vadd.f32 v26, v48;
	v49 =	vadd.f32 v49, v26;
	[tilespmem:$0x1FE60] =	vst v4;
	v4 =	vld [tilespmem:s30+$0x0]  }
0x11f: {  	s13 =	sor.u32 s29, s6;
	v51 =	vadd.f32 v51, v26;
	v53 =	vadd.f32 v53, v26;
	s30 =	sor.u32 $0x8180, s28;
	v7 =	vld [tilespmem:s31+$0x0]  }
0x120: {  	v55 =	vadd.f32 v55, v26;
	v54 =	vadd.f32 v54, v26;
	s31 =	sor.u32 $0x8200, s28;
	v9 =	vld [tilespmem:s13+$0x0];
	s15 =	sor.u32 s29, s30;
	vm0 =	vgt.f32 v0, $0.0e+00  }
0x121: {  	v46 =	vadd.f32 v46, v26;
	v52 =	vadd.f32 v52, v26;
	s13 =	sor.u32 $0x8280, s28;
	v10 =	vld [tilespmem:s15+$0x0];
	s5 =	sor.u32 s29, s31;
	v62 =	vsel vm0, $0x0, v12  }
0x122: {  	v50 =	vadd.f32 v50, v26;
	s15 =	sor.u32 $0x8300, s28;
	v0 =	vld [tilespmem:s5+$0x0];
	s5 =	sor.u32 s29, s13;
	v2 =	vadd.f32 v62, v2  }
0x123: {  	s28 =	sor.u32 $0x8380, s28;
	v63 =	vld [tilespmem:s5+$0x0];
	s5 =	sor.u32 s29, s15;
	v6 =	vadd.f32 v62, v6;
	v8 =	vadd.f32 v8, v62  }
0x124: {  	s29 =	sor.u32 s29, s28;
	v13 =	vld [tilespmem:s5+$0x0];
	v3 =	vadd.f32 v3, v62;
	v1 =	vadd.f32 v1, v62  }
0x125: {  	s6 =	sor.u32 s26, s31;
	v11 =	vadd.f32 v11, v62;
	v15 =	vld [tilespmem:s29+$0x0];
	v41 =	vadd.f32 v61, v62  }
0x126: {  	v12 =	vld [tilespmem:s6+$0x0];
	v5 =	vadd.f32 v5, v62;
	v4 =	vadd.f32 v4, v62;
	s5 =	sor.u32 s26, s30  }
0x127: {  	v7 =	vadd.f32 v7, v62;
	v9 =	vadd.f32 v9, v62;
	s30 =	sor.u32 s26, s15;
	v25 =	vld [tilespmem:s5+$0x0]  }
0x128: {  	v10 =	vadd.f32 v10, v62;
	s29 =	sor.u32 s26, s13;
	v14 =	vld [tilespmem:s30+$0x0];
	v2 =	vsub.f32 v2, v16  }
0x129: {  	s31 =	sor.u32 s26, s28;
	v6 =	vsub.f32 v6, v17;
	v43 =	vadd.f32 v13, v62;
	v13 =	vld [tilespmem:s29+$0x0]  }
0x12a: {  	v60 =	vsub.f32 v8, v18;
	v39 =	vadd.f32 v15, v62;
	v15 =	vld [tilespmem:s31+$0x0]  }
0x12b: {  	v22 =	vld [tilespmem:$0x1FF10];
	v10 =	vsub.f32 v10, v24;
	v0 =	vadd.f32 v0, v62  }
0x12c: {  	v42 =	vadd.f32 v63, v62;
	v58 =	vadd.f32 v12, v26  }
0x12d: {  	v8 =	vld [tilespmem:$0x1FEC0];
	v63 =	vsub.f32 v1, v19;
	v12 =	vsub.f32 v41, v20  }
0x12e: {  	v27 =	vld [tilespmem:$0x1FF80];
	v44 =	vadd.f32 v25, v26;
	v59 =	vadd.f32 v14, v26  }
0x12f: {  	v61 =	vadd.f32 v13, v26;
	v57 =	vadd.f32 v15, v26;
	v26 =	vld [tilespmem:$0x1FF60]  }
0x130: {  	v1 =	vld [tilespmem:$0x1FEE0];
	v14 =	vsub.f32 v4, v22;
	v4 =	vsub.f32 v49, v18  }
0x131: {  	v23 =	vld [tilespmem:$0x1FF20];
	v49 =	vsub.f32 v52, v19;
	v52 =	vsub.f32 v55, v20  }
0x132: {  	v21 =	vld [tilespmem:$0x1FF00];
	v55 =	vsub.f32 v46, v22;
	v62 =	vsub.f32 v3, v8  }
0x133: {  	v25 =	vld [tilespmem:$0x1FF50];
	v39 =	vsub.f32 v39, v27;
	v3 =	vsub.f32 v48, v17  }
0x134: {  	v48 =	vsub.f32 v51, v8;
	v47 =	vsub.f32 v42, v26;
	v42 =	vld [tilespmem:$0x1FF70]  }
0x135: {  	v46 =	vsub.f32 v44, v24;
	v11 =	vsub.f32 v11, v1  }
0x136: {  	v2 =	vmax.f32 v2, $0.0e+00;
	v51 =	vsub.f32 v53, v1;
	v15 =	vsub.f32 v7, v23;
	v7 =	vld [tilespmem:$0x1FF30]  }
0x137: {  	v53 =	vsub.f32 v54, v21;
	v54 =	vsub.f32 v50, v23;
	v1 =	vimm.f32 $0.0e+00  }
0x138: {  	v13 =	vsub.f32 v5, v21;
	v5 =	vsub.f32 v45, v16;
	v8 =	vsel vm0, $0x3F800000, v1  }
0x139: {  	v24 =	vsel vm1, $0x3F800000, v1;
	v0 =	vsub.f32 v0, v25;
	v41 =	vsub.f32 v43, v42  }
0x13a: {  	p0 =	sne.s32 s25, $0x7F00;
	v1 =	vmax.f32 v60, $0.0e+00;
	v43 =	vsub.f32 v59, v42;
	v42 =	vsub.f32 v57, v27;
	v57 =	vld [tilespmem:$0x1FE80]  }
.Ltmp4:
0x13b: {  	v60 =	vmax.f32 v12, $0.0e+00;
	v45 =	vsub.f32 v58, v25;
	v9 =	vsub.f32 v9, v7;
	(pc) =	sbr.rel @p0 .LBB2_11-.Ltmp4, $4  }
0x13c: {  	v19 =	vld [tilespmem:$0x1FE40];
	v58 =	vmax.f32 v15, $0.0e+00;
	v50 =	vsub.f32 v56, v7;
	v44 =	vsub.f32 v61, v26  }
0x13d: {  	v20 =	vld [tilespmem:$0x1FE50];
	v7 =	vmax.f32 v6, $0.0e+00;
	v6 =	vmax.f32 v62, $0.0e+00;
	v62 =	vmax.f32 v63, $0.0e+00  }
0x13e: {  	v23 =	vld [tilespmem:$0x1FE60];
	v63 =	vmax.f32 v11, $0.0e+00;
	v61 =	vmax.f32 v13, $0.0e+00;
	v56 =	vmax.f32 v9, $0.0e+00  }
0x13f: {  	s24 =	sadd.s32 $0x20, s24;
	s25 =	sadd.s32 $0x100, s25;
	v22 =	vmovc v40;
	v11 =	vld [tilespmem:$0x1FE70];
	v59 =	vmax.f32 v14, $0.0e+00;
	v40 =	vadd.f32 v24, v57;
	v57 =	vmax.f32 v10, $0.0e+00  }
0x140: {  	v9 =	vmax.f32 v0, $0.0e+00;
	v10 =	vmax.f32 v47, $0.0e+00;
	v3 =	vmax.f32 v3, $0.0e+00  }
0x141: {  	v4 =	vmax.f32 v4, $0.0e+00;
	v12 =	vmax.f32 v51, $0.0e+00;
	v47 =	vmax.f32 v52, $0.0e+00  }
0x142: {  	v52 =	vmax.f32 v53, $0.0e+00;
	v53 =	vmax.f32 v55, $0.0e+00;
	v55 =	vmax.f32 v54, $0.0e+00  }
0x143: {  	v13 =	vmax.f32 v50, $0.0e+00;
	v14 =	vmax.f32 v46, $0.0e+00;
	v0 =	vadd.f32 v8, v40  }
0x144: {  	v15 =	vmax.f32 v45, $0.0e+00;
	v3 =	vadd.f32 v3, v38;
	v4 =	vadd.f32 v4, v36  }
0x145: {  	v16 =	vmax.f32 v44, $0.0e+00;
	v51 =	vadd.f32 v12, v33;
	v12 =	vadd.f32 v55, v31  }
0x146: {  	v38 =	vmax.f32 v48, $0.0e+00;
	v13 =	vadd.f32 v13, v28;
	v14 =	vadd.f32 v14, v29  }
0x147: {  	v40 =	vmax.f32 v49, $0.0e+00;
	v15 =	vadd.f32 v15, v19;
	v8 =	vadd.f32 v38, v37  }
0x148: {  	v28 =	vmax.f32 v42, $0.0e+00;
	v49 =	vadd.f32 v40, v32;
	v16 =	vadd.f32 v16, v20  }
0x149: {  	v31 =	vadd.f32 v28, v22;
	v3 =	vadd.f32 v7, v3  }
0x14a: {  	v1 =	vadd.f32 v1, v4;
	v7 =	vadd.f32 v63, v51  }
0x14b: {  	v27 =	vld [tilespmem:$0x1FF90];
	v18 =	vmax.f32 v43, $0.0e+00;
	v12 =	vadd.f32 v58, v12;
	v13 =	vadd.f32 v56, v13  }
0x14c: {  	v5 =	vmax.f32 v5, $0.0e+00;
	v14 =	vadd.f32 v57, v14;
	v29 =	vadd.f32 v18, v23  }
0x14d: {  	v9 =	vadd.f32 v9, v15;
	v5 =	vadd.f32 v5, v11  }
0x14e: {  	v33 =	vmax.f32 v41, $0.0e+00;
	v48 =	vadd.f32 v6, v8;
	v8 =	vadd.f32 v52, v35  }
0x14f: {  	v37 =	vmax.f32 v39, $0.0e+00;
	v6 =	vadd.f32 v62, v49;
	v11 =	vadd.f32 v53, v30  }
0x150: {  	v10 =	vadd.f32 v10, v16;
	v62 =	vperm.xlane v3, v27;
	v63 =	vperm.xlane v1, v27  }
0x151: {  	v18 =	vadd.f32 v37, v31;
	v45 =	vperm.xlane v7, v27;
	v57 =	vperm.xlane v12, v27  }
0x152: {  	v25 =	vld [tilespmem:$0x1FFA0];
	v19 =	vperm.xlane v13, v27;
	v2 =	vadd.f32 v2, v5;
	v5 =	vadd.f32 v47, v34  }
0x153: {  	v22 =	vperm.xlane v0, v27;
	v8 =	vadd.f32 v61, v8;
	v11 =	vadd.f32 v59, v11  }
0x154: {  	v30 =	vperm.xlane v48, v27;
	v3 =	vadd.f32 v62, v3;
	v1 =	vadd.f32 v63, v1  }
0x155: {  	v41 =	vperm.xlane v6, v27;
	v7 =	vadd.f32 v45, v7;
	v0 =	vadd.f32 v22, v0  }
0x156: {  	v5 =	vadd.f32 v60, v5;
	v17 =	vperm.xlane v2, v27;
	v55 =	vperm.xlane v8, v27  }
0x157: {  	v4 =	vadd.f32 v30, v48;
	v56 =	vperm.xlane v11, v27;
	v32 =	vperm.xlane v3, v25  }
0x158: {  	v6 =	vadd.f32 v41, v6;
	v34 =	vperm.xlane v1, v25;
	v51 =	vperm.xlane v7, v25  }
0x159: {  	v23 =	vld [tilespmem:$0x1FFB0];
	v31 =	vperm.xlane v0, v25;
	v2 =	vadd.f32 v17, v2;
	v36 =	vperm.xlane v4, v25  }
0x15a: {  	v17 =	vadd.f32 v33, v29;
	v46 =	vperm.xlane v6, v25;
	v47 =	vperm.xlane v5, v27  }
0x15b: {  	v33 =	vperm.xlane v14, v27;
	v3 =	vadd.f32 v32, v3;
	v1 =	vadd.f32 v34, v1  }
0x15c: {  	v54 =	vadd.f32 v51, v7;
	v0 =	vadd.f32 v31, v0;
	v21 =	vperm.xlane v2, v25  }
0x15d: {  	v4 =	vadd.f32 v36, v4;
	v6 =	vadd.f32 v46, v6;
	v36 =	vperm.xlane v9, v27  }
0x15e: {  	v5 =	vadd.f32 v47, v5;
	v38 =	vperm.xlane v3, v23;
	v39 =	vperm.xlane v1, v23  }
0x15f: {  	v7 =	vperm.xlane v54, v23;
	v37 =	vperm.xlane v0, v23;
	v2 =	vadd.f32 v21, v2;
	v21 =	vld [tilespmem:$0x1FFC0]  }
0x160: {  	v26 =	vadd.f32 v19, v13;
	v42 =	vperm.xlane v4, v23;
	v53 =	vperm.xlane v5, v25  }
0x161: {  	v52 =	vperm.xlane v6, v23;
	v3 =	vadd.f32 v38, v3;
	v1 =	vadd.f32 v39, v1  }
0x162: {  	v39 =	vperm.xlane v10, v27;
	v0 =	vadd.f32 v37, v0;
	v5 =	vadd.f32 v53, v5  }
0x163: {  	v35 =	vperm.xlane v2, v23;
	v4 =	vadd.f32 v42, v4;
	v42 =	vperm.xlane v18, v27  }
0x164: {  	v41 =	vadd.f32 v39, v10;
	v59 =	vperm.xlane v5, v23;
	v43 =	vperm.xlane v3, v21  }
0x165: {  	v49 =	vld [tilespmem:$0x1FFD0];
	v2 =	vadd.f32 v35, v2;
	v44 =	vperm.xlane v1, v21;
	v48 =	vperm.xlane v4, v21  }
0x166: {  	v46 =	vperm.xlane v41, v25;
	v5 =	vadd.f32 v59, v5;
	v3 =	vadd.f32 v43, v3  }
0x167: {  	v40 =	vperm.xlane v2, v21;
	v1 =	vadd.f32 v44, v1;
	v50 =	vadd.f32 v48, v4  }
0x168: {  	v4 =	vadd.f32 v55, v8;
	v8 =	vadd.f32 v57, v12;
	v44 =	vperm.xlane v0, v21  }
0x169: {  	v2 =	vadd.f32 v40, v2;
	v63 =	vperm.xlane v5, v21;
	v40 =	vperm.xlane v17, v27  }
0x16a: {  	vm0 =	vnez.u8 v49;
	v60 =	vperm.xlane v4, v25;
	v62 =	vperm.xlane v8, v25  }
0x16b: {  	v0 =	vadd.f32 v44, v0;
	v2 =	vsel vm0, v2, v3;
	v3 =	vadd.f32 v7, v54  }
0x16c: {  	v1 =	vsel vm2, v2, v1;
	v2 =	vadd.f32 v52, v6;
	v4 =	vadd.f32 v60, v4  }
0x16d: {  	v6 =	vadd.f32 v56, v11;
	v7 =	vadd.f32 v62, v8;
	v8 =	vperm.xlane v26, v25  }
0x16e: {  	v1 =	vsel vm3, v1, v50;
	v61 =	vperm.xlane v3, v21;
	v15 =	vperm.xlane v4, v23  }
0x16f: {  	v50 =	vmax.f32 v0, $1.000000000e+00;
	v58 =	vperm.xlane v2, v21;
	v11 =	vperm.xlane v6, v25  }
0x170: {  	v20 =	vperm.xlane v7, v23;
	v32 =	vadd.f32 v8, v26;
	v4 =	vadd.f32 v15, v4  }
0x171: {  	v8 =	vadd.f32 v40, v17;
	(erf) = vrcp.f32 v50;
	v2 =	vadd.f32 v58, v2  }
0x172: {  	v3 =	vadd.f32 v61, v3;
	v6 =	vadd.f32 v11, v6;
	v28 =	vperm.xlane v4, v21  }
0x173: {  	v7 =	vadd.f32 v20, v7;
	v1 =	vsel vm4, v1, v2;
	v2 =	vadd.f32 v63, v5  }
0x174: {  	v16 =	vperm.xlane v6, v23;
	v1 =	vsel vm5, v1, v3;
	v4 =	vadd.f32 v28, v4  }
0x175: {  	v30 =	vperm.xlane v7, v21;
	v5 =	vadd.f32 v33, v14;
	v1 =	vsel vm6, v1, v2  }
0x176: {  	v24 =	vadd.f32 v16, v6;
	v1 =	vsel vm7, v1, v4;
	v4 =	vadd.f32 v36, v9  }
0x177: {  	v47 =	vperm.xlane v8, v25;
	v34 =	vadd.f32 v30, v7;
	v38 =	vperm.xlane v5, v25  }
0x178: {  	v6 =	vadd.f32 v42, v18;
	v29 =	vperm.xlane v24, v21;
	v43 =	vperm.xlane v4, v25  }
0x179: {  	v35 =	vperm.xlane v32, v23;
	v7 =	vadd.f32 v47, v8;
	v3 =	vadd.f32 v38, v5  }
0x17a: {  	v48 =	vperm.xlane v6, v25;
	v2 =	vadd.f32 v29, v24;
	v4 =	vadd.f32 v43, v4  }
0x17b: {  	v5 =	vadd.f32 v46, v41;
	v52 =	vperm.xlane v7, v23;
	v45 =	vperm.xlane v3, v23  }
0x17c: {  	v1 =	vsel vm8, v1, v2;
	v2 =	vadd.f32 v35, v32;
	v49 =	vperm.xlane v4, v23  }
0x17d: {  	v11 =	vperm.xlane v5, v23;
	v6 =	vadd.f32 v48, v6;
	v3 =	vadd.f32 v45, v3  }
0x17e: {  	v7 =	vadd.f32 v52, v7;
	v51 =	vperm.xlane v2, v21;
	v4 =	vadd.f32 v49, v4  }
0x17f: {  	v5 =	vadd.f32 v11, v5;
	v54 =	vperm.xlane v6, v23;
	v53 =	vperm.xlane v3, v21  }
0x180: {  	v1 =	vsel vm9, v1, v34;
	v2 =	vadd.f32 v51, v2;
	v55 =	vperm.xlane v4, v21  }
0x181: {  	v56 =	vperm.xlane v5, v21;
	v6 =	vadd.f32 v54, v6;
	v3 =	vadd.f32 v53, v3  }
0x182: {  	v58 =	vperm.xlane v7, v21;
	v1 =	vsel vm10, v1, v2;
	v57 =	vadd.f32 v55, v4  }
0x183: {  	v59 =	vadd.f32 v56, v5;
	v60 =	vperm.xlane v6, v21;
	v1 =	vsel vm11, v1, v3  }
0x184: {  	v61 =	vadd.f32 v58, v7;
	v1 =	vsel vm12, v1, v57  }
0x185: {  	p0 =	seq.s32 s21, $0xB;
	v62 =	vadd.f32 v60, v6;
	v1 =	vsel vm13, v1, v59  }
.Ltmp5:
0x186: {  	vm0 =	vgt.f32 v0, $0.0e+00;
	v63 =	vpop (erf);
	v1 =	vsel vm14, v1, v61;
	(pc) =	sbr.rel @p0 .LBB2_16-.Ltmp5, $3  }
0x187: {  	v0 =	vnsel vm0, $0x0, v63;
	v1 =	vsel vm15, v1, v62  }
0x188: {  	v0 =	vmul.f32 v0, v1;
	_ =	sdelay $0x1  }
0x189: {  	v37 =	vimm.f32 $-1.000000020e+30;
	v62 =	vimm.f32 $0.0e+00;
	[tilespmem:s22+$0x13000] =	vst v0  }
0x18a: {  	s0 =	sadd.s32 $0x2, s23  }
0x18b: {  	s3 =	sshll.u32 s0, $0x4  }
0x18c: {  	s0 =	sshll.u32 s0, $0x9;
	s3 =	sand.u32 $0x60, s3  }
0x18d: {  	s0 =	sand.u32 $0xFFFF000, s0;
	s3 =	sadd.s32 s2, s3  }
0x18e: {  	s24 =	simm.s32 $0x11000;
	s23 =	sadd.s32 s0, s3  }
0x18f: {  	s25 =	simm.s32 $0x80;
	s26 =	simm.s32 $0x11100;
	s28 =	sadd.s32 $0x0, s23  }
.LBB2_14:
0x190: {  	[tilespmem:s24], [sflag:$0x1] =	stream.linear.gather [hbm4b:s28+s7], $0x80, $0x38;
	[tilespmem:$0x15D80] =	vst v63  }
0x191: {  	s0 =	smov.u32 s25;
	s24 =	smov.u32 s26;
	p0 =	sne.s32 s25, $0xF80  }
.Ltmp6:
0x192: {  	s25 =	sadd.s32 $0x80, s25;
	(pc) =	sbr.rel @p0 .LBB2_14-.Ltmp6, $2  }
0x193: {  	_ =	sdelay $0x2  }
0x194: {  	s26 =	sadd.s32 $0x100, s26;
	s28 =	sadd.s32 s0, s23  }
0x195: {  	[tilespmem:s24], [sflag:$0x1] =	stream.linear.gather [hbm4b:s28+s7], $0x80, $0x38;
	[tilespmem:$0x15D80] =	vst v63  }
.LBB2_16:
0x196: {  	_ =	swait.ge [sflag:s18], $0x1000  }
0x197: {  	s0 =	simm.s32 $0x0;
	[sflag:s18] =	ssyncset.done $0x0  }
0x198: {  	s23 =	sand.u32 $0x60, s0;
	s0 =	sand.u32 $0x7C00, s0;
	[sflag:s18] =	ssyncadd.s32 $0xFFFFF000  }
0x199: {  	s3 =	sor.u32 s23, s0;
	v0 =	vld [tilespmem:s22+$0x10080]  }
0x19a: {  	v1 =	vld [tilespmem:s3+$0x0]  }
0x19b: {  	v2 =	vld [tilespmem:s3+$0x80]  }
0x19c: {  	v3 =	vld [tilespmem:s3+$0x100]  }
0x19d: {  	v4 =	vld [tilespmem:s3+$0x180]  }
0x19e: {  	v5 =	vld [tilespmem:s3+$0x200]  }
0x19f: {  	v6 =	vld [tilespmem:s3+$0x280]  }
0x1a0: {  	s4 =	sor.u32 $0x10, s23;
	v7 =	vld [tilespmem:s3+$0x300]  }
0x1a1: {  	v8 =	vld [tilespmem:s3+$0x380];
	s15 =	sor.u32 s4, s0  }
0x1a2: {  	v9 =	vld [tilespmem:s15+$0x0]  }
0x1a3: {  	v10 =	vld [tilespmem:s15+$0x80]  }
0x1a4: {  	v11 =	vld [tilespmem:s15+$0x100]  }
0x1a5: {  	s5 =	sshrl.u32 s0, $0x2;
	v12 =	vld [tilespmem:s15+$0x180]  }
0x1a6: {  	s5 =	sadd.s32 $0x11000, s5;
	v13 =	vld [tilespmem:s15+$0x200]  }
0x1a7: {  	v14 =	vld [tilespmem:s15+$0x280];
	s13 =	sor.u32 s4, s5  }
0x1a8: {  	v17 =	vld [tilespmem:s13+$0x80]  }
0x1a9: {  	s6 =	sor.u32 $0x8000, s0;
	v15 =	vld [tilespmem:s15+$0x300]  }
0x1aa: {  	s3 =	sor.u32 $0x8080, s0;
	s24 =	sor.u32 s4, s6;
	v16 =	vld [tilespmem:s15+$0x380]  }
0x1ab: {  	s15 =	sor.u32 $0x8100, s0;
	v18 =	vld [tilespmem:s24+$0x0];
	s25 =	sor.u32 s4, s3  }
0x1ac: {  	s24 =	sor.u32 $0x8180, s0;
	v19 =	vld [tilespmem:s25+$0x0];
	s26 =	sor.u32 s4, s15  }
0x1ad: {  	s28 =	sor.u32 s4, s24;
	v20 =	vld [tilespmem:s26+$0x0];
	s26 =	sor.u32 $0x8280, s0;
	vm0 =	vgt.f32 v17, $0.0e+00  }
0x1ae: {  	s25 =	sor.u32 $0x8200, s0;
	v21 =	vld [tilespmem:s28+$0x0];
	s30 =	sor.u32 s4, s26;
	v22 =	vsel vm0, $0x0, v37  }
0x1af: {  	s29 =	sor.u32 s4, s25;
	s28 =	sor.u32 $0x8300, s0;
	v23 =	vld [tilespmem:s30+$0x0];
	v24 =	vadd.f32 v22, v9;
	v25 =	vadd.f32 v22, v10  }
0x1b0: {  	s31 =	sor.u32 s4, s28;
	v17 =	vld [tilespmem:s29+$0x0];
	v26 =	vadd.f32 v11, v22;
	v27 =	vadd.f32 v12, v22  }
0x1b1: {  	s5 =	sor.u32 s23, s5;
	s0 =	sor.u32 $0x8380, s0;
	v9 =	vld [tilespmem:s31+$0x0];
	v28 =	vadd.f32 v13, v22;
	v29 =	vadd.f32 v14, v22  }
0x1b2: {  	s4 =	sor.u32 s4, s0;
	v50 =	vbroadcast v0, $0x5;
	v10 =	vld [tilespmem:s5+$0x80];
	v30 =	vadd.f32 v15, v22;
	v31 =	vadd.f32 v16, v22  }
0x1b3: {  	v11 =	vld [tilespmem:s4+$0x0];
	v12 =	vbroadcast v0, $0x0;
	v32 =	vadd.f32 v18, v22;
	v33 =	vadd.f32 v19, v22  }
0x1b4: {  	s13 =	sor.u32 s23, s6;
	v13 =	vbroadcast v0, $0x1;
	v34 =	vadd.f32 v20, v22;
	v35 =	vadd.f32 v21, v22  }
0x1b5: {  	s3 =	sor.u32 s23, s3;
	v52 =	vbroadcast v0, $0x6;
	v14 =	vld [tilespmem:s13+$0x0];
	v23 =	vadd.f32 v23, v22;
	v24 =	vsub.f32 v24, v12  }
0x1b6: {  	s15 =	sor.u32 s23, s15;
	v15 =	vld [tilespmem:s3+$0x0];
	v25 =	vsub.f32 v25, v13;
	v29 =	vsub.f32 v29, v50  }
0x1b7: {  	s24 =	sor.u32 s23, s24;
	v16 =	vld [tilespmem:s15+$0x0];
	v30 =	vsub.f32 v30, v52;
	v36 =	vadd.f32 v17, v22;
	vm1 =	vgt.f32 v10, $0.0e+00  }
0x1b8: {  	s29 =	sor.u32 s23, s25;
	v18 =	vld [tilespmem:s24+$0x0];
	v38 =	vadd.f32 v11, v22;
	v17 =	vsel vm1, $0x0, v37;
	v37 =	vadd.f32 v9, v22  }
0x1b9: {  	s30 =	sor.u32 s23, s26;
	v19 =	vld [tilespmem:s29+$0x0];
	v21 =	vbroadcast v0, $0xE;
	v1 =	vadd.f32 v17, v1;
	v2 =	vadd.f32 v17, v2  }
0x1ba: {  	v20 =	vld [tilespmem:s30+$0x0];
	v10 =	vbroadcast v0, $0x3;
	v40 =	vadd.f32 v3, v17;
	v42 =	vadd.f32 v4, v17  }
0x1bb: {  	v11 =	vbroadcast v0, $0x4;
	v43 =	vadd.f32 v5, v17;
	v6 =	vadd.f32 v6, v17  }
0x1bc: {  	v9 =	vbroadcast v0, $0x2;
	v7 =	vadd.f32 v7, v17;
	v8 =	vadd.f32 v8, v17  }
0x1bd: {  	v22 =	vbroadcast v0, $0xF;
	v44 =	vadd.f32 v14, v17;
	v45 =	vadd.f32 v15, v17  }
0x1be: {  	v14 =	vbroadcast v0, $0x7;
	v46 =	vadd.f32 v16, v17;
	v56 =	vadd.f32 v18, v17  }
0x1bf: {  	v15 =	vbroadcast v0, $0x8;
	v57 =	vadd.f32 v19, v17;
	v58 =	vadd.f32 v20, v17  }
0x1c0: {  	v16 =	vbroadcast v0, $0x9;
	v27 =	vsub.f32 v27, v10;
	v28 =	vsub.f32 v28, v11  }
0x1c1: {  	v18 =	vbroadcast v0, $0xB;
	v61 =	vsub.f32 v26, v9;
	v41 =	vsub.f32 v37, v21  }
0x1c2: {  	v19 =	vbroadcast v0, $0xC;
	v39 =	vsub.f32 v38, v22;
	v31 =	vsub.f32 v31, v14  }
0x1c3: {  	v63 =	vmax.f32 v29, $0.0e+00;
	v32 =	vsub.f32 v32, v15;
	v33 =	vsub.f32 v33, v16  }
0x1c4: {  	v29 =	vimm.f32 $0.0e+00;
	v35 =	vsub.f32 v35, v18;
	v47 =	vsub.f32 v36, v19  }
0x1c5: {  	v20 =	vbroadcast v0, $0xD;
	v5 =	vsub.f32 v1, v12;
	v48 =	vsub.f32 v42, v10  }
0x1c6: {  	[tilespmem:$0x1FD90] =	vst v50;
	v38 =	vimm.f32 $0.0e+00;
	v49 =	vsub.f32 v43, v11;
	v51 =	vsub.f32 v6, v50  }
0x1c7: {  	[tilespmem:$0x1FDA0] =	vst v52;
	s31 =	sor.u32 s23, s28;
	v37 =	vimm.f32 $0.0e+00;
	v52 =	vsub.f32 v7, v52;
	v54 =	vsub.f32 v8, v14  }
0x1c8: {  	s0 =	sor.u32 s23, s0;
	v3 =	vld [tilespmem:s31+$0x0];
	[tilespmem:$0x1FD80] =	vst v11;
	v11 =	vimm.f32 $0.0e+00;
	v55 =	vsub.f32 v44, v15;
	v53 =	vsub.f32 v45, v16  }
0x1c9: {  	[tilespmem:$0x1FD40] =	vst v12;
	v4 =	vld [tilespmem:s0+$0x0];
	v8 =	vsel vm0, $0x3F800000, v62;
	v45 =	vsub.f32 v57, v19;
	v44 =	vsub.f32 v58, v20  }
0x1ca: {  	[tilespmem:$0x1FDC0] =	vst v15;
	v7 =	vmax.f32 v25, $0.0e+00;
	v1 =	vmax.f32 v27, $0.0e+00;
	v36 =	vimm.f32 $0.0e+00  }
0x1cb: {  	[tilespmem:$0x1FE00] =	vst v19;
	v15 =	vimm.f32 $0.0e+00;
	v19 =	vimm.f32 $0.0e+00;
	v6 =	vmax.f32 v61, $0.0e+00  }
0x1cc: {  	[tilespmem:$0x1FD50] =	vst v13;
	v61 =	vmax.f32 v31, $0.0e+00;
	v58 =	vmax.f32 v33, $0.0e+00;
	v57 =	vmax.f32 v35, $0.0e+00  }
0x1cd: {  	[tilespmem:$0x1FE20] =	vst v21;
	v33 =	vimm.f32 $0.0e+00;
	v35 =	vimm.f32 $0.0e+00;
	v59 =	vadd.f32 v3, v17  }
0x1ce: {  	[tilespmem:$0x1FD70] =	vst v10;
	v60 =	vadd.f32 v4, v17;
	v17 =	vbroadcast v0, $0xA;
	v0 =	vsub.f32 v23, v20  }
0x1cf: {  	[tilespmem:$0x1FD60] =	vst v9;
	v31 =	vimm.f32 $0.0e+00;
	v3 =	vsub.f32 v2, v13;
	v4 =	vsub.f32 v40, v9  }
0x1d0: {  	[tilespmem:$0x1FE30] =	vst v22;
	v23 =	vsel vm1, $0x3F800000, v62;
	v2 =	vmax.f32 v24, $0.0e+00;
	v62 =	vmax.f32 v28, $0.0e+00  }
0x1d1: {  	[tilespmem:$0x1FE10] =	vst v20;
	v20 =	vimm.f32 $0.0e+00;
	v40 =	vadd.f32 v23, v11;
	v34 =	vsub.f32 v34, v17  }
0x1d2: {  	[tilespmem:$0x1FDB0] =	vst v14;
	v28 =	vimm.f32 $0.0e+00;
	v50 =	vsub.f32 v46, v17;
	v46 =	vsub.f32 v56, v18  }
0x1d3: {  	[tilespmem:$0x1FDD0] =	vst v16;
	v23 =	vimm.f32 $0.0e+00;
	v43 =	vsub.f32 v59, v21;
	v42 =	vsub.f32 v60, v22  }
0x1d4: {  	[tilespmem:$0x1FDF0] =	vst v18;
	v60 =	vmax.f32 v30, $0.0e+00;
	v59 =	vmax.f32 v32, $0.0e+00;
	v32 =	vimm.f32 $0.0e+00  }
0x1d5: {  	s22 =	sor.u32 $0x80, s22;
	s23 =	simm.s32 $0x20;
	s24 =	simm.s32 $0x100;
	[tilespmem:$0x1FDE0] =	vst v17;
	v30 =	vimm.f32 $0.0e+00;
	v56 =	vmax.f32 v34, $0.0e+00;
	v34 =	vimm.f32 $0.0e+00  }
.LBB2_17:
0x1d6: {  	v16 =	vld [tilespmem:$0x1FD40]  }
0x1d7: {  	v17 =	vld [tilespmem:$0x1FD50]  }
0x1d8: {  	s25 =	sand.u32 $0x60, s23;
	s26 =	sand.u32 $0x7C00, s24;
	v18 =	vld [tilespmem:$0x1FD60]  }
0x1d9: {  	v21 =	vld [tilespmem:$0x1FDB0];
	s0 =	sor.u32 s25, s26  }
0x1da: {  	v9 =	vmax.f32 v47, $0.0e+00;
	v4 =	vmax.f32 v4, $0.0e+00;
	v47 =	vld [tilespmem:s0+$0x0]  }
0x1db: {  	v3 =	vmax.f32 v3, $0.0e+00;
	v8 =	vadd.f32 v8, v40;
	v4 =	vadd.f32 v4, v36;
	v24 =	vld [tilespmem:s0+$0x80]  }
0x1dc: {  	v10 =	vmax.f32 v49, $0.0e+00;
	v5 =	vmax.f32 v5, $0.0e+00;
	v3 =	vadd.f32 v3, v38;
	v49 =	vld [tilespmem:s0+$0x100]  }
0x1dd: {  	s28 =	sor.u32 $0x10, s25;
	[tilespmem:$0x1FD30] =	vst v8;
	v8 =	vmax.f32 v48, $0.0e+00;
	v36 =	vadd.f32 v6, v4;
	v4 =	vmax.f32 v54, $0.0e+00;
	v54 =	vld [tilespmem:s0+$0x280]  }
0x1de: {  	s6 =	sor.u32 s28, s26;
	v38 =	vadd.f32 v7, v3;
	v6 =	vmax.f32 v53, $0.0e+00;
	v53 =	vld [tilespmem:s0+$0x380];
	v5 =	vadd.f32 v5, v11  }
0x1df: {  	v25 =	vld [tilespmem:s6+$0x300];
	v8 =	vadd.f32 v8, v37;
	v11 =	vmax.f32 v51, $0.0e+00;
	v4 =	vadd.f32 v4, v35  }
0x1e0: {  	v51 =	vld [tilespmem:s0+$0x180];
	v3 =	vadd.f32 v11, v33;
	v2 =	vadd.f32 v2, v5  }
0x1e1: {  	v11 =	vld [tilespmem:s6+$0x280];
	v37 =	vadd.f32 v1, v8;
	v1 =	vadd.f32 v10, v32  }
0x1e2: {  	v5 =	vmax.f32 v55, $0.0e+00;
	v55 =	vld [tilespmem:s0+$0x300];
	v35 =	vadd.f32 v61, v4;
	v4 =	vadd.f32 v6, v31  }
0x1e3: {  	s4 =	sor.u32 $0x8000, s26;
	v6 =	vld [tilespmem:s6+$0x80];
	v33 =	vadd.f32 v63, v3;
	v3 =	vadd.f32 v5, v30  }
0x1e4: {  	s3 =	sshrl.u32 s26, $0x2;
	s13 =	sor.u32 s28, s4;
	s4 =	sor.u32 s25, s4;
	v8 =	vld [tilespmem:s6+$0x100];
	v5 =	vmax.f32 v46, $0.0e+00;
	[tilespmem:$0x1FD10] =	vst v2;
	v2 =	vmax.f32 v52, $0.0e+00;
	v32 =	vadd.f32 v62, v1  }
0x1e5: {  	s3 =	sadd.s32 $0x11000, s3;
	v46 =	vld [tilespmem:s4+$0x0];
	v1 =	vmax.f32 v50, $0.0e+00;
	v5 =	vadd.f32 v5, v29;
	v31 =	vadd.f32 v58, v4  }
0x1e6: {  	s5 =	sor.u32 s28, s3;
	s3 =	sor.u32 s25, s3;
	v52 =	vld [tilespmem:s0+$0x200];
	v4 =	vmax.f32 v43, $0.0e+00;
	v2 =	vadd.f32 v2, v34;
	v1 =	vadd.f32 v1, v15  }
0x1e7: {  	v7 =	vmax.f32 v45, $0.0e+00;
	s0 =	sor.u32 $0x8080, s26;
	v62 =	vld [tilespmem:s3+$0x80];
	v30 =	vadd.f32 v59, v3;
	v4 =	vadd.f32 v4, v23  }
0x1e8: {  	v10 =	vmax.f32 v44, $0.0e+00;
	v3 =	vld [tilespmem:s6+$0x180];
	s15 =	sor.u32 s28, s0;
	s0 =	sor.u32 s25, s0;
	v29 =	vadd.f32 v57, v5;
	v5 =	vadd.f32 v7, v19  }
0x1e9: {  	v0 =	vmax.f32 v0, $0.0e+00;
	v7 =	vadd.f32 v10, v20;
	v50 =	vld [tilespmem:s0+$0x0];
	v1 =	vadd.f32 v56, v1  }
0x1ea: {  	v23 =	vmax.f32 v41, $0.0e+00;
	v34 =	vadd.f32 v60, v2;
	v2 =	vld [tilespmem:s6+$0x0];
	v5 =	vadd.f32 v9, v5  }
0x1eb: {  	v10 =	vmax.f32 v42, $0.0e+00;
	v40 =	vadd.f32 v23, v4;
	v4 =	vld [tilespmem:s13+$0x0];
	v0 =	vadd.f32 v0, v7;
	[tilespmem:$0x1FD20] =	vst v1  }
0x1ec: {  	v10 =	vadd.f32 v10, v28;
	v1 =	vld [tilespmem:s6+$0x200];
	[tilespmem:$0x1FCF0] =	vst v5  }
0x1ed: {  	v12 =	vimm.f32 $-1.000000020e+30;
	s13 =	sor.u32 $0x8180, s26;
	vm1 =	vgt.f32 v62, $0.0e+00;
	[tilespmem:$0x1FD00] =	vst v0;
	v0 =	vmax.f32 v39, $0.0e+00;
	v5 =	vld [tilespmem:s6+$0x380]  }
0x1ee: {  	s30 =	sor.u32 s28, s13;
	s13 =	sor.u32 s25, s13;
	s6 =	sor.u32 $0x8100, s26;
	v57 =	vsel vm1, $0x0, v12;
	v28 =	vadd.f32 v0, v10;
	v0 =	vld [tilespmem:s5+$0x80]  }
0x1ef: {  	v44 =	vld [tilespmem:s13+$0x0];
	s29 =	sor.u32 s28, s6;
	s6 =	sor.u32 s25, s6;
	v45 =	vadd.f32 v57, v47  }
0x1f0: {  	v48 =	vadd.f32 v57, v24;
	v49 =	vadd.f32 v49, v57;
	v56 =	vld [tilespmem:s6+$0x0]  }
0x1f1: {  	v22 =	vld [tilespmem:$0x1FDC0];
	v51 =	vadd.f32 v51, v57;
	v52 =	vadd.f32 v52, v57  }
0x1f2: {  	v7 =	vld [tilespmem:s15+$0x0];
	v54 =	vadd.f32 v54, v57;
	v55 =	vadd.f32 v55, v57  }
0x1f3: {  	s15 =	sor.u32 $0x8200, s26;
	v10 =	vld [tilespmem:s30+$0x0];
	v53 =	vadd.f32 v53, v57;
	v46 =	vadd.f32 v46, v57;
	vm0 =	vgt.f32 v0, $0.0e+00  }
0x1f4: {  	s30 =	sor.u32 $0x8300, s26;
	v50 =	vadd.f32 v50, v57;
	v9 =	vld [tilespmem:s29+$0x0];
	s29 =	sor.u32 $0x8280, s26;
	s26 =	sor.u32 $0x8380, s26;
	v44 =	vadd.f32 v44, v57;
	v26 =	vsel vm0, $0x0, v12  }
0x1f5: {  	v19 =	vld [tilespmem:$0x1FD80];
	s5 =	sor.u32 s28, s26;
	v56 =	vadd.f32 v56, v57;
	v2 =	vadd.f32 v26, v2  }
0x1f6: {  	v63 =	vld [tilespmem:s5+$0x0];
	v6 =	vadd.f32 v26, v6;
	v8 =	vadd.f32 v8, v26  }
0x1f7: {  	v20 =	vld [tilespmem:$0x1FDA0];
	v3 =	vadd.f32 v3, v26;
	v1 =	vadd.f32 v1, v26  }
0x1f8: {  	v23 =	vld [tilespmem:$0x1FDD0];
	s31 =	sor.u32 s28, s15;
	v11 =	vadd.f32 v11, v26;
	v41 =	vadd.f32 v25, v26  }
0x1f9: {  	v0 =	vld [tilespmem:s31+$0x0];
	s31 =	sor.u32 s28, s29;
	v5 =	vadd.f32 v5, v26;
	v4 =	vadd.f32 v4, v26  }
0x1fa: {  	s29 =	sor.u32 s25, s29;
	v60 =	vld [tilespmem:s31+$0x0];
	v7 =	vadd.f32 v7, v26;
	v9 =	vadd.f32 v9, v26  }
0x1fb: {  	s31 =	sor.u32 s28, s30;
	v24 =	vld [tilespmem:s29+$0x0];
	v10 =	vadd.f32 v10, v26;
	v39 =	vadd.f32 v63, v26  }
0x1fc: {  	s28 =	sor.u32 s25, s15;
	v61 =	vld [tilespmem:s31+$0x0];
	v2 =	vsub.f32 v2, v16;
	v6 =	vsub.f32 v6, v17  }
0x1fd: {  	s30 =	sor.u32 s25, s30;
	v58 =	vld [tilespmem:s28+$0x0];
	v63 =	vsub.f32 v1, v19;
	v12 =	vsub.f32 v41, v20  }
0x1fe: {  	v25 =	vld [tilespmem:s30+$0x0];
	v13 =	vsub.f32 v5, v21;
	v14 =	vsub.f32 v4, v22  }
0x1ff: {  	v1 =	vld [tilespmem:$0x1FD90];
	v15 =	vsub.f32 v7, v23;
	v5 =	vsub.f32 v45, v16  }
0x200: {  	v7 =	vld [tilespmem:$0x1FDE0];
	v4 =	vsub.f32 v49, v18;
	v49 =	vsub.f32 v52, v19  }
0x201: {  	v42 =	vadd.f32 v60, v26;
	v60 =	vsub.f32 v8, v18;
	v8 =	vld [tilespmem:$0x1FD70]  }
0x202: {  	v52 =	vsub.f32 v55, v20;
	v55 =	vsub.f32 v46, v22  }
0x203: {  	v0 =	vadd.f32 v0, v26;
	v43 =	vadd.f32 v61, v26  }
0x204: {  	v58 =	vadd.f32 v58, v57;
	v61 =	vadd.f32 v24, v57  }
0x205: {  	v27 =	vld [tilespmem:$0x1FE10];
	v59 =	vadd.f32 v25, v57;
	v11 =	vsub.f32 v11, v1  }
0x206: {  	s31 =	sor.u32 s25, s26;
	v25 =	vld [tilespmem:$0x1FE00];
	v9 =	vsub.f32 v9, v7;
	v62 =	vsub.f32 v3, v8  }
0x207: {  	v26 =	vld [tilespmem:s31+$0x0];
	v3 =	vsub.f32 v48, v17;
	v48 =	vsub.f32 v51, v8  }
0x208: {  	v24 =	vld [tilespmem:$0x1FDF0];
	v51 =	vsub.f32 v54, v1;
	v54 =	vsub.f32 v53, v21  }
0x209: {  	v53 =	vsub.f32 v50, v23;
	v50 =	vsub.f32 v56, v7  }
0x20a: {  	v7 =	vmax.f32 v6, $0.0e+00;
	v6 =	vmax.f32 v60, $0.0e+00;
	v60 =	vmax.f32 v12, $0.0e+00;
	v12 =	vld [tilespmem:$0x1FD30]  }
0x20b: {  	v2 =	vmax.f32 v2, $0.0e+00;
	v47 =	vsub.f32 v0, v25;
	v0 =	vsub.f32 v42, v27;
	v42 =	vld [tilespmem:$0x1FE20]  }
0x20c: {  	v1 =	vimm.f32 $0.0e+00;
	v56 =	vmax.f32 v9, $0.0e+00;
	v57 =	vadd.f32 v26, v57;
	v26 =	vld [tilespmem:$0x1FE30]  }
0x20d: {  	p0 =	sne.s32 s24, $0x7F00;
	v10 =	vsub.f32 v10, v24;
	v46 =	vsub.f32 v44, v24;
	v8 =	vsel vm0, $0x3F800000, v1  }
.Ltmp7:
0x20e: {  	v24 =	vsel vm1, $0x3F800000, v1;
	v45 =	vsub.f32 v58, v25;
	v44 =	vsub.f32 v61, v27;
	(pc) =	sbr.rel @p0 .LBB2_17-.Ltmp7, $4  }
0x20f: {  	v19 =	vld [tilespmem:$0x1FCF0];
	v61 =	vmax.f32 v13, $0.0e+00;
	v58 =	vmax.f32 v15, $0.0e+00;
	v1 =	vmax.f32 v62, $0.0e+00  }
0x210: {  	v20 =	vld [tilespmem:$0x1FD00];
	v23 =	vmovc v40;
	v62 =	vmax.f32 v63, $0.0e+00;
	v40 =	vadd.f32 v24, v12;
	v41 =	vsub.f32 v43, v42  }
0x211: {  	v15 =	vld [tilespmem:$0x1FD20];
	v63 =	vmax.f32 v11, $0.0e+00;
	v39 =	vsub.f32 v39, v26;
	v43 =	vsub.f32 v59, v42  }
0x212: {  	s23 =	sadd.s32 $0x20, s23;
	s24 =	sadd.s32 $0x100, s24;
	v11 =	vld [tilespmem:$0x1FD10];
	v42 =	vsub.f32 v57, v26;
	v59 =	vmax.f32 v14, $0.0e+00;
	v57 =	vmax.f32 v10, $0.0e+00  }
0x213: {  	v9 =	vmax.f32 v47, $0.0e+00  }
0x214: {  	v10 =	vmax.f32 v0, $0.0e+00;
	v3 =	vmax.f32 v3, $0.0e+00;
	v4 =	vmax.f32 v4, $0.0e+00  }
0x215: {  	v0 =	vadd.f32 v8, v40;
	v40 =	vmax.f32 v48, $0.0e+00;
	v47 =	vmax.f32 v49, $0.0e+00  }
0x216: {  	v12 =	vmax.f32 v51, $0.0e+00;
	v48 =	vmax.f32 v52, $0.0e+00;
	v52 =	vmax.f32 v54, $0.0e+00  }
0x217: {  	v54 =	vmax.f32 v55, $0.0e+00;
	v55 =	vmax.f32 v53, $0.0e+00;
	v3 =	vadd.f32 v3, v38  }
0x218: {  	v14 =	vmax.f32 v46, $0.0e+00;
	v4 =	vadd.f32 v4, v36;
	v8 =	vadd.f32 v40, v37  }
0x219: {  	v16 =	vmax.f32 v44, $0.0e+00;
	v49 =	vadd.f32 v47, v32;
	v51 =	vadd.f32 v12, v33  }
0x21a: {  	v18 =	vmax.f32 v43, $0.0e+00;
	v12 =	vadd.f32 v55, v31;
	v14 =	vadd.f32 v14, v29  }
0x21b: {  	v31 =	vadd.f32 v18, v23;
	v16 =	vadd.f32 v16, v20  }
0x21c: {  	v5 =	vmax.f32 v5, $0.0e+00;
	v3 =	vadd.f32 v7, v3;
	v4 =	vadd.f32 v6, v4  }
0x21d: {  	v13 =	vmax.f32 v50, $0.0e+00;
	v26 =	vld [tilespmem:$0x1FF90];
	v1 =	vadd.f32 v1, v8;
	v8 =	vadd.f32 v52, v35  }
0x21e: {  	v38 =	vmax.f32 v39, $0.0e+00;
	v6 =	vadd.f32 v62, v49;
	v7 =	vadd.f32 v63, v51  }
0x21f: {  	v13 =	vadd.f32 v13, v15;
	v62 =	vmax.f32 v45, $0.0e+00;
	v12 =	vadd.f32 v58, v12  }
0x220: {  	v14 =	vadd.f32 v57, v14;
	v35 =	vmax.f32 v41, $0.0e+00;
	v5 =	vadd.f32 v5, v11  }
0x221: {  	v50 =	vld [tilespmem:$0x1FFD0];
	v11 =	vadd.f32 v54, v30;
	v15 =	vadd.f32 v62, v19;
	v30 =	vmax.f32 v42, $0.0e+00  }
0x222: {  	v10 =	vadd.f32 v10, v16;
	v8 =	vadd.f32 v61, v8;
	v63 =	vperm.xlane v3, v26  }
0x223: {  	v13 =	vadd.f32 v56, v13;
	v29 =	vperm.xlane v4, v26;
	v32 =	vperm.xlane v1, v26  }
0x224: {  	v33 =	vadd.f32 v30, v28;
	v42 =	vperm.xlane v6, v26;
	v2 =	vadd.f32 v2, v5  }
0x225: {  	v24 =	vld [tilespmem:$0x1FFA0];
	v46 =	vperm.xlane v7, v26;
	v5 =	vadd.f32 v48, v34;
	v11 =	vadd.f32 v59, v11  }
0x226: {  	vm0 =	vnez.u8 v50;
	v9 =	vadd.f32 v9, v15;
	v3 =	vadd.f32 v63, v3  }
0x227: {  	v57 =	vperm.xlane v12, v26;
	v4 =	vadd.f32 v29, v4;
	v1 =	vadd.f32 v32, v1  }
0x228: {  	v18 =	vadd.f32 v38, v33;
	v55 =	vperm.xlane v8, v26;
	v19 =	vperm.xlane v13, v26  }
0x229: {  	v6 =	vadd.f32 v42, v6;
	v33 =	vperm.xlane v14, v26;
	v17 =	vperm.xlane v2, v26  }
0x22a: {  	v7 =	vadd.f32 v46, v7;
	v56 =	vperm.xlane v11, v26;
	v34 =	vperm.xlane v3, v24  }
0x22b: {  	v23 =	vld [tilespmem:$0x1FFB0];
	v5 =	vadd.f32 v60, v5;
	v22 =	vperm.xlane v4, v24;
	v37 =	vperm.xlane v1, v24  }
0x22c: {  	v47 =	vperm.xlane v6, v24;
	v51 =	vperm.xlane v7, v24;
	v27 =	vadd.f32 v19, v13  }
0x22d: {  	v42 =	vperm.xlane v18, v26;
	v2 =	vadd.f32 v17, v2;
	v3 =	vadd.f32 v34, v3  }
0x22e: {  	v48 =	vperm.xlane v5, v26;
	v4 =	vadd.f32 v22, v4;
	v1 =	vadd.f32 v37, v1  }
0x22f: {  	v6 =	vadd.f32 v47, v6;
	v54 =	vadd.f32 v51, v7;
	v21 =	vperm.xlane v2, v24  }
0x230: {  	v22 =	vperm.xlane v0, v26;
	v5 =	vadd.f32 v48, v5;
	v39 =	vperm.xlane v3, v23  }
0x231: {  	v40 =	vperm.xlane v4, v23;
	v43 =	vperm.xlane v1, v23;
	v2 =	vadd.f32 v21, v2  }
0x232: {  	v52 =	vperm.xlane v6, v23;
	v0 =	vadd.f32 v22, v0;
	v21 =	vld [tilespmem:$0x1FFC0];
	v53 =	vperm.xlane v5, v24  }
0x233: {  	v17 =	vadd.f32 v35, v31;
	v7 =	vperm.xlane v54, v23;
	v36 =	vperm.xlane v2, v23  }
0x234: {  	v3 =	vadd.f32 v39, v3;
	v31 =	vperm.xlane v0, v24;
	v5 =	vadd.f32 v53, v5  }
0x235: {  	v4 =	vadd.f32 v40, v4;
	v39 =	vperm.xlane v10, v26;
	v2 =	vadd.f32 v36, v2  }
0x236: {  	v40 =	vperm.xlane v17, v26;
	v0 =	vadd.f32 v31, v0;
	v59 =	vperm.xlane v5, v23  }
0x237: {  	v1 =	vadd.f32 v43, v1;
	v44 =	vperm.xlane v3, v21;
	v41 =	vperm.xlane v2, v21  }
0x238: {  	v45 =	vperm.xlane v4, v21;
	v37 =	vperm.xlane v0, v23;
	v5 =	vadd.f32 v59, v5  }
0x239: {  	v36 =	vperm.xlane v9, v26;
	v3 =	vadd.f32 v44, v3;
	v2 =	vadd.f32 v41, v2  }
0x23a: {  	v49 =	vperm.xlane v1, v21;
	v4 =	vadd.f32 v45, v4;
	v0 =	vadd.f32 v37, v0  }
0x23b: {  	v41 =	vadd.f32 v39, v10;
	v2 =	vsel vm0, v2, v3;
	v3 =	vadd.f32 v55, v8  }
0x23c: {  	v1 =	vadd.f32 v49, v1;
	v63 =	vperm.xlane v5, v21;
	v44 =	vperm.xlane v0, v21  }
0x23d: {  	v8 =	vadd.f32 v57, v12;
	v46 =	vperm.xlane v41, v24;
	v60 =	vperm.xlane v3, v24  }
0x23e: {  	v2 =	vsel vm2, v2, v4;
	v4 =	vadd.f32 v52, v6;
	v6 =	vadd.f32 v56, v11  }
0x23f: {  	v0 =	vadd.f32 v44, v0;
	v1 =	vsel vm3, v2, v1;
	v3 =	vadd.f32 v60, v3  }
0x240: {  	v2 =	vadd.f32 v7, v54;
	v62 =	vperm.xlane v8, v24;
	v58 =	vperm.xlane v4, v21  }
0x241: {  	v11 =	vperm.xlane v6, v24;
	v50 =	vmax.f32 v0, $1.000000000e+00;
	v15 =	vperm.xlane v3, v23  }
0x242: {  	v61 =	vperm.xlane v2, v21;
	v7 =	vadd.f32 v62, v8;
	v8 =	vperm.xlane v27, v24  }
0x243: {  	(erf) = vrcp.f32 v50;
	v4 =	vadd.f32 v58, v4;
	v3 =	vadd.f32 v15, v3  }
0x244: {  	v6 =	vadd.f32 v11, v6;
	v2 =	vadd.f32 v61, v2;
	v20 =	vperm.xlane v7, v23  }
0x245: {  	v32 =	vadd.f32 v8, v27;
	v8 =	vadd.f32 v40, v17;
	v28 =	vperm.xlane v3, v21  }
0x246: {  	v1 =	vsel vm4, v1, v4;
	v4 =	vadd.f32 v63, v5;
	v16 =	vperm.xlane v6, v23  }
0x247: {  	v5 =	vadd.f32 v33, v14;
	v1 =	vsel vm5, v1, v2;
	v3 =	vadd.f32 v28, v3  }
0x248: {  	v7 =	vadd.f32 v20, v7;
	v25 =	vadd.f32 v16, v6;
	v1 =	vsel vm6, v1, v4  }
0x249: {  	v38 =	vperm.xlane v5, v24;
	v1 =	vsel vm7, v1, v3;
	v3 =	vadd.f32 v36, v9  }
0x24a: {  	v35 =	vperm.xlane v32, v23;
	v6 =	vadd.f32 v42, v18;
	v30 =	vperm.xlane v7, v21  }
0x24b: {  	v29 =	vperm.xlane v25, v21;
	v4 =	vadd.f32 v38, v5;
	v43 =	vperm.xlane v3, v24  }
0x24c: {  	v47 =	vperm.xlane v8, v24;
	v5 =	vadd.f32 v46, v41;
	v34 =	vadd.f32 v30, v7  }
0x24d: {  	v48 =	vperm.xlane v6, v24;
	v2 =	vadd.f32 v29, v25;
	v3 =	vadd.f32 v43, v3  }
0x24e: {  	v7 =	vadd.f32 v47, v8;
	v45 =	vperm.xlane v4, v23;
	v11 =	vperm.xlane v5, v23  }
0x24f: {  	v1 =	vsel vm8, v1, v2;
	v2 =	vadd.f32 v35, v32;
	v49 =	vperm.xlane v3, v23  }
0x250: {  	v6 =	vadd.f32 v48, v6;
	v52 =	vperm.xlane v7, v23;
	v4 =	vadd.f32 v45, v4  }
0x251: {  	v5 =	vadd.f32 v11, v5;
	v51 =	vperm.xlane v2, v21;
	v3 =	vadd.f32 v49, v3  }
0x252: {  	v54 =	vperm.xlane v6, v23;
	v1 =	vsel vm9, v1, v34;
	v53 =	vperm.xlane v4, v21  }
0x253: {  	v7 =	vadd.f32 v52, v7;
	v2 =	vadd.f32 v51, v2;
	v55 =	vperm.xlane v3, v21  }
0x254: {  	v56 =	vperm.xlane v5, v21;
	v6 =	vadd.f32 v54, v6;
	v4 =	vadd.f32 v53, v4  }
0x255: {  	v58 =	vperm.xlane v7, v21;
	v1 =	vsel vm10, v1, v2;
	v57 =	vadd.f32 v55, v3  }
0x256: {  	v59 =	vadd.f32 v56, v5;
	v60 =	vperm.xlane v6, v21;
	v1 =	vsel vm11, v1, v4  }
0x257: {  	s21 =	sadd.s32 $0x1, s21;
	v61 =	vadd.f32 v58, v7;
	v1 =	vsel vm12, v1, v57  }
0x258: {  	p0 =	sne.s32 s21, $0xC;
	v62 =	vadd.f32 v60, v6;
	v1 =	vsel vm13, v1, v59  }
.Ltmp8:
0x259: {  	vm0 =	vgt.f32 v0, $0.0e+00;
	v63 =	vpop (erf);
	v1 =	vsel vm14, v1, v61;
	(pc) =	sbr.rel @p0 .LBB2_8-.Ltmp8, $3  }
0x25a: {  	v0 =	vnsel vm0, $0x0, v63;
	v1 =	vsel vm15, v1, v62  }
0x25b: {  	v0 =	vmul.f32 v0, v1;
	_ =	sdelay $0x1  }
0x25c: {  	v45 =	vimm.f32 $-1.000000020e+30;
	v62 =	vimm.f32 $0.0e+00;
	[tilespmem:s22+$0x13000] =	vst v0  }
0x25d: {  	[hbm4b:s11+s7] =	stream.linear.scatter [tilespmem:s19], [sflag:$0x3], $0xC00, $0x38;
	[tilespmem:$0x15D80] =	vst v63  }
0x25e: {  	s20 =	sadd.s32 $0x1, s20;
	_ =	swait.ge [sflag:s14], $0xC00  }
0x25f: {  	p0 =	sne.s32 s20, s12;
	v0 =	vld [tilespmem:$0x1FFE0]  }
.Ltmp9:
0x260: {  	_ = 	snop;
	(pc) =	sbr.rel @p0 .LBB2_1-.Ltmp9, $3  }
0x261: {  	_ =	sdelay $0x1  }
0x262: {  	[sflag:s14] =	ssyncset.done $0x0  }
0x263: {  	v44 =	vld [tilespmem:$0x1FFF0];
	[sflag:s14] =	ssyncadd.s32 $0xFFFFF400;
	vm0 =	vnez.u8 v0  }
0x264: {  	_ =	sfence.sel $0x180000  }
0x265: {  	[bflag:$0x0] =	sbarrier.arrive $0xFFFF  }
0x266: {  	_ =	strace $0x90000047  }
0x267: {  	s0 =	stileid.u32;
	[bflag:$0x2] =	sbarrier.arrive $0xFFFF  }
0x268: {  	p0 =	sne.s32 s0, $0x0;
	s0 =	rddreg [dreg:$0x5]  }
0x269: {  	s0 =	sadd.s32 @!p0 $0x100000, s0  }
0x26a: {  	[sflag:s0] =	ssyncadd.tile.s32 @!p0 $0x1;
	_ =	shalt  }
.Lfunc_end2:
_tile_overlayer_lowered:
.L_overlay_start_2:
0x26b: {  	(tag) =	ssettag $0x2  }
0x26c: {  	s0 =	rddreg [dreg:$0x0];
	s2 =	stileid.u32  }
0x26d: {  	s1 =	rddreg [dreg:$0x1];
	p0 =	sne.s32 s2, $0x0  }
0x26e: {  	s3 =	rddreg [dreg:$0x2];
	[bflag:$0x3] =	sbarrier.arrive $0xFFFF;
	s2 =	simm.s32 @!p0 $0x1C03  }
0x26f: {  	[timem:s3], [sflag:s2] =	dma.local @!p0 [hbm:s0], s1  }
0x270: {  	s0 =	simm.s32 @!p0 $0x3  }
0x271: {  	_ =	swait.ge @!p0 [sflag:s0], s1  }
0x272: {  	s1 =	ssub.s32 @!p0 $0x0, s1;
	[sflag:s0] =	ssyncset.done @!p0 $0x0  }
0x273: {  	[sflag:s0] =	ssyncadd.s32 @!p0 s1  }
0x274: {  	[bflag:$0x3] =	sbarrier.arrive $0xFFFF  }
0x275: {  	_ =	shalt  }

</sc_bundles>
